<compile_context>
chip_gen: v7x
topology: tpu7x:2x2x1
jax: 0.10.2.dev20260603
libtpu: 0.0.44.dev20260713+nightly
codegen_flags: <defaults>
</compile_context>

<pallas_src>
import functools

import jax
import jax.numpy as jnp
from jax import lax
from jax.experimental import pallas as pl
from jax.experimental.pallas import tpu as pltpu
from jax.experimental.pallas import tpu_sc as plsc

_N, _E, _D, _H, _C = 10000, 320000, 128, 128, 41
_NC, _NS = 2, 16
_NW = _NC * _NS
_CH = 128
_NCHUNK = 80
_EPW = _NCHUNK * _CH
_EP = _NW * _EPW
_BLK = 8
_NBLK = _NCHUNK // _BLK
_NCH_A = 80
_NCH_B = 2 * _NCHUNK - _NCH_A
_NB = 2
_AH = 1
_NP = 10112
_RPT = _NP // _NS

_f32 = jnp.float32

_mesh = plsc.VectorSubcoreMesh(core_axis_name="c", subcore_axis_name="s")


def _cnt_body(dst3, zrows, ones_hbm, pcnt, cnt_sh, didx_blk, ones_v, ssem):
    cid = lax.axis_index("c")
    sid = lax.axis_index("s")
    wid = sid * _NC + cid
    rbase = sid * _RPT

    pltpu.sync_copy(zrows, cnt_sh.at[pl.ds(rbase, _RPT)])
    pltpu.sync_copy(ones_hbm, ones_v)
    plsc.subcore_barrier()

    def blk_step(bk, carry):
        row0 = pl.multiple_of(bk * _BLK, _BLK)
        pltpu.sync_copy(dst3.at[wid, pl.ds(row0, _BLK)], didx_blk)
        hs = [pltpu.async_copy(ones_v, cnt_sh.at[didx_blk.at[b]], ssem,
                               add=True)
              for b in range(_BLK)]
        for h in hs:
            h.wait()
        return carry

    lax.fori_loop(0, _NBLK, blk_step, 0)
    plsc.subcore_barrier()

    pltpu.sync_copy(cnt_sh.at[pl.ds(rbase, _RPT)],
                    pcnt.at[cid, pl.ds(rbase, _RPT)])


def _seg_body(feat, srcA, dstA, srcB, dstB, zrows, psum,
              acc_sh, idx_blk, didx_blk, rows2, gsem, ssem):
    cid = lax.axis_index("c")
    sid = lax.axis_index("s")
    rbase = sid * _RPT

    pltpu.sync_copy(zrows, acc_sh.at[pl.ds(rbase, _RPT)])
    plsc.subcore_barrier()

    def blk_step(src3, dst3, bk):
        row0 = pl.multiple_of(bk * _BLK, _BLK)
        pltpu.sync_copy(src3.at[sid, pl.ds(row0, _BLK)], idx_blk)
        pltpu.sync_copy(dst3.at[sid, pl.ds(row0, _BLK)], didx_blk)
        gh = {b: pltpu.async_copy(feat.at[idx_blk.at[b]], rows2.at[b % _NB],
                                  gsem)
              for b in range(_AH)}
        sh = {}
        for b in range(_BLK):
            gh[b].wait()
            nb = b + _AH
            if nb < _BLK:
                if nb >= _NB:
                    sh[nb - _NB].wait()
                gh[nb] = pltpu.async_copy(feat.at[idx_blk.at[nb]],
                                          rows2.at[nb % _NB], gsem)
            sh[b] = pltpu.async_copy(rows2.at[b % _NB],
                                     acc_sh.at[didx_blk.at[b]], ssem,
                                     add=True)
        for b in range(max(0, _BLK - _NB), _BLK):
            sh[b].wait()

    @pl.when(cid == 0)
    def _():
        lax.fori_loop(0, _NCH_A // _BLK,
                      lambda bk, c: (blk_step(srcA, dstA, bk), c)[1], 0)

    @pl.when(cid == 1)
    def _():
        lax.fori_loop(0, _NCH_B // _BLK,
                      lambda bk, c: (blk_step(srcB, dstB, bk), c)[1], 0)

    plsc.subcore_barrier()

    pltpu.sync_copy(acc_sh.at[pl.ds(rbase, _RPT)],
                    psum.at[cid, pl.ds(rbase, _RPT)])


_cnt_pass = pl.kernel(
    _cnt_body,
    out_type=jax.ShapeDtypeStruct((_NC, _NP, _D), _f32),
    mesh=_mesh,
    scratch_types=[
        pltpu.VMEM_SHARED((_NP, _D), _f32),
        pltpu.VMEM((_BLK, _CH), jnp.int32),
        pltpu.VMEM((_CH, _D), _f32),
        pltpu.SemaphoreType.DMA,
    ],
)

_seg_sum = pl.kernel(
    _seg_body,
    out_type=jax.ShapeDtypeStruct((_NC, _NP, _D), _f32),
    mesh=_mesh,
    scratch_types=[
        pltpu.VMEM_SHARED((_NP, _D), _f32),
        pltpu.VMEM((_BLK, _CH), jnp.int32),
        pltpu.VMEM((_BLK, _CH), jnp.int32),
        pltpu.VMEM((_NB, _CH, _D), _f32),
        pltpu.SemaphoreType.DMA,
        pltpu.SemaphoreType.DMA,
    ],
)

_EA = _NS * _NCH_A * _CH


def _dot(a, b):
    return jnp.dot(a, b, precision=lax.Precision.HIGHEST,
                   preferred_element_type=_f32)


def _xw_body(xin, wr, out):
    out[...] = _dot(xin[...], wr[...])


def _combine1_body(ps, pc, xw, wl, bl, out):
    p = ps[...]
    c = pc[...]
    cnt = c[0, :, 0:1] + c[1, :, 0:1]
    mean = (p[0] + p[1]) / jnp.maximum(cnt, 1.0)
    h = _dot(mean, wl[...]) + bl[...] + xw[...]
    out[...] = jnp.maximum(h, 0.0)


def _combine2_body(ps, pc, hw, wl, bl, wlin, blin, out):
    p = ps[...]
    c = pc[...]
    cnt = c[0, :, 0:1] + c[1, :, 0:1]
    mean = (p[0] + p[1]) / jnp.maximum(cnt, 1.0)
    h1 = _dot(mean, wl[...]) + bl[...] + hw[...]
    out[...] = _dot(h1, wlin[...]) + blin[...]


_BS = 2000
_GRID = (_N // _BS,)


def _xw(x, Wr):
    return pl.pallas_call(
        _xw_body,
        grid=_GRID,
        in_specs=[
            pl.BlockSpec((_BS, _D), lambda i: (i, 0)),
            pl.BlockSpec((_D, _H), lambda i: (0, 0)),
        ],
        out_specs=pl.BlockSpec((_BS, _H), lambda i: (i, 0)),
        out_shape=jax.ShapeDtypeStruct((_N, _H), _f32),
    )(x, Wr)


def _combine1(psum, pcnt, xw, Wl, bl):
    return pl.pallas_call(
        _combine1_body,
        grid=_GRID,
        in_specs=[
            pl.BlockSpec((_NC, _BS, _D), lambda i: (0, i, 0)),
            pl.BlockSpec((_NC, _BS, _D), lambda i: (0, i, 0)),
            pl.BlockSpec((_BS, _H), lambda i: (i, 0)),
            pl.BlockSpec((_D, _H), lambda i: (0, 0)),
            pl.BlockSpec((1, _H), lambda i: (0, 0)),
        ],
        out_specs=pl.BlockSpec((_BS, _H), lambda i: (i, 0)),
        out_shape=jax.ShapeDtypeStruct((_N, _H), _f32),
    )(psum, pcnt, xw, Wl, bl)


def _combine2(psum, pcnt, hw, Wl, bl, Wlin, blin):
    return pl.pallas_call(
        _combine2_body,
        grid=_GRID,
        in_specs=[
            pl.BlockSpec((_NC, _BS, _H), lambda i: (0, i, 0)),
            pl.BlockSpec((_NC, _BS, _D), lambda i: (0, i, 0)),
            pl.BlockSpec((_BS, _H), lambda i: (i, 0)),
            pl.BlockSpec((_H, _H), lambda i: (0, 0)),
            pl.BlockSpec((1, _H), lambda i: (0, 0)),
            pl.BlockSpec((_H, _C), lambda i: (0, 0)),
            pl.BlockSpec((1, _C), lambda i: (0, 0)),
        ],
        out_specs=pl.BlockSpec((_BS, _C), lambda i: (i, 0)),
        out_shape=jax.ShapeDtypeStruct((_N, _C), _f32),
    )(psum, pcnt, hw, Wl, bl, Wlin, blin)


def kernel(x, edge_index, relations, Wl0, bl0, Wr0, Wl1, bl1, Wr1, Wlin, blin):
    del relations
    npad = _EP - _E
    iota = lax.iota(jnp.int32, npad)
    src = jnp.concatenate([edge_index[0], iota % _N])
    dst = jnp.concatenate([edge_index[1], _N + iota % (_NP - _N)])
    src3 = src.reshape(_NW, _NCHUNK, _CH)
    dst3 = dst.reshape(_NW, _NCHUNK, _CH)
    srcA = src[:_EA].reshape(_NS, _NCH_A, _CH)
    dstA = dst[:_EA].reshape(_NS, _NCH_A, _CH)
    srcB = src[_EA:].reshape(_NS, _NCH_B, _CH)
    dstB = dst[_EA:].reshape(_NS, _NCH_B, _CH)
    zrows = jnp.zeros((_RPT, _D), _f32)
    ones = jnp.ones((_CH, _D), _f32)

    pcnt = _cnt_pass(dst3, zrows, ones)
    xw = _xw(x, Wr0)
    psum0 = _seg_sum(x, srcA, dstA, srcB, dstB, zrows)
    h = _combine1(psum0, pcnt, xw, Wl0, bl0.reshape(1, _H))
    hw = _xw(h, Wr1)
    psum1 = _seg_sum(h, srcA, dstA, srcB, dstB, zrows)
    out = _combine2(psum1, pcnt, hw, Wl1, bl1.reshape(1, _H),
                    Wlin, blin.reshape(1, _C))
    return out

# --- scband reference (transcript-rebuilt; emitter-appended) ---
"""Pipeline reference for scband-graph-saint-18992345383140 (READ-ONLY COPY).

The authoritative reference and input builder live on the scoring server;
editing this copy changes nothing except your own understanding.
"""

import jax, jax.numpy as jnp
import numpy as np

N = 10000
E = 320000
D = 128
H = 128
C = 41

def setup_inputs(seed: int = 0):
    key = jax.random.key(seed)
    ks = jax.random.split(key, 11)
    x = jax.random.normal(ks[0], (N, D), dtype=jnp.float32)
    edge_index = jax.random.randint(ks[1], (2, E), 0, N, dtype=jnp.int32)
    relations = jax.random.normal(ks[2], (E,), dtype=jnp.float32)
    def lin_w(k, fi, fo):
        return jax.random.normal(k, (fi, fo), dtype=jnp.float32) / np.sqrt(fi)
    Wl0 = lin_w(ks[3], D, H)
    bl0 = jnp.zeros((H,), jnp.float32)
    Wr0 = lin_w(ks[4], D, H)
    Wl1 = lin_w(ks[5], H, H)
    bl1 = jnp.zeros((H,), jnp.float32)
    Wr1 = lin_w(ks[6], H, H)
    Wlin = lin_w(ks[7], H, C)
    blin = jnp.zeros((C,), jnp.float32)
    return {"x": x, "edge_index": edge_index, "relations": relations,
            "Wl0": Wl0, "bl0": bl0, "Wr0": Wr0,
            "Wl1": Wl1, "bl1": bl1, "Wr1": Wr1,
            "Wlin": Wlin, "blin": blin}

def _sage_conv(x, edge_index, Wl, bl, Wr):
    # PyG SAGEConv with aggr='mean': out = lin_l(mean_j x_j) + lin_r(x)
    src = edge_index[0]
    dst = edge_index[1]
    msg = jnp.take(x, src, axis=0)
    summed = jax.ops.segment_sum(msg, dst, num_segments=N)
    cnt = jax.ops.segment_sum(jnp.ones((msg.shape[0], 1), jnp.float32), dst, num_segments=N)
    mean = summed / jnp.clip(cnt, 1.0, None)
    return mean @ Wl + bl + x @ Wr

def reference(x, edge_index, relations, Wl0, bl0, Wr0, Wl1, bl1, Wr1, Wlin, blin):
    # relations is carried through the loader pipeline but unused in forward
    h = _sage_conv(x, edge_index, Wl0, bl0, Wr0)
    h = jax.nn.relu(h)
    # dropout p=0.0 -> identity
    h = _sage_conv(h, edge_index, Wl1, bl1, Wr1)
    out = h @ Wlin + blin
    return out

if __name__ == "__main__":
    import jax
    _d = setup_inputs()
    print(jax.jit(kernel)(*tuple(_d.values())))

</pallas_src>

<mosaic_0001>
#map = affine_map<(d0, d1) -> (0, 0)>
#map1 = affine_map<(d0, d1) -> (0, 0, 0)>
module attributes {stable_mosaic.version = 14 : i64} {
  func.func @_seg_body(%arg0: i32, %arg1: i32, %arg2: memref<10000x128xf32, #tpu.memory_space<hbm>>, %arg3: memref<16x80x128xi32, #tpu.memory_space<hbm>>, %arg4: memref<16x80x128xi32, #tpu.memory_space<hbm>>, %arg5: memref<16x80x128xi32, #tpu.memory_space<hbm>>, %arg6: memref<16x80x128xi32, #tpu.memory_space<hbm>>, %arg7: memref<632x128xf32, #tpu.memory_space<hbm>>, %arg8: memref<2x10112x128xf32, #tpu.memory_space<hbm>>, %arg9: memref<10112x128xf32, #tpu.memory_space<vmem_shared>>, %arg10: memref<8x128xi32, #tpu.memory_space<vmem>>, %arg11: memref<8x128xi32, #tpu.memory_space<vmem>>, %arg12: memref<2x128x128xf32, #tpu.memory_space<vmem>>, %arg13: memref<!tpu.dma_semaphore, #tpu.memory_space<semaphore_mem>>, %arg14: memref<!tpu.dma_semaphore, #tpu.memory_space<semaphore_mem>>) attributes {dimension_semantics = [#tpu.dimension_semantics<core_parallel>, #tpu.dimension_semantics<subcore_parallel>], iteration_bounds = array<i64: 2, 16>, scalar_prefetch = 0 : i64, scratch_operands = 6 : i64, tpu.core_type = #tpu.core_type<sc_vector_subcore>, window_params = [{transform_indices = #map}, {transform_indices = #map1}, {transform_indices = #map1}, {transform_indices = #map1}, {transform_indices = #map1}, {transform_indices = #map}, {transform_indices = #map1}]} {
    %mul3A = arith.constant 632 : i32
    %mul3A_0 = arith.muli %arg1, %mul3A : i32
    "tpu.region"() ({
      %run_scoped3A = tpu.sem_alloc : memref<!tpu.dma_semaphore, #tpu.memory_space<semaphore_mem>>
      %dma_start3A = arith.constant 0 : i32
      %dma_start3A_9 = tpu.memref_slice %arg9[%mul3A_0, %dma_start3A] : memref<10112x128xf32, #tpu.memory_space<vmem_shared>> -> memref<632x128xf32, #tpu.memory_space<vmem_shared>>
      tpu.enqueue_dma source(%arg7 : memref<632x128xf32, #tpu.memory_space<hbm>>) target(%dma_start3A_9 : memref<632x128xf32, #tpu.memory_space<vmem_shared>>) target_semaphore(%run_scoped3A : memref<!tpu.dma_semaphore, #tpu.memory_space<semaphore_mem>>)
      %dma_wait3A = arith.constant 0 : i32
      %dma_wait3A_10 = tpu.memref_slice %arg9[%mul3A_0, %dma_wait3A] : memref<10112x128xf32, #tpu.memory_space<vmem_shared>> -> memref<632x128xf32, #tpu.memory_space<vmem_shared>>
      tpu.wait_dma2 semaphore(%run_scoped3A : memref<!tpu.dma_semaphore, #tpu.memory_space<semaphore_mem>>) src(%arg7 : memref<632x128xf32, #tpu.memory_space<hbm>>) dst(%dma_wait3A_10 : memref<632x128xf32, #tpu.memory_space<vmem_shared>>)
      tpu.yield
    }) : () -> ()
    %barrier3A = arith.constant 0 : index
    tpu.barrier barrier_id(%barrier3A)
    %eq3A = arith.constant 0 : i32
    %eq3A_1 = arith.cmpi eq, %arg0, %eq3A : i32
    %convert_element_type3A = arith.extui %eq3A_1 : i1 to i32
    %cond3A = arith.constant 0 : i32
    %cond3A_2 = arith.cmpi ne, %convert_element_type3A, %cond3A : i32
    scf.if %cond3A_2 {
      %scan3A = arith.constant 0 : i32
      %scan3A_9 = arith.constant 0 : i32
      %scan3A_10 = arith.constant 10 : i32
      %scan3A_11 = arith.addi %scan3A_9, %scan3A_10 : i32
      %scan3A_12 = arith.constant 1 : i32
      scf.for %scan3A_14 = %scan3A_9 to %scan3A_11 step %scan3A_12  : i32 {
        %mul3A_15 = arith.constant 8 : i32
        %mul3A_16 = arith.muli %scan3A_14, %mul3A_15 : i32
        %multiple_of3A = tpu.assume_multiple %mul3A_16, 8 : i32
        "tpu.region"() ({
          %run_scoped3A = tpu.sem_alloc : memref<!tpu.dma_semaphore, #tpu.memory_space<semaphore_mem>>
          %dma_start3A_399 = arith.constant 0 : i32
          %dma_start3A_400 = tpu.memref_slice %arg3[%arg1, %multiple_of3A, %dma_start3A_399] : memref<16x80x128xi32, #tpu.memory_space<hbm>> -> memref<1x8x128xi32, #tpu.memory_space<hbm>>
          %dma_start3A_401 = tpu.memref_squeeze %dma_start3A_400 : memref<1x8x128xi32, #tpu.memory_space<hbm>> -> memref<8x128xi32, #tpu.memory_space<hbm>>
          %dma_start3A_402 = arith.constant 0 : i32
          %dma_start3A_403 = tpu.memref_slice %arg3[%arg1, %multiple_of3A, %dma_start3A_402] : memref<16x80x128xi32, #tpu.memory_space<hbm>> -> memref<1x8x128xi32, #tpu.memory_space<hbm>>
          %dma_start3A_404 = tpu.memref_squeeze %dma_start3A_403 : memref<1x8x128xi32, #tpu.memory_space<hbm>> -> memref<8x128xi32, #tpu.memory_space<hbm>>
          tpu.enqueue_dma source(%dma_start3A_404 : memref<8x128xi32, #tpu.memory_space<hbm>>) target(%arg10 : memref<8x128xi32, #tpu.memory_space<vmem>>) target_semaphore(%run_scoped3A : memref<!tpu.dma_semaphore, #tpu.memory_space<semaphore_mem>>)
          %dma_wait3A_405 = arith.constant 0 : i32
          %dma_wait3A_406 = tpu.memref_slice %arg3[%arg1, %multiple_of3A, %dma_wait3A_405] : memref<16x80x128xi32, #tpu.memory_space<hbm>> -> memref<1x8x128xi32, #tpu.memory_space<hbm>>
          %dma_wait3A_407 = tpu.memref_squeeze %dma_wait3A_406 : memref<1x8x128xi32, #tpu.memory_space<hbm>> -> memref<8x128xi32, #tpu.memory_space<hbm>>
          %dma_wait3A_408 = arith.constant 0 : i32
          %dma_wait3A_409 = tpu.memref_slice %arg3[%arg1, %multiple_of3A, %dma_wait3A_408] : memref<16x80x128xi32, #tpu.memory_space<hbm>> -> memref<1x8x128xi32, #tpu.memory_space<hbm>>
          %dma_wait3A_410 = tpu.memref_squeeze %dma_wait3A_409 : memref<1x8x128xi32, #tpu.memory_space<hbm>> -> memref<8x128xi32, #tpu.memory_space<hbm>>
          tpu.wait_dma2 semaphore(%run_scoped3A : memref<!tpu.dma_semaphore, #tpu.memory_space<semaphore_mem>>) src(%dma_wait3A_410 : memref<8x128xi32, #tpu.memory_space<hbm>>) dst(%arg10 : memref<8x128xi32, #tpu.memory_space<vmem>>)
          tpu.yield
        }) : () -> ()
        "tpu.region"() ({
          %run_scoped3A = tpu.sem_alloc : memref<!tpu.dma_semaphore, #tpu.memory_space<semaphore_mem>>
          %dma_start3A_399 = arith.constant 0 : i32
          %dma_start3A_400 = tpu.memref_slice %arg4[%arg1, %multiple_of3A, %dma_start3A_399] : memref<16x80x128xi32, #tpu.memory_space<hbm>> -> memref<1x8x128xi32, #tpu.memory_space<hbm>>
          %dma_start3A_401 = tpu.memref_squeeze %dma_start3A_400 : memref<1x8x128xi32, #tpu.memory_space<hbm>> -> memref<8x128xi32, #tpu.memory_space<hbm>>
          %dma_start3A_402 = arith.constant 0 : i32
          %dma_start3A_403 = tpu.memref_slice %arg4[%arg1, %multiple_of3A, %dma_start3A_402] : memref<16x80x128xi32, #tpu.memory_space<hbm>> -> memref<1x8x128xi32, #tpu.memory_space<hbm>>
          %dma_start3A_404 = tpu.memref_squeeze %dma_start3A_403 : memref<1x8x128xi32, #tpu.memory_space<hbm>> -> memref<8x128xi32, #tpu.memory_space<hbm>>
          tpu.enqueue_dma source(%dma_start3A_404 : memref<8x128xi32, #tpu.memory_space<hbm>>) target(%arg11 : memref<8x128xi32, #tpu.memory_space<vmem>>) target_semaphore(%run_scoped3A : memref<!tpu.dma_semaphore, #tpu.memory_space<semaphore_mem>>)
          %dma_wait3A_405 = arith.constant 0 : i32
          %dma_wait3A_406 = tpu.memref_slice %arg4[%arg1, %multiple_of3A, %dma_wait3A_405] : memref<16x80x128xi32, #tpu.memory_space<hbm>> -> memref<1x8x128xi32, #tpu.memory_space<hbm>>
          %dma_wait3A_407 = tpu.memref_squeeze %dma_wait3A_406 : memref<1x8x128xi32, #tpu.memory_space<hbm>> -> memref<8x128xi32, #tpu.memory_space<hbm>>
          %dma_wait3A_408 = arith.constant 0 : i32
          %dma_wait3A_409 = tpu.memref_slice %arg4[%arg1, %multiple_of3A, %dma_wait3A_408] : memref<16x80x128xi32, #tpu.memory_space<hbm>> -> memref<1x8x128xi32, #tpu.memory_space<hbm>>
          %dma_wait3A_410 = tpu.memref_squeeze %dma_wait3A_409 : memref<1x8x128xi32, #tpu.memory_space<hbm>> -> memref<8x128xi32, #tpu.memory_space<hbm>>
          tpu.wait_dma2 semaphore(%run_scoped3A : memref<!tpu.dma_semaphore, #tpu.memory_space<semaphore_mem>>) src(%dma_wait3A_410 : memref<8x128xi32, #tpu.memory_space<hbm>>) dst(%arg11 : memref<8x128xi32, #tpu.memory_space<vmem>>)
          tpu.yield
        }) : () -> ()
        %dma_start3A = arith.constant 0 : i32
        %dma_start3A_17 = arith.constant 0 : i32
        %dma_start3A_18 = arith.constant 0 : i32
        %dma_start3A_19 = arith.constant 0 : i32
        %dma_start3A_20 = tpu.memref_slice %arg12[%dma_start3A_17, %dma_start3A_18, %dma_start3A_19] : memref<2x128x128xf32, #tpu.memory_space<vmem>> -> memref<1x128x128xf32, #tpu.memory_space<vmem>>
        %dma_start3A_21 = tpu.memref_squeeze %dma_start3A_20 : memref<1x128x128xf32, #tpu.memory_space<vmem>> -> memref<128x128xf32, #tpu.memory_space<vmem>>
        %dma_start3A_22 = arith.constant 0 : i32
        %dma_start3A_23 = tpu.memref_slice %arg10[%dma_start3A, %dma_start3A_22] : memref<8x128xi32, #tpu.memory_space<vmem>> -> memref<1x128xi32, #tpu.memory_space<vmem>>
        %dma_start3A_24 = tpu.memref_squeeze %dma_start3A_23 : memref<1x128xi32, #tpu.memory_space<vmem>> -> memref<128xi32, #tpu.memory_space<vmem>>
        %dma_start3A_25 = arith.constant 0 : i32
        %dma_start3A_26 = arith.constant 0 : i32
        %dma_start3A_27 = tpu.memref_slice %arg2[%dma_start3A_25, %dma_start3A_26] : memref<10000x128xf32, #tpu.memory_space<hbm>> -> memref<10000x128xf32, #tpu.memory_space<hbm>>
        tpu.enqueue_indirect_dma source(%dma_start3A_27 : memref<10000x128xf32, #tpu.memory_space<hbm>>) target(%dma_start3A_21 : memref<128x128xf32, #tpu.memory_space<vmem>>) offsets(%dma_start3A_24 : memref<128xi32, #tpu.memory_space<vmem>>) semaphore(%arg13 : memref<!tpu.dma_semaphore, #tpu.memory_space<semaphore_mem>>)
        %dma_wait3A = arith.constant 0 : i32
        %dma_wait3A_28 = arith.constant 0 : i32
        %dma_wait3A_29 = arith.constant 0 : i32
        %dma_wait3A_30 = arith.constant 0 : i32
        %dma_wait3A_31 = tpu.memref_slice %arg12[%dma_wait3A_28, %dma_wait3A_29, %dma_wait3A_30] : memref<2x128x128xf32, #tpu.memory_space<vmem>> -> memref<1x128x128xf32, #tpu.memory_space<vmem>>
        %dma_wait3A_32 = tpu.memref_squeeze %dma_wait3A_31 : memref<1x128x128xf32, #tpu.memory_space<vmem>> -> memref<128x128xf32, #tpu.memory_space<vmem>>
        %dma_wait3A_33 = arith.constant 0 : i32
        %dma_wait3A_34 = tpu.memref_slice %arg10[%dma_wait3A, %dma_wait3A_33] : memref<8x128xi32, #tpu.memory_space<vmem>> -> memref<1x128xi32, #tpu.memory_space<vmem>>
        %dma_wait3A_35 = tpu.memref_squeeze %dma_wait3A_34 : memref<1x128xi32, #tpu.memory_space<vmem>> -> memref<128xi32, #tpu.memory_space<vmem>>
        %dma_wait3A_36 = arith.constant 0 : i32
        %dma_wait3A_37 = arith.constant 0 : i32
        %dma_wait3A_38 = tpu.memref_slice %arg2[%dma_wait3A_36, %dma_wait3A_37] : memref<10000x128xf32, #tpu.memory_space<hbm>> -> memref<10000x128xf32, #tpu.memory_space<hbm>>
        tpu.wait_indirect_dma semaphore(%arg13 : memref<!tpu.dma_semaphore, #tpu.memory_space<semaphore_mem>>) src(%dma_wait3A_38 : memref<10000x128xf32, #tpu.memory_space<hbm>>) dst(%dma_wait3A_32 : memref<128x128xf32, #tpu.memory_space<vmem>>)
        %dma_start3A_39 = arith.constant 1 : i32
        %dma_start3A_40 = arith.constant 1 : i32
        %dma_start3A_41 = arith.constant 0 : i32
        %dma_start3A_42 = arith.constant 0 : i32
        %dma_start3A_43 = tpu.memref_slice %arg12[%dma_start3A_40, %dma_start3A_41, %dma_start3A_42] : memref<2x128x128xf32, #tpu.memory_space<vmem>> -> memref<1x128x128xf32, #tpu.memory_space<vmem>>
        %dma_start3A_44 = tpu.memref_squeeze %dma_start3A_43 : memref<1x128x128xf32, #tpu.memory_space<vmem>> -> memref<128x128xf32, #tpu.memory_space<vmem>>
        %dma_start3A_45 = arith.constant 0 : i32
        %dma_start3A_46 = tpu.memref_slice %arg10[%dma_start3A_39, %dma_start3A_45] : memref<8x128xi32, #tpu.memory_space<vmem>> -> memref<1x128xi32, #tpu.memory_space<vmem>>
        %dma_start3A_47 = tpu.memref_squeeze %dma_start3A_46 : memref<1x128xi32, #tpu.memory_space<vmem>> -> memref<128xi32, #tpu.memory_space<vmem>>
        %dma_start3A_48 = arith.constant 0 : i32
        %dma_start3A_49 = arith.constant 0 : i32
        %dma_start3A_50 = tpu.memref_slice %arg2[%dma_start3A_48, %dma_start3A_49] : memref<10000x128xf32, #tpu.memory_space<hbm>> -> memref<10000x128xf32, #tpu.memory_space<hbm>>
        tpu.enqueue_indirect_dma source(%dma_start3A_50 : memref<10000x128xf32, #tpu.memory_space<hbm>>) target(%dma_start3A_44 : memref<128x128xf32, #tpu.memory_space<vmem>>) offsets(%dma_start3A_47 : memref<128xi32, #tpu.memory_space<vmem>>) semaphore(%arg13 : memref<!tpu.dma_semaphore, #tpu.memory_space<semaphore_mem>>)
        %dma_start3A_51 = arith.constant 0 : i32
        %dma_start3A_52 = arith.constant 0 : i32
        %dma_start3A_53 = arith.constant 0 : i32
        %dma_start3A_54 = arith.constant 0 : i32
        %dma_start3A_55 = tpu.memref_slice %arg12[%dma_start3A_51, %dma_start3A_53, %dma_start3A_54] : memref<2x128x128xf32, #tpu.memory_space<vmem>> -> memref<1x128x128xf32, #tpu.memory_space<vmem>>
        %dma_start3A_56 = tpu.memref_squeeze %dma_start3A_55 : memref<1x128x128xf32, #tpu.memory_space<vmem>> -> memref<128x128xf32, #tpu.memory_space<vmem>>
        %dma_start3A_57 = arith.constant 0 : i32
        %dma_start3A_58 = tpu.memref_slice %arg11[%dma_start3A_52, %dma_start3A_57] : memref<8x128xi32, #tpu.memory_space<vmem>> -> memref<1x128xi32, #tpu.memory_space<vmem>>
        %dma_start3A_59 = tpu.memref_squeeze %dma_start3A_58 : memref<1x128xi32, #tpu.memory_space<vmem>> -> memref<128xi32, #tpu.memory_space<vmem>>
        %dma_start3A_60 = arith.constant 0 : i32
        %dma_start3A_61 = arith.constant 0 : i32
        %dma_start3A_62 = tpu.memref_slice %arg9[%dma_start3A_60, %dma_start3A_61] : memref<10112x128xf32, #tpu.memory_space<vmem_shared>> -> memref<10112x128xf32, #tpu.memory_space<vmem_shared>>
        tpu.enqueue_indirect_dma source(%dma_start3A_56 : memref<128x128xf32, #tpu.memory_space<vmem>>) target(%dma_start3A_62 : memref<10112x128xf32, #tpu.memory_space<vmem_shared>>) offsets(%dma_start3A_59 : memref<128xi32, #tpu.memory_space<vmem>>) semaphore(%arg14 : memref<!tpu.dma_semaphore, #tpu.memory_space<semaphore_mem>>) {add = true}
        %dma_wait3A_63 = arith.constant 1 : i32
        %dma_wait3A_64 = arith.constant 1 : i32
        %dma_wait3A_65 = arith.constant 0 : i32
        %dma_wait3A_66 = arith.constant 0 : i32
        %dma_wait3A_67 = tpu.memref_slice %arg12[%dma_wait3A_64, %dma_wait3A_65, %dma_wait3A_66] : memref<2x128x128xf32, #tpu.memory_space<vmem>> -> memref<1x128x128xf32, #tpu.memory_space<vmem>>
        %dma_wait3A_68 = tpu.memref_squeeze %dma_wait3A_67 : memref<1x128x128xf32, #tpu.memory_space<vmem>> -> memref<128x128xf32, #tpu.memory_space<vmem>>
        %dma_wait3A_69 = arith.constant 0 : i32
        %dma_wait3A_70 = tpu.memref_slice %arg10[%dma_wait3A_63, %dma_wait3A_69] : memref<8x128xi32, #tpu.memory_space<vmem>> -> memref<1x128xi32, #tpu.memory_space<vmem>>
        %dma_wait3A_71 = tpu.memref_squeeze %dma_wait3A_70 : memref<1x128xi32, #tpu.memory_space<vmem>> -> memref<128xi32, #tpu.memory_space<vmem>>
        %dma_wait3A_72 = arith.constant 0 : i32
        %dma_wait3A_73 = arith.constant 0 : i32
        %dma_wait3A_74 = tpu.memref_slice %arg2[%dma_wait3A_72, %dma_wait3A_73] : memref<10000x128xf32, #tpu.memory_space<hbm>> -> memref<10000x128xf32, #tpu.memory_space<hbm>>
        tpu.wait_indirect_dma semaphore(%arg13 : memref<!tpu.dma_semaphore, #tpu.memory_space<semaphore_mem>>) src(%dma_wait3A_74 : memref<10000x128xf32, #tpu.memory_space<hbm>>) dst(%dma_wait3A_68 : memref<128x128xf32, #tpu.memory_space<vmem>>)
        %dma_wait3A_75 = arith.constant 0 : i32
        %dma_wait3A_76 = arith.constant 0 : i32
        %dma_wait3A_77 = arith.constant 0 : i32
        %dma_wait3A_78 = arith.constant 0 : i32
        %dma_wait3A_79 = tpu.memref_slice %arg12[%dma_wait3A_75, %dma_wait3A_77, %dma_wait3A_78] : memref<2x128x128xf32, #tpu.memory_space<vmem>> -> memref<1x128x128xf32, #tpu.memory_space<vmem>>
        %dma_wait3A_80 = tpu.memref_squeeze %dma_wait3A_79 : memref<1x128x128xf32, #tpu.memory_space<vmem>> -> memref<128x128xf32, #tpu.memory_space<vmem>>
        %dma_wait3A_81 = arith.constant 0 : i32
        %dma_wait3A_82 = tpu.memref_slice %arg11[%dma_wait3A_76, %dma_wait3A_81] : memref<8x128xi32, #tpu.memory_space<vmem>> -> memref<1x128xi32, #tpu.memory_space<vmem>>
        %dma_wait3A_83 = tpu.memref_squeeze %dma_wait3A_82 : memref<1x128xi32, #tpu.memory_space<vmem>> -> memref<128xi32, #tpu.memory_space<vmem>>
        %dma_wait3A_84 = arith.constant 0 : i32
        %dma_wait3A_85 = arith.constant 0 : i32
        %dma_wait3A_86 = tpu.memref_slice %arg9[%dma_wait3A_84, %dma_wait3A_85] : memref<10112x128xf32, #tpu.memory_space<vmem_shared>> -> memref<10112x128xf32, #tpu.memory_space<vmem_shared>>
        tpu.wait_indirect_dma semaphore(%arg14 : memref<!tpu.dma_semaphore, #tpu.memory_space<semaphore_mem>>) src(%dma_wait3A_80 : memref<128x128xf32, #tpu.memory_space<vmem>>) dst(%dma_wait3A_86 : memref<10112x128xf32, #tpu.memory_space<vmem_shared>>)
        %dma_start3A_87 = arith.constant 2 : i32
        %dma_start3A_88 = arith.constant 0 : i32
        %dma_start3A_89 = arith.constant 0 : i32
        %dma_start3A_90 = arith.constant 0 : i32
        %dma_start3A_91 = tpu.memref_slice %arg12[%dma_start3A_88, %dma_start3A_89, %dma_start3A_90] : memref<2x128x128xf32, #tpu.memory_space<vmem>> -> memref<1x128x128xf32, #tpu.memory_space<vmem>>
        %dma_start3A_92 = tpu.memref_squeeze %dma_start3A_91 : memref<1x128x128xf32, #tpu.memory_space<vmem>> -> memref<128x128xf32, #tpu.memory_space<vmem>>
        %dma_start3A_93 = arith.constant 0 : i32
        %dma_start3A_94 = tpu.memref_slice %arg10[%dma_start3A_87, %dma_start3A_93] : memref<8x128xi32, #tpu.memory_space<vmem>> -> memref<1x128xi32, #tpu.memory_space<vmem>>
        %dma_start3A_95 = tpu.memref_squeeze %dma_start3A_94 : memref<1x128xi32, #tpu.memory_space<vmem>> -> memref<128xi32, #tpu.memory_space<vmem>>
        %dma_start3A_96 = arith.constant 0 : i32
        %dma_start3A_97 = arith.constant 0 : i32
        %dma_start3A_98 = tpu.memref_slice %arg2[%dma_start3A_96, %dma_start3A_97] : memref<10000x128xf32, #tpu.memory_space<hbm>> -> memref<10000x128xf32, #tpu.memory_space<hbm>>
        tpu.enqueue_indirect_dma source(%dma_start3A_98 : memref<10000x128xf32, #tpu.memory_space<hbm>>) target(%dma_start3A_92 : memref<128x128xf32, #tpu.memory_space<vmem>>) offsets(%dma_start3A_95 : memref<128xi32, #tpu.memory_space<vmem>>) semaphore(%arg13 : memref<!tpu.dma_semaphore, #tpu.memory_space<semaphore_mem>>)
        %dma_start3A_99 = arith.constant 1 : i32
        %dma_start3A_100 = arith.constant 1 : i32
        %dma_start3A_101 = arith.constant 0 : i32
        %dma_start3A_102 = arith.constant 0 : i32
        %dma_start3A_103 = tpu.memref_slice %arg12[%dma_start3A_99, %dma_start3A_101, %dma_start3A_102] : memref<2x128x128xf32, #tpu.memory_space<vmem>> -> memref<1x128x128xf32, #tpu.memory_space<vmem>>
        %dma_start3A_104 = tpu.memref_squeeze %dma_start3A_103 : memref<1x128x128xf32, #tpu.memory_space<vmem>> -> memref<128x128xf32, #tpu.memory_space<vmem>>
        %dma_start3A_105 = arith.constant 0 : i32
        %dma_start3A_106 = tpu.memref_slice %arg11[%dma_start3A_100, %dma_start3A_105] : memref<8x128xi32, #tpu.memory_space<vmem>> -> memref<1x128xi32, #tpu.memory_space<vmem>>
        %dma_start3A_107 = tpu.memref_squeeze %dma_start3A_106 : memref<1x128xi32, #tpu.memory_space<vmem>> -> memref<128xi32, #tpu.memory_space<vmem>>
        %dma_start3A_108 = arith.constant 0 : i32
        %dma_start3A_109 = arith.constant 0 : i32
        %dma_start3A_110 = tpu.memref_slice %arg9[%dma_start3A_108, %dma_start3A_109] : memref<10112x128xf32, #tpu.memory_space<vmem_shared>> -> memref<10112x128xf32, #tpu.memory_space<vmem_shared>>
        tpu.enqueue_indirect_dma source(%dma_start3A_104 : memref<128x128xf32, #tpu.memory_space<vmem>>) target(%dma_start3A_110 : memref<10112x128xf32, #tpu.memory_space<vmem_shared>>) offsets(%dma_start3A_107 : memref<128xi32, #tpu.memory_space<vmem>>) semaphore(%arg14 : memref<!tpu.dma_semaphore, #tpu.memory_space<semaphore_mem>>) {add = true}
        %dma_wait3A_111 = arith.constant 2 : i32
        %dma_wait3A_112 = arith.constant 0 : i32
        %dma_wait3A_113 = arith.constant 0 : i32
        %dma_wait3A_114 = arith.constant 0 : i32
        %dma_wait3A_115 = tpu.memref_slice %arg12[%dma_wait3A_112, %dma_wait3A_113, %dma_wait3A_114] : memref<2x128x128xf32, #tpu.memory_space<vmem>> -> memref<1x128x128xf32, #tpu.memory_space<vmem>>
        %dma_wait3A_116 = tpu.memref_squeeze %dma_wait3A_115 : memref<1x128x128xf32, #tpu.memory_space<vmem>> -> memref<128x128xf32, #tpu.memory_space<vmem>>
        %dma_wait3A_117 = arith.constant 0 : i32
        %dma_wait3A_118 = tpu.memref_slice %arg10[%dma_wait3A_111, %dma_wait3A_117] : memref<8x128xi32, #tpu.memory_space<vmem>> -> memref<1x128xi32, #tpu.memory_space<vmem>>
        %dma_wait3A_119 = tpu.memref_squeeze %dma_wait3A_118 : memref<1x128xi32, #tpu.memory_space<vmem>> -> memref<128xi32, #tpu.memory_space<vmem>>
        %dma_wait3A_120 = arith.constant 0 : i32
        %dma_wait3A_121 = arith.constant 0 : i32
        %dma_wait3A_122 = tpu.memref_slice %arg2[%dma_wait3A_120, %dma_wait3A_121] : memref<10000x128xf32, #tpu.memory_space<hbm>> -> memref<10000x128xf32, #tpu.memory_space<hbm>>
        tpu.wait_indirect_dma semaphore(%arg13 : memref<!tpu.dma_semaphore, #tpu.memory_space<semaphore_mem>>) src(%dma_wait3A_122 : memref<10000x128xf32, #tpu.memory_space<hbm>>) dst(%dma_wait3A_116 : memref<128x128xf32, #tpu.memory_space<vmem>>)
        %dma_wait3A_123 = arith.constant 1 : i32
        %dma_wait3A_124 = arith.constant 1 : i32
        %dma_wait3A_125 = arith.constant 0 : i32
        %dma_wait3A_126 = arith.constant 0 : i32
        %dma_wait3A_127 = tpu.memref_slice %arg12[%dma_wait3A_123, %dma_wait3A_125, %dma_wait3A_126] : memref<2x128x128xf32, #tpu.memory_space<vmem>> -> memref<1x128x128xf32, #tpu.memory_space<vmem>>
        %dma_wait3A_128 = tpu.memref_squeeze %dma_wait3A_127 : memref<1x128x128xf32, #tpu.memory_space<vmem>> -> memref<128x128xf32, #tpu.memory_space<vmem>>
        %dma_wait3A_129 = arith.constant 0 : i32
        %dma_wait3A_130 = tpu.memref_slice %arg11[%dma_wait3A_124, %dma_wait3A_129] : memref<8x128xi32, #tpu.memory_space<vmem>> -> memref<1x128xi32, #tpu.memory_space<vmem>>
        %dma_wait3A_131 = tpu.memref_squeeze %dma_wait3A_130 : memref<1x128xi32, #tpu.memory_space<vmem>> -> memref<128xi32, #tpu.memory_space<vmem>>
        %dma_wait3A_132 = arith.constant 0 : i32
        %dma_wait3A_133 = arith.constant 0 : i32
        %dma_wait3A_134 = tpu.memref_slice %arg9[%dma_wait3A_132, %dma_wait3A_133] : memref<10112x128xf32, #tpu.memory_space<vmem_shared>> -> memref<10112x128xf32, #tpu.memory_space<vmem_shared>>
        tpu.wait_indirect_dma semaphore(%arg14 : memref<!tpu.dma_semaphore, #tpu.memory_space<semaphore_mem>>) src(%dma_wait3A_128 : memref<128x128xf32, #tpu.memory_space<vmem>>) dst(%dma_wait3A_134 : memref<10112x128xf32, #tpu.memory_space<vmem_shared>>)
        %dma_start3A_135 = arith.constant 3 : i32
        %dma_start3A_136 = arith.constant 1 : i32
        %dma_start3A_137 = arith.constant 0 : i32
        %dma_start3A_138 = arith.constant 0 : i32
        %dma_start3A_139 = tpu.memref_slice %arg12[%dma_start3A_136, %dma_start3A_137, %dma_start3A_138] : memref<2x128x128xf32, #tpu.memory_space<vmem>> -> memref<1x128x128xf32, #tpu.memory_space<vmem>>
        %dma_start3A_140 = tpu.memref_squeeze %dma_start3A_139 : memref<1x128x128xf32, #tpu.memory_space<vmem>> -> memref<128x128xf32, #tpu.memory_space<vmem>>
        %dma_start3A_141 = arith.constant 0 : i32
        %dma_start3A_142 = tpu.memref_slice %arg10[%dma_start3A_135, %dma_start3A_141] : memref<8x128xi32, #tpu.memory_space<vmem>> -> memref<1x128xi32, #tpu.memory_space<vmem>>
        %dma_start3A_143 = tpu.memref_squeeze %dma_start3A_142 : memref<1x128xi32, #tpu.memory_space<vmem>> -> memref<128xi32, #tpu.memory_space<vmem>>
        %dma_start3A_144 = arith.constant 0 : i32
        %dma_start3A_145 = arith.constant 0 : i32
        %dma_start3A_146 = tpu.memref_slice %arg2[%dma_start3A_144, %dma_start3A_145] : memref<10000x128xf32, #tpu.memory_space<hbm>> -> memref<10000x128xf32, #tpu.memory_space<hbm>>
        tpu.enqueue_indirect_dma source(%dma_start3A_146 : memref<10000x128xf32, #tpu.memory_space<hbm>>) target(%dma_start3A_140 : memref<128x128xf32, #tpu.memory_space<vmem>>) offsets(%dma_start3A_143 : memref<128xi32, #tpu.memory_space<vmem>>) semaphore(%arg13 : memref<!tpu.dma_semaphore, #tpu.memory_space<semaphore_mem>>)
        %dma_start3A_147 = arith.constant 0 : i32
        %dma_start3A_148 = arith.constant 2 : i32
        %dma_start3A_149 = arith.constant 0 : i32
        %dma_start3A_150 = arith.constant 0 : i32
        %dma_start3A_151 = tpu.memref_slice %arg12[%dma_start3A_147, %dma_start3A_149, %dma_start3A_150] : memref<2x128x128xf32, #tpu.memory_space<vmem>> -> memref<1x128x128xf32, #tpu.memory_space<vmem>>
        %dma_start3A_152 = tpu.memref_squeeze %dma_start3A_151 : memref<1x128x128xf32, #tpu.memory_space<vmem>> -> memref<128x128xf32, #tpu.memory_space<vmem>>
        %dma_start3A_153 = arith.constant 0 : i32
        %dma_start3A_154 = tpu.memref_slice %arg11[%dma_start3A_148, %dma_start3A_153] : memref<8x128xi32, #tpu.memory_space<vmem>> -> memref<1x128xi32, #tpu.memory_space<vmem>>
        %dma_start3A_155 = tpu.memref_squeeze %dma_start3A_154 : memref<1x128xi32, #tpu.memory_space<vmem>> -> memref<128xi32, #tpu.memory_space<vmem>>
        %dma_start3A_156 = arith.constant 0 : i32
        %dma_start3A_157 = arith.constant 0 : i32
        %dma_start3A_158 = tpu.memref_slice %arg9[%dma_start3A_156, %dma_start3A_157] : memref<10112x128xf32, #tpu.memory_space<vmem_shared>> -> memref<10112x128xf32, #tpu.memory_space<vmem_shared>>
        tpu.enqueue_indirect_dma source(%dma_start3A_152 : memref<128x128xf32, #tpu.memory_space<vmem>>) target(%dma_start3A_158 : memref<10112x128xf32, #tpu.memory_space<vmem_shared>>) offsets(%dma_start3A_155 : memref<128xi32, #tpu.memory_space<vmem>>) semaphore(%arg14 : memref<!tpu.dma_semaphore, #tpu.memory_space<semaphore_mem>>) {add = true}
        %dma_wait3A_159 = arith.constant 3 : i32
        %dma_wait3A_160 = arith.constant 1 : i32
        %dma_wait3A_161 = arith.constant 0 : i32
        %dma_wait3A_162 = arith.constant 0 : i32
        %dma_wait3A_163 = tpu.memref_slice %arg12[%dma_wait3A_160, %dma_wait3A_161, %dma_wait3A_162] : memref<2x128x128xf32, #tpu.memory_space<vmem>> -> memref<1x128x128xf32, #tpu.memory_space<vmem>>
        %dma_wait3A_164 = tpu.memref_squeeze %dma_wait3A_163 : memref<1x128x128xf32, #tpu.memory_space<vmem>> -> memref<128x128xf32, #tpu.memory_space<vmem>>
        %dma_wait3A_165 = arith.constant 0 : i32
        %dma_wait3A_166 = tpu.memref_slice %arg10[%dma_wait3A_159, %dma_wait3A_165] : memref<8x128xi32, #tpu.memory_space<vmem>> -> memref<1x128xi32, #tpu.memory_space<vmem>>
        %dma_wait3A_167 = tpu.memref_squeeze %dma_wait3A_166 : memref<1x128xi32, #tpu.memory_space<vmem>> -> memref<128xi32, #tpu.memory_space<vmem>>
        %dma_wait3A_168 = arith.constant 0 : i32
        %dma_wait3A_169 = arith.constant 0 : i32
        %dma_wait3A_170 = tpu.memref_slice %arg2[%dma_wait3A_168, %dma_wait3A_169] : memref<10000x128xf32, #tpu.memory_space<hbm>> -> memref<10000x128xf32, #tpu.memory_space<hbm>>
        tpu.wait_indirect_dma semaphore(%arg13 : memref<!tpu.dma_semaphore, #tpu.memory_space<semaphore_mem>>) src(%dma_wait3A_170 : memref<10000x128xf32, #tpu.memory_space<hbm>>) dst(%dma_wait3A_164 : memref<128x128xf32, #tpu.memory_space<vmem>>)
        %dma_wait3A_171 = arith.constant 0 : i32
        %dma_wait3A_172 = arith.constant 2 : i32
        %dma_wait3A_173 = arith.constant 0 : i32
        %dma_wait3A_174 = arith.constant 0 : i32
        %dma_wait3A_175 = tpu.memref_slice %arg12[%dma_wait3A_171, %dma_wait3A_173, %dma_wait3A_174] : memref<2x128x128xf32, #tpu.memory_space<vmem>> -> memref<1x128x128xf32, #tpu.memory_space<vmem>>
        %dma_wait3A_176 = tpu.memref_squeeze %dma_wait3A_175 : memref<1x128x128xf32, #tpu.memory_space<vmem>> -> memref<128x128xf32, #tpu.memory_space<vmem>>
        %dma_wait3A_177 = arith.constant 0 : i32
        %dma_wait3A_178 = tpu.memref_slice %arg11[%dma_wait3A_172, %dma_wait3A_177] : memref<8x128xi32, #tpu.memory_space<vmem>> -> memref<1x128xi32, #tpu.memory_space<vmem>>
        %dma_wait3A_179 = tpu.memref_squeeze %dma_wait3A_178 : memref<1x128xi32, #tpu.memory_space<vmem>> -> memref<128xi32, #tpu.memory_space<vmem>>
        %dma_wait3A_180 = arith.constant 0 : i32
        %dma_wait3A_181 = arith.constant 0 : i32
        %dma_wait3A_182 = tpu.memref_slice %arg9[%dma_wait3A_180, %dma_wait3A_181] : memref<10112x128xf32, #tpu.memory_space<vmem_shared>> -> memref<10112x128xf32, #tpu.memory_space<vmem_shared>>
        tpu.wait_indirect_dma semaphore(%arg14 : memref<!tpu.dma_semaphore, #tpu.memory_space<semaphore_mem>>) src(%dma_wait3A_176 : memref<128x128xf32, #tpu.memory_space<vmem>>) dst(%dma_wait3A_182 : memref<10112x128xf32, #tpu.memory_space<vmem_shared>>)
        %dma_start3A_183 = arith.constant 4 : i32
        %dma_start3A_184 = arith.constant 0 : i32
        %dma_start3A_185 = arith.constant 0 : i32
        %dma_start3A_186 = arith.constant 0 : i32
        %dma_start3A_187 = tpu.memref_slice %arg12[%dma_start3A_184, %dma_start3A_185, %dma_start3A_186] : memref<2x128x128xf32, #tpu.memory_space<vmem>> -> memref<1x128x128xf32, #tpu.memory_space<vmem>>
        %dma_start3A_188 = tpu.memref_squeeze %dma_start3A_187 : memref<1x128x128xf32, #tpu.memory_space<vmem>> -> memref<128x128xf32, #tpu.memory_space<vmem>>
        %dma_start3A_189 = arith.constant 0 : i32
        %dma_start3A_190 = tpu.memref_slice %arg10[%dma_start3A_183, %dma_start3A_189] : memref<8x128xi32, #tpu.memory_space<vmem>> -> memref<1x128xi32, #tpu.memory_space<vmem>>
        %dma_start3A_191 = tpu.memref_squeeze %dma_start3A_190 : memref<1x128xi32, #tpu.memory_space<vmem>> -> memref<128xi32, #tpu.memory_space<vmem>>
        %dma_start3A_192 = arith.constant 0 : i32
        %dma_start3A_193 = arith.constant 0 : i32
        %dma_start3A_194 = tpu.memref_slice %arg2[%dma_start3A_192, %dma_start3A_193] : memref<10000x128xf32, #tpu.memory_space<hbm>> -> memref<10000x128xf32, #tpu.memory_space<hbm>>
        tpu.enqueue_indirect_dma source(%dma_start3A_194 : memref<10000x128xf32, #tpu.memory_space<hbm>>) target(%dma_start3A_188 : memref<128x128xf32, #tpu.memory_space<vmem>>) offsets(%dma_start3A_191 : memref<128xi32, #tpu.memory_space<vmem>>) semaphore(%arg13 : memref<!tpu.dma_semaphore, #tpu.memory_space<semaphore_mem>>)
        %dma_start3A_195 = arith.constant 1 : i32
        %dma_start3A_196 = arith.constant 3 : i32
        %dma_start3A_197 = arith.constant 0 : i32
        %dma_start3A_198 = arith.constant 0 : i32
        %dma_start3A_199 = tpu.memref_slice %arg12[%dma_start3A_195, %dma_start3A_197, %dma_start3A_198] : memref<2x128x128xf32, #tpu.memory_space<vmem>> -> memref<1x128x128xf32, #tpu.memory_space<vmem>>
        %dma_start3A_200 = tpu.memref_squeeze %dma_start3A_199 : memref<1x128x128xf32, #tpu.memory_space<vmem>> -> memref<128x128xf32, #tpu.memory_space<vmem>>
        %dma_start3A_201 = arith.constant 0 : i32
        %dma_start3A_202 = tpu.memref_slice %arg11[%dma_start3A_196, %dma_start3A_201] : memref<8x128xi32, #tpu.memory_space<vmem>> -> memref<1x128xi32, #tpu.memory_space<vmem>>
        %dma_start3A_203 = tpu.memref_squeeze %dma_start3A_202 : memref<1x128xi32, #tpu.memory_space<vmem>> -> memref<128xi32, #tpu.memory_space<vmem>>
        %dma_start3A_204 = arith.constant 0 : i32
        %dma_start3A_205 = arith.constant 0 : i32
        %dma_start3A_206 = tpu.memref_slice %arg9[%dma_start3A_204, %dma_start3A_205] : memref<10112x128xf32, #tpu.memory_space<vmem_shared>> -> memref<10112x128xf32, #tpu.memory_space<vmem_shared>>
        tpu.enqueue_indirect_dma source(%dma_start3A_200 : memref<128x128xf32, #tpu.memory_space<vmem>>) target(%dma_start3A_206 : memref<10112x128xf32, #tpu.memory_space<vmem_shared>>) offsets(%dma_start3A_203 : memref<128xi32, #tpu.memory_space<vmem>>) semaphore(%arg14 : memref<!tpu.dma_semaphore, #tpu.memory_space<semaphore_mem>>) {add = true}
        %dma_wait3A_207 = arith.constant 4 : i32
        %dma_wait3A_208 = arith.constant 0 : i32
        %dma_wait3A_209 = arith.constant 0 : i32
        %dma_wait3A_210 = arith.constant 0 : i32
        %dma_wait3A_211 = tpu.memref_slice %arg12[%dma_wait3A_208, %dma_wait3A_209, %dma_wait3A_210] : memref<2x128x128xf32, #tpu.memory_space<vmem>> -> memref<1x128x128xf32, #tpu.memory_space<vmem>>
        %dma_wait3A_212 = tpu.memref_squeeze %dma_wait3A_211 : memref<1x128x128xf32, #tpu.memory_space<vmem>> -> memref<128x128xf32, #tpu.memory_space<vmem>>
        %dma_wait3A_213 = arith.constant 0 : i32
        %dma_wait3A_214 = tpu.memref_slice %arg10[%dma_wait3A_207, %dma_wait3A_213] : memref<8x128xi32, #tpu.memory_space<vmem>> -> memref<1x128xi32, #tpu.memory_space<vmem>>
        %dma_wait3A_215 = tpu.memref_squeeze %dma_wait3A_214 : memref<1x128xi32, #tpu.memory_space<vmem>> -> memref<128xi32, #tpu.memory_space<vmem>>
        %dma_wait3A_216 = arith.constant 0 : i32
        %dma_wait3A_217 = arith.constant 0 : i32
        %dma_wait3A_218 = tpu.memref_slice %arg2[%dma_wait3A_216, %dma_wait3A_217] : memref<10000x128xf32, #tpu.memory_space<hbm>> -> memref<10000x128xf32, #tpu.memory_space<hbm>>
        tpu.wait_indirect_dma semaphore(%arg13 : memref<!tpu.dma_semaphore, #tpu.memory_space<semaphore_mem>>) src(%dma_wait3A_218 : memref<10000x128xf32, #tpu.memory_space<hbm>>) dst(%dma_wait3A_212 : memref<128x128xf32, #tpu.memory_space<vmem>>)
        %dma_wait3A_219 = arith.constant 1 : i32
        %dma_wait3A_220 = arith.constant 3 : i32
        %dma_wait3A_221 = arith.constant 0 : i32
        %dma_wait3A_222 = arith.constant 0 : i32
        %dma_wait3A_223 = tpu.memref_slice %arg12[%dma_wait3A_219, %dma_wait3A_221, %dma_wait3A_222] : memref<2x128x128xf32, #tpu.memory_space<vmem>> -> memref<1x128x128xf32, #tpu.memory_space<vmem>>
        %dma_wait3A_224 = tpu.memref_squeeze %dma_wait3A_223 : memref<1x128x128xf32, #tpu.memory_space<vmem>> -> memref<128x128xf32, #tpu.memory_space<vmem>>
        %dma_wait3A_225 = arith.constant 0 : i32
        %dma_wait3A_226 = tpu.memref_slice %arg11[%dma_wait3A_220, %dma_wait3A_225] : memref<8x128xi32, #tpu.memory_space<vmem>> -> memref<1x128xi32, #tpu.memory_space<vmem>>
        %dma_wait3A_227 = tpu.memref_squeeze %dma_wait3A_226 : memref<1x128xi32, #tpu.memory_space<vmem>> -> memref<128xi32, #tpu.memory_space<vmem>>
        %dma_wait3A_228 = arith.constant 0 : i32
        %dma_wait3A_229 = arith.constant 0 : i32
        %dma_wait3A_230 = tpu.memref_slice %arg9[%dma_wait3A_228, %dma_wait3A_229] : memref<10112x128xf32, #tpu.memory_space<vmem_shared>> -> memref<10112x128xf32, #tpu.memory_space<vmem_shared>>
        tpu.wait_indirect_dma semaphore(%arg14 : memref<!tpu.dma_semaphore, #tpu.memory_space<semaphore_mem>>) src(%dma_wait3A_224 : memref<128x128xf32, #tpu.memory_space<vmem>>) dst(%dma_wait3A_230 : memref<10112x128xf32, #tpu.memory_space<vmem_shared>>)
        %dma_start3A_231 = arith.constant 5 : i32
        %dma_start3A_232 = arith.constant 1 : i32
        %dma_start3A_233 = arith.constant 0 : i32
        %dma_start3A_234 = arith.constant 0 : i32
        %dma_start3A_235 = tpu.memref_slice %arg12[%dma_start3A_232, %dma_start3A_233, %dma_start3A_234] : memref<2x128x128xf32, #tpu.memory_space<vmem>> -> memref<1x128x128xf32, #tpu.memory_space<vmem>>
        %dma_start3A_236 = tpu.memref_squeeze %dma_start3A_235 : memref<1x128x128xf32, #tpu.memory_space<vmem>> -> memref<128x128xf32, #tpu.memory_space<vmem>>
        %dma_start3A_237 = arith.constant 0 : i32
        %dma_start3A_238 = tpu.memref_slice %arg10[%dma_start3A_231, %dma_start3A_237] : memref<8x128xi32, #tpu.memory_space<vmem>> -> memref<1x128xi32, #tpu.memory_space<vmem>>
        %dma_start3A_239 = tpu.memref_squeeze %dma_start3A_238 : memref<1x128xi32, #tpu.memory_space<vmem>> -> memref<128xi32, #tpu.memory_space<vmem>>
        %dma_start3A_240 = arith.constant 0 : i32
        %dma_start3A_241 = arith.constant 0 : i32
        %dma_start3A_242 = tpu.memref_slice %arg2[%dma_start3A_240, %dma_start3A_241] : memref<10000x128xf32, #tpu.memory_space<hbm>> -> memref<10000x128xf32, #tpu.memory_space<hbm>>
        tpu.enqueue_indirect_dma source(%dma_start3A_242 : memref<10000x128xf32, #tpu.memory_space<hbm>>) target(%dma_start3A_236 : memref<128x128xf32, #tpu.memory_space<vmem>>) offsets(%dma_start3A_239 : memref<128xi32, #tpu.memory_space<vmem>>) semaphore(%arg13 : memref<!tpu.dma_semaphore, #tpu.memory_space<semaphore_mem>>)
        %dma_start3A_243 = arith.constant 0 : i32
        %dma_start3A_244 = arith.constant 4 : i32
        %dma_start3A_245 = arith.constant 0 : i32
        %dma_start3A_246 = arith.constant 0 : i32
        %dma_start3A_247 = tpu.memref_slice %arg12[%dma_start3A_243, %dma_start3A_245, %dma_start3A_246] : memref<2x128x128xf32, #tpu.memory_space<vmem>> -> memref<1x128x128xf32, #tpu.memory_space<vmem>>
        %dma_start3A_248 = tpu.memref_squeeze %dma_start3A_247 : memref<1x128x128xf32, #tpu.memory_space<vmem>> -> memref<128x128xf32, #tpu.memory_space<vmem>>
        %dma_start3A_249 = arith.constant 0 : i32
        %dma_start3A_250 = tpu.memref_slice %arg11[%dma_start3A_244, %dma_start3A_249] : memref<8x128xi32, #tpu.memory_space<vmem>> -> memref<1x128xi32, #tpu.memory_space<vmem>>
        %dma_start3A_251 = tpu.memref_squeeze %dma_start3A_250 : memref<1x128xi32, #tpu.memory_space<vmem>> -> memref<128xi32, #tpu.memory_space<vmem>>
        %dma_start3A_252 = arith.constant 0 : i32
        %dma_start3A_253 = arith.constant 0 : i32
        %dma_start3A_254 = tpu.memref_slice %arg9[%dma_start3A_252, %dma_start3A_253] : memref<10112x128xf32, #tpu.memory_space<vmem_shared>> -> memref<10112x128xf32, #tpu.memory_space<vmem_shared>>
        tpu.enqueue_indirect_dma source(%dma_start3A_248 : memref<128x128xf32, #tpu.memory_space<vmem>>) target(%dma_start3A_254 : memref<10112x128xf32, #tpu.memory_space<vmem_shared>>) offsets(%dma_start3A_251 : memref<128xi32, #tpu.memory_space<vmem>>) semaphore(%arg14 : memref<!tpu.dma_semaphore, #tpu.memory_space<semaphore_mem>>) {add = true}
        %dma_wait3A_255 = arith.constant 5 : i32
        %dma_wait3A_256 = arith.constant 1 : i32
        %dma_wait3A_257 = arith.constant 0 : i32
        %dma_wait3A_258 = arith.constant 0 : i32
        %dma_wait3A_259 = tpu.memref_slice %arg12[%dma_wait3A_256, %dma_wait3A_257, %dma_wait3A_258] : memref<2x128x128xf32, #tpu.memory_space<vmem>> -> memref<1x128x128xf32, #tpu.memory_space<vmem>>
        %dma_wait3A_260 = tpu.memref_squeeze %dma_wait3A_259 : memref<1x128x128xf32, #tpu.memory_space<vmem>> -> memref<128x128xf32, #tpu.memory_space<vmem>>
        %dma_wait3A_261 = arith.constant 0 : i32
        %dma_wait3A_262 = tpu.memref_slice %arg10[%dma_wait3A_255, %dma_wait3A_261] : memref<8x128xi32, #tpu.memory_space<vmem>> -> memref<1x128xi32, #tpu.memory_space<vmem>>
        %dma_wait3A_263 = tpu.memref_squeeze %dma_wait3A_262 : memref<1x128xi32, #tpu.memory_space<vmem>> -> memref<128xi32, #tpu.memory_space<vmem>>
        %dma_wait3A_264 = arith.constant 0 : i32
        %dma_wait3A_265 = arith.constant 0 : i32
        %dma_wait3A_266 = tpu.memref_slice %arg2[%dma_wait3A_264, %dma_wait3A_265] : memref<10000x128xf32, #tpu.memory_space<hbm>> -> memref<10000x128xf32, #tpu.memory_space<hbm>>
        tpu.wait_indirect_dma semaphore(%arg13 : memref<!tpu.dma_semaphore, #tpu.memory_space<semaphore_mem>>) src(%dma_wait3A_266 : memref<10000x128xf32, #tpu.memory_space<hbm>>) dst(%dma_wait3A_260 : memref<128x128xf32, #tpu.memory_space<vmem>>)
        %dma_wait3A_267 = arith.constant 0 : i32
        %dma_wait3A_268 = arith.constant 4 : i32
        %dma_wait3A_269 = arith.constant 0 : i32
        %dma_wait3A_270 = arith.constant 0 : i32
        %dma_wait3A_271 = tpu.memref_slice %arg12[%dma_wait3A_267, %dma_wait3A_269, %dma_wait3A_270] : memref<2x128x128xf32, #tpu.memory_space<vmem>> -> memref<1x128x128xf32, #tpu.memory_space<vmem>>
        %dma_wait3A_272 = tpu.memref_squeeze %dma_wait3A_271 : memref<1x128x128xf32, #tpu.memory_space<vmem>> -> memref<128x128xf32, #tpu.memory_space<vmem>>
        %dma_wait3A_273 = arith.constant 0 : i32
        %dma_wait3A_274 = tpu.memref_slice %arg11[%dma_wait3A_268, %dma_wait3A_273] : memref<8x128xi32, #tpu.memory_space<vmem>> -> memref<1x128xi32, #tpu.memory_space<vmem>>
        %dma_wait3A_275 = tpu.memref_squeeze %dma_wait3A_274 : memref<1x128xi32, #tpu.memory_space<vmem>> -> memref<128xi32, #tpu.memory_space<vmem>>
        %dma_wait3A_276 = arith.constant 0 : i32
        %dma_wait3A_277 = arith.constant 0 : i32
        %dma_wait3A_278 = tpu.memref_slice %arg9[%dma_wait3A_276, %dma_wait3A_277] : memref<10112x128xf32, #tpu.memory_space<vmem_shared>> -> memref<10112x128xf32, #tpu.memory_space<vmem_shared>>
        tpu.wait_indirect_dma semaphore(%arg14 : memref<!tpu.dma_semaphore, #tpu.memory_space<semaphore_mem>>) src(%dma_wait3A_272 : memref<128x128xf32, #tpu.memory_space<vmem>>) dst(%dma_wait3A_278 : memref<10112x128xf32, #tpu.memory_space<vmem_shared>>)
        %dma_start3A_279 = arith.constant 6 : i32
        %dma_start3A_280 = arith.constant 0 : i32
        %dma_start3A_281 = arith.constant 0 : i32
        %dma_start3A_282 = arith.constant 0 : i32
        %dma_start3A_283 = tpu.memref_slice %arg12[%dma_start3A_280, %dma_start3A_281, %dma_start3A_282] : memref<2x128x128xf32, #tpu.memory_space<vmem>> -> memref<1x128x128xf32, #tpu.memory_space<vmem>>
        %dma_start3A_284 = tpu.memref_squeeze %dma_start3A_283 : memref<1x128x128xf32, #tpu.memory_space<vmem>> -> memref<128x128xf32, #tpu.memory_space<vmem>>
        %dma_start3A_285 = arith.constant 0 : i32
        %dma_start3A_286 = tpu.memref_slice %arg10[%dma_start3A_279, %dma_start3A_285] : memref<8x128xi32, #tpu.memory_space<vmem>> -> memref<1x128xi32, #tpu.memory_space<vmem>>
        %dma_start3A_287 = tpu.memref_squeeze %dma_start3A_286 : memref<1x128xi32, #tpu.memory_space<vmem>> -> memref<128xi32, #tpu.memory_space<vmem>>
        %dma_start3A_288 = arith.constant 0 : i32
        %dma_start3A_289 = arith.constant 0 : i32
        %dma_start3A_290 = tpu.memref_slice %arg2[%dma_start3A_288, %dma_start3A_289] : memref<10000x128xf32, #tpu.memory_space<hbm>> -> memref<10000x128xf32, #tpu.memory_space<hbm>>
        tpu.enqueue_indirect_dma source(%dma_start3A_290 : memref<10000x128xf32, #tpu.memory_space<hbm>>) target(%dma_start3A_284 : memref<128x128xf32, #tpu.memory_space<vmem>>) offsets(%dma_start3A_287 : memref<128xi32, #tpu.memory_space<vmem>>) semaphore(%arg13 : memref<!tpu.dma_semaphore, #tpu.memory_space<semaphore_mem>>)
        %dma_start3A_291 = arith.constant 1 : i32
        %dma_start3A_292 = arith.constant 5 : i32
        %dma_start3A_293 = arith.constant 0 : i32
        %dma_start3A_294 = arith.constant 0 : i32
        %dma_start3A_295 = tpu.memref_slice %arg12[%dma_start3A_291, %dma_start3A_293, %dma_start3A_294] : memref<2x128x128xf32, #tpu.memory_space<vmem>> -> memref<1x128x128xf32, #tpu.memory_space<vmem>>
        %dma_start3A_296 = tpu.memref_squeeze %dma_start3A_295 : memref<1x128x128xf32, #tpu.memory_space<vmem>> -> memref<128x128xf32, #tpu.memory_space<vmem>>
        %dma_start3A_297 = arith.constant 0 : i32
        %dma_start3A_298 = tpu.memref_slice %arg11[%dma_start3A_292, %dma_start3A_297] : memref<8x128xi32, #tpu.memory_space<vmem>> -> memref<1x128xi32, #tpu.memory_space<vmem>>
        %dma_start3A_299 = tpu.memref_squeeze %dma_start3A_298 : memref<1x128xi32, #tpu.memory_space<vmem>> -> memref<128xi32, #tpu.memory_space<vmem>>
        %dma_start3A_300 = arith.constant 0 : i32
        %dma_start3A_301 = arith.constant 0 : i32
        %dma_start3A_302 = tpu.memref_slice %arg9[%dma_start3A_300, %dma_start3A_301] : memref<10112x128xf32, #tpu.memory_space<vmem_shared>> -> memref<10112x128xf32, #tpu.memory_space<vmem_shared>>
        tpu.enqueue_indirect_dma source(%dma_start3A_296 : memref<128x128xf32, #tpu.memory_space<vmem>>) target(%dma_start3A_302 : memref<10112x128xf32, #tpu.memory_space<vmem_shared>>) offsets(%dma_start3A_299 : memref<128xi32, #tpu.memory_space<vmem>>) semaphore(%arg14 : memref<!tpu.dma_semaphore, #tpu.memory_space<semaphore_mem>>) {add = true}
        %dma_wait3A_303 = arith.constant 6 : i32
        %dma_wait3A_304 = arith.constant 0 : i32
        %dma_wait3A_305 = arith.constant 0 : i32
        %dma_wait3A_306 = arith.constant 0 : i32
        %dma_wait3A_307 = tpu.memref_slice %arg12[%dma_wait3A_304, %dma_wait3A_305, %dma_wait3A_306] : memref<2x128x128xf32, #tpu.memory_space<vmem>> -> memref<1x128x128xf32, #tpu.memory_space<vmem>>
        %dma_wait3A_308 = tpu.memref_squeeze %dma_wait3A_307 : memref<1x128x128xf32, #tpu.memory_space<vmem>> -> memref<128x128xf32, #tpu.memory_space<vmem>>
        %dma_wait3A_309 = arith.constant 0 : i32
        %dma_wait3A_310 = tpu.memref_slice %arg10[%dma_wait3A_303, %dma_wait3A_309] : memref<8x128xi32, #tpu.memory_space<vmem>> -> memref<1x128xi32, #tpu.memory_space<vmem>>
        %dma_wait3A_311 = tpu.memref_squeeze %dma_wait3A_310 : memref<1x128xi32, #tpu.memory_space<vmem>> -> memref<128xi32, #tpu.memory_space<vmem>>
        %dma_wait3A_312 = arith.constant 0 : i32
        %dma_wait3A_313 = arith.constant 0 : i32
        %dma_wait3A_314 = tpu.memref_slice %arg2[%dma_wait3A_312, %dma_wait3A_313] : memref<10000x128xf32, #tpu.memory_space<hbm>> -> memref<10000x128xf32, #tpu.memory_space<hbm>>
        tpu.wait_indirect_dma semaphore(%arg13 : memref<!tpu.dma_semaphore, #tpu.memory_space<semaphore_mem>>) src(%dma_wait3A_314 : memref<10000x128xf32, #tpu.memory_space<hbm>>) dst(%dma_wait3A_308 : memref<128x128xf32, #tpu.memory_space<vmem>>)
        %dma_wait3A_315 = arith.constant 1 : i32
        %dma_wait3A_316 = arith.constant 5 : i32
        %dma_wait3A_317 = arith.constant 0 : i32
        %dma_wait3A_318 = arith.constant 0 : i32
        %dma_wait3A_319 = tpu.memref_slice %arg12[%dma_wait3A_315, %dma_wait3A_317, %dma_wait3A_318] : memref<2x128x128xf32, #tpu.memory_space<vmem>> -> memref<1x128x128xf32, #tpu.memory_space<vmem>>
        %dma_wait3A_320 = tpu.memref_squeeze %dma_wait3A_319 : memref<1x128x128xf32, #tpu.memory_space<vmem>> -> memref<128x128xf32, #tpu.memory_space<vmem>>
        %dma_wait3A_321 = arith.constant 0 : i32
        %dma_wait3A_322 = tpu.memref_slice %arg11[%dma_wait3A_316, %dma_wait3A_321] : memref<8x128xi32, #tpu.memory_space<vmem>> -> memref<1x128xi32, #tpu.memory_space<vmem>>
        %dma_wait3A_323 = tpu.memref_squeeze %dma_wait3A_322 : memref<1x128xi32, #tpu.memory_space<vmem>> -> memref<128xi32, #tpu.memory_space<vmem>>
        %dma_wait3A_324 = arith.constant 0 : i32
        %dma_wait3A_325 = arith.constant 0 : i32
        %dma_wait3A_326 = tpu.memref_slice %arg9[%dma_wait3A_324, %dma_wait3A_325] : memref<10112x128xf32, #tpu.memory_space<vmem_shared>> -> memref<10112x128xf32, #tpu.memory_space<vmem_shared>>
        tpu.wait_indirect_dma semaphore(%arg14 : memref<!tpu.dma_semaphore, #tpu.memory_space<semaphore_mem>>) src(%dma_wait3A_320 : memref<128x128xf32, #tpu.memory_space<vmem>>) dst(%dma_wait3A_326 : memref<10112x128xf32, #tpu.memory_space<vmem_shared>>)
        %dma_start3A_327 = arith.constant 7 : i32
        %dma_start3A_328 = arith.constant 1 : i32
        %dma_start3A_329 = arith.constant 0 : i32
        %dma_start3A_330 = arith.constant 0 : i32
        %dma_start3A_331 = tpu.memref_slice %arg12[%dma_start3A_328, %dma_start3A_329, %dma_start3A_330] : memref<2x128x128xf32, #tpu.memory_space<vmem>> -> memref<1x128x128xf32, #tpu.memory_space<vmem>>
        %dma_start3A_332 = tpu.memref_squeeze %dma_start3A_331 : memref<1x128x128xf32, #tpu.memory_space<vmem>> -> memref<128x128xf32, #tpu.memory_space<vmem>>
        %dma_start3A_333 = arith.constant 0 : i32
        %dma_start3A_334 = tpu.memref_slice %arg10[%dma_start3A_327, %dma_start3A_333] : memref<8x128xi32, #tpu.memory_space<vmem>> -> memref<1x128xi32, #tpu.memory_space<vmem>>
        %dma_start3A_335 = tpu.memref_squeeze %dma_start3A_334 : memref<1x128xi32, #tpu.memory_space<vmem>> -> memref<128xi32, #tpu.memory_space<vmem>>
        %dma_start3A_336 = arith.constant 0 : i32
        %dma_start3A_337 = arith.constant 0 : i32
        %dma_start3A_338 = tpu.memref_slice %arg2[%dma_start3A_336, %dma_start3A_337] : memref<10000x128xf32, #tpu.memory_space<hbm>> -> memref<10000x128xf32, #tpu.memory_space<hbm>>
        tpu.enqueue_indirect_dma source(%dma_start3A_338 : memref<10000x128xf32, #tpu.memory_space<hbm>>) target(%dma_start3A_332 : memref<128x128xf32, #tpu.memory_space<vmem>>) offsets(%dma_start3A_335 : memref<128xi32, #tpu.memory_space<vmem>>) semaphore(%arg13 : memref<!tpu.dma_semaphore, #tpu.memory_space<semaphore_mem>>)
        %dma_start3A_339 = arith.constant 0 : i32
        %dma_start3A_340 = arith.constant 6 : i32
        %dma_start3A_341 = arith.constant 0 : i32
        %dma_start3A_342 = arith.constant 0 : i32
        %dma_start3A_343 = tpu.memref_slice %arg12[%dma_start3A_339, %dma_start3A_341, %dma_start3A_342] : memref<2x128x128xf32, #tpu.memory_space<vmem>> -> memref<1x128x128xf32, #tpu.memory_space<vmem>>
        %dma_start3A_344 = tpu.memref_squeeze %dma_start3A_343 : memref<1x128x128xf32, #tpu.memory_space<vmem>> -> memref<128x128xf32, #tpu.memory_space<vmem>>
        %dma_start3A_345 = arith.constant 0 : i32
        %dma_start3A_346 = tpu.memref_slice %arg11[%dma_start3A_340, %dma_start3A_345] : memref<8x128xi32, #tpu.memory_space<vmem>> -> memref<1x128xi32, #tpu.memory_space<vmem>>
        %dma_start3A_347 = tpu.memref_squeeze %dma_start3A_346 : memref<1x128xi32, #tpu.memory_space<vmem>> -> memref<128xi32, #tpu.memory_space<vmem>>
        %dma_start3A_348 = arith.constant 0 : i32
        %dma_start3A_349 = arith.constant 0 : i32
        %dma_start3A_350 = tpu.memref_slice %arg9[%dma_start3A_348, %dma_start3A_349] : memref<10112x128xf32, #tpu.memory_space<vmem_shared>> -> memref<10112x128xf32, #tpu.memory_space<vmem_shared>>
        tpu.enqueue_indirect_dma source(%dma_start3A_344 : memref<128x128xf32, #tpu.memory_space<vmem>>) target(%dma_start3A_350 : memref<10112x128xf32, #tpu.memory_space<vmem_shared>>) offsets(%dma_start3A_347 : memref<128xi32, #tpu.memory_space<vmem>>) semaphore(%arg14 : memref<!tpu.dma_semaphore, #tpu.memory_space<semaphore_mem>>) {add = true}
        %dma_wait3A_351 = arith.constant 7 : i32
        %dma_wait3A_352 = arith.constant 1 : i32
        %dma_wait3A_353 = arith.constant 0 : i32
        %dma_wait3A_354 = arith.constant 0 : i32
        %dma_wait3A_355 = tpu.memref_slice %arg12[%dma_wait3A_352, %dma_wait3A_353, %dma_wait3A_354] : memref<2x128x128xf32, #tpu.memory_space<vmem>> -> memref<1x128x128xf32, #tpu.memory_space<vmem>>
        %dma_wait3A_356 = tpu.memref_squeeze %dma_wait3A_355 : memref<1x128x128xf32, #tpu.memory_space<vmem>> -> memref<128x128xf32, #tpu.memory_space<vmem>>
        %dma_wait3A_357 = arith.constant 0 : i32
        %dma_wait3A_358 = tpu.memref_slice %arg10[%dma_wait3A_351, %dma_wait3A_357] : memref<8x128xi32, #tpu.memory_space<vmem>> -> memref<1x128xi32, #tpu.memory_space<vmem>>
        %dma_wait3A_359 = tpu.memref_squeeze %dma_wait3A_358 : memref<1x128xi32, #tpu.memory_space<vmem>> -> memref<128xi32, #tpu.memory_space<vmem>>
        %dma_wait3A_360 = arith.constant 0 : i32
        %dma_wait3A_361 = arith.constant 0 : i32
        %dma_wait3A_362 = tpu.memref_slice %arg2[%dma_wait3A_360, %dma_wait3A_361] : memref<10000x128xf32, #tpu.memory_space<hbm>> -> memref<10000x128xf32, #tpu.memory_space<hbm>>
        tpu.wait_indirect_dma semaphore(%arg13 : memref<!tpu.dma_semaphore, #tpu.memory_space<semaphore_mem>>) src(%dma_wait3A_362 : memref<10000x128xf32, #tpu.memory_space<hbm>>) dst(%dma_wait3A_356 : memref<128x128xf32, #tpu.memory_space<vmem>>)
        %dma_start3A_363 = arith.constant 1 : i32
        %dma_start3A_364 = arith.constant 7 : i32
        %dma_start3A_365 = arith.constant 0 : i32
        %dma_start3A_366 = arith.constant 0 : i32
        %dma_start3A_367 = tpu.memref_slice %arg12[%dma_start3A_363, %dma_start3A_365, %dma_start3A_366] : memref<2x128x128xf32, #tpu.memory_space<vmem>> -> memref<1x128x128xf32, #tpu.memory_space<vmem>>
        %dma_start3A_368 = tpu.memref_squeeze %dma_start3A_367 : memref<1x128x128xf32, #tpu.memory_space<vmem>> -> memref<128x128xf32, #tpu.memory_space<vmem>>
        %dma_start3A_369 = arith.constant 0 : i32
        %dma_start3A_370 = tpu.memref_slice %arg11[%dma_start3A_364, %dma_start3A_369] : memref<8x128xi32, #tpu.memory_space<vmem>> -> memref<1x128xi32, #tpu.memory_space<vmem>>
        %dma_start3A_371 = tpu.memref_squeeze %dma_start3A_370 : memref<1x128xi32, #tpu.memory_space<vmem>> -> memref<128xi32, #tpu.memory_space<vmem>>
        %dma_start3A_372 = arith.constant 0 : i32
        %dma_start3A_373 = arith.constant 0 : i32
        %dma_start3A_374 = tpu.memref_slice %arg9[%dma_start3A_372, %dma_start3A_373] : memref<10112x128xf32, #tpu.memory_space<vmem_shared>> -> memref<10112x128xf32, #tpu.memory_space<vmem_shared>>
        tpu.enqueue_indirect_dma source(%dma_start3A_368 : memref<128x128xf32, #tpu.memory_space<vmem>>) target(%dma_start3A_374 : memref<10112x128xf32, #tpu.memory_space<vmem_shared>>) offsets(%dma_start3A_371 : memref<128xi32, #tpu.memory_space<vmem>>) semaphore(%arg14 : memref<!tpu.dma_semaphore, #tpu.memory_space<semaphore_mem>>) {add = true}
        %dma_wait3A_375 = arith.constant 0 : i32
        %dma_wait3A_376 = arith.constant 6 : i32
        %dma_wait3A_377 = arith.constant 0 : i32
        %dma_wait3A_378 = arith.constant 0 : i32
        %dma_wait3A_379 = tpu.memref_slice %arg12[%dma_wait3A_375, %dma_wait3A_377, %dma_wait3A_378] : memref<2x128x128xf32, #tpu.memory_space<vmem>> -> memref<1x128x128xf32, #tpu.memory_space<vmem>>
        %dma_wait3A_380 = tpu.memref_squeeze %dma_wait3A_379 : memref<1x128x128xf32, #tpu.memory_space<vmem>> -> memref<128x128xf32, #tpu.memory_space<vmem>>
        %dma_wait3A_381 = arith.constant 0 : i32
        %dma_wait3A_382 = tpu.memref_slice %arg11[%dma_wait3A_376, %dma_wait3A_381] : memref<8x128xi32, #tpu.memory_space<vmem>> -> memref<1x128xi32, #tpu.memory_space<vmem>>
        %dma_wait3A_383 = tpu.memref_squeeze %dma_wait3A_382 : memref<1x128xi32, #tpu.memory_space<vmem>> -> memref<128xi32, #tpu.memory_space<vmem>>
        %dma_wait3A_384 = arith.constant 0 : i32
        %dma_wait3A_385 = arith.constant 0 : i32
        %dma_wait3A_386 = tpu.memref_slice %arg9[%dma_wait3A_384, %dma_wait3A_385] : memref<10112x128xf32, #tpu.memory_space<vmem_shared>> -> memref<10112x128xf32, #tpu.memory_space<vmem_shared>>
        tpu.wait_indirect_dma semaphore(%arg14 : memref<!tpu.dma_semaphore, #tpu.memory_space<semaphore_mem>>) src(%dma_wait3A_380 : memref<128x128xf32, #tpu.memory_space<vmem>>) dst(%dma_wait3A_386 : memref<10112x128xf32, #tpu.memory_space<vmem_shared>>)
        %dma_wait3A_387 = arith.constant 1 : i32
        %dma_wait3A_388 = arith.constant 7 : i32
        %dma_wait3A_389 = arith.constant 0 : i32
        %dma_wait3A_390 = arith.constant 0 : i32
        %dma_wait3A_391 = tpu.memref_slice %arg12[%dma_wait3A_387, %dma_wait3A_389, %dma_wait3A_390] : memref<2x128x128xf32, #tpu.memory_space<vmem>> -> memref<1x128x128xf32, #tpu.memory_space<vmem>>
        %dma_wait3A_392 = tpu.memref_squeeze %dma_wait3A_391 : memref<1x128x128xf32, #tpu.memory_space<vmem>> -> memref<128x128xf32, #tpu.memory_space<vmem>>
        %dma_wait3A_393 = arith.constant 0 : i32
        %dma_wait3A_394 = tpu.memref_slice %arg11[%dma_wait3A_388, %dma_wait3A_393] : memref<8x128xi32, #tpu.memory_space<vmem>> -> memref<1x128xi32, #tpu.memory_space<vmem>>
        %dma_wait3A_395 = tpu.memref_squeeze %dma_wait3A_394 : memref<1x128xi32, #tpu.memory_space<vmem>> -> memref<128xi32, #tpu.memory_space<vmem>>
        %dma_wait3A_396 = arith.constant 0 : i32
        %dma_wait3A_397 = arith.constant 0 : i32
        %dma_wait3A_398 = tpu.memref_slice %arg9[%dma_wait3A_396, %dma_wait3A_397] : memref<10112x128xf32, #tpu.memory_space<vmem_shared>> -> memref<10112x128xf32, #tpu.memory_space<vmem_shared>>
        tpu.wait_indirect_dma semaphore(%arg14 : memref<!tpu.dma_semaphore, #tpu.memory_space<semaphore_mem>>) src(%dma_wait3A_392 : memref<128x128xf32, #tpu.memory_space<vmem>>) dst(%dma_wait3A_398 : memref<10112x128xf32, #tpu.memory_space<vmem_shared>>)
      }
      %scan3A_13 = arith.constant 10 : i32
    } else {
    }
    %eq3A_3 = arith.constant 1 : i32
    %eq3A_4 = arith.cmpi eq, %arg0, %eq3A_3 : i32
    %convert_element_type3A_5 = arith.extui %eq3A_4 : i1 to i32
    %cond3A_6 = arith.constant 0 : i32
    %cond3A_7 = arith.cmpi ne, %convert_element_type3A_5, %cond3A_6 : i32
    scf.if %cond3A_7 {
      %scan3A = arith.constant 0 : i32
      %scan3A_9 = arith.constant 0 : i32
      %scan3A_10 = arith.constant 10 : i32
      %scan3A_11 = arith.addi %scan3A_9, %scan3A_10 : i32
      %scan3A_12 = arith.constant 1 : i32
      scf.for %scan3A_14 = %scan3A_9 to %scan3A_11 step %scan3A_12  : i32 {
        %mul3A_15 = arith.constant 8 : i32
        %mul3A_16 = arith.muli %scan3A_14, %mul3A_15 : i32
        %multiple_of3A = tpu.assume_multiple %mul3A_16, 8 : i32
        "tpu.region"() ({
          %run_scoped3A = tpu.sem_alloc : memref<!tpu.dma_semaphore, #tpu.memory_space<semaphore_mem>>
          %dma_start3A_399 = arith.constant 0 : i32
          %dma_start3A_400 = tpu.memref_slice %arg5[%arg1, %multiple_of3A, %dma_start3A_399] : memref<16x80x128xi32, #tpu.memory_space<hbm>> -> memref<1x8x128xi32, #tpu.memory_space<hbm>>
          %dma_start3A_401 = tpu.memref_squeeze %dma_start3A_400 : memref<1x8x128xi32, #tpu.memory_space<hbm>> -> memref<8x128xi32, #tpu.memory_space<hbm>>
          %dma_start3A_402 = arith.constant 0 : i32
          %dma_start3A_403 = tpu.memref_slice %arg5[%arg1, %multiple_of3A, %dma_start3A_402] : memref<16x80x128xi32, #tpu.memory_space<hbm>> -> memref<1x8x128xi32, #tpu.memory_space<hbm>>
          %dma_start3A_404 = tpu.memref_squeeze %dma_start3A_403 : memref<1x8x128xi32, #tpu.memory_space<hbm>> -> memref<8x128xi32, #tpu.memory_space<hbm>>
          tpu.enqueue_dma source(%dma_start3A_404 : memref<8x128xi32, #tpu.memory_space<hbm>>) target(%arg10 : memref<8x128xi32, #tpu.memory_space<vmem>>) target_semaphore(%run_scoped3A : memref<!tpu.dma_semaphore, #tpu.memory_space<semaphore_mem>>)
          %dma_wait3A_405 = arith.constant 0 : i32
          %dma_wait3A_406 = tpu.memref_slice %arg5[%arg1, %multiple_of3A, %dma_wait3A_405] : memref<16x80x128xi32, #tpu.memory_space<hbm>> -> memref<1x8x128xi32, #tpu.memory_space<hbm>>
          %dma_wait3A_407 = tpu.memref_squeeze %dma_wait3A_406 : memref<1x8x128xi32, #tpu.memory_space<hbm>> -> memref<8x128xi32, #tpu.memory_space<hbm>>
          %dma_wait3A_408 = arith.constant 0 : i32
          %dma_wait3A_409 = tpu.memref_slice %arg5[%arg1, %multiple_of3A, %dma_wait3A_408] : memref<16x80x128xi32, #tpu.memory_space<hbm>> -> memref<1x8x128xi32, #tpu.memory_space<hbm>>
          %dma_wait3A_410 = tpu.memref_squeeze %dma_wait3A_409 : memref<1x8x128xi32, #tpu.memory_space<hbm>> -> memref<8x128xi32, #tpu.memory_space<hbm>>
          tpu.wait_dma2 semaphore(%run_scoped3A : memref<!tpu.dma_semaphore, #tpu.memory_space<semaphore_mem>>) src(%dma_wait3A_410 : memref<8x128xi32, #tpu.memory_space<hbm>>) dst(%arg10 : memref<8x128xi32, #tpu.memory_space<vmem>>)
          tpu.yield
        }) : () -> ()
        "tpu.region"() ({
          %run_scoped3A = tpu.sem_alloc : memref<!tpu.dma_semaphore, #tpu.memory_space<semaphore_mem>>
          %dma_start3A_399 = arith.constant 0 : i32
          %dma_start3A_400 = tpu.memref_slice %arg6[%arg1, %multiple_of3A, %dma_start3A_399] : memref<16x80x128xi32, #tpu.memory_space<hbm>> -> memref<1x8x128xi32, #tpu.memory_space<hbm>>
          %dma_start3A_401 = tpu.memref_squeeze %dma_start3A_400 : memref<1x8x128xi32, #tpu.memory_space<hbm>> -> memref<8x128xi32, #tpu.memory_space<hbm>>
          %dma_start3A_402 = arith.constant 0 : i32
          %dma_start3A_403 = tpu.memref_slice %arg6[%arg1, %multiple_of3A, %dma_start3A_402] : memref<16x80x128xi32, #tpu.memory_space<hbm>> -> memref<1x8x128xi32, #tpu.memory_space<hbm>>
          %dma_start3A_404 = tpu.memref_squeeze %dma_start3A_403 : memref<1x8x128xi32, #tpu.memory_space<hbm>> -> memref<8x128xi32, #tpu.memory_space<hbm>>
          tpu.enqueue_dma source(%dma_start3A_404 : memref<8x128xi32, #tpu.memory_space<hbm>>) target(%arg11 : memref<8x128xi32, #tpu.memory_space<vmem>>) target_semaphore(%run_scoped3A : memref<!tpu.dma_semaphore, #tpu.memory_space<semaphore_mem>>)
          %dma_wait3A_405 = arith.constant 0 : i32
          %dma_wait3A_406 = tpu.memref_slice %arg6[%arg1, %multiple_of3A, %dma_wait3A_405] : memref<16x80x128xi32, #tpu.memory_space<hbm>> -> memref<1x8x128xi32, #tpu.memory_space<hbm>>
          %dma_wait3A_407 = tpu.memref_squeeze %dma_wait3A_406 : memref<1x8x128xi32, #tpu.memory_space<hbm>> -> memref<8x128xi32, #tpu.memory_space<hbm>>
          %dma_wait3A_408 = arith.constant 0 : i32
          %dma_wait3A_409 = tpu.memref_slice %arg6[%arg1, %multiple_of3A, %dma_wait3A_408] : memref<16x80x128xi32, #tpu.memory_space<hbm>> -> memref<1x8x128xi32, #tpu.memory_space<hbm>>
          %dma_wait3A_410 = tpu.memref_squeeze %dma_wait3A_409 : memref<1x8x128xi32, #tpu.memory_space<hbm>> -> memref<8x128xi32, #tpu.memory_space<hbm>>
          tpu.wait_dma2 semaphore(%run_scoped3A : memref<!tpu.dma_semaphore, #tpu.memory_space<semaphore_mem>>) src(%dma_wait3A_410 : memref<8x128xi32, #tpu.memory_space<hbm>>) dst(%arg11 : memref<8x128xi32, #tpu.memory_space<vmem>>)
          tpu.yield
        }) : () -> ()
        %dma_start3A = arith.constant 0 : i32
        %dma_start3A_17 = arith.constant 0 : i32
        %dma_start3A_18 = arith.constant 0 : i32
        %dma_start3A_19 = arith.constant 0 : i32
        %dma_start3A_20 = tpu.memref_slice %arg12[%dma_start3A_17, %dma_start3A_18, %dma_start3A_19] : memref<2x128x128xf32, #tpu.memory_space<vmem>> -> memref<1x128x128xf32, #tpu.memory_space<vmem>>
        %dma_start3A_21 = tpu.memref_squeeze %dma_start3A_20 : memref<1x128x128xf32, #tpu.memory_space<vmem>> -> memref<128x128xf32, #tpu.memory_space<vmem>>
        %dma_start3A_22 = arith.constant 0 : i32
        %dma_start3A_23 = tpu.memref_slice %arg10[%dma_start3A, %dma_start3A_22] : memref<8x128xi32, #tpu.memory_space<vmem>> -> memref<1x128xi32, #tpu.memory_space<vmem>>
        %dma_start3A_24 = tpu.memref_squeeze %dma_start3A_23 : memref<1x128xi32, #tpu.memory_space<vmem>> -> memref<128xi32, #tpu.memory_space<vmem>>
        %dma_start3A_25 = arith.constant 0 : i32
        %dma_start3A_26 = arith.constant 0 : i32
        %dma_start3A_27 = tpu.memref_slice %arg2[%dma_start3A_25, %dma_start3A_26] : memref<10000x128xf32, #tpu.memory_space<hbm>> -> memref<10000x128xf32, #tpu.memory_space<hbm>>
        tpu.enqueue_indirect_dma source(%dma_start3A_27 : memref<10000x128xf32, #tpu.memory_space<hbm>>) target(%dma_start3A_21 : memref<128x128xf32, #tpu.memory_space<vmem>>) offsets(%dma_start3A_24 : memref<128xi32, #tpu.memory_space<vmem>>) semaphore(%arg13 : memref<!tpu.dma_semaphore, #tpu.memory_space<semaphore_mem>>)
        %dma_wait3A = arith.constant 0 : i32
        %dma_wait3A_28 = arith.constant 0 : i32
        %dma_wait3A_29 = arith.constant 0 : i32
        %dma_wait3A_30 = arith.constant 0 : i32
        %dma_wait3A_31 = tpu.memref_slice %arg12[%dma_wait3A_28, %dma_wait3A_29, %dma_wait3A_30] : memref<2x128x128xf32, #tpu.memory_space<vmem>> -> memref<1x128x128xf32, #tpu.memory_space<vmem>>
        %dma_wait3A_32 = tpu.memref_squeeze %dma_wait3A_31 : memref<1x128x128xf32, #tpu.memory_space<vmem>> -> memref<128x128xf32, #tpu.memory_space<vmem>>
        %dma_wait3A_33 = arith.constant 0 : i32
        %dma_wait3A_34 = tpu.memref_slice %arg10[%dma_wait3A, %dma_wait3A_33] : memref<8x128xi32, #tpu.memory_space<vmem>> -> memref<1x128xi32, #tpu.memory_space<vmem>>
        %dma_wait3A_35 = tpu.memref_squeeze %dma_wait3A_34 : memref<1x128xi32, #tpu.memory_space<vmem>> -> memref<128xi32, #tpu.memory_space<vmem>>
        %dma_wait3A_36 = arith.constant 0 : i32
        %dma_wait3A_37 = arith.constant 0 : i32
        %dma_wait3A_38 = tpu.memref_slice %arg2[%dma_wait3A_36, %dma_wait3A_37] : memref<10000x128xf32, #tpu.memory_space<hbm>> -> memref<10000x128xf32, #tpu.memory_space<hbm>>
        tpu.wait_indirect_dma semaphore(%arg13 : memref<!tpu.dma_semaphore, #tpu.memory_space<semaphore_mem>>) src(%dma_wait3A_38 : memref<10000x128xf32, #tpu.memory_space<hbm>>) dst(%dma_wait3A_32 : memref<128x128xf32, #tpu.memory_space<vmem>>)
        %dma_start3A_39 = arith.constant 1 : i32
        %dma_start3A_40 = arith.constant 1 : i32
        %dma_start3A_41 = arith.constant 0 : i32
        %dma_start3A_42 = arith.constant 0 : i32
        %dma_start3A_43 = tpu.memref_slice %arg12[%dma_start3A_40, %dma_start3A_41, %dma_start3A_42] : memref<2x128x128xf32, #tpu.memory_space<vmem>> -> memref<1x128x128xf32, #tpu.memory_space<vmem>>
        %dma_start3A_44 = tpu.memref_squeeze %dma_start3A_43 : memref<1x128x128xf32, #tpu.memory_space<vmem>> -> memref<128x128xf32, #tpu.memory_space<vmem>>
        %dma_start3A_45 = arith.constant 0 : i32
        %dma_start3A_46 = tpu.memref_slice %arg10[%dma_start3A_39, %dma_start3A_45] : memref<8x128xi32, #tpu.memory_space<vmem>> -> memref<1x128xi32, #tpu.memory_space<vmem>>
        %dma_start3A_47 = tpu.memref_squeeze %dma_start3A_46 : memref<1x128xi32, #tpu.memory_space<vmem>> -> memref<128xi32, #tpu.memory_space<vmem>>
        %dma_start3A_48 = arith.constant 0 : i32
        %dma_start3A_49 = arith.constant 0 : i32
        %dma_start3A_50 = tpu.memref_slice %arg2[%dma_start3A_48, %dma_start3A_49] : memref<10000x128xf32, #tpu.memory_space<hbm>> -> memref<10000x128xf32, #tpu.memory_space<hbm>>
        tpu.enqueue_indirect_dma source(%dma_start3A_50 : memref<10000x128xf32, #tpu.memory_space<hbm>>) target(%dma_start3A_44 : memref<128x128xf32, #tpu.memory_space<vmem>>) offsets(%dma_start3A_47 : memref<128xi32, #tpu.memory_space<vmem>>) semaphore(%arg13 : memref<!tpu.dma_semaphore, #tpu.memory_space<semaphore_mem>>)
        %dma_start3A_51 = arith.constant 0 : i32
        %dma_start3A_52 = arith.constant 0 : i32
        %dma_start3A_53 = arith.constant 0 : i32
        %dma_start3A_54 = arith.constant 0 : i32
        %dma_start3A_55 = tpu.memref_slice %arg12[%dma_start3A_51, %dma_start3A_53, %dma_start3A_54] : memref<2x128x128xf32, #tpu.memory_space<vmem>> -> memref<1x128x128xf32, #tpu.memory_space<vmem>>
        %dma_start3A_56 = tpu.memref_squeeze %dma_start3A_55 : memref<1x128x128xf32, #tpu.memory_space<vmem>> -> memref<128x128xf32, #tpu.memory_space<vmem>>
        %dma_start3A_57 = arith.constant 0 : i32
        %dma_start3A_58 = tpu.memref_slice %arg11[%dma_start3A_52, %dma_start3A_57] : memref<8x128xi32, #tpu.memory_space<vmem>> -> memref<1x128xi32, #tpu.memory_space<vmem>>
        %dma_start3A_59 = tpu.memref_squeeze %dma_start3A_58 : memref<1x128xi32, #tpu.memory_space<vmem>> -> memref<128xi32, #tpu.memory_space<vmem>>
        %dma_start3A_60 = arith.constant 0 : i32
        %dma_start3A_61 = arith.constant 0 : i32
        %dma_start3A_62 = tpu.memref_slice %arg9[%dma_start3A_60, %dma_start3A_61] : memref<10112x128xf32, #tpu.memory_space<vmem_shared>> -> memref<10112x128xf32, #tpu.memory_space<vmem_shared>>
        tpu.enqueue_indirect_dma source(%dma_start3A_56 : memref<128x128xf32, #tpu.memory_space<vmem>>) target(%dma_start3A_62 : memref<10112x128xf32, #tpu.memory_space<vmem_shared>>) offsets(%dma_start3A_59 : memref<128xi32, #tpu.memory_space<vmem>>) semaphore(%arg14 : memref<!tpu.dma_semaphore, #tpu.memory_space<semaphore_mem>>) {add = true}
        %dma_wait3A_63 = arith.constant 1 : i32
        %dma_wait3A_64 = arith.constant 1 : i32
        %dma_wait3A_65 = arith.constant 0 : i32
        %dma_wait3A_66 = arith.constant 0 : i32
        %dma_wait3A_67 = tpu.memref_slice %arg12[%dma_wait3A_64, %dma_wait3A_65, %dma_wait3A_66] : memref<2x128x128xf32, #tpu.memory_space<vmem>> -> memref<1x128x128xf32, #tpu.memory_space<vmem>>
        %dma_wait3A_68 = tpu.memref_squeeze %dma_wait3A_67 : memref<1x128x128xf32, #tpu.memory_space<vmem>> -> memref<128x128xf32, #tpu.memory_space<vmem>>
        %dma_wait3A_69 = arith.constant 0 : i32
        %dma_wait3A_70 = tpu.memref_slice %arg10[%dma_wait3A_63, %dma_wait3A_69] : memref<8x128xi32, #tpu.memory_space<vmem>> -> memref<1x128xi32, #tpu.memory_space<vmem>>
        %dma_wait3A_71 = tpu.memref_squeeze %dma_wait3A_70 : memref<1x128xi32, #tpu.memory_space<vmem>> -> memref<128xi32, #tpu.memory_space<vmem>>
        %dma_wait3A_72 = arith.constant 0 : i32
        %dma_wait3A_73 = arith.constant 0 : i32
        %dma_wait3A_74 = tpu.memref_slice %arg2[%dma_wait3A_72, %dma_wait3A_73] : memref<10000x128xf32, #tpu.memory_space<hbm>> -> memref<10000x128xf32, #tpu.memory_space<hbm>>
        tpu.wait_indirect_dma semaphore(%arg13 : memref<!tpu.dma_semaphore, #tpu.memory_space<semaphore_mem>>) src(%dma_wait3A_74 : memref<10000x128xf32, #tpu.memory_space<hbm>>) dst(%dma_wait3A_68 : memref<128x128xf32, #tpu.memory_space<vmem>>)
        %dma_wait3A_75 = arith.constant 0 : i32
        %dma_wait3A_76 = arith.constant 0 : i32
        %dma_wait3A_77 = arith.constant 0 : i32
        %dma_wait3A_78 = arith.constant 0 : i32
        %dma_wait3A_79 = tpu.memref_slice %arg12[%dma_wait3A_75, %dma_wait3A_77, %dma_wait3A_78] : memref<2x128x128xf32, #tpu.memory_space<vmem>> -> memref<1x128x128xf32, #tpu.memory_space<vmem>>
        %dma_wait3A_80 = tpu.memref_squeeze %dma_wait3A_79 : memref<1x128x128xf32, #tpu.memory_space<vmem>> -> memref<128x128xf32, #tpu.memory_space<vmem>>
        %dma_wait3A_81 = arith.constant 0 : i32
        %dma_wait3A_82 = tpu.memref_slice %arg11[%dma_wait3A_76, %dma_wait3A_81] : memref<8x128xi32, #tpu.memory_space<vmem>> -> memref<1x128xi32, #tpu.memory_space<vmem>>
        %dma_wait3A_83 = tpu.memref_squeeze %dma_wait3A_82 : memref<1x128xi32, #tpu.memory_space<vmem>> -> memref<128xi32, #tpu.memory_space<vmem>>
        %dma_wait3A_84 = arith.constant 0 : i32
        %dma_wait3A_85 = arith.constant 0 : i32
        %dma_wait3A_86 = tpu.memref_slice %arg9[%dma_wait3A_84, %dma_wait3A_85] : memref<10112x128xf32, #tpu.memory_space<vmem_shared>> -> memref<10112x128xf32, #tpu.memory_space<vmem_shared>>
        tpu.wait_indirect_dma semaphore(%arg14 : memref<!tpu.dma_semaphore, #tpu.memory_space<semaphore_mem>>) src(%dma_wait3A_80 : memref<128x128xf32, #tpu.memory_space<vmem>>) dst(%dma_wait3A_86 : memref<10112x128xf32, #tpu.memory_space<vmem_shared>>)
        %dma_start3A_87 = arith.constant 2 : i32
        %dma_start3A_88 = arith.constant 0 : i32
        %dma_start3A_89 = arith.constant 0 : i32
        %dma_start3A_90 = arith.constant 0 : i32
        %dma_start3A_91 = tpu.memref_slice %arg12[%dma_start3A_88, %dma_start3A_89, %dma_start3A_90] : memref<2x128x128xf32, #tpu.memory_space<vmem>> -> memref<1x128x128xf32, #tpu.memory_space<vmem>>
        %dma_start3A_92 = tpu.memref_squeeze %dma_start3A_91 : memref<1x128x128xf32, #tpu.memory_space<vmem>> -> memref<128x128xf32, #tpu.memory_space<vmem>>
        %dma_start3A_93 = arith.constant 0 : i32
        %dma_start3A_94 = tpu.memref_slice %arg10[%dma_start3A_87, %dma_start3A_93] : memref<8x128xi32, #tpu.memory_space<vmem>> -> memref<1x128xi32, #tpu.memory_space<vmem>>
        %dma_start3A_95 = tpu.memref_squeeze %dma_start3A_94 : memref<1x128xi32, #tpu.memory_space<vmem>> -> memref<128xi32, #tpu.memory_space<vmem>>
        %dma_start3A_96 = arith.constant 0 : i32
        %dma_start3A_97 = arith.constant 0 : i32
        %dma_start3A_98 = tpu.memref_slice %arg2[%dma_start3A_96, %dma_start3A_97] : memref<10000x128xf32, #tpu.memory_space<hbm>> -> memref<10000x128xf32, #tpu.memory_space<hbm>>
        tpu.enqueue_indirect_dma source(%dma_start3A_98 : memref<10000x128xf32, #tpu.memory_space<hbm>>) target(%dma_start3A_92 : memref<128x128xf32, #tpu.memory_space<vmem>>) offsets(%dma_start3A_95 : memref<128xi32, #tpu.memory_space<vmem>>) semaphore(%arg13 : memref<!tpu.dma_semaphore, #tpu.memory_space<semaphore_mem>>)
        %dma_start3A_99 = arith.constant 1 : i32
        %dma_start3A_100 = arith.constant 1 : i32
        %dma_start3A_101 = arith.constant 0 : i32
        %dma_start3A_102 = arith.constant 0 : i32
        %dma_start3A_103 = tpu.memref_slice %arg12[%dma_start3A_99, %dma_start3A_101, %dma_start3A_102] : memref<2x128x128xf32, #tpu.memory_space<vmem>> -> memref<1x128x128xf32, #tpu.memory_space<vmem>>
        %dma_start3A_104 = tpu.memref_squeeze %dma_start3A_103 : memref<1x128x128xf32, #tpu.memory_space<vmem>> -> memref<128x128xf32, #tpu.memory_space<vmem>>
        %dma_start3A_105 = arith.constant 0 : i32
        %dma_start3A_106 = tpu.memref_slice %arg11[%dma_start3A_100, %dma_start3A_105] : memref<8x128xi32, #tpu.memory_space<vmem>> -> memref<1x128xi32, #tpu.memory_space<vmem>>
        %dma_start3A_107 = tpu.memref_squeeze %dma_start3A_106 : memref<1x128xi32, #tpu.memory_space<vmem>> -> memref<128xi32, #tpu.memory_space<vmem>>
        %dma_start3A_108 = arith.constant 0 : i32
        %dma_start3A_109 = arith.constant 0 : i32
        %dma_start3A_110 = tpu.memref_slice %arg9[%dma_start3A_108, %dma_start3A_109] : memref<10112x128xf32, #tpu.memory_space<vmem_shared>> -> memref<10112x128xf32, #tpu.memory_space<vmem_shared>>
        tpu.enqueue_indirect_dma source(%dma_start3A_104 : memref<128x128xf32, #tpu.memory_space<vmem>>) target(%dma_start3A_110 : memref<10112x128xf32, #tpu.memory_space<vmem_shared>>) offsets(%dma_start3A_107 : memref<128xi32, #tpu.memory_space<vmem>>) semaphore(%arg14 : memref<!tpu.dma_semaphore, #tpu.memory_space<semaphore_mem>>) {add = true}
        %dma_wait3A_111 = arith.constant 2 : i32
        %dma_wait3A_112 = arith.constant 0 : i32
        %dma_wait3A_113 = arith.constant 0 : i32
        %dma_wait3A_114 = arith.constant 0 : i32
        %dma_wait3A_115 = tpu.memref_slice %arg12[%dma_wait3A_112, %dma_wait3A_113, %dma_wait3A_114] : memref<2x128x128xf32, #tpu.memory_space<vmem>> -> memref<1x128x128xf32, #tpu.memory_space<vmem>>
        %dma_wait3A_116 = tpu.memref_squeeze %dma_wait3A_115 : memref<1x128x128xf32, #tpu.memory_space<vmem>> -> memref<128x128xf32, #tpu.memory_space<vmem>>
        %dma_wait3A_117 = arith.constant 0 : i32
        %dma_wait3A_118 = tpu.memref_slice %arg10[%dma_wait3A_111, %dma_wait3A_117] : memref<8x128xi32, #tpu.memory_space<vmem>> -> memref<1x128xi32, #tpu.memory_space<vmem>>
        %dma_wait3A_119 = tpu.memref_squeeze %dma_wait3A_118 : memref<1x128xi32, #tpu.memory_space<vmem>> -> memref<128xi32, #tpu.memory_space<vmem>>
        %dma_wait3A_120 = arith.constant 0 : i32
        %dma_wait3A_121 = arith.constant 0 : i32
        %dma_wait3A_122 = tpu.memref_slice %arg2[%dma_wait3A_120, %dma_wait3A_121] : memref<10000x128xf32, #tpu.memory_space<hbm>> -> memref<10000x128xf32, #tpu.memory_space<hbm>>
        tpu.wait_indirect_dma semaphore(%arg13 : memref<!tpu.dma_semaphore, #tpu.memory_space<semaphore_mem>>) src(%dma_wait3A_122 : memref<10000x128xf32, #tpu.memory_space<hbm>>) dst(%dma_wait3A_116 : memref<128x128xf32, #tpu.memory_space<vmem>>)
        %dma_wait3A_123 = arith.constant 1 : i32
        %dma_wait3A_124 = arith.constant 1 : i32
        %dma_wait3A_125 = arith.constant 0 : i32
        %dma_wait3A_126 = arith.constant 0 : i32
        %dma_wait3A_127 = tpu.memref_slice %arg12[%dma_wait3A_123, %dma_wait3A_125, %dma_wait3A_126] : memref<2x128x128xf32, #tpu.memory_space<vmem>> -> memref<1x128x128xf32, #tpu.memory_space<vmem>>
        %dma_wait3A_128 = tpu.memref_squeeze %dma_wait3A_127 : memref<1x128x128xf32, #tpu.memory_space<vmem>> -> memref<128x128xf32, #tpu.memory_space<vmem>>
        %dma_wait3A_129 = arith.constant 0 : i32
        %dma_wait3A_130 = tpu.memref_slice %arg11[%dma_wait3A_124, %dma_wait3A_129] : memref<8x128xi32, #tpu.memory_space<vmem>> -> memref<1x128xi32, #tpu.memory_space<vmem>>
        %dma_wait3A_131 = tpu.memref_squeeze %dma_wait3A_130 : memref<1x128xi32, #tpu.memory_space<vmem>> -> memref<128xi32, #tpu.memory_space<vmem>>
        %dma_wait3A_132 = arith.constant 0 : i32
        %dma_wait3A_133 = arith.constant 0 : i32
        %dma_wait3A_134 = tpu.memref_slice %arg9[%dma_wait3A_132, %dma_wait3A_133] : memref<10112x128xf32, #tpu.memory_space<vmem_shared>> -> memref<10112x128xf32, #tpu.memory_space<vmem_shared>>
        tpu.wait_indirect_dma semaphore(%arg14 : memref<!tpu.dma_semaphore, #tpu.memory_space<semaphore_mem>>) src(%dma_wait3A_128 : memref<128x128xf32, #tpu.memory_space<vmem>>) dst(%dma_wait3A_134 : memref<10112x128xf32, #tpu.memory_space<vmem_shared>>)
        %dma_start3A_135 = arith.constant 3 : i32
        %dma_start3A_136 = arith.constant 1 : i32
        %dma_start3A_137 = arith.constant 0 : i32
        %dma_start3A_138 = arith.constant 0 : i32
        %dma_start3A_139 = tpu.memref_slice %arg12[%dma_start3A_136, %dma_start3A_137, %dma_start3A_138] : memref<2x128x128xf32, #tpu.memory_space<vmem>> -> memref<1x128x128xf32, #tpu.memory_space<vmem>>
        %dma_start3A_140 = tpu.memref_squeeze %dma_start3A_139 : memref<1x128x128xf32, #tpu.memory_space<vmem>> -> memref<128x128xf32, #tpu.memory_space<vmem>>
        %dma_start3A_141 = arith.constant 0 : i32
        %dma_start3A_142 = tpu.memref_slice %arg10[%dma_start3A_135, %dma_start3A_141] : memref<8x128xi32, #tpu.memory_space<vmem>> -> memref<1x128xi32, #tpu.memory_space<vmem>>
        %dma_start3A_143 = tpu.memref_squeeze %dma_start3A_142 : memref<1x128xi32, #tpu.memory_space<vmem>> -> memref<128xi32, #tpu.memory_space<vmem>>
        %dma_start3A_144 = arith.constant 0 : i32
        %dma_start3A_145 = arith.constant 0 : i32
        %dma_start3A_146 = tpu.memref_slice %arg2[%dma_start3A_144, %dma_start3A_145] : memref<10000x128xf32, #tpu.memory_space<hbm>> -> memref<10000x128xf32, #tpu.memory_space<hbm>>
        tpu.enqueue_indirect_dma source(%dma_start3A_146 : memref<10000x128xf32, #tpu.memory_space<hbm>>) target(%dma_start3A_140 : memref<128x128xf32, #tpu.memory_space<vmem>>) offsets(%dma_start3A_143 : memref<128xi32, #tpu.memory_space<vmem>>) semaphore(%arg13 : memref<!tpu.dma_semaphore, #tpu.memory_space<semaphore_mem>>)
        %dma_start3A_147 = arith.constant 0 : i32
        %dma_start3A_148 = arith.constant 2 : i32
        %dma_start3A_149 = arith.constant 0 : i32
        %dma_start3A_150 = arith.constant 0 : i32
        %dma_start3A_151 = tpu.memref_slice %arg12[%dma_start3A_147, %dma_start3A_149, %dma_start3A_150] : memref<2x128x128xf32, #tpu.memory_space<vmem>> -> memref<1x128x128xf32, #tpu.memory_space<vmem>>
        %dma_start3A_152 = tpu.memref_squeeze %dma_start3A_151 : memref<1x128x128xf32, #tpu.memory_space<vmem>> -> memref<128x128xf32, #tpu.memory_space<vmem>>
        %dma_start3A_153 = arith.constant 0 : i32
        %dma_start3A_154 = tpu.memref_slice %arg11[%dma_start3A_148, %dma_start3A_153] : memref<8x128xi32, #tpu.memory_space<vmem>> -> memref<1x128xi32, #tpu.memory_space<vmem>>
        %dma_start3A_155 = tpu.memref_squeeze %dma_start3A_154 : memref<1x128xi32, #tpu.memory_space<vmem>> -> memref<128xi32, #tpu.memory_space<vmem>>
        %dma_start3A_156 = arith.constant 0 : i32
        %dma_start3A_157 = arith.constant 0 : i32
        %dma_start3A_158 = tpu.memref_slice %arg9[%dma_start3A_156, %dma_start3A_157] : memref<10112x128xf32, #tpu.memory_space<vmem_shared>> -> memref<10112x128xf32, #tpu.memory_space<vmem_shared>>
        tpu.enqueue_indirect_dma source(%dma_start3A_152 : memref<128x128xf32, #tpu.memory_space<vmem>>) target(%dma_start3A_158 : memref<10112x128xf32, #tpu.memory_space<vmem_shared>>) offsets(%dma_start3A_155 : memref<128xi32, #tpu.memory_space<vmem>>) semaphore(%arg14 : memref<!tpu.dma_semaphore, #tpu.memory_space<semaphore_mem>>) {add = true}
        %dma_wait3A_159 = arith.constant 3 : i32
        %dma_wait3A_160 = arith.constant 1 : i32
        %dma_wait3A_161 = arith.constant 0 : i32
        %dma_wait3A_162 = arith.constant 0 : i32
        %dma_wait3A_163 = tpu.memref_slice %arg12[%dma_wait3A_160, %dma_wait3A_161, %dma_wait3A_162] : memref<2x128x128xf32, #tpu.memory_space<vmem>> -> memref<1x128x128xf32, #tpu.memory_space<vmem>>
        %dma_wait3A_164 = tpu.memref_squeeze %dma_wait3A_163 : memref<1x128x128xf32, #tpu.memory_space<vmem>> -> memref<128x128xf32, #tpu.memory_space<vmem>>
        %dma_wait3A_165 = arith.constant 0 : i32
        %dma_wait3A_166 = tpu.memref_slice %arg10[%dma_wait3A_159, %dma_wait3A_165] : memref<8x128xi32, #tpu.memory_space<vmem>> -> memref<1x128xi32, #tpu.memory_space<vmem>>
        %dma_wait3A_167 = tpu.memref_squeeze %dma_wait3A_166 : memref<1x128xi32, #tpu.memory_space<vmem>> -> memref<128xi32, #tpu.memory_space<vmem>>
        %dma_wait3A_168 = arith.constant 0 : i32
        %dma_wait3A_169 = arith.constant 0 : i32
        %dma_wait3A_170 = tpu.memref_slice %arg2[%dma_wait3A_168, %dma_wait3A_169] : memref<10000x128xf32, #tpu.memory_space<hbm>> -> memref<10000x128xf32, #tpu.memory_space<hbm>>
        tpu.wait_indirect_dma semaphore(%arg13 : memref<!tpu.dma_semaphore, #tpu.memory_space<semaphore_mem>>) src(%dma_wait3A_170 : memref<10000x128xf32, #tpu.memory_space<hbm>>) dst(%dma_wait3A_164 : memref<128x128xf32, #tpu.memory_space<vmem>>)
        %dma_wait3A_171 = arith.constant 0 : i32
        %dma_wait3A_172 = arith.constant 2 : i32
        %dma_wait3A_173 = arith.constant 0 : i32
        %dma_wait3A_174 = arith.constant 0 : i32
        %dma_wait3A_175 = tpu.memref_slice %arg12[%dma_wait3A_171, %dma_wait3A_173, %dma_wait3A_174] : memref<2x128x128xf32, #tpu.memory_space<vmem>> -> memref<1x128x128xf32, #tpu.memory_space<vmem>>
        %dma_wait3A_176 = tpu.memref_squeeze %dma_wait3A_175 : memref<1x128x128xf32, #tpu.memory_space<vmem>> -> memref<128x128xf32, #tpu.memory_space<vmem>>
        %dma_wait3A_177 = arith.constant 0 : i32
        %dma_wait3A_178 = tpu.memref_slice %arg11[%dma_wait3A_172, %dma_wait3A_177] : memref<8x128xi32, #tpu.memory_space<vmem>> -> memref<1x128xi32, #tpu.memory_space<vmem>>
        %dma_wait3A_179 = tpu.memref_squeeze %dma_wait3A_178 : memref<1x128xi32, #tpu.memory_space<vmem>> -> memref<128xi32, #tpu.memory_space<vmem>>
        %dma_wait3A_180 = arith.constant 0 : i32
        %dma_wait3A_181 = arith.constant 0 : i32
        %dma_wait3A_182 = tpu.memref_slice %arg9[%dma_wait3A_180, %dma_wait3A_181] : memref<10112x128xf32, #tpu.memory_space<vmem_shared>> -> memref<10112x128xf32, #tpu.memory_space<vmem_shared>>
        tpu.wait_indirect_dma semaphore(%arg14 : memref<!tpu.dma_semaphore, #tpu.memory_space<semaphore_mem>>) src(%dma_wait3A_176 : memref<128x128xf32, #tpu.memory_space<vmem>>) dst(%dma_wait3A_182 : memref<10112x128xf32, #tpu.memory_space<vmem_shared>>)
        %dma_start3A_183 = arith.constant 4 : i32
        %dma_start3A_184 = arith.constant 0 : i32
        %dma_start3A_185 = arith.constant 0 : i32
        %dma_start3A_186 = arith.constant 0 : i32
        %dma_start3A_187 = tpu.memref_slice %arg12[%dma_start3A_184, %dma_start3A_185, %dma_start3A_186] : memref<2x128x128xf32, #tpu.memory_space<vmem>> -> memref<1x128x128xf32, #tpu.memory_space<vmem>>
        %dma_start3A_188 = tpu.memref_squeeze %dma_start3A_187 : memref<1x128x128xf32, #tpu.memory_space<vmem>> -> memref<128x128xf32, #tpu.memory_space<vmem>>
        %dma_start3A_189 = arith.constant 0 : i32
        %dma_start3A_190 = tpu.memref_slice %arg10[%dma_start3A_183, %dma_start3A_189] : memref<8x128xi32, #tpu.memory_space<vmem>> -> memref<1x128xi32, #tpu.memory_space<vmem>>
        %dma_start3A_191 = tpu.memref_squeeze %dma_start3A_190 : memref<1x128xi32, #tpu.memory_space<vmem>> -> memref<128xi32, #tpu.memory_space<vmem>>
        %dma_start3A_192 = arith.constant 0 : i32
        %dma_start3A_193 = arith.constant 0 : i32
        %dma_start3A_194 = tpu.memref_slice %arg2[%dma_start3A_192, %dma_start3A_193] : memref<10000x128xf32, #tpu.memory_space<hbm>> -> memref<10000x128xf32, #tpu.memory_space<hbm>>
        tpu.enqueue_indirect_dma source(%dma_start3A_194 : memref<10000x128xf32, #tpu.memory_space<hbm>>) target(%dma_start3A_188 : memref<128x128xf32, #tpu.memory_space<vmem>>) offsets(%dma_start3A_191 : memref<128xi32, #tpu.memory_space<vmem>>) semaphore(%arg13 : memref<!tpu.dma_semaphore, #tpu.memory_space<semaphore_mem>>)
        %dma_start3A_195 = arith.constant 1 : i32
        %dma_start3A_196 = arith.constant 3 : i32
        %dma_start3A_197 = arith.constant 0 : i32
        %dma_start3A_198 = arith.constant 0 : i32
        %dma_start3A_199 = tpu.memref_slice %arg12[%dma_start3A_195, %dma_start3A_197, %dma_start3A_198] : memref<2x128x128xf32, #tpu.memory_space<vmem>> -> memref<1x128x128xf32, #tpu.memory_space<vmem>>
        %dma_start3A_200 = tpu.memref_squeeze %dma_start3A_199 : memref<1x128x128xf32, #tpu.memory_space<vmem>> -> memref<128x128xf32, #tpu.memory_space<vmem>>
        %dma_start3A_201 = arith.constant 0 : i32
        %dma_start3A_202 = tpu.memref_slice %arg11[%dma_start3A_196, %dma_start3A_201] : memref<8x128xi32, #tpu.memory_space<vmem>> -> memref<1x128xi32, #tpu.memory_space<vmem>>
        %dma_start3A_203 = tpu.memref_squeeze %dma_start3A_202 : memref<1x128xi32, #tpu.memory_space<vmem>> -> memref<128xi32, #tpu.memory_space<vmem>>
        %dma_start3A_204 = arith.constant 0 : i32
        %dma_start3A_205 = arith.constant 0 : i32
        %dma_start3A_206 = tpu.memref_slice %arg9[%dma_start3A_204, %dma_start3A_205] : memref<10112x128xf32, #tpu.memory_space<vmem_shared>> -> memref<10112x128xf32, #tpu.memory_space<vmem_shared>>
        tpu.enqueue_indirect_dma source(%dma_start3A_200 : memref<128x128xf32, #tpu.memory_space<vmem>>) target(%dma_start3A_206 : memref<10112x128xf32, #tpu.memory_space<vmem_shared>>) offsets(%dma_start3A_203 : memref<128xi32, #tpu.memory_space<vmem>>) semaphore(%arg14 : memref<!tpu.dma_semaphore, #tpu.memory_space<semaphore_mem>>) {add = true}
        %dma_wait3A_207 = arith.constant 4 : i32
        %dma_wait3A_208 = arith.constant 0 : i32
        %dma_wait3A_209 = arith.constant 0 : i32
        %dma_wait3A_210 = arith.constant 0 : i32
        %dma_wait3A_211 = tpu.memref_slice %arg12[%dma_wait3A_208, %dma_wait3A_209, %dma_wait3A_210] : memref<2x128x128xf32, #tpu.memory_space<vmem>> -> memref<1x128x128xf32, #tpu.memory_space<vmem>>
        %dma_wait3A_212 = tpu.memref_squeeze %dma_wait3A_211 : memref<1x128x128xf32, #tpu.memory_space<vmem>> -> memref<128x128xf32, #tpu.memory_space<vmem>>
        %dma_wait3A_213 = arith.constant 0 : i32
        %dma_wait3A_214 = tpu.memref_slice %arg10[%dma_wait3A_207, %dma_wait3A_213] : memref<8x128xi32, #tpu.memory_space<vmem>> -> memref<1x128xi32, #tpu.memory_space<vmem>>
        %dma_wait3A_215 = tpu.memref_squeeze %dma_wait3A_214 : memref<1x128xi32, #tpu.memory_space<vmem>> -> memref<128xi32, #tpu.memory_space<vmem>>
        %dma_wait3A_216 = arith.constant 0 : i32
        %dma_wait3A_217 = arith.constant 0 : i32
        %dma_wait3A_218 = tpu.memref_slice %arg2[%dma_wait3A_216, %dma_wait3A_217] : memref<10000x128xf32, #tpu.memory_space<hbm>> -> memref<10000x128xf32, #tpu.memory_space<hbm>>
        tpu.wait_indirect_dma semaphore(%arg13 : memref<!tpu.dma_semaphore, #tpu.memory_space<semaphore_mem>>) src(%dma_wait3A_218 : memref<10000x128xf32, #tpu.memory_space<hbm>>) dst(%dma_wait3A_212 : memref<128x128xf32, #tpu.memory_space<vmem>>)
        %dma_wait3A_219 = arith.constant 1 : i32
        %dma_wait3A_220 = arith.constant 3 : i32
        %dma_wait3A_221 = arith.constant 0 : i32
        %dma_wait3A_222 = arith.constant 0 : i32
        %dma_wait3A_223 = tpu.memref_slice %arg12[%dma_wait3A_219, %dma_wait3A_221, %dma_wait3A_222] : memref<2x128x128xf32, #tpu.memory_space<vmem>> -> memref<1x128x128xf32, #tpu.memory_space<vmem>>
        %dma_wait3A_224 = tpu.memref_squeeze %dma_wait3A_223 : memref<1x128x128xf32, #tpu.memory_space<vmem>> -> memref<128x128xf32, #tpu.memory_space<vmem>>
        %dma_wait3A_225 = arith.constant 0 : i32
        %dma_wait3A_226 = tpu.memref_slice %arg11[%dma_wait3A_220, %dma_wait3A_225] : memref<8x128xi32, #tpu.memory_space<vmem>> -> memref<1x128xi32, #tpu.memory_space<vmem>>
        %dma_wait3A_227 = tpu.memref_squeeze %dma_wait3A_226 : memref<1x128xi32, #tpu.memory_space<vmem>> -> memref<128xi32, #tpu.memory_space<vmem>>
        %dma_wait3A_228 = arith.constant 0 : i32
        %dma_wait3A_229 = arith.constant 0 : i32
        %dma_wait3A_230 = tpu.memref_slice %arg9[%dma_wait3A_228, %dma_wait3A_229] : memref<10112x128xf32, #tpu.memory_space<vmem_shared>> -> memref<10112x128xf32, #tpu.memory_space<vmem_shared>>
        tpu.wait_indirect_dma semaphore(%arg14 : memref<!tpu.dma_semaphore, #tpu.memory_space<semaphore_mem>>) src(%dma_wait3A_224 : memref<128x128xf32, #tpu.memory_space<vmem>>) dst(%dma_wait3A_230 : memref<10112x128xf32, #tpu.memory_space<vmem_shared>>)
        %dma_start3A_231 = arith.constant 5 : i32
        %dma_start3A_232 = arith.constant 1 : i32
        %dma_start3A_233 = arith.constant 0 : i32
        %dma_start3A_234 = arith.constant 0 : i32
        %dma_start3A_235 = tpu.memref_slice %arg12[%dma_start3A_232, %dma_start3A_233, %dma_start3A_234] : memref<2x128x128xf32, #tpu.memory_space<vmem>> -> memref<1x128x128xf32, #tpu.memory_space<vmem>>
        %dma_start3A_236 = tpu.memref_squeeze %dma_start3A_235 : memref<1x128x128xf32, #tpu.memory_space<vmem>> -> memref<128x128xf32, #tpu.memory_space<vmem>>
        %dma_start3A_237 = arith.constant 0 : i32
        %dma_start3A_238 = tpu.memref_slice %arg10[%dma_start3A_231, %dma_start3A_237] : memref<8x128xi32, #tpu.memory_space<vmem>> -> memref<1x128xi32, #tpu.memory_space<vmem>>
        %dma_start3A_239 = tpu.memref_squeeze %dma_start3A_238 : memref<1x128xi32, #tpu.memory_space<vmem>> -> memref<128xi32, #tpu.memory_space<vmem>>
        %dma_start3A_240 = arith.constant 0 : i32
        %dma_start3A_241 = arith.constant 0 : i32
        %dma_start3A_242 = tpu.memref_slice %arg2[%dma_start3A_240, %dma_start3A_241] : memref<10000x128xf32, #tpu.memory_space<hbm>> -> memref<10000x128xf32, #tpu.memory_space<hbm>>
        tpu.enqueue_indirect_dma source(%dma_start3A_242 : memref<10000x128xf32, #tpu.memory_space<hbm>>) target(%dma_start3A_236 : memref<128x128xf32, #tpu.memory_space<vmem>>) offsets(%dma_start3A_239 : memref<128xi32, #tpu.memory_space<vmem>>) semaphore(%arg13 : memref<!tpu.dma_semaphore, #tpu.memory_space<semaphore_mem>>)
        %dma_start3A_243 = arith.constant 0 : i32
        %dma_start3A_244 = arith.constant 4 : i32
        %dma_start3A_245 = arith.constant 0 : i32
        %dma_start3A_246 = arith.constant 0 : i32
        %dma_start3A_247 = tpu.memref_slice %arg12[%dma_start3A_243, %dma_start3A_245, %dma_start3A_246] : memref<2x128x128xf32, #tpu.memory_space<vmem>> -> memref<1x128x128xf32, #tpu.memory_space<vmem>>
        %dma_start3A_248 = tpu.memref_squeeze %dma_start3A_247 : memref<1x128x128xf32, #tpu.memory_space<vmem>> -> memref<128x128xf32, #tpu.memory_space<vmem>>
        %dma_start3A_249 = arith.constant 0 : i32
        %dma_start3A_250 = tpu.memref_slice %arg11[%dma_start3A_244, %dma_start3A_249] : memref<8x128xi32, #tpu.memory_space<vmem>> -> memref<1x128xi32, #tpu.memory_space<vmem>>
        %dma_start3A_251 = tpu.memref_squeeze %dma_start3A_250 : memref<1x128xi32, #tpu.memory_space<vmem>> -> memref<128xi32, #tpu.memory_space<vmem>>
        %dma_start3A_252 = arith.constant 0 : i32
        %dma_start3A_253 = arith.constant 0 : i32
        %dma_start3A_254 = tpu.memref_slice %arg9[%dma_start3A_252, %dma_start3A_253] : memref<10112x128xf32, #tpu.memory_space<vmem_shared>> -> memref<10112x128xf32, #tpu.memory_space<vmem_shared>>
        tpu.enqueue_indirect_dma source(%dma_start3A_248 : memref<128x128xf32, #tpu.memory_space<vmem>>) target(%dma_start3A_254 : memref<10112x128xf32, #tpu.memory_space<vmem_shared>>) offsets(%dma_start3A_251 : memref<128xi32, #tpu.memory_space<vmem>>) semaphore(%arg14 : memref<!tpu.dma_semaphore, #tpu.memory_space<semaphore_mem>>) {add = true}
        %dma_wait3A_255 = arith.constant 5 : i32
        %dma_wait3A_256 = arith.constant 1 : i32
        %dma_wait3A_257 = arith.constant 0 : i32
        %dma_wait3A_258 = arith.constant 0 : i32
        %dma_wait3A_259 = tpu.memref_slice %arg12[%dma_wait3A_256, %dma_wait3A_257, %dma_wait3A_258] : memref<2x128x128xf32, #tpu.memory_space<vmem>> -> memref<1x128x128xf32, #tpu.memory_space<vmem>>
        %dma_wait3A_260 = tpu.memref_squeeze %dma_wait3A_259 : memref<1x128x128xf32, #tpu.memory_space<vmem>> -> memref<128x128xf32, #tpu.memory_space<vmem>>
        %dma_wait3A_261 = arith.constant 0 : i32
        %dma_wait3A_262 = tpu.memref_slice %arg10[%dma_wait3A_255, %dma_wait3A_261] : memref<8x128xi32, #tpu.memory_space<vmem>> -> memref<1x128xi32, #tpu.memory_space<vmem>>
        %dma_wait3A_263 = tpu.memref_squeeze %dma_wait3A_262 : memref<1x128xi32, #tpu.memory_space<vmem>> -> memref<128xi32, #tpu.memory_space<vmem>>
        %dma_wait3A_264 = arith.constant 0 : i32
        %dma_wait3A_265 = arith.constant 0 : i32
        %dma_wait3A_266 = tpu.memref_slice %arg2[%dma_wait3A_264, %dma_wait3A_265] : memref<10000x128xf32, #tpu.memory_space<hbm>> -> memref<10000x128xf32, #tpu.memory_space<hbm>>
        tpu.wait_indirect_dma semaphore(%arg13 : memref<!tpu.dma_semaphore, #tpu.memory_space<semaphore_mem>>) src(%dma_wait3A_266 : memref<10000x128xf32, #tpu.memory_space<hbm>>) dst(%dma_wait3A_260 : memref<128x128xf32, #tpu.memory_space<vmem>>)
        %dma_wait3A_267 = arith.constant 0 : i32
        %dma_wait3A_268 = arith.constant 4 : i32
        %dma_wait3A_269 = arith.constant 0 : i32
        %dma_wait3A_270 = arith.constant 0 : i32
        %dma_wait3A_271 = tpu.memref_slice %arg12[%dma_wait3A_267, %dma_wait3A_269, %dma_wait3A_270] : memref<2x128x128xf32, #tpu.memory_space<vmem>> -> memref<1x128x128xf32, #tpu.memory_space<vmem>>
        %dma_wait3A_272 = tpu.memref_squeeze %dma_wait3A_271 : memref<1x128x128xf32, #tpu.memory_space<vmem>> -> memref<128x128xf32, #tpu.memory_space<vmem>>
        %dma_wait3A_273 = arith.constant 0 : i32
        %dma_wait3A_274 = tpu.memref_slice %arg11[%dma_wait3A_268, %dma_wait3A_273] : memref<8x128xi32, #tpu.memory_space<vmem>> -> memref<1x128xi32, #tpu.memory_space<vmem>>
        %dma_wait3A_275 = tpu.memref_squeeze %dma_wait3A_274 : memref<1x128xi32, #tpu.memory_space<vmem>> -> memref<128xi32, #tpu.memory_space<vmem>>
        %dma_wait3A_276 = arith.constant 0 : i32
        %dma_wait3A_277 = arith.constant 0 : i32
        %dma_wait3A_278 = tpu.memref_slice %arg9[%dma_wait3A_276, %dma_wait3A_277] : memref<10112x128xf32, #tpu.memory_space<vmem_shared>> -> memref<10112x128xf32, #tpu.memory_space<vmem_shared>>
        tpu.wait_indirect_dma semaphore(%arg14 : memref<!tpu.dma_semaphore, #tpu.memory_space<semaphore_mem>>) src(%dma_wait3A_272 : memref<128x128xf32, #tpu.memory_space<vmem>>) dst(%dma_wait3A_278 : memref<10112x128xf32, #tpu.memory_space<vmem_shared>>)
        %dma_start3A_279 = arith.constant 6 : i32
        %dma_start3A_280 = arith.constant 0 : i32
        %dma_start3A_281 = arith.constant 0 : i32
        %dma_start3A_282 = arith.constant 0 : i32
        %dma_start3A_283 = tpu.memref_slice %arg12[%dma_start3A_280, %dma_start3A_281, %dma_start3A_282] : memref<2x128x128xf32, #tpu.memory_space<vmem>> -> memref<1x128x128xf32, #tpu.memory_space<vmem>>
        %dma_start3A_284 = tpu.memref_squeeze %dma_start3A_283 : memref<1x128x128xf32, #tpu.memory_space<vmem>> -> memref<128x128xf32, #tpu.memory_space<vmem>>
        %dma_start3A_285 = arith.constant 0 : i32
        %dma_start3A_286 = tpu.memref_slice %arg10[%dma_start3A_279, %dma_start3A_285] : memref<8x128xi32, #tpu.memory_space<vmem>> -> memref<1x128xi32, #tpu.memory_space<vmem>>
        %dma_start3A_287 = tpu.memref_squeeze %dma_start3A_286 : memref<1x128xi32, #tpu.memory_space<vmem>> -> memref<128xi32, #tpu.memory_space<vmem>>
        %dma_start3A_288 = arith.constant 0 : i32
        %dma_start3A_289 = arith.constant 0 : i32
        %dma_start3A_290 = tpu.memref_slice %arg2[%dma_start3A_288, %dma_start3A_289] : memref<10000x128xf32, #tpu.memory_space<hbm>> -> memref<10000x128xf32, #tpu.memory_space<hbm>>
        tpu.enqueue_indirect_dma source(%dma_start3A_290 : memref<10000x128xf32, #tpu.memory_space<hbm>>) target(%dma_start3A_284 : memref<128x128xf32, #tpu.memory_space<vmem>>) offsets(%dma_start3A_287 : memref<128xi32, #tpu.memory_space<vmem>>) semaphore(%arg13 : memref<!tpu.dma_semaphore, #tpu.memory_space<semaphore_mem>>)
        %dma_start3A_291 = arith.constant 1 : i32
        %dma_start3A_292 = arith.constant 5 : i32
        %dma_start3A_293 = arith.constant 0 : i32
        %dma_start3A_294 = arith.constant 0 : i32
        %dma_start3A_295 = tpu.memref_slice %arg12[%dma_start3A_291, %dma_start3A_293, %dma_start3A_294] : memref<2x128x128xf32, #tpu.memory_space<vmem>> -> memref<1x128x128xf32, #tpu.memory_space<vmem>>
        %dma_start3A_296 = tpu.memref_squeeze %dma_start3A_295 : memref<1x128x128xf32, #tpu.memory_space<vmem>> -> memref<128x128xf32, #tpu.memory_space<vmem>>
        %dma_start3A_297 = arith.constant 0 : i32
        %dma_start3A_298 = tpu.memref_slice %arg11[%dma_start3A_292, %dma_start3A_297] : memref<8x128xi32, #tpu.memory_space<vmem>> -> memref<1x128xi32, #tpu.memory_space<vmem>>
        %dma_start3A_299 = tpu.memref_squeeze %dma_start3A_298 : memref<1x128xi32, #tpu.memory_space<vmem>> -> memref<128xi32, #tpu.memory_space<vmem>>
        %dma_start3A_300 = arith.constant 0 : i32
        %dma_start3A_301 = arith.constant 0 : i32
        %dma_start3A_302 = tpu.memref_slice %arg9[%dma_start3A_300, %dma_start3A_301] : memref<10112x128xf32, #tpu.memory_space<vmem_shared>> -> memref<10112x128xf32, #tpu.memory_space<vmem_shared>>
        tpu.enqueue_indirect_dma source(%dma_start3A_296 : memref<128x128xf32, #tpu.memory_space<vmem>>) target(%dma_start3A_302 : memref<10112x128xf32, #tpu.memory_space<vmem_shared>>) offsets(%dma_start3A_299 : memref<128xi32, #tpu.memory_space<vmem>>) semaphore(%arg14 : memref<!tpu.dma_semaphore, #tpu.memory_space<semaphore_mem>>) {add = true}
        %dma_wait3A_303 = arith.constant 6 : i32
        %dma_wait3A_304 = arith.constant 0 : i32
        %dma_wait3A_305 = arith.constant 0 : i32
        %dma_wait3A_306 = arith.constant 0 : i32
        %dma_wait3A_307 = tpu.memref_slice %arg12[%dma_wait3A_304, %dma_wait3A_305, %dma_wait3A_306] : memref<2x128x128xf32, #tpu.memory_space<vmem>> -> memref<1x128x128xf32, #tpu.memory_space<vmem>>
        %dma_wait3A_308 = tpu.memref_squeeze %dma_wait3A_307 : memref<1x128x128xf32, #tpu.memory_space<vmem>> -> memref<128x128xf32, #tpu.memory_space<vmem>>
        %dma_wait3A_309 = arith.constant 0 : i32
        %dma_wait3A_310 = tpu.memref_slice %arg10[%dma_wait3A_303, %dma_wait3A_309] : memref<8x128xi32, #tpu.memory_space<vmem>> -> memref<1x128xi32, #tpu.memory_space<vmem>>
        %dma_wait3A_311 = tpu.memref_squeeze %dma_wait3A_310 : memref<1x128xi32, #tpu.memory_space<vmem>> -> memref<128xi32, #tpu.memory_space<vmem>>
        %dma_wait3A_312 = arith.constant 0 : i32
        %dma_wait3A_313 = arith.constant 0 : i32
        %dma_wait3A_314 = tpu.memref_slice %arg2[%dma_wait3A_312, %dma_wait3A_313] : memref<10000x128xf32, #tpu.memory_space<hbm>> -> memref<10000x128xf32, #tpu.memory_space<hbm>>
        tpu.wait_indirect_dma semaphore(%arg13 : memref<!tpu.dma_semaphore, #tpu.memory_space<semaphore_mem>>) src(%dma_wait3A_314 : memref<10000x128xf32, #tpu.memory_space<hbm>>) dst(%dma_wait3A_308 : memref<128x128xf32, #tpu.memory_space<vmem>>)
        %dma_wait3A_315 = arith.constant 1 : i32
        %dma_wait3A_316 = arith.constant 5 : i32
        %dma_wait3A_317 = arith.constant 0 : i32
        %dma_wait3A_318 = arith.constant 0 : i32
        %dma_wait3A_319 = tpu.memref_slice %arg12[%dma_wait3A_315, %dma_wait3A_317, %dma_wait3A_318] : memref<2x128x128xf32, #tpu.memory_space<vmem>> -> memref<1x128x128xf32, #tpu.memory_space<vmem>>
        %dma_wait3A_320 = tpu.memref_squeeze %dma_wait3A_319 : memref<1x128x128xf32, #tpu.memory_space<vmem>> -> memref<128x128xf32, #tpu.memory_space<vmem>>
        %dma_wait3A_321 = arith.constant 0 : i32
        %dma_wait3A_322 = tpu.memref_slice %arg11[%dma_wait3A_316, %dma_wait3A_321] : memref<8x128xi32, #tpu.memory_space<vmem>> -> memref<1x128xi32, #tpu.memory_space<vmem>>
        %dma_wait3A_323 = tpu.memref_squeeze %dma_wait3A_322 : memref<1x128xi32, #tpu.memory_space<vmem>> -> memref<128xi32, #tpu.memory_space<vmem>>
        %dma_wait3A_324 = arith.constant 0 : i32
        %dma_wait3A_325 = arith.constant 0 : i32
        %dma_wait3A_326 = tpu.memref_slice %arg9[%dma_wait3A_324, %dma_wait3A_325] : memref<10112x128xf32, #tpu.memory_space<vmem_shared>> -> memref<10112x128xf32, #tpu.memory_space<vmem_shared>>
        tpu.wait_indirect_dma semaphore(%arg14 : memref<!tpu.dma_semaphore, #tpu.memory_space<semaphore_mem>>) src(%dma_wait3A_320 : memref<128x128xf32, #tpu.memory_space<vmem>>) dst(%dma_wait3A_326 : memref<10112x128xf32, #tpu.memory_space<vmem_shared>>)
        %dma_start3A_327 = arith.constant 7 : i32
        %dma_start3A_328 = arith.constant 1 : i32
        %dma_start3A_329 = arith.constant 0 : i32
        %dma_start3A_330 = arith.constant 0 : i32
        %dma_start3A_331 = tpu.memref_slice %arg12[%dma_start3A_328, %dma_start3A_329, %dma_start3A_330] : memref<2x128x128xf32, #tpu.memory_space<vmem>> -> memref<1x128x128xf32, #tpu.memory_space<vmem>>
        %dma_start3A_332 = tpu.memref_squeeze %dma_start3A_331 : memref<1x128x128xf32, #tpu.memory_space<vmem>> -> memref<128x128xf32, #tpu.memory_space<vmem>>
        %dma_start3A_333 = arith.constant 0 : i32
        %dma_start3A_334 = tpu.memref_slice %arg10[%dma_start3A_327, %dma_start3A_333] : memref<8x128xi32, #tpu.memory_space<vmem>> -> memref<1x128xi32, #tpu.memory_space<vmem>>
        %dma_start3A_335 = tpu.memref_squeeze %dma_start3A_334 : memref<1x128xi32, #tpu.memory_space<vmem>> -> memref<128xi32, #tpu.memory_space<vmem>>
        %dma_start3A_336 = arith.constant 0 : i32
        %dma_start3A_337 = arith.constant 0 : i32
        %dma_start3A_338 = tpu.memref_slice %arg2[%dma_start3A_336, %dma_start3A_337] : memref<10000x128xf32, #tpu.memory_space<hbm>> -> memref<10000x128xf32, #tpu.memory_space<hbm>>
        tpu.enqueue_indirect_dma source(%dma_start3A_338 : memref<10000x128xf32, #tpu.memory_space<hbm>>) target(%dma_start3A_332 : memref<128x128xf32, #tpu.memory_space<vmem>>) offsets(%dma_start3A_335 : memref<128xi32, #tpu.memory_space<vmem>>) semaphore(%arg13 : memref<!tpu.dma_semaphore, #tpu.memory_space<semaphore_mem>>)
        %dma_start3A_339 = arith.constant 0 : i32
        %dma_start3A_340 = arith.constant 6 : i32
        %dma_start3A_341 = arith.constant 0 : i32
        %dma_start3A_342 = arith.constant 0 : i32
        %dma_start3A_343 = tpu.memref_slice %arg12[%dma_start3A_339, %dma_start3A_341, %dma_start3A_342] : memref<2x128x128xf32, #tpu.memory_space<vmem>> -> memref<1x128x128xf32, #tpu.memory_space<vmem>>
        %dma_start3A_344 = tpu.memref_squeeze %dma_start3A_343 : memref<1x128x128xf32, #tpu.memory_space<vmem>> -> memref<128x128xf32, #tpu.memory_space<vmem>>
        %dma_start3A_345 = arith.constant 0 : i32
        %dma_start3A_346 = tpu.memref_slice %arg11[%dma_start3A_340, %dma_start3A_345] : memref<8x128xi32, #tpu.memory_space<vmem>> -> memref<1x128xi32, #tpu.memory_space<vmem>>
        %dma_start3A_347 = tpu.memref_squeeze %dma_start3A_346 : memref<1x128xi32, #tpu.memory_space<vmem>> -> memref<128xi32, #tpu.memory_space<vmem>>
        %dma_start3A_348 = arith.constant 0 : i32
        %dma_start3A_349 = arith.constant 0 : i32
        %dma_start3A_350 = tpu.memref_slice %arg9[%dma_start3A_348, %dma_start3A_349] : memref<10112x128xf32, #tpu.memory_space<vmem_shared>> -> memref<10112x128xf32, #tpu.memory_space<vmem_shared>>
        tpu.enqueue_indirect_dma source(%dma_start3A_344 : memref<128x128xf32, #tpu.memory_space<vmem>>) target(%dma_start3A_350 : memref<10112x128xf32, #tpu.memory_space<vmem_shared>>) offsets(%dma_start3A_347 : memref<128xi32, #tpu.memory_space<vmem>>) semaphore(%arg14 : memref<!tpu.dma_semaphore, #tpu.memory_space<semaphore_mem>>) {add = true}
        %dma_wait3A_351 = arith.constant 7 : i32
        %dma_wait3A_352 = arith.constant 1 : i32
        %dma_wait3A_353 = arith.constant 0 : i32
        %dma_wait3A_354 = arith.constant 0 : i32
        %dma_wait3A_355 = tpu.memref_slice %arg12[%dma_wait3A_352, %dma_wait3A_353, %dma_wait3A_354] : memref<2x128x128xf32, #tpu.memory_space<vmem>> -> memref<1x128x128xf32, #tpu.memory_space<vmem>>
        %dma_wait3A_356 = tpu.memref_squeeze %dma_wait3A_355 : memref<1x128x128xf32, #tpu.memory_space<vmem>> -> memref<128x128xf32, #tpu.memory_space<vmem>>
        %dma_wait3A_357 = arith.constant 0 : i32
        %dma_wait3A_358 = tpu.memref_slice %arg10[%dma_wait3A_351, %dma_wait3A_357] : memref<8x128xi32, #tpu.memory_space<vmem>> -> memref<1x128xi32, #tpu.memory_space<vmem>>
        %dma_wait3A_359 = tpu.memref_squeeze %dma_wait3A_358 : memref<1x128xi32, #tpu.memory_space<vmem>> -> memref<128xi32, #tpu.memory_space<vmem>>
        %dma_wait3A_360 = arith.constant 0 : i32
        %dma_wait3A_361 = arith.constant 0 : i32
        %dma_wait3A_362 = tpu.memref_slice %arg2[%dma_wait3A_360, %dma_wait3A_361] : memref<10000x128xf32, #tpu.memory_space<hbm>> -> memref<10000x128xf32, #tpu.memory_space<hbm>>
        tpu.wait_indirect_dma semaphore(%arg13 : memref<!tpu.dma_semaphore, #tpu.memory_space<semaphore_mem>>) src(%dma_wait3A_362 : memref<10000x128xf32, #tpu.memory_space<hbm>>) dst(%dma_wait3A_356 : memref<128x128xf32, #tpu.memory_space<vmem>>)
        %dma_start3A_363 = arith.constant 1 : i32
        %dma_start3A_364 = arith.constant 7 : i32
        %dma_start3A_365 = arith.constant 0 : i32
        %dma_start3A_366 = arith.constant 0 : i32
        %dma_start3A_367 = tpu.memref_slice %arg12[%dma_start3A_363, %dma_start3A_365, %dma_start3A_366] : memref<2x128x128xf32, #tpu.memory_space<vmem>> -> memref<1x128x128xf32, #tpu.memory_space<vmem>>
        %dma_start3A_368 = tpu.memref_squeeze %dma_start3A_367 : memref<1x128x128xf32, #tpu.memory_space<vmem>> -> memref<128x128xf32, #tpu.memory_space<vmem>>
        %dma_start3A_369 = arith.constant 0 : i32
        %dma_start3A_370 = tpu.memref_slice %arg11[%dma_start3A_364, %dma_start3A_369] : memref<8x128xi32, #tpu.memory_space<vmem>> -> memref<1x128xi32, #tpu.memory_space<vmem>>
        %dma_start3A_371 = tpu.memref_squeeze %dma_start3A_370 : memref<1x128xi32, #tpu.memory_space<vmem>> -> memref<128xi32, #tpu.memory_space<vmem>>
        %dma_start3A_372 = arith.constant 0 : i32
        %dma_start3A_373 = arith.constant 0 : i32
        %dma_start3A_374 = tpu.memref_slice %arg9[%dma_start3A_372, %dma_start3A_373] : memref<10112x128xf32, #tpu.memory_space<vmem_shared>> -> memref<10112x128xf32, #tpu.memory_space<vmem_shared>>
        tpu.enqueue_indirect_dma source(%dma_start3A_368 : memref<128x128xf32, #tpu.memory_space<vmem>>) target(%dma_start3A_374 : memref<10112x128xf32, #tpu.memory_space<vmem_shared>>) offsets(%dma_start3A_371 : memref<128xi32, #tpu.memory_space<vmem>>) semaphore(%arg14 : memref<!tpu.dma_semaphore, #tpu.memory_space<semaphore_mem>>) {add = true}
        %dma_wait3A_375 = arith.constant 0 : i32
        %dma_wait3A_376 = arith.constant 6 : i32
        %dma_wait3A_377 = arith.constant 0 : i32
        %dma_wait3A_378 = arith.constant 0 : i32
        %dma_wait3A_379 = tpu.memref_slice %arg12[%dma_wait3A_375, %dma_wait3A_377, %dma_wait3A_378] : memref<2x128x128xf32, #tpu.memory_space<vmem>> -> memref<1x128x128xf32, #tpu.memory_space<vmem>>
        %dma_wait3A_380 = tpu.memref_squeeze %dma_wait3A_379 : memref<1x128x128xf32, #tpu.memory_space<vmem>> -> memref<128x128xf32, #tpu.memory_space<vmem>>
        %dma_wait3A_381 = arith.constant 0 : i32
        %dma_wait3A_382 = tpu.memref_slice %arg11[%dma_wait3A_376, %dma_wait3A_381] : memref<8x128xi32, #tpu.memory_space<vmem>> -> memref<1x128xi32, #tpu.memory_space<vmem>>
        %dma_wait3A_383 = tpu.memref_squeeze %dma_wait3A_382 : memref<1x128xi32, #tpu.memory_space<vmem>> -> memref<128xi32, #tpu.memory_space<vmem>>
        %dma_wait3A_384 = arith.constant 0 : i32
        %dma_wait3A_385 = arith.constant 0 : i32
        %dma_wait3A_386 = tpu.memref_slice %arg9[%dma_wait3A_384, %dma_wait3A_385] : memref<10112x128xf32, #tpu.memory_space<vmem_shared>> -> memref<10112x128xf32, #tpu.memory_space<vmem_shared>>
        tpu.wait_indirect_dma semaphore(%arg14 : memref<!tpu.dma_semaphore, #tpu.memory_space<semaphore_mem>>) src(%dma_wait3A_380 : memref<128x128xf32, #tpu.memory_space<vmem>>) dst(%dma_wait3A_386 : memref<10112x128xf32, #tpu.memory_space<vmem_shared>>)
        %dma_wait3A_387 = arith.constant 1 : i32
        %dma_wait3A_388 = arith.constant 7 : i32
        %dma_wait3A_389 = arith.constant 0 : i32
        %dma_wait3A_390 = arith.constant 0 : i32
        %dma_wait3A_391 = tpu.memref_slice %arg12[%dma_wait3A_387, %dma_wait3A_389, %dma_wait3A_390] : memref<2x128x128xf32, #tpu.memory_space<vmem>> -> memref<1x128x128xf32, #tpu.memory_space<vmem>>
        %dma_wait3A_392 = tpu.memref_squeeze %dma_wait3A_391 : memref<1x128x128xf32, #tpu.memory_space<vmem>> -> memref<128x128xf32, #tpu.memory_space<vmem>>
        %dma_wait3A_393 = arith.constant 0 : i32
        %dma_wait3A_394 = tpu.memref_slice %arg11[%dma_wait3A_388, %dma_wait3A_393] : memref<8x128xi32, #tpu.memory_space<vmem>> -> memref<1x128xi32, #tpu.memory_space<vmem>>
        %dma_wait3A_395 = tpu.memref_squeeze %dma_wait3A_394 : memref<1x128xi32, #tpu.memory_space<vmem>> -> memref<128xi32, #tpu.memory_space<vmem>>
        %dma_wait3A_396 = arith.constant 0 : i32
        %dma_wait3A_397 = arith.constant 0 : i32
        %dma_wait3A_398 = tpu.memref_slice %arg9[%dma_wait3A_396, %dma_wait3A_397] : memref<10112x128xf32, #tpu.memory_space<vmem_shared>> -> memref<10112x128xf32, #tpu.memory_space<vmem_shared>>
        tpu.wait_indirect_dma semaphore(%arg14 : memref<!tpu.dma_semaphore, #tpu.memory_space<semaphore_mem>>) src(%dma_wait3A_392 : memref<128x128xf32, #tpu.memory_space<vmem>>) dst(%dma_wait3A_398 : memref<10112x128xf32, #tpu.memory_space<vmem_shared>>)
      }
      %scan3A_13 = arith.constant 10 : i32
    } else {
    }
    %barrier3A_8 = arith.constant 0 : index
    tpu.barrier barrier_id(%barrier3A_8)
    "tpu.region"() ({
      %run_scoped3A = tpu.sem_alloc : memref<!tpu.dma_semaphore, #tpu.memory_space<semaphore_mem>>
      %dma_start3A = arith.constant 0 : i32
      %dma_start3A_9 = tpu.memref_slice %arg8[%arg0, %mul3A_0, %dma_start3A] : memref<2x10112x128xf32, #tpu.memory_space<hbm>> -> memref<1x632x128xf32, #tpu.memory_space<hbm>>
      %dma_start3A_10 = tpu.memref_squeeze %dma_start3A_9 : memref<1x632x128xf32, #tpu.memory_space<hbm>> -> memref<632x128xf32, #tpu.memory_space<hbm>>
      %dma_start3A_11 = arith.constant 0 : i32
      %dma_start3A_12 = tpu.memref_slice %arg9[%mul3A_0, %dma_start3A_11] : memref<10112x128xf32, #tpu.memory_space<vmem_shared>> -> memref<632x128xf32, #tpu.memory_space<vmem_shared>>
      tpu.enqueue_dma source(%dma_start3A_12 : memref<632x128xf32, #tpu.memory_space<vmem_shared>>) target(%dma_start3A_10 : memref<632x128xf32, #tpu.memory_space<hbm>>) target_semaphore(%run_scoped3A : memref<!tpu.dma_semaphore, #tpu.memory_space<semaphore_mem>>)
      %dma_wait3A = arith.constant 0 : i32
      %dma_wait3A_13 = tpu.memref_slice %arg8[%arg0, %mul3A_0, %dma_wait3A] : memref<2x10112x128xf32, #tpu.memory_space<hbm>> -> memref<1x632x128xf32, #tpu.memory_space<hbm>>
      %dma_wait3A_14 = tpu.memref_squeeze %dma_wait3A_13 : memref<1x632x128xf32, #tpu.memory_space<hbm>> -> memref<632x128xf32, #tpu.memory_space<hbm>>
      %dma_wait3A_15 = arith.constant 0 : i32
      %dma_wait3A_16 = tpu.memref_slice %arg9[%mul3A_0, %dma_wait3A_15] : memref<10112x128xf32, #tpu.memory_space<vmem_shared>> -> memref<632x128xf32, #tpu.memory_space<vmem_shared>>
      tpu.wait_dma2 semaphore(%run_scoped3A : memref<!tpu.dma_semaphore, #tpu.memory_space<semaphore_mem>>) src(%dma_wait3A_16 : memref<632x128xf32, #tpu.memory_space<vmem_shared>>) dst(%dma_wait3A_14 : memref<632x128xf32, #tpu.memory_space<hbm>>)
      tpu.yield
    }) : () -> ()
    return
  }
}

#map = affine_map<(d0, d1) -> (0, 0)>
#map1 = affine_map<(d0, d1) -> (0, 0, 0)>
module attributes {stable_mosaic.version = 14 : i64} {
  func.func @_seg_body(%arg0: i32, %arg1: i32, %arg2: memref<10000x128xf32, #tpu.memory_space<hbm>>, %arg3: memref<16x80x128xi32, #tpu.memory_space<hbm>>, %arg4: memref<16x80x128xi32, #tpu.memory_space<hbm>>, %arg5: memref<16x80x128xi32, #tpu.memory_space<hbm>>, %arg6: memref<16x80x128xi32, #tpu.memory_space<hbm>>, %arg7: memref<632x128xf32, #tpu.memory_space<hbm>>, %arg8: memref<2x10112x128xf32, #tpu.memory_space<hbm>>, %arg9: memref<10112x128xf32, #tpu.memory_space<vmem_shared>>, %arg10: memref<8x128xi32, #tpu.memory_space<vmem>>, %arg11: memref<8x128xi32, #tpu.memory_space<vmem>>, %arg12: memref<2x128x128xf32, #tpu.memory_space<vmem>>, %arg13: memref<!tpu.dma_semaphore, #tpu.memory_space<semaphore_mem>>, %arg14: memref<!tpu.dma_semaphore, #tpu.memory_space<semaphore_mem>>) attributes {dimension_semantics = [#tpu.dimension_semantics<core_parallel>, #tpu.dimension_semantics<subcore_parallel>], iteration_bounds = array<i64: 2, 16>, scalar_prefetch = 0 : i64, scratch_operands = 6 : i64, tpu.core_type = #tpu.core_type<sc_vector_subcore>, window_params = [{transform_indices = #map}, {transform_indices = #map1}, {transform_indices = #map1}, {transform_indices = #map1}, {transform_indices = #map1}, {transform_indices = #map}, {transform_indices = #map1}]} {
    %mul3A = arith.constant 632 : i32
    %mul3A_0 = arith.muli %arg1, %mul3A : i32
    "tpu.region"() ({
      %run_scoped3A = tpu.sem_alloc : memref<!tpu.dma_semaphore, #tpu.memory_space<semaphore_mem>>
      %dma_start3A = arith.constant 0 : i32
      %dma_start3A_9 = tpu.memref_slice %arg9[%mul3A_0, %dma_start3A] : memref<10112x128xf32, #tpu.memory_space<vmem_shared>> -> memref<632x128xf32, #tpu.memory_space<vmem_shared>>
      tpu.enqueue_dma source(%arg7 : memref<632x128xf32, #tpu.memory_space<hbm>>) target(%dma_start3A_9 : memref<632x128xf32, #tpu.memory_space<vmem_shared>>) target_semaphore(%run_scoped3A : memref<!tpu.dma_semaphore, #tpu.memory_space<semaphore_mem>>)
      %dma_wait3A = arith.constant 0 : i32
      %dma_wait3A_10 = tpu.memref_slice %arg9[%mul3A_0, %dma_wait3A] : memref<10112x128xf32, #tpu.memory_space<vmem_shared>> -> memref<632x128xf32, #tpu.memory_space<vmem_shared>>
      tpu.wait_dma2 semaphore(%run_scoped3A : memref<!tpu.dma_semaphore, #tpu.memory_space<semaphore_mem>>) src(%arg7 : memref<632x128xf32, #tpu.memory_space<hbm>>) dst(%dma_wait3A_10 : memref<632x128xf32, #tpu.memory_space<vmem_shared>>)
      tpu.yield
    }) : () -> ()
    %barrier3A = arith.constant 0 : index
    tpu.barrier barrier_id(%barrier3A)
    %eq3A = arith.constant 0 : i32
    %eq3A_1 = arith.cmpi eq, %arg0, %eq3A : i32
    %convert_element_type3A = arith.extui %eq3A_1 : i1 to i32
    %cond3A = arith.constant 0 : i32
    %cond3A_2 = arith.cmpi ne, %convert_element_type3A, %cond3A : i32
    scf.if %cond3A_2 {
      %scan3A = arith.constant 0 : i32
      %scan3A_9 = arith.constant 0 : i32
      %scan3A_10 = arith.constant 10 : i32
      %scan3A_11 = arith.addi %scan3A_9, %scan3A_10 : i32
      %scan3A_12 = arith.constant 1 : i32
      scf.for %scan3A_14 = %scan3A_9 to %scan3A_11 step %scan3A_12  : i32 {
        %mul3A_15 = arith.constant 8 : i32
        %mul3A_16 = arith.muli %scan3A_14, %mul3A_15 : i32
        %multiple_of3A = tpu.assume_multiple %mul3A_16, 8 : i32
        "tpu.region"() ({
          %run_scoped3A = tpu.sem_alloc : memref<!tpu.dma_semaphore, #tpu.memory_space<semaphore_mem>>
          %dma_start3A_399 = arith.constant 0 : i32
          %dma_start3A_400 = tpu.memref_slice %arg3[%arg1, %multiple_of3A, %dma_start3A_399] : memref<16x80x128xi32, #tpu.memory_space<hbm>> -> memref<1x8x128xi32, #tpu.memory_space<hbm>>
          %dma_start3A_401 = tpu.memref_squeeze %dma_start3A_400 : memref<1x8x128xi32, #tpu.memory_space<hbm>> -> memref<8x128xi32, #tpu.memory_space<hbm>>
          %dma_start3A_402 = arith.constant 0 : i32
          %dma_start3A_403 = tpu.memref_slice %arg3[%arg1, %multiple_of3A, %dma_start3A_402] : memref<16x80x128xi32, #tpu.memory_space<hbm>> -> memref<1x8x128xi32, #tpu.memory_space<hbm>>
          %dma_start3A_404 = tpu.memref_squeeze %dma_start3A_403 : memref<1x8x128xi32, #tpu.memory_space<hbm>> -> memref<8x128xi32, #tpu.memory_space<hbm>>
          tpu.enqueue_dma source(%dma_start3A_404 : memref<8x128xi32, #tpu.memory_space<hbm>>) target(%arg10 : memref<8x128xi32, #tpu.memory_space<vmem>>) target_semaphore(%run_scoped3A : memref<!tpu.dma_semaphore, #tpu.memory_space<semaphore_mem>>)
          %dma_wait3A_405 = arith.constant 0 : i32
          %dma_wait3A_406 = tpu.memref_slice %arg3[%arg1, %multiple_of3A, %dma_wait3A_405] : memref<16x80x128xi32, #tpu.memory_space<hbm>> -> memref<1x8x128xi32, #tpu.memory_space<hbm>>
          %dma_wait3A_407 = tpu.memref_squeeze %dma_wait3A_406 : memref<1x8x128xi32, #tpu.memory_space<hbm>> -> memref<8x128xi32, #tpu.memory_space<hbm>>
          %dma_wait3A_408 = arith.constant 0 : i32
          %dma_wait3A_409 = tpu.memref_slice %arg3[%arg1, %multiple_of3A, %dma_wait3A_408] : memref<16x80x128xi32, #tpu.memory_space<hbm>> -> memref<1x8x128xi32, #tpu.memory_space<hbm>>
          %dma_wait3A_410 = tpu.memref_squeeze %dma_wait3A_409 : memref<1x8x128xi32, #tpu.memory_space<hbm>> -> memref<8x128xi32, #tpu.memory_space<hbm>>
          tpu.wait_dma2 semaphore(%run_scoped3A : memref<!tpu.dma_semaphore, #tpu.memory_space<semaphore_mem>>) src(%dma_wait3A_410 : memref<8x128xi32, #tpu.memory_space<hbm>>) dst(%arg10 : memref<8x128xi32, #tpu.memory_space<vmem>>)
          tpu.yield
        }) : () -> ()
        "tpu.region"() ({
          %run_scoped3A = tpu.sem_alloc : memref<!tpu.dma_semaphore, #tpu.memory_space<semaphore_mem>>
          %dma_start3A_399 = arith.constant 0 : i32
          %dma_start3A_400 = tpu.memref_slice %arg4[%arg1, %multiple_of3A, %dma_start3A_399] : memref<16x80x128xi32, #tpu.memory_space<hbm>> -> memref<1x8x128xi32, #tpu.memory_space<hbm>>
          %dma_start3A_401 = tpu.memref_squeeze %dma_start3A_400 : memref<1x8x128xi32, #tpu.memory_space<hbm>> -> memref<8x128xi32, #tpu.memory_space<hbm>>
          %dma_start3A_402 = arith.constant 0 : i32
          %dma_start3A_403 = tpu.memref_slice %arg4[%arg1, %multiple_of3A, %dma_start3A_402] : memref<16x80x128xi32, #tpu.memory_space<hbm>> -> memref<1x8x128xi32, #tpu.memory_space<hbm>>
          %dma_start3A_404 = tpu.memref_squeeze %dma_start3A_403 : memref<1x8x128xi32, #tpu.memory_space<hbm>> -> memref<8x128xi32, #tpu.memory_space<hbm>>
          tpu.enqueue_dma source(%dma_start3A_404 : memref<8x128xi32, #tpu.memory_space<hbm>>) target(%arg11 : memref<8x128xi32, #tpu.memory_space<vmem>>) target_semaphore(%run_scoped3A : memref<!tpu.dma_semaphore, #tpu.memory_space<semaphore_mem>>)
          %dma_wait3A_405 = arith.constant 0 : i32
          %dma_wait3A_406 = tpu.memref_slice %arg4[%arg1, %multiple_of3A, %dma_wait3A_405] : memref<16x80x128xi32, #tpu.memory_space<hbm>> -> memref<1x8x128xi32, #tpu.memory_space<hbm>>
          %dma_wait3A_407 = tpu.memref_squeeze %dma_wait3A_406 : memref<1x8x128xi32, #tpu.memory_space<hbm>> -> memref<8x128xi32, #tpu.memory_space<hbm>>
          %dma_wait3A_408 = arith.constant 0 : i32
          %dma_wait3A_409 = tpu.memref_slice %arg4[%arg1, %multiple_of3A, %dma_wait3A_408] : memref<16x80x128xi32, #tpu.memory_space<hbm>> -> memref<1x8x128xi32, #tpu.memory_space<hbm>>
          %dma_wait3A_410 = tpu.memref_squeeze %dma_wait3A_409 : memref<1x8x128xi32, #tpu.memory_space<hbm>> -> memref<8x128xi32, #tpu.memory_space<hbm>>
          tpu.wait_dma2 semaphore(%run_scoped3A : memref<!tpu.dma_semaphore, #tpu.memory_space<semaphore_mem>>) src(%dma_wait3A_410 : memref<8x128xi32, #tpu.memory_space<hbm>>) dst(%arg11 : memref<8x128xi32, #tpu.memory_space<vmem>>)
          tpu.yield
        }) : () -> ()
        %dma_start3A = arith.constant 0 : i32
        %dma_start3A_17 = arith.constant 0 : i32
        %dma_start3A_18 = arith.constant 0 : i32
        %dma_start3A_19 = arith.constant 0 : i32
        %dma_start3A_20 = tpu.memref_slice %arg12[%dma_start3A_17, %dma_start3A_18, %dma_start3A_19] : memref<2x128x128xf32, #tpu.memory_space<vmem>> -> memref<1x128x128xf32, #tpu.memory_space<vmem>>
        %dma_start3A_21 = tpu.memref_squeeze %dma_start3A_20 : memref<1x128x128xf32, #tpu.memory_space<vmem>> -> memref<128x128xf32, #tpu.memory_space<vmem>>
        %dma_start3A_22 = arith.constant 0 : i32
        %dma_start3A_23 = tpu.memref_slice %arg10[%dma_start3A, %dma_start3A_22] : memref<8x128xi32, #tpu.memory_space<vmem>> -> memref<1x128xi32, #tpu.memory_space<vmem>>
        %dma_start3A_24 = tpu.memref_squeeze %dma_start3A_23 : memref<1x128xi32, #tpu.memory_space<vmem>> -> memref<128xi32, #tpu.memory_space<vmem>>
        %dma_start3A_25 = arith.constant 0 : i32
        %dma_start3A_26 = arith.constant 0 : i32
        %dma_start3A_27 = tpu.memref_slice %arg2[%dma_start3A_25, %dma_start3A_26] : memref<10000x128xf32, #tpu.memory_space<hbm>> -> memref<10000x128xf32, #tpu.memory_space<hbm>>
        tpu.enqueue_indirect_dma source(%dma_start3A_27 : memref<10000x128xf32, #tpu.memory_space<hbm>>) target(%dma_start3A_21 : memref<128x128xf32, #tpu.memory_space<vmem>>) offsets(%dma_start3A_24 : memref<128xi32, #tpu.memory_space<vmem>>) semaphore(%arg13 : memref<!tpu.dma_semaphore, #tpu.memory_space<semaphore_mem>>)
        %dma_wait3A = arith.constant 0 : i32
        %dma_wait3A_28 = arith.constant 0 : i32
        %dma_wait3A_29 = arith.constant 0 : i32
        %dma_wait3A_30 = arith.constant 0 : i32
        %dma_wait3A_31 = tpu.memref_slice %arg12[%dma_wait3A_28, %dma_wait3A_29, %dma_wait3A_30] : memref<2x128x128xf32, #tpu.memory_space<vmem>> -> memref<1x128x128xf32, #tpu.memory_space<vmem>>
        %dma_wait3A_32 = tpu.memref_squeeze %dma_wait3A_31 : memref<1x128x128xf32, #tpu.memory_space<vmem>> -> memref<128x128xf32, #tpu.memory_space<vmem>>
        %dma_wait3A_33 = arith.constant 0 : i32
        %dma_wait3A_34 = tpu.memref_slice %arg10[%dma_wait3A, %dma_wait3A_33] : memref<8x128xi32, #tpu.memory_space<vmem>> -> memref<1x128xi32, #tpu.memory_space<vmem>>
        %dma_wait3A_35 = tpu.memref_squeeze %dma_wait3A_34 : memref<1x128xi32, #tpu.memory_space<vmem>> -> memref<128xi32, #tpu.memory_space<vmem>>
        %dma_wait3A_36 = arith.constant 0 : i32
        %dma_wait3A_37 = arith.constant 0 : i32
        %dma_wait3A_38 = tpu.memref_slice %arg2[%dma_wait3A_36, %dma_wait3A_37] : memref<10000x128xf32, #tpu.memory_space<hbm>> -> memref<10000x128xf32, #tpu.memory_space<hbm>>
        tpu.wait_indirect_dma semaphore(%arg13 : memref<!tpu.dma_semaphore, #tpu.memory_space<semaphore_mem>>) src(%dma_wait3A_38 : memref<10000x128xf32, #tpu.memory_space<hbm>>) dst(%dma_wait3A_32 : memref<128x128xf32, #tpu.memory_space<vmem>>)
        %dma_start3A_39 = arith.constant 1 : i32
        %dma_start3A_40 = arith.constant 1 : i32
        %dma_start3A_41 = arith.constant 0 : i32
        %dma_start3A_42 = arith.constant 0 : i32
        %dma_start3A_43 = tpu.memref_slice %arg12[%dma_start3A_40, %dma_start3A_41, %dma_start3A_42] : memref<2x128x128xf32, #tpu.memory_space<vmem>> -> memref<1x128x128xf32, #tpu.memory_space<vmem>>
        %dma_start3A_44 = tpu.memref_squeeze %dma_start3A_43 : memref<1x128x128xf32, #tpu.memory_space<vmem>> -> memref<128x128xf32, #tpu.memory_space<vmem>>
        %dma_start3A_45 = arith.constant 0 : i32
        %dma_start3A_46 = tpu.memref_slice %arg10[%dma_start3A_39, %dma_start3A_45] : memref<8x128xi32, #tpu.memory_space<vmem>> -> memref<1x128xi32, #tpu.memory_space<vmem>>
        %dma_start3A_47 = tpu.memref_squeeze %dma_start3A_46 : memref<1x128xi32, #tpu.memory_space<vmem>> -> memref<128xi32, #tpu.memory_space<vmem>>
        %dma_start3A_48 = arith.constant 0 : i32
        %dma_start3A_49 = arith.constant 0 : i32
        %dma_start3A_50 = tpu.memref_slice %arg2[%dma_start3A_48, %dma_start3A_49] : memref<10000x128xf32, #tpu.memory_space<hbm>> -> memref<10000x128xf32, #tpu.memory_space<hbm>>
        tpu.enqueue_indirect_dma source(%dma_start3A_50 : memref<10000x128xf32, #tpu.memory_space<hbm>>) target(%dma_start3A_44 : memref<128x128xf32, #tpu.memory_space<vmem>>) offsets(%dma_start3A_47 : memref<128xi32, #tpu.memory_space<vmem>>) semaphore(%arg13 : memref<!tpu.dma_semaphore, #tpu.memory_space<semaphore_mem>>)
        %dma_start3A_51 = arith.constant 0 : i32
        %dma_start3A_52 = arith.constant 0 : i32
        %dma_start3A_53 = arith.constant 0 : i32
        %dma_start3A_54 = arith.constant 0 : i32
        %dma_start3A_55 = tpu.memref_slice %arg12[%dma_start3A_51, %dma_start3A_53, %dma_start3A_54] : memref<2x128x128xf32, #tpu.memory_space<vmem>> -> memref<1x128x128xf32, #tpu.memory_space<vmem>>
        %dma_start3A_56 = tpu.memref_squeeze %dma_start3A_55 : memref<1x128x128xf32, #tpu.memory_space<vmem>> -> memref<128x128xf32, #tpu.memory_space<vmem>>
        %dma_start3A_57 = arith.constant 0 : i32
        %dma_start3A_58 = tpu.memref_slice %arg11[%dma_start3A_52, %dma_start3A_57] : memref<8x128xi32, #tpu.memory_space<vmem>> -> memref<1x128xi32, #tpu.memory_space<vmem>>
        %dma_start3A_59 = tpu.memref_squeeze %dma_start3A_58 : memref<1x128xi32, #tpu.memory_space<vmem>> -> memref<128xi32, #tpu.memory_space<vmem>>
        %dma_start3A_60 = arith.constant 0 : i32
        %dma_start3A_61 = arith.constant 0 : i32
        %dma_start3A_62 = tpu.memref_slice %arg9[%dma_start3A_60, %dma_start3A_61] : memref<10112x128xf32, #tpu.memory_space<vmem_shared>> -> memref<10112x128xf32, #tpu.memory_space<vmem_shared>>
        tpu.enqueue_indirect_dma source(%dma_start3A_56 : memref<128x128xf32, #tpu.memory_space<vmem>>) target(%dma_start3A_62 : memref<10112x128xf32, #tpu.memory_space<vmem_shared>>) offsets(%dma_start3A_59 : memref<128xi32, #tpu.memory_space<vmem>>) semaphore(%arg14 : memref<!tpu.dma_semaphore, #tpu.memory_space<semaphore_mem>>) {add = true}
        %dma_wait3A_63 = arith.constant 1 : i32
        %dma_wait3A_64 = arith.constant 1 : i32
        %dma_wait3A_65 = arith.constant 0 : i32
        %dma_wait3A_66 = arith.constant 0 : i32
        %dma_wait3A_67 = tpu.memref_slice %arg12[%dma_wait3A_64, %dma_wait3A_65, %dma_wait3A_66] : memref<2x128x128xf32, #tpu.memory_space<vmem>> -> memref<1x128x128xf32, #tpu.memory_space<vmem>>
        %dma_wait3A_68 = tpu.memref_squeeze %dma_wait3A_67 : memref<1x128x128xf32, #tpu.memory_space<vmem>> -> memref<128x128xf32, #tpu.memory_space<vmem>>
        %dma_wait3A_69 = arith.constant 0 : i32
        %dma_wait3A_70 = tpu.memref_slice %arg10[%dma_wait3A_63, %dma_wait3A_69] : memref<8x128xi32, #tpu.memory_space<vmem>> -> memref<1x128xi32, #tpu.memory_space<vmem>>
        %dma_wait3A_71 = tpu.memref_squeeze %dma_wait3A_70 : memref<1x128xi32, #tpu.memory_space<vmem>> -> memref<128xi32, #tpu.memory_space<vmem>>
        %dma_wait3A_72 = arith.constant 0 : i32
        %dma_wait3A_73 = arith.constant 0 : i32
        %dma_wait3A_74 = tpu.memref_slice %arg2[%dma_wait3A_72, %dma_wait3A_73] : memref<10000x128xf32, #tpu.memory_space<hbm>> -> memref<10000x128xf32, #tpu.memory_space<hbm>>
        tpu.wait_indirect_dma semaphore(%arg13 : memref<!tpu.dma_semaphore, #tpu.memory_space<semaphore_mem>>) src(%dma_wait3A_74 : memref<10000x128xf32, #tpu.memory_space<hbm>>) dst(%dma_wait3A_68 : memref<128x128xf32, #tpu.memory_space<vmem>>)
        %dma_wait3A_75 = arith.constant 0 : i32
        %dma_wait3A_76 = arith.constant 0 : i32
        %dma_wait3A_77 = arith.constant 0 : i32
        %dma_wait3A_78 = arith.constant 0 : i32
        %dma_wait3A_79 = tpu.memref_slice %arg12[%dma_wait3A_75, %dma_wait3A_77, %dma_wait3A_78] : memref<2x128x128xf32, #tpu.memory_space<vmem>> -> memref<1x128x128xf32, #tpu.memory_space<vmem>>
        %dma_wait3A_80 = tpu.memref_squeeze %dma_wait3A_79 : memref<1x128x128xf32, #tpu.memory_space<vmem>> -> memref<128x128xf32, #tpu.memory_space<vmem>>
        %dma_wait3A_81 = arith.constant 0 : i32
        %dma_wait3A_82 = tpu.memref_slice %arg11[%dma_wait3A_76, %dma_wait3A_81] : memref<8x128xi32, #tpu.memory_space<vmem>> -> memref<1x128xi32, #tpu.memory_space<vmem>>
        %dma_wait3A_83 = tpu.memref_squeeze %dma_wait3A_82 : memref<1x128xi32, #tpu.memory_space<vmem>> -> memref<128xi32, #tpu.memory_space<vmem>>
        %dma_wait3A_84 = arith.constant 0 : i32
        %dma_wait3A_85 = arith.constant 0 : i32
        %dma_wait3A_86 = tpu.memref_slice %arg9[%dma_wait3A_84, %dma_wait3A_85] : memref<10112x128xf32, #tpu.memory_space<vmem_shared>> -> memref<10112x128xf32, #tpu.memory_space<vmem_shared>>
        tpu.wait_indirect_dma semaphore(%arg14 : memref<!tpu.dma_semaphore, #tpu.memory_space<semaphore_mem>>) src(%dma_wait3A_80 : memref<128x128xf32, #tpu.memory_space<vmem>>) dst(%dma_wait3A_86 : memref<10112x128xf32, #tpu.memory_space<vmem_shared>>)
        %dma_start3A_87 = arith.constant 2 : i32
        %dma_start3A_88 = arith.constant 0 : i32
        %dma_start3A_89 = arith.constant 0 : i32
        %dma_start3A_90 = arith.constant 0 : i32
        %dma_start3A_91 = tpu.memref_slice %arg12[%dma_start3A_88, %dma_start3A_89, %dma_start3A_90] : memref<2x128x128xf32, #tpu.memory_space<vmem>> -> memref<1x128x128xf32, #tpu.memory_space<vmem>>
        %dma_start3A_92 = tpu.memref_squeeze %dma_start3A_91 : memref<1x128x128xf32, #tpu.memory_space<vmem>> -> memref<128x128xf32, #tpu.memory_space<vmem>>
        %dma_start3A_93 = arith.constant 0 : i32
        %dma_start3A_94 = tpu.memref_slice %arg10[%dma_start3A_87, %dma_start3A_93] : memref<8x128xi32, #tpu.memory_space<vmem>> -> memref<1x128xi32, #tpu.memory_space<vmem>>
        %dma_start3A_95 = tpu.memref_squeeze %dma_start3A_94 : memref<1x128xi32, #tpu.memory_space<vmem>> -> memref<128xi32, #tpu.memory_space<vmem>>
        %dma_start3A_96 = arith.constant 0 : i32
        %dma_start3A_97 = arith.constant 0 : i32
        %dma_start3A_98 = tpu.memref_slice %arg2[%dma_start3A_96, %dma_start3A_97] : memref<10000x128xf32, #tpu.memory_space<hbm>> -> memref<10000x128xf32, #tpu.memory_space<hbm>>
        tpu.enqueue_indirect_dma source(%dma_start3A_98 : memref<10000x128xf32, #tpu.memory_space<hbm>>) target(%dma_start3A_92 : memref<128x128xf32, #tpu.memory_space<vmem>>) offsets(%dma_start3A_95 : memref<128xi32, #tpu.memory_space<vmem>>) semaphore(%arg13 : memref<!tpu.dma_semaphore, #tpu.memory_space<semaphore_mem>>)
        %dma_start3A_99 = arith.constant 1 : i32
        %dma_start3A_100 = arith.constant 1 : i32
        %dma_start3A_101 = arith.constant 0 : i32
        %dma_start3A_102 = arith.constant 0 : i32
        %dma_start3A_103 = tpu.memref_slice %arg12[%dma_start3A_99, %dma_start3A_101, %dma_start3A_102] : memref<2x128x128xf32, #tpu.memory_space<vmem>> -> memref<1x128x128xf32, #tpu.memory_space<vmem>>
        %dma_start3A_104 = tpu.memref_squeeze %dma_start3A_103 : memref<1x128x128xf32, #tpu.memory_space<vmem>> -> memref<128x128xf32, #tpu.memory_space<vmem>>
        %dma_start3A_105 = arith.constant 0 : i32
        %dma_start3A_106 = tpu.memref_slice %arg11[%dma_start3A_100, %dma_start3A_105] : memref<8x128xi32, #tpu.memory_space<vmem>> -> memref<1x128xi32, #tpu.memory_space<vmem>>
        %dma_start3A_107 = tpu.memref_squeeze %dma_start3A_106 : memref<1x128xi32, #tpu.memory_space<vmem>> -> memref<128xi32, #tpu.memory_space<vmem>>
        %dma_start3A_108 = arith.constant 0 : i32
        %dma_start3A_109 = arith.constant 0 : i32
        %dma_start3A_110 = tpu.memref_slice %arg9[%dma_start3A_108, %dma_start3A_109] : memref<10112x128xf32, #tpu.memory_space<vmem_shared>> -> memref<10112x128xf32, #tpu.memory_space<vmem_shared>>
        tpu.enqueue_indirect_dma source(%dma_start3A_104 : memref<128x128xf32, #tpu.memory_space<vmem>>) target(%dma_start3A_110 : memref<10112x128xf32, #tpu.memory_space<vmem_shared>>) offsets(%dma_start3A_107 : memref<128xi32, #tpu.memory_space<vmem>>) semaphore(%arg14 : memref<!tpu.dma_semaphore, #tpu.memory_space<semaphore_mem>>) {add = true}
        %dma_wait3A_111 = arith.constant 2 : i32
        %dma_wait3A_112 = arith.constant 0 : i32
        %dma_wait3A_113 = arith.constant 0 : i32
        %dma_wait3A_114 = arith.constant 0 : i32
        %dma_wait3A_115 = tpu.memref_slice %arg12[%dma_wait3A_112, %dma_wait3A_113, %dma_wait3A_114] : memref<2x128x128xf32, #tpu.memory_space<vmem>> -> memref<1x128x128xf32, #tpu.memory_space<vmem>>
        %dma_wait3A_116 = tpu.memref_squeeze %dma_wait3A_115 : memref<1x128x128xf32, #tpu.memory_space<vmem>> -> memref<128x128xf32, #tpu.memory_space<vmem>>
        %dma_wait3A_117 = arith.constant 0 : i32
        %dma_wait3A_118 = tpu.memref_slice %arg10[%dma_wait3A_111, %dma_wait3A_117] : memref<8x128xi32, #tpu.memory_space<vmem>> -> memref<1x128xi32, #tpu.memory_space<vmem>>
        %dma_wait3A_119 = tpu.memref_squeeze %dma_wait3A_118 : memref<1x128xi32, #tpu.memory_space<vmem>> -> memref<128xi32, #tpu.memory_space<vmem>>
        %dma_wait3A_120 = arith.constant 0 : i32
        %dma_wait3A_121 = arith.constant 0 : i32
        %dma_wait3A_122 = tpu.memref_slice %arg2[%dma_wait3A_120, %dma_wait3A_121] : memref<10000x128xf32, #tpu.memory_space<hbm>> -> memref<10000x128xf32, #tpu.memory_space<hbm>>
        tpu.wait_indirect_dma semaphore(%arg13 : memref<!tpu.dma_semaphore, #tpu.memory_space<semaphore_mem>>) src(%dma_wait3A_122 : memref<10000x128xf32, #tpu.memory_space<hbm>>) dst(%dma_wait3A_116 : memref<128x128xf32, #tpu.memory_space<vmem>>)
        %dma_wait3A_123 = arith.constant 1 : i32
        %dma_wait3A_124 = arith.constant 1 : i32
        %dma_wait3A_125 = arith.constant 0 : i32
        %dma_wait3A_126 = arith.constant 0 : i32
        %dma_wait3A_127 = tpu.memref_slice %arg12[%dma_wait3A_123, %dma_wait3A_125, %dma_wait3A_126] : memref<2x128x128xf32, #tpu.memory_space<vmem>> -> memref<1x128x128xf32, #tpu.memory_space<vmem>>
        %dma_wait3A_128 = tpu.memref_squeeze %dma_wait3A_127 : memref<1x128x128xf32, #tpu.memory_space<vmem>> -> memref<128x128xf32, #tpu.memory_space<vmem>>
        %dma_wait3A_129 = arith.constant 0 : i32
        %dma_wait3A_130 = tpu.memref_slice %arg11[%dma_wait3A_124, %dma_wait3A_129] : memref<8x128xi32, #tpu.memory_space<vmem>> -> memref<1x128xi32, #tpu.memory_space<vmem>>
        %dma_wait3A_131 = tpu.memref_squeeze %dma_wait3A_130 : memref<1x128xi32, #tpu.memory_space<vmem>> -> memref<128xi32, #tpu.memory_space<vmem>>
        %dma_wait3A_132 = arith.constant 0 : i32
        %dma_wait3A_133 = arith.constant 0 : i32
        %dma_wait3A_134 = tpu.memref_slice %arg9[%dma_wait3A_132, %dma_wait3A_133] : memref<10112x128xf32, #tpu.memory_space<vmem_shared>> -> memref<10112x128xf32, #tpu.memory_space<vmem_shared>>
        tpu.wait_indirect_dma semaphore(%arg14 : memref<!tpu.dma_semaphore, #tpu.memory_space<semaphore_mem>>) src(%dma_wait3A_128 : memref<128x128xf32, #tpu.memory_space<vmem>>) dst(%dma_wait3A_134 : memref<10112x128xf32, #tpu.memory_space<vmem_shared>>)
        %dma_start3A_135 = arith.constant 3 : i32
        %dma_start3A_136 = arith.constant 1 : i32
        %dma_start3A_137 = arith.constant 0 : i32
        %dma_start3A_138 = arith.constant 0 : i32
        %dma_start3A_139 = tpu.memref_slice %arg12[%dma_start3A_136, %dma_start3A_137, %dma_start3A_138] : memref<2x128x128xf32, #tpu.memory_space<vmem>> -> memref<1x128x128xf32, #tpu.memory_space<vmem>>
        %dma_start3A_140 = tpu.memref_squeeze %dma_start3A_139 : memref<1x128x128xf32, #tpu.memory_space<vmem>> -> memref<128x128xf32, #tpu.memory_space<vmem>>
        %dma_start3A_141 = arith.constant 0 : i32
        %dma_start3A_142 = tpu.memref_slice %arg10[%dma_start3A_135, %dma_start3A_141] : memref<8x128xi32, #tpu.memory_space<vmem>> -> memref<1x128xi32, #tpu.memory_space<vmem>>
        %dma_start3A_143 = tpu.memref_squeeze %dma_start3A_142 : memref<1x128xi32, #tpu.memory_space<vmem>> -> memref<128xi32, #tpu.memory_space<vmem>>
        %dma_start3A_144 = arith.constant 0 : i32
        %dma_start3A_145 = arith.constant 0 : i32
        %dma_start3A_146 = tpu.memref_slice %arg2[%dma_start3A_144, %dma_start3A_145] : memref<10000x128xf32, #tpu.memory_space<hbm>> -> memref<10000x128xf32, #tpu.memory_space<hbm>>
        tpu.enqueue_indirect_dma source(%dma_start3A_146 : memref<10000x128xf32, #tpu.memory_space<hbm>>) target(%dma_start3A_140 : memref<128x128xf32, #tpu.memory_space<vmem>>) offsets(%dma_start3A_143 : memref<128xi32, #tpu.memory_space<vmem>>) semaphore(%arg13 : memref<!tpu.dma_semaphore, #tpu.memory_space<semaphore_mem>>)
        %dma_start3A_147 = arith.constant 0 : i32
        %dma_start3A_148 = arith.constant 2 : i32
        %dma_start3A_149 = arith.constant 0 : i32
        %dma_start3A_150 = arith.constant 0 : i32
        %dma_start3A_151 = tpu.memref_slice %arg12[%dma_start3A_147, %dma_start3A_149, %dma_start3A_150] : memref<2x128x128xf32, #tpu.memory_space<vmem>> -> memref<1x128x128xf32, #tpu.memory_space<vmem>>
        %dma_start3A_152 = tpu.memref_squeeze %dma_start3A_151 : memref<1x128x128xf32, #tpu.memory_space<vmem>> -> memref<128x128xf32, #tpu.memory_space<vmem>>
        %dma_start3A_153 = arith.constant 0 : i32
        %dma_start3A_154 = tpu.memref_slice %arg11[%dma_start3A_148, %dma_start3A_153] : memref<8x128xi32, #tpu.memory_space<vmem>> -> memref<1x128xi32, #tpu.memory_space<vmem>>
        %dma_start3A_155 = tpu.memref_squeeze %dma_start3A_154 : memref<1x128xi32, #tpu.memory_space<vmem>> -> memref<128xi32, #tpu.memory_space<vmem>>
        %dma_start3A_156 = arith.constant 0 : i32
        %dma_start3A_157 = arith.constant 0 : i32
        %dma_start3A_158 = tpu.memref_slice %arg9[%dma_start3A_156, %dma_start3A_157] : memref<10112x128xf32, #tpu.memory_space<vmem_shared>> -> memref<10112x128xf32, #tpu.memory_space<vmem_shared>>
        tpu.enqueue_indirect_dma source(%dma_start3A_152 : memref<128x128xf32, #tpu.memory_space<vmem>>) target(%dma_start3A_158 : memref<10112x128xf32, #tpu.memory_space<vmem_shared>>) offsets(%dma_start3A_155 : memref<128xi32, #tpu.memory_space<vmem>>) semaphore(%arg14 : memref<!tpu.dma_semaphore, #tpu.memory_space<semaphore_mem>>) {add = true}
        %dma_wait3A_159 = arith.constant 3 : i32
        %dma_wait3A_160 = arith.constant 1 : i32
        %dma_wait3A_161 = arith.constant 0 : i32
        %dma_wait3A_162 = arith.constant 0 : i32
        %dma_wait3A_163 = tpu.memref_slice %arg12[%dma_wait3A_160, %dma_wait3A_161, %dma_wait3A_162] : memref<2x128x128xf32, #tpu.memory_space<vmem>> -> memref<1x128x128xf32, #tpu.memory_space<vmem>>
        %dma_wait3A_164 = tpu.memref_squeeze %dma_wait3A_163 : memref<1x128x128xf32, #tpu.memory_space<vmem>> -> memref<128x128xf32, #tpu.memory_space<vmem>>
        %dma_wait3A_165 = arith.constant 0 : i32
        %dma_wait3A_166 = tpu.memref_slice %arg10[%dma_wait3A_159, %dma_wait3A_165] : memref<8x128xi32, #tpu.memory_space<vmem>> -> memref<1x128xi32, #tpu.memory_space<vmem>>
        %dma_wait3A_167 = tpu.memref_squeeze %dma_wait3A_166 : memref<1x128xi32, #tpu.memory_space<vmem>> -> memref<128xi32, #tpu.memory_space<vmem>>
        %dma_wait3A_168 = arith.constant 0 : i32
        %dma_wait3A_169 = arith.constant 0 : i32
        %dma_wait3A_170 = tpu.memref_slice %arg2[%dma_wait3A_168, %dma_wait3A_169] : memref<10000x128xf32, #tpu.memory_space<hbm>> -> memref<10000x128xf32, #tpu.memory_space<hbm>>
        tpu.wait_indirect_dma semaphore(%arg13 : memref<!tpu.dma_semaphore, #tpu.memory_space<semaphore_mem>>) src(%dma_wait3A_170 : memref<10000x128xf32, #tpu.memory_space<hbm>>) dst(%dma_wait3A_164 : memref<128x128xf32, #tpu.memory_space<vmem>>)
        %dma_wait3A_171 = arith.constant 0 : i32
        %dma_wait3A_172 = arith.constant 2 : i32
        %dma_wait3A_173 = arith.constant 0 : i32
        %dma_wait3A_174 = arith.constant 0 : i32
        %dma_wait3A_175 = tpu.memref_slice %arg12[%dma_wait3A_171, %dma_wait3A_173, %dma_wait3A_174] : memref<2x128x128xf32, #tpu.memory_space<vmem>> -> memref<1x128x128xf32, #tpu.memory_space<vmem>>
        %dma_wait3A_176 = tpu.memref_squeeze %dma_wait3A_175 : memref<1x128x128xf32, #tpu.memory_space<vmem>> -> memref<128x128xf32, #tpu.memory_space<vmem>>
        %dma_wait3A_177 = arith.constant 0 : i32
        %dma_wait3A_178 = tpu.memref_slice %arg11[%dma_wait3A_172, %dma_wait3A_177] : memref<8x128xi32, #tpu.memory_space<vmem>> -> memref<1x128xi32, #tpu.memory_space<vmem>>
        %dma_wait3A_179 = tpu.memref_squeeze %dma_wait3A_178 : memref<1x128xi32, #tpu.memory_space<vmem>> -> memref<128xi32, #tpu.memory_space<vmem>>
        %dma_wait3A_180 = arith.constant 0 : i32
        %dma_wait3A_181 = arith.constant 0 : i32
        %dma_wait3A_182 = tpu.memref_slice %arg9[%dma_wait3A_180, %dma_wait3A_181] : memref<10112x128xf32, #tpu.memory_space<vmem_shared>> -> memref<10112x128xf32, #tpu.memory_space<vmem_shared>>
        tpu.wait_indirect_dma semaphore(%arg14 : memref<!tpu.dma_semaphore, #tpu.memory_space<semaphore_mem>>) src(%dma_wait3A_176 : memref<128x128xf32, #tpu.memory_space<vmem>>) dst(%dma_wait3A_182 : memref<10112x128xf32, #tpu.memory_space<vmem_shared>>)
        %dma_start3A_183 = arith.constant 4 : i32
        %dma_start3A_184 = arith.constant 0 : i32
        %dma_start3A_185 = arith.constant 0 : i32
        %dma_start3A_186 = arith.constant 0 : i32
        %dma_start3A_187 = tpu.memref_slice %arg12[%dma_start3A_184, %dma_start3A_185, %dma_start3A_186] : memref<2x128x128xf32, #tpu.memory_space<vmem>> -> memref<1x128x128xf32, #tpu.memory_space<vmem>>
        %dma_start3A_188 = tpu.memref_squeeze %dma_start3A_187 : memref<1x128x128xf32, #tpu.memory_space<vmem>> -> memref<128x128xf32, #tpu.memory_space<vmem>>
        %dma_start3A_189 = arith.constant 0 : i32
        %dma_start3A_190 = tpu.memref_slice %arg10[%dma_start3A_183, %dma_start3A_189] : memref<8x128xi32, #tpu.memory_space<vmem>> -> memref<1x128xi32, #tpu.memory_space<vmem>>
        %dma_start3A_191 = tpu.memref_squeeze %dma_start3A_190 : memref<1x128xi32, #tpu.memory_space<vmem>> -> memref<128xi32, #tpu.memory_space<vmem>>
        %dma_start3A_192 = arith.constant 0 : i32
        %dma_start3A_193 = arith.constant 0 : i32
        %dma_start3A_194 = tpu.memref_slice %arg2[%dma_start3A_192, %dma_start3A_193] : memref<10000x128xf32, #tpu.memory_space<hbm>> -> memref<10000x128xf32, #tpu.memory_space<hbm>>
        tpu.enqueue_indirect_dma source(%dma_start3A_194 : memref<10000x128xf32, #tpu.memory_space<hbm>>) target(%dma_start3A_188 : memref<128x128xf32, #tpu.memory_space<vmem>>) offsets(%dma_start3A_191 : memref<128xi32, #tpu.memory_space<vmem>>) semaphore(%arg13 : memref<!tpu.dma_semaphore, #tpu.memory_space<semaphore_mem>>)
        %dma_start3A_195 = arith.constant 1 : i32
        %dma_start3A_196 = arith.constant 3 : i32
        %dma_start3A_197 = arith.constant 0 : i32
        %dma_start3A_198 = arith.constant 0 : i32
        %dma_start3A_199 = tpu.memref_slice %arg12[%dma_start3A_195, %dma_start3A_197, %dma_start3A_198] : memref<2x128x128xf32, #tpu.memory_space<vmem>> -> memref<1x128x128xf32, #tpu.memory_space<vmem>>
        %dma_start3A_200 = tpu.memref_squeeze %dma_start3A_199 : memref<1x128x128xf32, #tpu.memory_space<vmem>> -> memref<128x128xf32, #tpu.memory_space<vmem>>
        %dma_start3A_201 = arith.constant 0 : i32
        %dma_start3A_202 = tpu.memref_slice %arg11[%dma_start3A_196, %dma_start3A_201] : memref<8x128xi32, #tpu.memory_space<vmem>> -> memref<1x128xi32, #tpu.memory_space<vmem>>
        %dma_start3A_203 = tpu.memref_squeeze %dma_start3A_202 : memref<1x128xi32, #tpu.memory_space<vmem>> -> memref<128xi32, #tpu.memory_space<vmem>>
        %dma_start3A_204 = arith.constant 0 : i32
        %dma_start3A_205 = arith.constant 0 : i32
        %dma_start3A_206 = tpu.memref_slice %arg9[%dma_start3A_204, %dma_start3A_205] : memref<10112x128xf32, #tpu.memory_space<vmem_shared>> -> memref<10112x128xf32, #tpu.memory_space<vmem_shared>>
        tpu.enqueue_indirect_dma source(%dma_start3A_200 : memref<128x128xf32, #tpu.memory_space<vmem>>) target(%dma_start3A_206 : memref<10112x128xf32, #tpu.memory_space<vmem_shared>>) offsets(%dma_start3A_203 : memref<128xi32, #tpu.memory_space<vmem>>) semaphore(%arg14 : memref<!tpu.dma_semaphore, #tpu.memory_space<semaphore_mem>>) {add = true}
        %dma_wait3A_207 = arith.constant 4 : i32
        %dma_wait3A_208 = arith.constant 0 : i32
        %dma_wait3A_209 = arith.constant 0 : i32
        %dma_wait3A_210 = arith.constant 0 : i32
        %dma_wait3A_211 = tpu.memref_slice %arg12[%dma_wait3A_208, %dma_wait3A_209, %dma_wait3A_210] : memref<2x128x128xf32, #tpu.memory_space<vmem>> -> memref<1x128x128xf32, #tpu.memory_space<vmem>>
        %dma_wait3A_212 = tpu.memref_squeeze %dma_wait3A_211 : memref<1x128x128xf32, #tpu.memory_space<vmem>> -> memref<128x128xf32, #tpu.memory_space<vmem>>
        %dma_wait3A_213 = arith.constant 0 : i32
        %dma_wait3A_214 = tpu.memref_slice %arg10[%dma_wait3A_207, %dma_wait3A_213] : memref<8x128xi32, #tpu.memory_space<vmem>> -> memref<1x128xi32, #tpu.memory_space<vmem>>
        %dma_wait3A_215 = tpu.memref_squeeze %dma_wait3A_214 : memref<1x128xi32, #tpu.memory_space<vmem>> -> memref<128xi32, #tpu.memory_space<vmem>>
        %dma_wait3A_216 = arith.constant 0 : i32
        %dma_wait3A_217 = arith.constant 0 : i32
        %dma_wait3A_218 = tpu.memref_slice %arg2[%dma_wait3A_216, %dma_wait3A_217] : memref<10000x128xf32, #tpu.memory_space<hbm>> -> memref<10000x128xf32, #tpu.memory_space<hbm>>
        tpu.wait_indirect_dma semaphore(%arg13 : memref<!tpu.dma_semaphore, #tpu.memory_space<semaphore_mem>>) src(%dma_wait3A_218 : memref<10000x128xf32, #tpu.memory_space<hbm>>) dst(%dma_wait3A_212 : memref<128x128xf32, #tpu.memory_space<vmem>>)
        %dma_wait3A_219 = arith.constant 1 : i32
        %dma_wait3A_220 = arith.constant 3 : i32
        %dma_wait3A_221 = arith.constant 0 : i32
        %dma_wait3A_222 = arith.constant 0 : i32
        %dma_wait3A_223 = tpu.memref_slice %arg12[%dma_wait3A_219, %dma_wait3A_221, %dma_wait3A_222] : memref<2x128x128xf32, #tpu.memory_space<vmem>> -> memref<1x128x128xf32, #tpu.memory_space<vmem>>
        %dma_wait3A_224 = tpu.memref_squeeze %dma_wait3A_223 : memref<1x128x128xf32, #tpu.memory_space<vmem>> -> memref<128x128xf32, #tpu.memory_space<vmem>>
        %dma_wait3A_225 = arith.constant 0 : i32
        %dma_wait3A_226 = tpu.memref_slice %arg11[%dma_wait3A_220, %dma_wait3A_225] : memref<8x128xi32, #tpu.memory_space<vmem>> -> memref<1x128xi32, #tpu.memory_space<vmem>>
        %dma_wait3A_227 = tpu.memref_squeeze %dma_wait3A_226 : memref<1x128xi32, #tpu.memory_space<vmem>> -> memref<128xi32, #tpu.memory_space<vmem>>
        %dma_wait3A_228 = arith.constant 0 : i32
        %dma_wait3A_229 = arith.constant 0 : i32
        %dma_wait3A_230 = tpu.memref_slice %arg9[%dma_wait3A_228, %dma_wait3A_229] : memref<10112x128xf32, #tpu.memory_space<vmem_shared>> -> memref<10112x128xf32, #tpu.memory_space<vmem_shared>>
        tpu.wait_indirect_dma semaphore(%arg14 : memref<!tpu.dma_semaphore, #tpu.memory_space<semaphore_mem>>) src(%dma_wait3A_224 : memref<128x128xf32, #tpu.memory_space<vmem>>) dst(%dma_wait3A_230 : memref<10112x128xf32, #tpu.memory_space<vmem_shared>>)
        %dma_start3A_231 = arith.constant 5 : i32
        %dma_start3A_232 = arith.constant 1 : i32
        %dma_start3A_233 = arith.constant 0 : i32
        %dma_start3A_234 = arith.constant 0 : i32
        %dma_start3A_235 = tpu.memref_slice %arg12[%dma_start3A_232, %dma_start3A_233, %dma_start3A_234] : memref<2x128x128xf32, #tpu.memory_space<vmem>> -> memref<1x128x128xf32, #tpu.memory_space<vmem>>
        %dma_start3A_236 = tpu.memref_squeeze %dma_start3A_235 : memref<1x128x128xf32, #tpu.memory_space<vmem>> -> memref<128x128xf32, #tpu.memory_space<vmem>>
        %dma_start3A_237 = arith.constant 0 : i32
        %dma_start3A_238 = tpu.memref_slice %arg10[%dma_start3A_231, %dma_start3A_237] : memref<8x128xi32, #tpu.memory_space<vmem>> -> memref<1x128xi32, #tpu.memory_space<vmem>>
        %dma_start3A_239 = tpu.memref_squeeze %dma_start3A_238 : memref<1x128xi32, #tpu.memory_space<vmem>> -> memref<128xi32, #tpu.memory_space<vmem>>
        %dma_start3A_240 = arith.constant 0 : i32
        %dma_start3A_241 = arith.constant 0 : i32
        %dma_start3A_242 = tpu.memref_slice %arg2[%dma_start3A_240, %dma_start3A_241] : memref<10000x128xf32, #tpu.memory_space<hbm>> -> memref<10000x128xf32, #tpu.memory_space<hbm>>
        tpu.enqueue_indirect_dma source(%dma_start3A_242 : memref<10000x128xf32, #tpu.memory_space<hbm>>) target(%dma_start3A_236 : memref<128x128xf32, #tpu.memory_space<vmem>>) offsets(%dma_start3A_239 : memref<128xi32, #tpu.memory_space<vmem>>) semaphore(%arg13 : memref<!tpu.dma_semaphore, #tpu.memory_space<semaphore_mem>>)
        %dma_start3A_243 = arith.constant 0 : i32
        %dma_start3A_244 = arith.constant 4 : i32
        %dma_start3A_245 = arith.constant 0 : i32
        %dma_start3A_246 = arith.constant 0 : i32
        %dma_start3A_247 = tpu.memref_slice %arg12[%dma_start3A_243, %dma_start3A_245, %dma_start3A_246] : memref<2x128x128xf32, #tpu.memory_space<vmem>> -> memref<1x128x128xf32, #tpu.memory_space<vmem>>
        %dma_start3A_248 = tpu.memref_squeeze %dma_start3A_247 : memref<1x128x128xf32, #tpu.memory_space<vmem>> -> memref<128x128xf32, #tpu.memory_space<vmem>>
        %dma_start3A_249 = arith.constant 0 : i32
        %dma_start3A_250 = tpu.memref_slice %arg11[%dma_start3A_244, %dma_start3A_249] : memref<8x128xi32, #tpu.memory_space<vmem>> -> memref<1x128xi32, #tpu.memory_space<vmem>>
        %dma_start3A_251 = tpu.memref_squeeze %dma_start3A_250 : memref<1x128xi32, #tpu.memory_space<vmem>> -> memref<128xi32, #tpu.memory_space<vmem>>
        %dma_start3A_252 = arith.constant 0 : i32
        %dma_start3A_253 = arith.constant 0 : i32
        %dma_start3A_254 = tpu.memref_slice %arg9[%dma_start3A_252, %dma_start3A_253] : memref<10112x128xf32, #tpu.memory_space<vmem_shared>> -> memref<10112x128xf32, #tpu.memory_space<vmem_shared>>
        tpu.enqueue_indirect_dma source(%dma_start3A_248 : memref<128x128xf32, #tpu.memory_space<vmem>>) target(%dma_start3A_254 : memref<10112x128xf32, #tpu.memory_space<vmem_shared>>) offsets(%dma_start3A_251 : memref<128xi32, #tpu.memory_space<vmem>>) semaphore(%arg14 : memref<!tpu.dma_semaphore, #tpu.memory_space<semaphore_mem>>) {add = true}
        %dma_wait3A_255 = arith.constant 5 : i32
        %dma_wait3A_256 = arith.constant 1 : i32
        %dma_wait3A_257 = arith.constant 0 : i32
        %dma_wait3A_258 = arith.constant 0 : i32
        %dma_wait3A_259 = tpu.memref_slice %arg12[%dma_wait3A_256, %dma_wait3A_257, %dma_wait3A_258] : memref<2x128x128xf32, #tpu.memory_space<vmem>> -> memref<1x128x128xf32, #tpu.memory_space<vmem>>
        %dma_wait3A_260 = tpu.memref_squeeze %dma_wait3A_259 : memref<1x128x128xf32, #tpu.memory_space<vmem>> -> memref<128x128xf32, #tpu.memory_space<vmem>>
        %dma_wait3A_261 = arith.constant 0 : i32
        %dma_wait3A_262 = tpu.memref_slice %arg10[%dma_wait3A_255, %dma_wait3A_261] : memref<8x128xi32, #tpu.memory_space<vmem>> -> memref<1x128xi32, #tpu.memory_space<vmem>>
        %dma_wait3A_263 = tpu.memref_squeeze %dma_wait3A_262 : memref<1x128xi32, #tpu.memory_space<vmem>> -> memref<128xi32, #tpu.memory_space<vmem>>
        %dma_wait3A_264 = arith.constant 0 : i32
        %dma_wait3A_265 = arith.constant 0 : i32
        %dma_wait3A_266 = tpu.memref_slice %arg2[%dma_wait3A_264, %dma_wait3A_265] : memref<10000x128xf32, #tpu.memory_space<hbm>> -> memref<10000x128xf32, #tpu.memory_space<hbm>>
        tpu.wait_indirect_dma semaphore(%arg13 : memref<!tpu.dma_semaphore, #tpu.memory_space<semaphore_mem>>) src(%dma_wait3A_266 : memref<10000x128xf32, #tpu.memory_space<hbm>>) dst(%dma_wait3A_260 : memref<128x128xf32, #tpu.memory_space<vmem>>)
        %dma_wait3A_267 = arith.constant 0 : i32
        %dma_wait3A_268 = arith.constant 4 : i32
        %dma_wait3A_269 = arith.constant 0 : i32
        %dma_wait3A_270 = arith.constant 0 : i32
        %dma_wait3A_271 = tpu.memref_slice %arg12[%dma_wait3A_267, %dma_wait3A_269, %dma_wait3A_270] : memref<2x128x128xf32, #tpu.memory_space<vmem>> -> memref<1x128x128xf32, #tpu.memory_space<vmem>>
        %dma_wait3A_272 = tpu.memref_squeeze %dma_wait3A_271 : memref<1x128x128xf32, #tpu.memory_space<vmem>> -> memref<128x128xf32, #tpu.memory_space<vmem>>
        %dma_wait3A_273 = arith.constant 0 : i32
        %dma_wait3A_274 = tpu.memref_slice %arg11[%dma_wait3A_268, %dma_wait3A_273] : memref<8x128xi32, #tpu.memory_space<vmem>> -> memref<1x128xi32, #tpu.memory_space<vmem>>
        %dma_wait3A_275 = tpu.memref_squeeze %dma_wait3A_274 : memref<1x128xi32, #tpu.memory_space<vmem>> -> memref<128xi32, #tpu.memory_space<vmem>>
        %dma_wait3A_276 = arith.constant 0 : i32
        %dma_wait3A_277 = arith.constant 0 : i32
        %dma_wait3A_278 = tpu.memref_slice %arg9[%dma_wait3A_276, %dma_wait3A_277] : memref<10112x128xf32, #tpu.memory_space<vmem_shared>> -> memref<10112x128xf32, #tpu.memory_space<vmem_shared>>
        tpu.wait_indirect_dma semaphore(%arg14 : memref<!tpu.dma_semaphore, #tpu.memory_space<semaphore_mem>>) src(%dma_wait3A_272 : memref<128x128xf32, #tpu.memory_space<vmem>>) dst(%dma_wait3A_278 : memref<10112x128xf32, #tpu.memory_space<vmem_shared>>)
        %dma_start3A_279 = arith.constant 6 : i32
        %dma_start3A_280 = arith.constant 0 : i32
        %dma_start3A_281 = arith.constant 0 : i32
        %dma_start3A_282 = arith.constant 0 : i32
        %dma_start3A_283 = tpu.memref_slice %arg12[%dma_start3A_280, %dma_start3A_281, %dma_start3A_282] : memref<2x128x128xf32, #tpu.memory_space<vmem>> -> memref<1x128x128xf32, #tpu.memory_space<vmem>>
        %dma_start3A_284 = tpu.memref_squeeze %dma_start3A_283 : memref<1x128x128xf32, #tpu.memory_space<vmem>> -> memref<128x128xf32, #tpu.memory_space<vmem>>
        %dma_start3A_285 = arith.constant 0 : i32
        %dma_start3A_286 = tpu.memref_slice %arg10[%dma_start3A_279, %dma_start3A_285] : memref<8x128xi32, #tpu.memory_space<vmem>> -> memref<1x128xi32, #tpu.memory_space<vmem>>
        %dma_start3A_287 = tpu.memref_squeeze %dma_start3A_286 : memref<1x128xi32, #tpu.memory_space<vmem>> -> memref<128xi32, #tpu.memory_space<vmem>>
        %dma_start3A_288 = arith.constant 0 : i32
        %dma_start3A_289 = arith.constant 0 : i32
        %dma_start3A_290 = tpu.memref_slice %arg2[%dma_start3A_288, %dma_start3A_289] : memref<10000x128xf32, #tpu.memory_space<hbm>> -> memref<10000x128xf32, #tpu.memory_space<hbm>>
        tpu.enqueue_indirect_dma source(%dma_start3A_290 : memref<10000x128xf32, #tpu.memory_space<hbm>>) target(%dma_start3A_284 : memref<128x128xf32, #tpu.memory_space<vmem>>) offsets(%dma_start3A_287 : memref<128xi32, #tpu.memory_space<vmem>>) semaphore(%arg13 : memref<!tpu.dma_semaphore, #tpu.memory_space<semaphore_mem>>)
        %dma_start3A_291 = arith.constant 1 : i32
        %dma_start3A_292 = arith.constant 5 : i32
        %dma_start3A_293 = arith.constant 0 : i32
        %dma_start3A_294 = arith.constant 0 : i32
        %dma_start3A_295 = tpu.memref_slice %arg12[%dma_start3A_291, %dma_start3A_293, %dma_start3A_294] : memref<2x128x128xf32, #tpu.memory_space<vmem>> -> memref<1x128x128xf32, #tpu.memory_space<vmem>>
        %dma_start3A_296 = tpu.memref_squeeze %dma_start3A_295 : memref<1x128x128xf32, #tpu.memory_space<vmem>> -> memref<128x128xf32, #tpu.memory_space<vmem>>
        %dma_start3A_297 = arith.constant 0 : i32
        %dma_start3A_298 = tpu.memref_slice %arg11[%dma_start3A_292, %dma_start3A_297] : memref<8x128xi32, #tpu.memory_space<vmem>> -> memref<1x128xi32, #tpu.memory_space<vmem>>
        %dma_start3A_299 = tpu.memref_squeeze %dma_start3A_298 : memref<1x128xi32, #tpu.memory_space<vmem>> -> memref<128xi32, #tpu.memory_space<vmem>>
        %dma_start3A_300 = arith.constant 0 : i32
        %dma_start3A_301 = arith.constant 0 : i32
        %dma_start3A_302 = tpu.memref_slice %arg9[%dma_start3A_300, %dma_start3A_301] : memref<10112x128xf32, #tpu.memory_space<vmem_shared>> -> memref<10112x128xf32, #tpu.memory_space<vmem_shared>>
        tpu.enqueue_indirect_dma source(%dma_start3A_296 : memref<128x128xf32, #tpu.memory_space<vmem>>) target(%dma_start3A_302 : memref<10112x128xf32, #tpu.memory_space<vmem_shared>>) offsets(%dma_start3A_299 : memref<128xi32, #tpu.memory_space<vmem>>) semaphore(%arg14 : memref<!tpu.dma_semaphore, #tpu.memory_space<semaphore_mem>>) {add = true}
        %dma_wait3A_303 = arith.constant 6 : i32
        %dma_wait3A_304 = arith.constant 0 : i32
        %dma_wait3A_305 = arith.constant 0 : i32
        %dma_wait3A_306 = arith.constant 0 : i32
        %dma_wait3A_307 = tpu.memref_slice %arg12[%dma_wait3A_304, %dma_wait3A_305, %dma_wait3A_306] : memref<2x128x128xf32, #tpu.memory_space<vmem>> -> memref<1x128x128xf32, #tpu.memory_space<vmem>>
        %dma_wait3A_308 = tpu.memref_squeeze %dma_wait3A_307 : memref<1x128x128xf32, #tpu.memory_space<vmem>> -> memref<128x128xf32, #tpu.memory_space<vmem>>
        %dma_wait3A_309 = arith.constant 0 : i32
        %dma_wait3A_310 = tpu.memref_slice %arg10[%dma_wait3A_303, %dma_wait3A_309] : memref<8x128xi32, #tpu.memory_space<vmem>> -> memref<1x128xi32, #tpu.memory_space<vmem>>
        %dma_wait3A_311 = tpu.memref_squeeze %dma_wait3A_310 : memref<1x128xi32, #tpu.memory_space<vmem>> -> memref<128xi32, #tpu.memory_space<vmem>>
        %dma_wait3A_312 = arith.constant 0 : i32
        %dma_wait3A_313 = arith.constant 0 : i32
        %dma_wait3A_314 = tpu.memref_slice %arg2[%dma_wait3A_312, %dma_wait3A_313] : memref<10000x128xf32, #tpu.memory_space<hbm>> -> memref<10000x128xf32, #tpu.memory_space<hbm>>
        tpu.wait_indirect_dma semaphore(%arg13 : memref<!tpu.dma_semaphore, #tpu.memory_space<semaphore_mem>>) src(%dma_wait3A_314 : memref<10000x128xf32, #tpu.memory_space<hbm>>) dst(%dma_wait3A_308 : memref<128x128xf32, #tpu.memory_space<vmem>>)
        %dma_wait3A_315 = arith.constant 1 : i32
        %dma_wait3A_316 = arith.constant 5 : i32
        %dma_wait3A_317 = arith.constant 0 : i32
        %dma_wait3A_318 = arith.constant 0 : i32
        %dma_wait3A_319 = tpu.memref_slice %arg12[%dma_wait3A_315, %dma_wait3A_317, %dma_wait3A_318] : memref<2x128x128xf32, #tpu.memory_space<vmem>> -> memref<1x128x128xf32, #tpu.memory_space<vmem>>
        %dma_wait3A_320 = tpu.memref_squeeze %dma_wait3A_319 : memref<1x128x128xf32, #tpu.memory_space<vmem>> -> memref<128x128xf32, #tpu.memory_space<vmem>>
        %dma_wait3A_321 = arith.constant 0 : i32
        %dma_wait3A_322 = tpu.memref_slice %arg11[%dma_wait3A_316, %dma_wait3A_321] : memref<8x128xi32, #tpu.memory_space<vmem>> -> memref<1x128xi32, #tpu.memory_space<vmem>>
        %dma_wait3A_323 = tpu.memref_squeeze %dma_wait3A_322 : memref<1x128xi32, #tpu.memory_space<vmem>> -> memref<128xi32, #tpu.memory_space<vmem>>
        %dma_wait3A_324 = arith.constant 0 : i32
        %dma_wait3A_325 = arith.constant 0 : i32
        %dma_wait3A_326 = tpu.memref_slice %arg9[%dma_wait3A_324, %dma_wait3A_325] : memref<10112x128xf32, #tpu.memory_space<vmem_shared>> -> memref<10112x128xf32, #tpu.memory_space<vmem_shared>>
        tpu.wait_indirect_dma semaphore(%arg14 : memref<!tpu.dma_semaphore, #tpu.memory_space<semaphore_mem>>) src(%dma_wait3A_320 : memref<128x128xf32, #tpu.memory_space<vmem>>) dst(%dma_wait3A_326 : memref<10112x128xf32, #tpu.memory_space<vmem_shared>>)
        %dma_start3A_327 = arith.constant 7 : i32
        %dma_start3A_328 = arith.constant 1 : i32
        %dma_start3A_329 = arith.constant 0 : i32
        %dma_start3A_330 = arith.constant 0 : i32
        %dma_start3A_331 = tpu.memref_slice %arg12[%dma_start3A_328, %dma_start3A_329, %dma_start3A_330] : memref<2x128x128xf32, #tpu.memory_space<vmem>> -> memref<1x128x128xf32, #tpu.memory_space<vmem>>
        %dma_start3A_332 = tpu.memref_squeeze %dma_start3A_331 : memref<1x128x128xf32, #tpu.memory_space<vmem>> -> memref<128x128xf32, #tpu.memory_space<vmem>>
        %dma_start3A_333 = arith.constant 0 : i32
        %dma_start3A_334 = tpu.memref_slice %arg10[%dma_start3A_327, %dma_start3A_333] : memref<8x128xi32, #tpu.memory_space<vmem>> -> memref<1x128xi32, #tpu.memory_space<vmem>>
        %dma_start3A_335 = tpu.memref_squeeze %dma_start3A_334 : memref<1x128xi32, #tpu.memory_space<vmem>> -> memref<128xi32, #tpu.memory_space<vmem>>
        %dma_start3A_336 = arith.constant 0 : i32
        %dma_start3A_337 = arith.constant 0 : i32
        %dma_start3A_338 = tpu.memref_slice %arg2[%dma_start3A_336, %dma_start3A_337] : memref<10000x128xf32, #tpu.memory_space<hbm>> -> memref<10000x128xf32, #tpu.memory_space<hbm>>
        tpu.enqueue_indirect_dma source(%dma_start3A_338 : memref<10000x128xf32, #tpu.memory_space<hbm>>) target(%dma_start3A_332 : memref<128x128xf32, #tpu.memory_space<vmem>>) offsets(%dma_start3A_335 : memref<128xi32, #tpu.memory_space<vmem>>) semaphore(%arg13 : memref<!tpu.dma_semaphore, #tpu.memory_space<semaphore_mem>>)
        %dma_start3A_339 = arith.constant 0 : i32
        %dma_start3A_340 = arith.constant 6 : i32
        %dma_start3A_341 = arith.constant 0 : i32
        %dma_start3A_342 = arith.constant 0 : i32
        %dma_start3A_343 = tpu.memref_slice %arg12[%dma_start3A_339, %dma_start3A_341, %dma_start3A_342] : memref<2x128x128xf32, #tpu.memory_space<vmem>> -> memref<1x128x128xf32, #tpu.memory_space<vmem>>
        %dma_start3A_344 = tpu.memref_squeeze %dma_start3A_343 : memref<1x128x128xf32, #tpu.memory_space<vmem>> -> memref<128x128xf32, #tpu.memory_space<vmem>>
        %dma_start3A_345 = arith.constant 0 : i32
        %dma_start3A_346 = tpu.memref_slice %arg11[%dma_start3A_340, %dma_start3A_345] : memref<8x128xi32, #tpu.memory_space<vmem>> -> memref<1x128xi32, #tpu.memory_space<vmem>>
        %dma_start3A_347 = tpu.memref_squeeze %dma_start3A_346 : memref<1x128xi32, #tpu.memory_space<vmem>> -> memref<128xi32, #tpu.memory_space<vmem>>
        %dma_start3A_348 = arith.constant 0 : i32
        %dma_start3A_349 = arith.constant 0 : i32
        %dma_start3A_350 = tpu.memref_slice %arg9[%dma_start3A_348, %dma_start3A_349] : memref<10112x128xf32, #tpu.memory_space<vmem_shared>> -> memref<10112x128xf32, #tpu.memory_space<vmem_shared>>
        tpu.enqueue_indirect_dma source(%dma_start3A_344 : memref<128x128xf32, #tpu.memory_space<vmem>>) target(%dma_start3A_350 : memref<10112x128xf32, #tpu.memory_space<vmem_shared>>) offsets(%dma_start3A_347 : memref<128xi32, #tpu.memory_space<vmem>>) semaphore(%arg14 : memref<!tpu.dma_semaphore, #tpu.memory_space<semaphore_mem>>) {add = true}
        %dma_wait3A_351 = arith.constant 7 : i32
        %dma_wait3A_352 = arith.constant 1 : i32
        %dma_wait3A_353 = arith.constant 0 : i32
        %dma_wait3A_354 = arith.constant 0 : i32
        %dma_wait3A_355 = tpu.memref_slice %arg12[%dma_wait3A_352, %dma_wait3A_353, %dma_wait3A_354] : memref<2x128x128xf32, #tpu.memory_space<vmem>> -> memref<1x128x128xf32, #tpu.memory_space<vmem>>
        %dma_wait3A_356 = tpu.memref_squeeze %dma_wait3A_355 : memref<1x128x128xf32, #tpu.memory_space<vmem>> -> memref<128x128xf32, #tpu.memory_space<vmem>>
        %dma_wait3A_357 = arith.constant 0 : i32
        %dma_wait3A_358 = tpu.memref_slice %arg10[%dma_wait3A_351, %dma_wait3A_357] : memref<8x128xi32, #tpu.memory_space<vmem>> -> memref<1x128xi32, #tpu.memory_space<vmem>>
        %dma_wait3A_359 = tpu.memref_squeeze %dma_wait3A_358 : memref<1x128xi32, #tpu.memory_space<vmem>> -> memref<128xi32, #tpu.memory_space<vmem>>
        %dma_wait3A_360 = arith.constant 0 : i32
        %dma_wait3A_361 = arith.constant 0 : i32
        %dma_wait3A_362 = tpu.memref_slice %arg2[%dma_wait3A_360, %dma_wait3A_361] : memref<10000x128xf32, #tpu.memory_space<hbm>> -> memref<10000x128xf32, #tpu.memory_space<hbm>>
        tpu.wait_indirect_dma semaphore(%arg13 : memref<!tpu.dma_semaphore, #tpu.memory_space<semaphore_mem>>) src(%dma_wait3A_362 : memref<10000x128xf32, #tpu.memory_space<hbm>>) dst(%dma_wait3A_356 : memref<128x128xf32, #tpu.memory_space<vmem>>)
        %dma_start3A_363 = arith.constant 1 : i32
        %dma_start3A_364 = arith.constant 7 : i32
        %dma_start3A_365 = arith.constant 0 : i32
        %dma_start3A_366 = arith.constant 0 : i32
        %dma_start3A_367 = tpu.memref_slice %arg12[%dma_start3A_363, %dma_start3A_365, %dma_start3A_366] : memref<2x128x128xf32, #tpu.memory_space<vmem>> -> memref<1x128x128xf32, #tpu.memory_space<vmem>>
        %dma_start3A_368 = tpu.memref_squeeze %dma_start3A_367 : memref<1x128x128xf32, #tpu.memory_space<vmem>> -> memref<128x128xf32, #tpu.memory_space<vmem>>
        %dma_start3A_369 = arith.constant 0 : i32
        %dma_start3A_370 = tpu.memref_slice %arg11[%dma_start3A_364, %dma_start3A_369] : memref<8x128xi32, #tpu.memory_space<vmem>> -> memref<1x128xi32, #tpu.memory_space<vmem>>
        %dma_start3A_371 = tpu.memref_squeeze %dma_start3A_370 : memref<1x128xi32, #tpu.memory_space<vmem>> -> memref<128xi32, #tpu.memory_space<vmem>>
        %dma_start3A_372 = arith.constant 0 : i32
        %dma_start3A_373 = arith.constant 0 : i32
        %dma_start3A_374 = tpu.memref_slice %arg9[%dma_start3A_372, %dma_start3A_373] : memref<10112x128xf32, #tpu.memory_space<vmem_shared>> -> memref<10112x128xf32, #tpu.memory_space<vmem_shared>>
        tpu.enqueue_indirect_dma source(%dma_start3A_368 : memref<128x128xf32, #tpu.memory_space<vmem>>) target(%dma_start3A_374 : memref<10112x128xf32, #tpu.memory_space<vmem_shared>>) offsets(%dma_start3A_371 : memref<128xi32, #tpu.memory_space<vmem>>) semaphore(%arg14 : memref<!tpu.dma_semaphore, #tpu.memory_space<semaphore_mem>>) {add = true}
        %dma_wait3A_375 = arith.constant 0 : i32
        %dma_wait3A_376 = arith.constant 6 : i32
        %dma_wait3A_377 = arith.constant 0 : i32
        %dma_wait3A_378 = arith.constant 0 : i32
        %dma_wait3A_379 = tpu.memref_slice %arg12[%dma_wait3A_375, %dma_wait3A_377, %dma_wait3A_378] : memref<2x128x128xf32, #tpu.memory_space<vmem>> -> memref<1x128x128xf32, #tpu.memory_space<vmem>>
        %dma_wait3A_380 = tpu.memref_squeeze %dma_wait3A_379 : memref<1x128x128xf32, #tpu.memory_space<vmem>> -> memref<128x128xf32, #tpu.memory_space<vmem>>
        %dma_wait3A_381 = arith.constant 0 : i32
        %dma_wait3A_382 = tpu.memref_slice %arg11[%dma_wait3A_376, %dma_wait3A_381] : memref<8x128xi32, #tpu.memory_space<vmem>> -> memref<1x128xi32, #tpu.memory_space<vmem>>
        %dma_wait3A_383 = tpu.memref_squeeze %dma_wait3A_382 : memref<1x128xi32, #tpu.memory_space<vmem>> -> memref<128xi32, #tpu.memory_space<vmem>>
        %dma_wait3A_384 = arith.constant 0 : i32
        %dma_wait3A_385 = arith.constant 0 : i32
        %dma_wait3A_386 = tpu.memref_slice %arg9[%dma_wait3A_384, %dma_wait3A_385] : memref<10112x128xf32, #tpu.memory_space<vmem_shared>> -> memref<10112x128xf32, #tpu.memory_space<vmem_shared>>
        tpu.wait_indirect_dma semaphore(%arg14 : memref<!tpu.dma_semaphore, #tpu.memory_space<semaphore_mem>>) src(%dma_wait3A_380 : memref<128x128xf32, #tpu.memory_space<vmem>>) dst(%dma_wait3A_386 : memref<10112x128xf32, #tpu.memory_space<vmem_shared>>)
        %dma_wait3A_387 = arith.constant 1 : i32
        %dma_wait3A_388 = arith.constant 7 : i32
        %dma_wait3A_389 = arith.constant 0 : i32
        %dma_wait3A_390 = arith.constant 0 : i32
        %dma_wait3A_391 = tpu.memref_slice %arg12[%dma_wait3A_387, %dma_wait3A_389, %dma_wait3A_390] : memref<2x128x128xf32, #tpu.memory_space<vmem>> -> memref<1x128x128xf32, #tpu.memory_space<vmem>>
        %dma_wait3A_392 = tpu.memref_squeeze %dma_wait3A_391 : memref<1x128x128xf32, #tpu.memory_space<vmem>> -> memref<128x128xf32, #tpu.memory_space<vmem>>
        %dma_wait3A_393 = arith.constant 0 : i32
        %dma_wait3A_394 = tpu.memref_slice %arg11[%dma_wait3A_388, %dma_wait3A_393] : memref<8x128xi32, #tpu.memory_space<vmem>> -> memref<1x128xi32, #tpu.memory_space<vmem>>
        %dma_wait3A_395 = tpu.memref_squeeze %dma_wait3A_394 : memref<1x128xi32, #tpu.memory_space<vmem>> -> memref<128xi32, #tpu.memory_space<vmem>>
        %dma_wait3A_396 = arith.constant 0 : i32
        %dma_wait3A_397 = arith.constant 0 : i32
        %dma_wait3A_398 = tpu.memref_slice %arg9[%dma_wait3A_396, %dma_wait3A_397] : memref<10112x128xf32, #tpu.memory_space<vmem_shared>> -> memref<10112x128xf32, #tpu.memory_space<vmem_shared>>
        tpu.wait_indirect_dma semaphore(%arg14 : memref<!tpu.dma_semaphore, #tpu.memory_space<semaphore_mem>>) src(%dma_wait3A_392 : memref<128x128xf32, #tpu.memory_space<vmem>>) dst(%dma_wait3A_398 : memref<10112x128xf32, #tpu.memory_space<vmem_shared>>)
      }
      %scan3A_13 = arith.constant 10 : i32
    } else {
    }
    %eq3A_3 = arith.constant 1 : i32
    %eq3A_4 = arith.cmpi eq, %arg0, %eq3A_3 : i32
    %convert_element_type3A_5 = arith.extui %eq3A_4 : i1 to i32
    %cond3A_6 = arith.constant 0 : i32
    %cond3A_7 = arith.cmpi ne, %convert_element_type3A_5, %cond3A_6 : i32
    scf.if %cond3A_7 {
      %scan3A = arith.constant 0 : i32
      %scan3A_9 = arith.constant 0 : i32
      %scan3A_10 = arith.constant 10 : i32
      %scan3A_11 = arith.addi %scan3A_9, %scan3A_10 : i32
      %scan3A_12 = arith.constant 1 : i32
      scf.for %scan3A_14 = %scan3A_9 to %scan3A_11 step %scan3A_12  : i32 {
        %mul3A_15 = arith.constant 8 : i32
        %mul3A_16 = arith.muli %scan3A_14, %mul3A_15 : i32
        %multiple_of3A = tpu.assume_multiple %mul3A_16, 8 : i32
        "tpu.region"() ({
          %run_scoped3A = tpu.sem_alloc : memref<!tpu.dma_semaphore, #tpu.memory_space<semaphore_mem>>
          %dma_start3A_399 = arith.constant 0 : i32
          %dma_start3A_400 = tpu.memref_slice %arg5[%arg1, %multiple_of3A, %dma_start3A_399] : memref<16x80x128xi32, #tpu.memory_space<hbm>> -> memref<1x8x128xi32, #tpu.memory_space<hbm>>
          %dma_start3A_401 = tpu.memref_squeeze %dma_start3A_400 : memref<1x8x128xi32, #tpu.memory_space<hbm>> -> memref<8x128xi32, #tpu.memory_space<hbm>>
          %dma_start3A_402 = arith.constant 0 : i32
          %dma_start3A_403 = tpu.memref_slice %arg5[%arg1, %multiple_of3A, %dma_start3A_402] : memref<16x80x128xi32, #tpu.memory_space<hbm>> -> memref<1x8x128xi32, #tpu.memory_space<hbm>>
          %dma_start3A_404 = tpu.memref_squeeze %dma_start3A_403 : memref<1x8x128xi32, #tpu.memory_space<hbm>> -> memref<8x128xi32, #tpu.memory_space<hbm>>
          tpu.enqueue_dma source(%dma_start3A_404 : memref<8x128xi32, #tpu.memory_space<hbm>>) target(%arg10 : memref<8x128xi32, #tpu.memory_space<vmem>>) target_semaphore(%run_scoped3A : memref<!tpu.dma_semaphore, #tpu.memory_space<semaphore_mem>>)
          %dma_wait3A_405 = arith.constant 0 : i32
          %dma_wait3A_406 = tpu.memref_slice %arg5[%arg1, %multiple_of3A, %dma_wait3A_405] : memref<16x80x128xi32, #tpu.memory_space<hbm>> -> memref<1x8x128xi32, #tpu.memory_space<hbm>>
          %dma_wait3A_407 = tpu.memref_squeeze %dma_wait3A_406 : memref<1x8x128xi32, #tpu.memory_space<hbm>> -> memref<8x128xi32, #tpu.memory_space<hbm>>
          %dma_wait3A_408 = arith.constant 0 : i32
          %dma_wait3A_409 = tpu.memref_slice %arg5[%arg1, %multiple_of3A, %dma_wait3A_408] : memref<16x80x128xi32, #tpu.memory_space<hbm>> -> memref<1x8x128xi32, #tpu.memory_space<hbm>>
          %dma_wait3A_410 = tpu.memref_squeeze %dma_wait3A_409 : memref<1x8x128xi32, #tpu.memory_space<hbm>> -> memref<8x128xi32, #tpu.memory_space<hbm>>
          tpu.wait_dma2 semaphore(%run_scoped3A : memref<!tpu.dma_semaphore, #tpu.memory_space<semaphore_mem>>) src(%dma_wait3A_410 : memref<8x128xi32, #tpu.memory_space<hbm>>) dst(%arg10 : memref<8x128xi32, #tpu.memory_space<vmem>>)
          tpu.yield
        }) : () -> ()
        "tpu.region"() ({
          %run_scoped3A = tpu.sem_alloc : memref<!tpu.dma_semaphore, #tpu.memory_space<semaphore_mem>>
          %dma_start3A_399 = arith.constant 0 : i32
          %dma_start3A_400 = tpu.memref_slice %arg6[%arg1, %multiple_of3A, %dma_start3A_399] : memref<16x80x128xi32, #tpu.memory_space<hbm>> -> memref<1x8x128xi32, #tpu.memory_space<hbm>>
          %dma_start3A_401 = tpu.memref_squeeze %dma_start3A_400 : memref<1x8x128xi32, #tpu.memory_space<hbm>> -> memref<8x128xi32, #tpu.memory_space<hbm>>
          %dma_start3A_402 = arith.constant 0 : i32
          %dma_start3A_403 = tpu.memref_slice %arg6[%arg1, %multiple_of3A, %dma_start3A_402] : memref<16x80x128xi32, #tpu.memory_space<hbm>> -> memref<1x8x128xi32, #tpu.memory_space<hbm>>
          %dma_start3A_404 = tpu.memref_squeeze %dma_start3A_403 : memref<1x8x128xi32, #tpu.memory_space<hbm>> -> memref<8x128xi32, #tpu.memory_space<hbm>>
          tpu.enqueue_dma source(%dma_start3A_404 : memref<8x128xi32, #tpu.memory_space<hbm>>) target(%arg11 : memref<8x128xi32, #tpu.memory_space<vmem>>) target_semaphore(%run_scoped3A : memref<!tpu.dma_semaphore, #tpu.memory_space<semaphore_mem>>)
          %dma_wait3A_405 = arith.constant 0 : i32
          %dma_wait3A_406 = tpu.memref_slice %arg6[%arg1, %multiple_of3A, %dma_wait3A_405] : memref<16x80x128xi32, #tpu.memory_space<hbm>> -> memref<1x8x128xi32, #tpu.memory_space<hbm>>
          %dma_wait3A_407 = tpu.memref_squeeze %dma_wait3A_406 : memref<1x8x128xi32, #tpu.memory_space<hbm>> -> memref<8x128xi32, #tpu.memory_space<hbm>>
          %dma_wait3A_408 = arith.constant 0 : i32
          %dma_wait3A_409 = tpu.memref_slice %arg6[%arg1, %multiple_of3A, %dma_wait3A_408] : memref<16x80x128xi32, #tpu.memory_space<hbm>> -> memref<1x8x128xi32, #tpu.memory_space<hbm>>
          %dma_wait3A_410 = tpu.memref_squeeze %dma_wait3A_409 : memref<1x8x128xi32, #tpu.memory_space<hbm>> -> memref<8x128xi32, #tpu.memory_space<hbm>>
          tpu.wait_dma2 semaphore(%run_scoped3A : memref<!tpu.dma_semaphore, #tpu.memory_space<semaphore_mem>>) src(%dma_wait3A_410 : memref<8x128xi32, #tpu.memory_space<hbm>>) dst(%arg11 : memref<8x128xi32, #tpu.memory_space<vmem>>)
          tpu.yield
        }) : () -> ()
        %dma_start3A = arith.constant 0 : i32
        %dma_start3A_17 = arith.constant 0 : i32
        %dma_start3A_18 = arith.constant 0 : i32
        %dma_start3A_19 = arith.constant 0 : i32
        %dma_start3A_20 = tpu.memref_slice %arg12[%dma_start3A_17, %dma_start3A_18, %dma_start3A_19] : memref<2x128x128xf32, #tpu.memory_space<vmem>> -> memref<1x128x128xf32, #tpu.memory_space<vmem>>
        %dma_start3A_21 = tpu.memref_squeeze %dma_start3A_20 : memref<1x128x128xf32, #tpu.memory_space<vmem>> -> memref<128x128xf32, #tpu.memory_space<vmem>>
        %dma_start3A_22 = arith.constant 0 : i32
        %dma_start3A_23 = tpu.memref_slice %arg10[%dma_start3A, %dma_start3A_22] : memref<8x128xi32, #tpu.memory_space<vmem>> -> memref<1x128xi32, #tpu.memory_space<vmem>>
        %dma_start3A_24 = tpu.memref_squeeze %dma_start3A_23 : memref<1x128xi32, #tpu.memory_space<vmem>> -> memref<128xi32, #tpu.memory_space<vmem>>
        %dma_start3A_25 = arith.constant 0 : i32
        %dma_start3A_26 = arith.constant 0 : i32
        %dma_start3A_27 = tpu.memref_slice %arg2[%dma_start3A_25, %dma_start3A_26] : memref<10000x128xf32, #tpu.memory_space<hbm>> -> memref<10000x128xf32, #tpu.memory_space<hbm>>
        tpu.enqueue_indirect_dma source(%dma_start3A_27 : memref<10000x128xf32, #tpu.memory_space<hbm>>) target(%dma_start3A_21 : memref<128x128xf32, #tpu.memory_space<vmem>>) offsets(%dma_start3A_24 : memref<128xi32, #tpu.memory_space<vmem>>) semaphore(%arg13 : memref<!tpu.dma_semaphore, #tpu.memory_space<semaphore_mem>>)
        %dma_wait3A = arith.constant 0 : i32
        %dma_wait3A_28 = arith.constant 0 : i32
        %dma_wait3A_29 = arith.constant 0 : i32
        %dma_wait3A_30 = arith.constant 0 : i32
        %dma_wait3A_31 = tpu.memref_slice %arg12[%dma_wait3A_28, %dma_wait3A_29, %dma_wait3A_30] : memref<2x128x128xf32, #tpu.memory_space<vmem>> -> memref<1x128x128xf32, #tpu.memory_space<vmem>>
        %dma_wait3A_32 = tpu.memref_squeeze %dma_wait3A_31 : memref<1x128x128xf32, #tpu.memory_space<vmem>> -> memref<128x128xf32, #tpu.memory_space<vmem>>
        %dma_wait3A_33 = arith.constant 0 : i32
        %dma_wait3A_34 = tpu.memref_slice %arg10[%dma_wait3A, %dma_wait3A_33] : memref<8x128xi32, #tpu.memory_space<vmem>> -> memref<1x128xi32, #tpu.memory_space<vmem>>
        %dma_wait3A_35 = tpu.memref_squeeze %dma_wait3A_34 : memref<1x128xi32, #tpu.memory_space<vmem>> -> memref<128xi32, #tpu.memory_space<vmem>>
        %dma_wait3A_36 = arith.constant 0 : i32
        %dma_wait3A_37 = arith.constant 0 : i32
        %dma_wait3A_38 = tpu.memref_slice %arg2[%dma_wait3A_36, %dma_wait3A_37] : memref<10000x128xf32, #tpu.memory_space<hbm>> -> memref<10000x128xf32, #tpu.memory_space<hbm>>
        tpu.wait_indirect_dma semaphore(%arg13 : memref<!tpu.dma_semaphore, #tpu.memory_space<semaphore_mem>>) src(%dma_wait3A_38 : memref<10000x128xf32, #tpu.memory_space<hbm>>) dst(%dma_wait3A_32 : memref<128x128xf32, #tpu.memory_space<vmem>>)
        %dma_start3A_39 = arith.constant 1 : i32
        %dma_start3A_40 = arith.constant 1 : i32
        %dma_start3A_41 = arith.constant 0 : i32
        %dma_start3A_42 = arith.constant 0 : i32
        %dma_start3A_43 = tpu.memref_slice %arg12[%dma_start3A_40, %dma_start3A_41, %dma_start3A_42] : memref<2x128x128xf32, #tpu.memory_space<vmem>> -> memref<1x128x128xf32, #tpu.memory_space<vmem>>
        %dma_start3A_44 = tpu.memref_squeeze %dma_start3A_43 : memref<1x128x128xf32, #tpu.memory_space<vmem>> -> memref<128x128xf32, #tpu.memory_space<vmem>>
        %dma_start3A_45 = arith.constant 0 : i32
        %dma_start3A_46 = tpu.memref_slice %arg10[%dma_start3A_39, %dma_start3A_45] : memref<8x128xi32, #tpu.memory_space<vmem>> -> memref<1x128xi32, #tpu.memory_space<vmem>>
        %dma_start3A_47 = tpu.memref_squeeze %dma_start3A_46 : memref<1x128xi32, #tpu.memory_space<vmem>> -> memref<128xi32, #tpu.memory_space<vmem>>
        %dma_start3A_48 = arith.constant 0 : i32
        %dma_start3A_49 = arith.constant 0 : i32
        %dma_start3A_50 = tpu.memref_slice %arg2[%dma_start3A_48, %dma_start3A_49] : memref<10000x128xf32, #tpu.memory_space<hbm>> -> memref<10000x128xf32, #tpu.memory_space<hbm>>
        tpu.enqueue_indirect_dma source(%dma_start3A_50 : memref<10000x128xf32, #tpu.memory_space<hbm>>) target(%dma_start3A_44 : memref<128x128xf32, #tpu.memory_space<vmem>>) offsets(%dma_start3A_47 : memref<128xi32, #tpu.memory_space<vmem>>) semaphore(%arg13 : memref<!tpu.dma_semaphore, #tpu.memory_space<semaphore_mem>>)
        %dma_start3A_51 = arith.constant 0 : i32
        %dma_start3A_52 = arith.constant 0 : i32
        %dma_start3A_53 = arith.constant 0 : i32
        %dma_start3A_54 = arith.constant 0 : i32
        %dma_start3A_55 = tpu.memref_slice %arg12[%dma_start3A_51, %dma_start3A_53, %dma_start3A_54] : memref<2x128x128xf32, #tpu.memory_space<vmem>> -> memref<1x128x128xf32, #tpu.memory_space<vmem>>
        %dma_start3A_56 = tpu.memref_squeeze %dma_start3A_55 : memref<1x128x128xf32, #tpu.memory_space<vmem>> -> memref<128x128xf32, #tpu.memory_space<vmem>>
        %dma_start3A_57 = arith.constant 0 : i32
        %dma_start3A_58 = tpu.memref_slice %arg11[%dma_start3A_52, %dma_start3A_57] : memref<8x128xi32, #tpu.memory_space<vmem>> -> memref<1x128xi32, #tpu.memory_space<vmem>>
        %dma_start3A_59 = tpu.memref_squeeze %dma_start3A_58 : memref<1x128xi32, #tpu.memory_space<vmem>> -> memref<128xi32, #tpu.memory_space<vmem>>
        %dma_start3A_60 = arith.constant 0 : i32
        %dma_start3A_61 = arith.constant 0 : i32
        %dma_start3A_62 = tpu.memref_slice %arg9[%dma_start3A_60, %dma_start3A_61] : memref<10112x128xf32, #tpu.memory_space<vmem_shared>> -> memref<10112x128xf32, #tpu.memory_space<vmem_shared>>
        tpu.enqueue_indirect_dma source(%dma_start3A_56 : memref<128x128xf32, #tpu.memory_space<vmem>>) target(%dma_start3A_62 : memref<10112x128xf32, #tpu.memory_space<vmem_shared>>) offsets(%dma_start3A_59 : memref<128xi32, #tpu.memory_space<vmem>>) semaphore(%arg14 : memref<!tpu.dma_semaphore, #tpu.memory_space<semaphore_mem>>) {add = true}
        %dma_wait3A_63 = arith.constant 1 : i32
        %dma_wait3A_64 = arith.constant 1 : i32
        %dma_wait3A_65 = arith.constant 0 : i32
        %dma_wait3A_66 = arith.constant 0 : i32
        %dma_wait3A_67 = tpu.memref_slice %arg12[%dma_wait3A_64, %dma_wait3A_65, %dma_wait3A_66] : memref<2x128x128xf32, #tpu.memory_space<vmem>> -> memref<1x128x128xf32, #tpu.memory_space<vmem>>
        %dma_wait3A_68 = tpu.memref_squeeze %dma_wait3A_67 : memref<1x128x128xf32, #tpu.memory_space<vmem>> -> memref<128x128xf32, #tpu.memory_space<vmem>>
        %dma_wait3A_69 = arith.constant 0 : i32
        %dma_wait3A_70 = tpu.memref_slice %arg10[%dma_wait3A_63, %dma_wait3A_69] : memref<8x128xi32, #tpu.memory_space<vmem>> -> memref<1x128xi32, #tpu.memory_space<vmem>>
        %dma_wait3A_71 = tpu.memref_squeeze %dma_wait3A_70 : memref<1x128xi32, #tpu.memory_space<vmem>> -> memref<128xi32, #tpu.memory_space<vmem>>
        %dma_wait3A_72 = arith.constant 0 : i32
        %dma_wait3A_73 = arith.constant 0 : i32
        %dma_wait3A_74 = tpu.memref_slice %arg2[%dma_wait3A_72, %dma_wait3A_73] : memref<10000x128xf32, #tpu.memory_space<hbm>> -> memref<10000x128xf32, #tpu.memory_space<hbm>>
        tpu.wait_indirect_dma semaphore(%arg13 : memref<!tpu.dma_semaphore, #tpu.memory_space<semaphore_mem>>) src(%dma_wait3A_74 : memref<10000x128xf32, #tpu.memory_space<hbm>>) dst(%dma_wait3A_68 : memref<128x128xf32, #tpu.memory_space<vmem>>)
        %dma_wait3A_75 = arith.constant 0 : i32
        %dma_wait3A_76 = arith.constant 0 : i32
        %dma_wait3A_77 = arith.constant 0 : i32
        %dma_wait3A_78 = arith.constant 0 : i32
        %dma_wait3A_79 = tpu.memref_slice %arg12[%dma_wait3A_75, %dma_wait3A_77, %dma_wait3A_78] : memref<2x128x128xf32, #tpu.memory_space<vmem>> -> memref<1x128x128xf32, #tpu.memory_space<vmem>>
        %dma_wait3A_80 = tpu.memref_squeeze %dma_wait3A_79 : memref<1x128x128xf32, #tpu.memory_space<vmem>> -> memref<128x128xf32, #tpu.memory_space<vmem>>
        %dma_wait3A_81 = arith.constant 0 : i32
        %dma_wait3A_82 = tpu.memref_slice %arg11[%dma_wait3A_76, %dma_wait3A_81] : memref<8x128xi32, #tpu.memory_space<vmem>> -> memref<1x128xi32, #tpu.memory_space<vmem>>
        %dma_wait3A_83 = tpu.memref_squeeze %dma_wait3A_82 : memref<1x128xi32, #tpu.memory_space<vmem>> -> memref<128xi32, #tpu.memory_space<vmem>>
        %dma_wait3A_84 = arith.constant 0 : i32
        %dma_wait3A_85 = arith.constant 0 : i32
        %dma_wait3A_86 = tpu.memref_slice %arg9[%dma_wait3A_84, %dma_wait3A_85] : memref<10112x128xf32, #tpu.memory_space<vmem_shared>> -> memref<10112x128xf32, #tpu.memory_space<vmem_shared>>
        tpu.wait_indirect_dma semaphore(%arg14 : memref<!tpu.dma_semaphore, #tpu.memory_space<semaphore_mem>>) src(%dma_wait3A_80 : memref<128x128xf32, #tpu.memory_space<vmem>>) dst(%dma_wait3A_86 : memref<10112x128xf32, #tpu.memory_space<vmem_shared>>)
        %dma_start3A_87 = arith.constant 2 : i32
        %dma_start3A_88 = arith.constant 0 : i32
        %dma_start3A_89 = arith.constant 0 : i32
        %dma_start3A_90 = arith.constant 0 : i32
        %dma_start3A_91 = tpu.memref_slice %arg12[%dma_start3A_88, %dma_start3A_89, %dma_start3A_90] : memref<2x128x128xf32, #tpu.memory_space<vmem>> -> memref<1x128x128xf32, #tpu.memory_space<vmem>>
        %dma_start3A_92 = tpu.memref_squeeze %dma_start3A_91 : memref<1x128x128xf32, #tpu.memory_space<vmem>> -> memref<128x128xf32, #tpu.memory_space<vmem>>
        %dma_start3A_93 = arith.constant 0 : i32
        %dma_start3A_94 = tpu.memref_slice %arg10[%dma_start3A_87, %dma_start3A_93] : memref<8x128xi32, #tpu.memory_space<vmem>> -> memref<1x128xi32, #tpu.memory_space<vmem>>
        %dma_start3A_95 = tpu.memref_squeeze %dma_start3A_94 : memref<1x128xi32, #tpu.memory_space<vmem>> -> memref<128xi32, #tpu.memory_space<vmem>>
        %dma_start3A_96 = arith.constant 0 : i32
        %dma_start3A_97 = arith.constant 0 : i32
        %dma_start3A_98 = tpu.memref_slice %arg2[%dma_start3A_96, %dma_start3A_97] : memref<10000x128xf32, #tpu.memory_space<hbm>> -> memref<10000x128xf32, #tpu.memory_space<hbm>>
        tpu.enqueue_indirect_dma source(%dma_start3A_98 : memref<10000x128xf32, #tpu.memory_space<hbm>>) target(%dma_start3A_92 : memref<128x128xf32, #tpu.memory_space<vmem>>) offsets(%dma_start3A_95 : memref<128xi32, #tpu.memory_space<vmem>>) semaphore(%arg13 : memref<!tpu.dma_semaphore, #tpu.memory_space<semaphore_mem>>)
        %dma_start3A_99 = arith.constant 1 : i32
        %dma_start3A_100 = arith.constant 1 : i32
        %dma_start3A_101 = arith.constant 0 : i32
        %dma_start3A_102 = arith.constant 0 : i32
        %dma_start3A_103 = tpu.memref_slice %arg12[%dma_start3A_99, %dma_start3A_101, %dma_start3A_102] : memref<2x128x128xf32, #tpu.memory_space<vmem>> -> memref<1x128x128xf32, #tpu.memory_space<vmem>>
        %dma_start3A_104 = tpu.memref_squeeze %dma_start3A_103 : memref<1x128x128xf32, #tpu.memory_space<vmem>> -> memref<128x128xf32, #tpu.memory_space<vmem>>
        %dma_start3A_105 = arith.constant 0 : i32
        %dma_start3A_106 = tpu.memref_slice %arg11[%dma_start3A_100, %dma_start3A_105] : memref<8x128xi32, #tpu.memory_space<vmem>> -> memref<1x128xi32, #tpu.memory_space<vmem>>
        %dma_start3A_107 = tpu.memref_squeeze %dma_start3A_106 : memref<1x128xi32, #tpu.memory_space<vmem>> -> memref<128xi32, #tpu.memory_space<vmem>>
        %dma_start3A_108 = arith.constant 0 : i32
        %dma_start3A_109 = arith.constant 0 : i32
        %dma_start3A_110 = tpu.memref_slice %arg9[%dma_start3A_108, %dma_start3A_109] : memref<10112x128xf32, #tpu.memory_space<vmem_shared>> -> memref<10112x128xf32, #tpu.memory_space<vmem_shared>>
        tpu.enqueue_indirect_dma source(%dma_start3A_104 : memref<128x128xf32, #tpu.memory_space<vmem>>) target(%dma_start3A_110 : memref<10112x128xf32, #tpu.memory_space<vmem_shared>>) offsets(%dma_start3A_107 : memref<128xi32, #tpu.memory_space<vmem>>) semaphore(%arg14 : memref<!tpu.dma_semaphore, #tpu.memory_space<semaphore_mem>>) {add = true}
        %dma_wait3A_111 = arith.constant 2 : i32
        %dma_wait3A_112 = arith.constant 0 : i32
        %dma_wait3A_113 = arith.constant 0 : i32
        %dma_wait3A_114 = arith.constant 0 : i32
        %dma_wait3A_115 = tpu.memref_slice %arg12[%dma_wait3A_112, %dma_wait3A_113, %dma_wait3A_114] : memref<2x128x128xf32, #tpu.memory_space<vmem>> -> memref<1x128x128xf32, #tpu.memory_space<vmem>>
        %dma_wait3A_116 = tpu.memref_squeeze %dma_wait3A_115 : memref<1x128x128xf32, #tpu.memory_space<vmem>> -> memref<128x128xf32, #tpu.memory_space<vmem>>
        %dma_wait3A_117 = arith.constant 0 : i32
        %dma_wait3A_118 = tpu.memref_slice %arg10[%dma_wait3A_111, %dma_wait3A_117] : memref<8x128xi32, #tpu.memory_space<vmem>> -> memref<1x128xi32, #tpu.memory_space<vmem>>
        %dma_wait3A_119 = tpu.memref_squeeze %dma_wait3A_118 : memref<1x128xi32, #tpu.memory_space<vmem>> -> memref<128xi32, #tpu.memory_space<vmem>>
        %dma_wait3A_120 = arith.constant 0 : i32
        %dma_wait3A_121 = arith.constant 0 : i32
        %dma_wait3A_122 = tpu.memref_slice %arg2[%dma_wait3A_120, %dma_wait3A_121] : memref<10000x128xf32, #tpu.memory_space<hbm>> -> memref<10000x128xf32, #tpu.memory_space<hbm>>
        tpu.wait_indirect_dma semaphore(%arg13 : memref<!tpu.dma_semaphore, #tpu.memory_space<semaphore_mem>>) src(%dma_wait3A_122 : memref<10000x128xf32, #tpu.memory_space<hbm>>) dst(%dma_wait3A_116 : memref<128x128xf32, #tpu.memory_space<vmem>>)
        %dma_wait3A_123 = arith.constant 1 : i32
        %dma_wait3A_124 = arith.constant 1 : i32
        %dma_wait3A_125 = arith.constant 0 : i32
        %dma_wait3A_126 = arith.constant 0 : i32
        %dma_wait3A_127 = tpu.memref_slice %arg12[%dma_wait3A_123, %dma_wait3A_125, %dma_wait3A_126] : memref<2x128x128xf32, #tpu.memory_space<vmem>> -> memref<1x128x128xf32, #tpu.memory_space<vmem>>
        %dma_wait3A_128 = tpu.memref_squeeze %dma_wait3A_127 : memref<1x128x128xf32, #tpu.memory_space<vmem>> -> memref<128x128xf32, #tpu.memory_space<vmem>>
        %dma_wait3A_129 = arith.constant 0 : i32
        %dma_wait3A_130 = tpu.memref_slice %arg11[%dma_wait3A_124, %dma_wait3A_129] : memref<8x128xi32, #tpu.memory_space<vmem>> -> memref<1x128xi32, #tpu.memory_space<vmem>>
        %dma_wait3A_131 = tpu.memref_squeeze %dma_wait3A_130 : memref<1x128xi32, #tpu.memory_space<vmem>> -> memref<128xi32, #tpu.memory_space<vmem>>
        %dma_wait3A_132 = arith.constant 0 : i32
        %dma_wait3A_133 = arith.constant 0 : i32
        %dma_wait3A_134 = tpu.memref_slice %arg9[%dma_wait3A_132, %dma_wait3A_133] : memref<10112x128xf32, #tpu.memory_space<vmem_shared>> -> memref<10112x128xf32, #tpu.memory_space<vmem_shared>>
        tpu.wait_indirect_dma semaphore(%arg14 : memref<!tpu.dma_semaphore, #tpu.memory_space<semaphore_mem>>) src(%dma_wait3A_128 : memref<128x128xf32, #tpu.memory_space<vmem>>) dst(%dma_wait3A_134 : memref<10112x128xf32, #tpu.memory_space<vmem_shared>>)
        %dma_start3A_135 = arith.constant 3 : i32
        %dma_start3A_136 = arith.constant 1 : i32
        %dma_start3A_137 = arith.constant 0 : i32
        %dma_start3A_138 = arith.constant 0 : i32
        %dma_start3A_139 = tpu.memref_slice %arg12[%dma_start3A_136, %dma_start3A_137, %dma_start3A_138] : memref<2x128x128xf32, #tpu.memory_space<vmem>> -> memref<1x128x128xf32, #tpu.memory_space<vmem>>
        %dma_start3A_140 = tpu.memref_squeeze %dma_start3A_139 : memref<1x128x128xf32, #tpu.memory_space<vmem>> -> memref<128x128xf32, #tpu.memory_space<vmem>>
        %dma_start3A_141 = arith.constant 0 : i32
        %dma_start3A_142 = tpu.memref_slice %arg10[%dma_start3A_135, %dma_start3A_141] : memref<8x128xi32, #tpu.memory_space<vmem>> -> memref<1x128xi32, #tpu.memory_space<vmem>>
        %dma_start3A_143 = tpu.memref_squeeze %dma_start3A_142 : memref<1x128xi32, #tpu.memory_space<vmem>> -> memref<128xi32, #tpu.memory_space<vmem>>
        %dma_start3A_144 = arith.constant 0 : i32
        %dma_start3A_145 = arith.constant 0 : i32
        %dma_start3A_146 = tpu.memref_slice %arg2[%dma_start3A_144, %dma_start3A_145] : memref<10000x128xf32, #tpu.memory_space<hbm>> -> memref<10000x128xf32, #tpu.memory_space<hbm>>
        tpu.enqueue_indirect_dma source(%dma_start3A_146 : memref<10000x128xf32, #tpu.memory_space<hbm>>) target(%dma_start3A_140 : memref<128x128xf32, #tpu.memory_space<vmem>>) offsets(%dma_start3A_143 : memref<128xi32, #tpu.memory_space<vmem>>) semaphore(%arg13 : memref<!tpu.dma_semaphore, #tpu.memory_space<semaphore_mem>>)
        %dma_start3A_147 = arith.constant 0 : i32
        %dma_start3A_148 = arith.constant 2 : i32
        %dma_start3A_149 = arith.constant 0 : i32
        %dma_start3A_150 = arith.constant 0 : i32
        %dma_start3A_151 = tpu.memref_slice %arg12[%dma_start3A_147, %dma_start3A_149, %dma_start3A_150] : memref<2x128x128xf32, #tpu.memory_space<vmem>> -> memref<1x128x128xf32, #tpu.memory_space<vmem>>
        %dma_start3A_152 = tpu.memref_squeeze %dma_start3A_151 : memref<1x128x128xf32, #tpu.memory_space<vmem>> -> memref<128x128xf32, #tpu.memory_space<vmem>>
        %dma_start3A_153 = arith.constant 0 : i32
        %dma_start3A_154 = tpu.memref_slice %arg11[%dma_start3A_148, %dma_start3A_153] : memref<8x128xi32, #tpu.memory_space<vmem>> -> memref<1x128xi32, #tpu.memory_space<vmem>>
        %dma_start3A_155 = tpu.memref_squeeze %dma_start3A_154 : memref<1x128xi32, #tpu.memory_space<vmem>> -> memref<128xi32, #tpu.memory_space<vmem>>
        %dma_start3A_156 = arith.constant 0 : i32
        %dma_start3A_157 = arith.constant 0 : i32
        %dma_start3A_158 = tpu.memref_slice %arg9[%dma_start3A_156, %dma_start3A_157] : memref<10112x128xf32, #tpu.memory_space<vmem_shared>> -> memref<10112x128xf32, #tpu.memory_space<vmem_shared>>
        tpu.enqueue_indirect_dma source(%dma_start3A_152 : memref<128x128xf32, #tpu.memory_space<vmem>>) target(%dma_start3A_158 : memref<10112x128xf32, #tpu.memory_space<vmem_shared>>) offsets(%dma_start3A_155 : memref<128xi32, #tpu.memory_space<vmem>>) semaphore(%arg14 : memref<!tpu.dma_semaphore, #tpu.memory_space<semaphore_mem>>) {add = true}
        %dma_wait3A_159 = arith.constant 3 : i32
        %dma_wait3A_160 = arith.constant 1 : i32
        %dma_wait3A_161 = arith.constant 0 : i32
        %dma_wait3A_162 = arith.constant 0 : i32
        %dma_wait3A_163 = tpu.memref_slice %arg12[%dma_wait3A_160, %dma_wait3A_161, %dma_wait3A_162] : memref<2x128x128xf32, #tpu.memory_space<vmem>> -> memref<1x128x128xf32, #tpu.memory_space<vmem>>
        %dma_wait3A_164 = tpu.memref_squeeze %dma_wait3A_163 : memref<1x128x128xf32, #tpu.memory_space<vmem>> -> memref<128x128xf32, #tpu.memory_space<vmem>>
        %dma_wait3A_165 = arith.constant 0 : i32
        %dma_wait3A_166 = tpu.memref_slice %arg10[%dma_wait3A_159, %dma_wait3A_165] : memref<8x128xi32, #tpu.memory_space<vmem>> -> memref<1x128xi32, #tpu.memory_space<vmem>>
        %dma_wait3A_167 = tpu.memref_squeeze %dma_wait3A_166 : memref<1x128xi32, #tpu.memory_space<vmem>> -> memref<128xi32, #tpu.memory_space<vmem>>
        %dma_wait3A_168 = arith.constant 0 : i32
        %dma_wait3A_169 = arith.constant 0 : i32
        %dma_wait3A_170 = tpu.memref_slice %arg2[%dma_wait3A_168, %dma_wait3A_169] : memref<10000x128xf32, #tpu.memory_space<hbm>> -> memref<10000x128xf32, #tpu.memory_space<hbm>>
        tpu.wait_indirect_dma semaphore(%arg13 : memref<!tpu.dma_semaphore, #tpu.memory_space<semaphore_mem>>) src(%dma_wait3A_170 : memref<10000x128xf32, #tpu.memory_space<hbm>>) dst(%dma_wait3A_164 : memref<128x128xf32, #tpu.memory_space<vmem>>)
        %dma_wait3A_171 = arith.constant 0 : i32
        %dma_wait3A_172 = arith.constant 2 : i32
        %dma_wait3A_173 = arith.constant 0 : i32
        %dma_wait3A_174 = arith.constant 0 : i32
        %dma_wait3A_175 = tpu.memref_slice %arg12[%dma_wait3A_171, %dma_wait3A_173, %dma_wait3A_174] : memref<2x128x128xf32, #tpu.memory_space<vmem>> -> memref<1x128x128xf32, #tpu.memory_space<vmem>>
        %dma_wait3A_176 = tpu.memref_squeeze %dma_wait3A_175 : memref<1x128x128xf32, #tpu.memory_space<vmem>> -> memref<128x128xf32, #tpu.memory_space<vmem>>
        %dma_wait3A_177 = arith.constant 0 : i32
        %dma_wait3A_178 = tpu.memref_slice %arg11[%dma_wait3A_172, %dma_wait3A_177] : memref<8x128xi32, #tpu.memory_space<vmem>> -> memref<1x128xi32, #tpu.memory_space<vmem>>
        %dma_wait3A_179 = tpu.memref_squeeze %dma_wait3A_178 : memref<1x128xi32, #tpu.memory_space<vmem>> -> memref<128xi32, #tpu.memory_space<vmem>>
        %dma_wait3A_180 = arith.constant 0 : i32
        %dma_wait3A_181 = arith.constant 0 : i32
        %dma_wait3A_182 = tpu.memref_slice %arg9[%dma_wait3A_180, %dma_wait3A_181] : memref<10112x128xf32, #tpu.memory_space<vmem_shared>> -> memref<10112x128xf32, #tpu.memory_space<vmem_shared>>
        tpu.wait_indirect_dma semaphore(%arg14 : memref<!tpu.dma_semaphore, #tpu.memory_space<semaphore_mem>>) src(%dma_wait3A_176 : memref<128x128xf32, #tpu.memory_space<vmem>>) dst(%dma_wait3A_182 : memref<10112x128xf32, #tpu.memory_space<vmem_shared>>)
        %dma_start3A_183 = arith.constant 4 : i32
        %dma_start3A_184 = arith.constant 0 : i32
        %dma_start3A_185 = arith.constant 0 : i32
        %dma_start3A_186 = arith.constant 0 : i32
        %dma_start3A_187 = tpu.memref_slice %arg12[%dma_start3A_184, %dma_start3A_185, %dma_start3A_186] : memref<2x128x128xf32, #tpu.memory_space<vmem>> -> memref<1x128x128xf32, #tpu.memory_space<vmem>>
        %dma_start3A_188 = tpu.memref_squeeze %dma_start3A_187 : memref<1x128x128xf32, #tpu.memory_space<vmem>> -> memref<128x128xf32, #tpu.memory_space<vmem>>
        %dma_start3A_189 = arith.constant 0 : i32
        %dma_start3A_190 = tpu.memref_slice %arg10[%dma_start3A_183, %dma_start3A_189] : memref<8x128xi32, #tpu.memory_space<vmem>> -> memref<1x128xi32, #tpu.memory_space<vmem>>
        %dma_start3A_191 = tpu.memref_squeeze %dma_start3A_190 : memref<1x128xi32, #tpu.memory_space<vmem>> -> memref<128xi32, #tpu.memory_space<vmem>>
        %dma_start3A_192 = arith.constant 0 : i32
        %dma_start3A_193 = arith.constant 0 : i32
        %dma_start3A_194 = tpu.memref_slice %arg2[%dma_start3A_192, %dma_start3A_193] : memref<10000x128xf32, #tpu.memory_space<hbm>> -> memref<10000x128xf32, #tpu.memory_space<hbm>>
        tpu.enqueue_indirect_dma source(%dma_start3A_194 : memref<10000x128xf32, #tpu.memory_space<hbm>>) target(%dma_start3A_188 : memref<128x128xf32, #tpu.memory_space<vmem>>) offsets(%dma_start3A_191 : memref<128xi32, #tpu.memory_space<vmem>>) semaphore(%arg13 : memref<!tpu.dma_semaphore, #tpu.memory_space<semaphore_mem>>)
        %dma_start3A_195 = arith.constant 1 : i32
        %dma_start3A_196 = arith.constant 3 : i32
        %dma_start3A_197 = arith.constant 0 : i32
        %dma_start3A_198 = arith.constant 0 : i32
        %dma_start3A_199 = tpu.memref_slice %arg12[%dma_start3A_195, %dma_start3A_197, %dma_start3A_198] : memref<2x128x128xf32, #tpu.memory_space<vmem>> -> memref<1x128x128xf32, #tpu.memory_space<vmem>>
        %dma_start3A_200 = tpu.memref_squeeze %dma_start3A_199 : memref<1x128x128xf32, #tpu.memory_space<vmem>> -> memref<128x128xf32, #tpu.memory_space<vmem>>
        %dma_start3A_201 = arith.constant 0 : i32
        %dma_start3A_202 = tpu.memref_slice %arg11[%dma_start3A_196, %dma_start3A_201] : memref<8x128xi32, #tpu.memory_space<vmem>> -> memref<1x128xi32, #tpu.memory_space<vmem>>
        %dma_start3A_203 = tpu.memref_squeeze %dma_start3A_202 : memref<1x128xi32, #tpu.memory_space<vmem>> -> memref<128xi32, #tpu.memory_space<vmem>>
        %dma_start3A_204 = arith.constant 0 : i32
        %dma_start3A_205 = arith.constant 0 : i32
        %dma_start3A_206 = tpu.memref_slice %arg9[%dma_start3A_204, %dma_start3A_205] : memref<10112x128xf32, #tpu.memory_space<vmem_shared>> -> memref<10112x128xf32, #tpu.memory_space<vmem_shared>>
        tpu.enqueue_indirect_dma source(%dma_start3A_200 : memref<128x128xf32, #tpu.memory_space<vmem>>) target(%dma_start3A_206 : memref<10112x128xf32, #tpu.memory_space<vmem_shared>>) offsets(%dma_start3A_203 : memref<128xi32, #tpu.memory_space<vmem>>) semaphore(%arg14 : memref<!tpu.dma_semaphore, #tpu.memory_space<semaphore_mem>>) {add = true}
        %dma_wait3A_207 = arith.constant 4 : i32
        %dma_wait3A_208 = arith.constant 0 : i32
        %dma_wait3A_209 = arith.constant 0 : i32
        %dma_wait3A_210 = arith.constant 0 : i32
        %dma_wait3A_211 = tpu.memref_slice %arg12[%dma_wait3A_208, %dma_wait3A_209, %dma_wait3A_210] : memref<2x128x128xf32, #tpu.memory_space<vmem>> -> memref<1x128x128xf32, #tpu.memory_space<vmem>>
        %dma_wait3A_212 = tpu.memref_squeeze %dma_wait3A_211 : memref<1x128x128xf32, #tpu.memory_space<vmem>> -> memref<128x128xf32, #tpu.memory_space<vmem>>
        %dma_wait3A_213 = arith.constant 0 : i32
        %dma_wait3A_214 = tpu.memref_slice %arg10[%dma_wait3A_207, %dma_wait3A_213] : memref<8x128xi32, #tpu.memory_space<vmem>> -> memref<1x128xi32, #tpu.memory_space<vmem>>
        %dma_wait3A_215 = tpu.memref_squeeze %dma_wait3A_214 : memref<1x128xi32, #tpu.memory_space<vmem>> -> memref<128xi32, #tpu.memory_space<vmem>>
        %dma_wait3A_216 = arith.constant 0 : i32
        %dma_wait3A_217 = arith.constant 0 : i32
        %dma_wait3A_218 = tpu.memref_slice %arg2[%dma_wait3A_216, %dma_wait3A_217] : memref<10000x128xf32, #tpu.memory_space<hbm>> -> memref<10000x128xf32, #tpu.memory_space<hbm>>
        tpu.wait_indirect_dma semaphore(%arg13 : memref<!tpu.dma_semaphore, #tpu.memory_space<semaphore_mem>>) src(%dma_wait3A_218 : memref<10000x128xf32, #tpu.memory_space<hbm>>) dst(%dma_wait3A_212 : memref<128x128xf32, #tpu.memory_space<vmem>>)
        %dma_wait3A_219 = arith.constant 1 : i32
        %dma_wait3A_220 = arith.constant 3 : i32
        %dma_wait3A_221 = arith.constant 0 : i32
        %dma_wait3A_222 = arith.constant 0 : i32
        %dma_wait3A_223 = tpu.memref_slice %arg12[%dma_wait3A_219, %dma_wait3A_221, %dma_wait3A_222] : memref<2x128x128xf32, #tpu.memory_space<vmem>> -> memref<1x128x128xf32, #tpu.memory_space<vmem>>
        %dma_wait3A_224 = tpu.memref_squeeze %dma_wait3A_223 : memref<1x128x128xf32, #tpu.memory_space<vmem>> -> memref<128x128xf32, #tpu.memory_space<vmem>>
        %dma_wait3A_225 = arith.constant 0 : i32
        %dma_wait3A_226 = tpu.memref_slice %arg11[%dma_wait3A_220, %dma_wait3A_225] : memref<8x128xi32, #tpu.memory_space<vmem>> -> memref<1x128xi32, #tpu.memory_space<vmem>>
        %dma_wait3A_227 = tpu.memref_squeeze %dma_wait3A_226 : memref<1x128xi32, #tpu.memory_space<vmem>> -> memref<128xi32, #tpu.memory_space<vmem>>
        %dma_wait3A_228 = arith.constant 0 : i32
        %dma_wait3A_229 = arith.constant 0 : i32
        %dma_wait3A_230 = tpu.memref_slice %arg9[%dma_wait3A_228, %dma_wait3A_229] : memref<10112x128xf32, #tpu.memory_space<vmem_shared>> -> memref<10112x128xf32, #tpu.memory_space<vmem_shared>>
        tpu.wait_indirect_dma semaphore(%arg14 : memref<!tpu.dma_semaphore, #tpu.memory_space<semaphore_mem>>) src(%dma_wait3A_224 : memref<128x128xf32, #tpu.memory_space<vmem>>) dst(%dma_wait3A_230 : memref<10112x128xf32, #tpu.memory_space<vmem_shared>>)
        %dma_start3A_231 = arith.constant 5 : i32
        %dma_start3A_232 = arith.constant 1 : i32
        %dma_start3A_233 = arith.constant 0 : i32
        %dma_start3A_234 = arith.constant 0 : i32
        %dma_start3A_235 = tpu.memref_slice %arg12[%dma_start3A_232, %dma_start3A_233, %dma_start3A_234] : memref<2x128x128xf32, #tpu.memory_space<vmem>> -> memref<1x128x128xf32, #tpu.memory_space<vmem>>
        %dma_start3A_236 = tpu.memref_squeeze %dma_start3A_235 : memref<1x128x128xf32, #tpu.memory_space<vmem>> -> memref<128x128xf32, #tpu.memory_space<vmem>>
        %dma_start3A_237 = arith.constant 0 : i32
        %dma_start3A_238 = tpu.memref_slice %arg10[%dma_start3A_231, %dma_start3A_237] : memref<8x128xi32, #tpu.memory_space<vmem>> -> memref<1x128xi32, #tpu.memory_space<vmem>>
        %dma_start3A_239 = tpu.memref_squeeze %dma_start3A_238 : memref<1x128xi32, #tpu.memory_space<vmem>> -> memref<128xi32, #tpu.memory_space<vmem>>
        %dma_start3A_240 = arith.constant 0 : i32
        %dma_start3A_241 = arith.constant 0 : i32
        %dma_start3A_242 = tpu.memref_slice %arg2[%dma_start3A_240, %dma_start3A_241] : memref<10000x128xf32, #tpu.memory_space<hbm>> -> memref<10000x128xf32, #tpu.memory_space<hbm>>
        tpu.enqueue_indirect_dma source(%dma_start3A_242 : memref<10000x128xf32, #tpu.memory_space<hbm>>) target(%dma_start3A_236 : memref<128x128xf32, #tpu.memory_space<vmem>>) offsets(%dma_start3A_239 : memref<128xi32, #tpu.memory_space<vmem>>) semaphore(%arg13 : memref<!tpu.dma_semaphore, #tpu.memory_space<semaphore_mem>>)
        %dma_start3A_243 = arith.constant 0 : i32
        %dma_start3A_244 = arith.constant 4 : i32
        %dma_start3A_245 = arith.constant 0 : i32
        %dma_start3A_246 = arith.constant 0 : i32
        %dma_start3A_247 = tpu.memref_slice %arg12[%dma_start3A_243, %dma_start3A_245, %dma_start3A_246] : memref<2x128x128xf32, #tpu.memory_space<vmem>> -> memref<1x128x128xf32, #tpu.memory_space<vmem>>
        %dma_start3A_248 = tpu.memref_squeeze %dma_start3A_247 : memref<1x128x128xf32, #tpu.memory_space<vmem>> -> memref<128x128xf32, #tpu.memory_space<vmem>>
        %dma_start3A_249 = arith.constant 0 : i32
        %dma_start3A_250 = tpu.memref_slice %arg11[%dma_start3A_244, %dma_start3A_249] : memref<8x128xi32, #tpu.memory_space<vmem>> -> memref<1x128xi32, #tpu.memory_space<vmem>>
        %dma_start3A_251 = tpu.memref_squeeze %dma_start3A_250 : memref<1x128xi32, #tpu.memory_space<vmem>> -> memref<128xi32, #tpu.memory_space<vmem>>
        %dma_start3A_252 = arith.constant 0 : i32
        %dma_start3A_253 = arith.constant 0 : i32
        %dma_start3A_254 = tpu.memref_slice %arg9[%dma_start3A_252, %dma_start3A_253] : memref<10112x128xf32, #tpu.memory_space<vmem_shared>> -> memref<10112x128xf32, #tpu.memory_space<vmem_shared>>
        tpu.enqueue_indirect_dma source(%dma_start3A_248 : memref<128x128xf32, #tpu.memory_space<vmem>>) target(%dma_start3A_254 : memref<10112x128xf32, #tpu.memory_space<vmem_shared>>) offsets(%dma_start3A_251 : memref<128xi32, #tpu.memory_space<vmem>>) semaphore(%arg14 : memref<!tpu.dma_semaphore, #tpu.memory_space<semaphore_mem>>) {add = true}
        %dma_wait3A_255 = arith.constant 5 : i32
        %dma_wait3A_256 = arith.constant 1 : i32
        %dma_wait3A_257 = arith.constant 0 : i32
        %dma_wait3A_258 = arith.constant 0 : i32
        %dma_wait3A_259 = tpu.memref_slice %arg12[%dma_wait3A_256, %dma_wait3A_257, %dma_wait3A_258] : memref<2x128x128xf32, #tpu.memory_space<vmem>> -> memref<1x128x128xf32, #tpu.memory_space<vmem>>
        %dma_wait3A_260 = tpu.memref_squeeze %dma_wait3A_259 : memref<1x128x128xf32, #tpu.memory_space<vmem>> -> memref<128x128xf32, #tpu.memory_space<vmem>>
        %dma_wait3A_261 = arith.constant 0 : i32
        %dma_wait3A_262 = tpu.memref_slice %arg10[%dma_wait3A_255, %dma_wait3A_261] : memref<8x128xi32, #tpu.memory_space<vmem>> -> memref<1x128xi32, #tpu.memory_space<vmem>>
        %dma_wait3A_263 = tpu.memref_squeeze %dma_wait3A_262 : memref<1x128xi32, #tpu.memory_space<vmem>> -> memref<128xi32, #tpu.memory_space<vmem>>
        %dma_wait3A_264 = arith.constant 0 : i32
        %dma_wait3A_265 = arith.constant 0 : i32
        %dma_wait3A_266 = tpu.memref_slice %arg2[%dma_wait3A_264, %dma_wait3A_265] : memref<10000x128xf32, #tpu.memory_space<hbm>> -> memref<10000x128xf32, #tpu.memory_space<hbm>>
        tpu.wait_indirect_dma semaphore(%arg13 : memref<!tpu.dma_semaphore, #tpu.memory_space<semaphore_mem>>) src(%dma_wait3A_266 : memref<10000x128xf32, #tpu.memory_space<hbm>>) dst(%dma_wait3A_260 : memref<128x128xf32, #tpu.memory_space<vmem>>)
        %dma_wait3A_267 = arith.constant 0 : i32
        %dma_wait3A_268 = arith.constant 4 : i32
        %dma_wait3A_269 = arith.constant 0 : i32
        %dma_wait3A_270 = arith.constant 0 : i32
        %dma_wait3A_271 = tpu.memref_slice %arg12[%dma_wait3A_267, %dma_wait3A_269, %dma_wait3A_270] : memref<2x128x128xf32, #tpu.memory_space<vmem>> -> memref<1x128x128xf32, #tpu.memory_space<vmem>>
        %dma_wait3A_272 = tpu.memref_squeeze %dma_wait3A_271 : memref<1x128x128xf32, #tpu.memory_space<vmem>> -> memref<128x128xf32, #tpu.memory_space<vmem>>
        %dma_wait3A_273 = arith.constant 0 : i32
        %dma_wait3A_274 = tpu.memref_slice %arg11[%dma_wait3A_268, %dma_wait3A_273] : memref<8x128xi32, #tpu.memory_space<vmem>> -> memref<1x128xi32, #tpu.memory_space<vmem>>
        %dma_wait3A_275 = tpu.memref_squeeze %dma_wait3A_274 : memref<1x128xi32, #tpu.memory_space<vmem>> -> memref<128xi32, #tpu.memory_space<vmem>>
        %dma_wait3A_276 = arith.constant 0 : i32
        %dma_wait3A_277 = arith.constant 0 : i32
        %dma_wait3A_278 = tpu.memref_slice %arg9[%dma_wait3A_276, %dma_wait3A_277] : memref<10112x128xf32, #tpu.memory_space<vmem_shared>> -> memref<10112x128xf32, #tpu.memory_space<vmem_shared>>
        tpu.wait_indirect_dma semaphore(%arg14 : memref<!tpu.dma_semaphore, #tpu.memory_space<semaphore_mem>>) src(%dma_wait3A_272 : memref<128x128xf32, #tpu.memory_space<vmem>>) dst(%dma_wait3A_278 : memref<10112x128xf32, #tpu.memory_space<vmem_shared>>)
        %dma_start3A_279 = arith.constant 6 : i32
        %dma_start3A_280 = arith.constant 0 : i32
        %dma_start3A_281 = arith.constant 0 : i32
        %dma_start3A_282 = arith.constant 0 : i32
        %dma_start3A_283 = tpu.memref_slice %arg12[%dma_start3A_280, %dma_start3A_281, %dma_start3A_282] : memref<2x128x128xf32, #tpu.memory_space<vmem>> -> memref<1x128x128xf32, #tpu.memory_space<vmem>>
        %dma_start3A_284 = tpu.memref_squeeze %dma_start3A_283 : memref<1x128x128xf32, #tpu.memory_space<vmem>> -> memref<128x128xf32, #tpu.memory_space<vmem>>
        %dma_start3A_285 = arith.constant 0 : i32
        %dma_start3A_286 = tpu.memref_slice %arg10[%dma_start3A_279, %dma_start3A_285] : memref<8x128xi32, #tpu.memory_space<vmem>> -> memref<1x128xi32, #tpu.memory_space<vmem>>
        %dma_start3A_287 = tpu.memref_squeeze %dma_start3A_286 : memref<1x128xi32, #tpu.memory_space<vmem>> -> memref<128xi32, #tpu.memory_space<vmem>>
        %dma_start3A_288 = arith.constant 0 : i32
        %dma_start3A_289 = arith.constant 0 : i32
        %dma_start3A_290 = tpu.memref_slice %arg2[%dma_start3A_288, %dma_start3A_289] : memref<10000x128xf32, #tpu.memory_space<hbm>> -> memref<10000x128xf32, #tpu.memory_space<hbm>>
        tpu.enqueue_indirect_dma source(%dma_start3A_290 : memref<10000x128xf32, #tpu.memory_space<hbm>>) target(%dma_start3A_284 : memref<128x128xf32, #tpu.memory_space<vmem>>) offsets(%dma_start3A_287 : memref<128xi32, #tpu.memory_space<vmem>>) semaphore(%arg13 : memref<!tpu.dma_semaphore, #tpu.memory_space<semaphore_mem>>)
        %dma_start3A_291 = arith.constant 1 : i32
        %dma_start3A_292 = arith.constant 5 : i32
        %dma_start3A_293 = arith.constant 0 : i32
        %dma_start3A_294 = arith.constant 0 : i32
        %dma_start3A_295 = tpu.memref_slice %arg12[%dma_start3A_291, %dma_start3A_293, %dma_start3A_294] : memref<2x128x128xf32, #tpu.memory_space<vmem>> -> memref<1x128x128xf32, #tpu.memory_space<vmem>>
        %dma_start3A_296 = tpu.memref_squeeze %dma_start3A_295 : memref<1x128x128xf32, #tpu.memory_space<vmem>> -> memref<128x128xf32, #tpu.memory_space<vmem>>
        %dma_start3A_297 = arith.constant 0 : i32
        %dma_start3A_298 = tpu.memref_slice %arg11[%dma_start3A_292, %dma_start3A_297] : memref<8x128xi32, #tpu.memory_space<vmem>> -> memref<1x128xi32, #tpu.memory_space<vmem>>
        %dma_start3A_299 = tpu.memref_squeeze %dma_start3A_298 : memref<1x128xi32, #tpu.memory_space<vmem>> -> memref<128xi32, #tpu.memory_space<vmem>>
        %dma_start3A_300 = arith.constant 0 : i32
        %dma_start3A_301 = arith.constant 0 : i32
        %dma_start3A_302 = tpu.memref_slice %arg9[%dma_start3A_300, %dma_start3A_301] : memref<10112x128xf32, #tpu.memory_space<vmem_shared>> -> memref<10112x128xf32, #tpu.memory_space<vmem_shared>>
        tpu.enqueue_indirect_dma source(%dma_start3A_296 : memref<128x128xf32, #tpu.memory_space<vmem>>) target(%dma_start3A_302 : memref<10112x128xf32, #tpu.memory_space<vmem_shared>>) offsets(%dma_start3A_299 : memref<128xi32, #tpu.memory_space<vmem>>) semaphore(%arg14 : memref<!tpu.dma_semaphore, #tpu.memory_space<semaphore_mem>>) {add = true}
        %dma_wait3A_303 = arith.constant 6 : i32
        %dma_wait3A_304 = arith.constant 0 : i32
        %dma_wait3A_305 = arith.constant 0 : i32
        %dma_wait3A_306 = arith.constant 0 : i32
        %dma_wait3A_307 = tpu.memref_slice %arg12[%dma_wait3A_304, %dma_wait3A_305, %dma_wait3A_306] : memref<2x128x128xf32, #tpu.memory_space<vmem>> -> memref<1x128x128xf32, #tpu.memory_space<vmem>>
        %dma_wait3A_308 = tpu.memref_squeeze %dma_wait3A_307 : memref<1x128x128xf32, #tpu.memory_space<vmem>> -> memref<128x128xf32, #tpu.memory_space<vmem>>
        %dma_wait3A_309 = arith.constant 0 : i32
        %dma_wait3A_310 = tpu.memref_slice %arg10[%dma_wait3A_303, %dma_wait3A_309] : memref<8x128xi32, #tpu.memory_space<vmem>> -> memref<1x128xi32, #tpu.memory_space<vmem>>
        %dma_wait3A_311 = tpu.memref_squeeze %dma_wait3A_310 : memref<1x128xi32, #tpu.memory_space<vmem>> -> memref<128xi32, #tpu.memory_space<vmem>>
        %dma_wait3A_312 = arith.constant 0 : i32
        %dma_wait3A_313 = arith.constant 0 : i32
        %dma_wait3A_314 = tpu.memref_slice %arg2[%dma_wait3A_312, %dma_wait3A_313] : memref<10000x128xf32, #tpu.memory_space<hbm>> -> memref<10000x128xf32, #tpu.memory_space<hbm>>
        tpu.wait_indirect_dma semaphore(%arg13 : memref<!tpu.dma_semaphore, #tpu.memory_space<semaphore_mem>>) src(%dma_wait3A_314 : memref<10000x128xf32, #tpu.memory_space<hbm>>) dst(%dma_wait3A_308 : memref<128x128xf32, #tpu.memory_space<vmem>>)
        %dma_wait3A_315 = arith.constant 1 : i32
        %dma_wait3A_316 = arith.constant 5 : i32
        %dma_wait3A_317 = arith.constant 0 : i32
        %dma_wait3A_318 = arith.constant 0 : i32
        %dma_wait3A_319 = tpu.memref_slice %arg12[%dma_wait3A_315, %dma_wait3A_317, %dma_wait3A_318] : memref<2x128x128xf32, #tpu.memory_space<vmem>> -> memref<1x128x128xf32, #tpu.memory_space<vmem>>
        %dma_wait3A_320 = tpu.memref_squeeze %dma_wait3A_319 : memref<1x128x128xf32, #tpu.memory_space<vmem>> -> memref<128x128xf32, #tpu.memory_space<vmem>>
        %dma_wait3A_321 = arith.constant 0 : i32
        %dma_wait3A_322 = tpu.memref_slice %arg11[%dma_wait3A_316, %dma_wait3A_321] : memref<8x128xi32, #tpu.memory_space<vmem>> -> memref<1x128xi32, #tpu.memory_space<vmem>>
        %dma_wait3A_323 = tpu.memref_squeeze %dma_wait3A_322 : memref<1x128xi32, #tpu.memory_space<vmem>> -> memref<128xi32, #tpu.memory_space<vmem>>
        %dma_wait3A_324 = arith.constant 0 : i32
        %dma_wait3A_325 = arith.constant 0 : i32
        %dma_wait3A_326 = tpu.memref_slice %arg9[%dma_wait3A_324, %dma_wait3A_325] : memref<10112x128xf32, #tpu.memory_space<vmem_shared>> -> memref<10112x128xf32, #tpu.memory_space<vmem_shared>>
        tpu.wait_indirect_dma semaphore(%arg14 : memref<!tpu.dma_semaphore, #tpu.memory_space<semaphore_mem>>) src(%dma_wait3A_320 : memref<128x128xf32, #tpu.memory_space<vmem>>) dst(%dma_wait3A_326 : memref<10112x128xf32, #tpu.memory_space<vmem_shared>>)
        %dma_start3A_327 = arith.constant 7 : i32
        %dma_start3A_328 = arith.constant 1 : i32
        %dma_start3A_329 = arith.constant 0 : i32
        %dma_start3A_330 = arith.constant 0 : i32
        %dma_start3A_331 = tpu.memref_slice %arg12[%dma_start3A_328, %dma_start3A_329, %dma_start3A_330] : memref<2x128x128xf32, #tpu.memory_space<vmem>> -> memref<1x128x128xf32, #tpu.memory_space<vmem>>
        %dma_start3A_332 = tpu.memref_squeeze %dma_start3A_331 : memref<1x128x128xf32, #tpu.memory_space<vmem>> -> memref<128x128xf32, #tpu.memory_space<vmem>>
        %dma_start3A_333 = arith.constant 0 : i32
        %dma_start3A_334 = tpu.memref_slice %arg10[%dma_start3A_327, %dma_start3A_333] : memref<8x128xi32, #tpu.memory_space<vmem>> -> memref<1x128xi32, #tpu.memory_space<vmem>>
        %dma_start3A_335 = tpu.memref_squeeze %dma_start3A_334 : memref<1x128xi32, #tpu.memory_space<vmem>> -> memref<128xi32, #tpu.memory_space<vmem>>
        %dma_start3A_336 = arith.constant 0 : i32
        %dma_start3A_337 = arith.constant 0 : i32
        %dma_start3A_338 = tpu.memref_slice %arg2[%dma_start3A_336, %dma_start3A_337] : memref<10000x128xf32, #tpu.memory_space<hbm>> -> memref<10000x128xf32, #tpu.memory_space<hbm>>
        tpu.enqueue_indirect_dma source(%dma_start3A_338 : memref<10000x128xf32, #tpu.memory_space<hbm>>) target(%dma_start3A_332 : memref<128x128xf32, #tpu.memory_space<vmem>>) offsets(%dma_start3A_335 : memref<128xi32, #tpu.memory_space<vmem>>) semaphore(%arg13 : memref<!tpu.dma_semaphore, #tpu.memory_space<semaphore_mem>>)
        %dma_start3A_339 = arith.constant 0 : i32
        %dma_start3A_340 = arith.constant 6 : i32
        %dma_start3A_341 = arith.constant 0 : i32
        %dma_start3A_342 = arith.constant 0 : i32
        %dma_start3A_343 = tpu.memref_slice %arg12[%dma_start3A_339, %dma_start3A_341, %dma_start3A_342] : memref<2x128x128xf32, #tpu.memory_space<vmem>> -> memref<1x128x128xf32, #tpu.memory_space<vmem>>
        %dma_start3A_344 = tpu.memref_squeeze %dma_start3A_343 : memref<1x128x128xf32, #tpu.memory_space<vmem>> -> memref<128x128xf32, #tpu.memory_space<vmem>>
        %dma_start3A_345 = arith.constant 0 : i32
        %dma_start3A_346 = tpu.memref_slice %arg11[%dma_start3A_340, %dma_start3A_345] : memref<8x128xi32, #tpu.memory_space<vmem>> -> memref<1x128xi32, #tpu.memory_space<vmem>>
        %dma_start3A_347 = tpu.memref_squeeze %dma_start3A_346 : memref<1x128xi32, #tpu.memory_space<vmem>> -> memref<128xi32, #tpu.memory_space<vmem>>
        %dma_start3A_348 = arith.constant 0 : i32
        %dma_start3A_349 = arith.constant 0 : i32
        %dma_start3A_350 = tpu.memref_slice %arg9[%dma_start3A_348, %dma_start3A_349] : memref<10112x128xf32, #tpu.memory_space<vmem_shared>> -> memref<10112x128xf32, #tpu.memory_space<vmem_shared>>
        tpu.enqueue_indirect_dma source(%dma_start3A_344 : memref<128x128xf32, #tpu.memory_space<vmem>>) target(%dma_start3A_350 : memref<10112x128xf32, #tpu.memory_space<vmem_shared>>) offsets(%dma_start3A_347 : memref<128xi32, #tpu.memory_space<vmem>>) semaphore(%arg14 : memref<!tpu.dma_semaphore, #tpu.memory_space<semaphore_mem>>) {add = true}
        %dma_wait3A_351 = arith.constant 7 : i32
        %dma_wait3A_352 = arith.constant 1 : i32
        %dma_wait3A_353 = arith.constant 0 : i32
        %dma_wait3A_354 = arith.constant 0 : i32
        %dma_wait3A_355 = tpu.memref_slice %arg12[%dma_wait3A_352, %dma_wait3A_353, %dma_wait3A_354] : memref<2x128x128xf32, #tpu.memory_space<vmem>> -> memref<1x128x128xf32, #tpu.memory_space<vmem>>
        %dma_wait3A_356 = tpu.memref_squeeze %dma_wait3A_355 : memref<1x128x128xf32, #tpu.memory_space<vmem>> -> memref<128x128xf32, #tpu.memory_space<vmem>>
        %dma_wait3A_357 = arith.constant 0 : i32
        %dma_wait3A_358 = tpu.memref_slice %arg10[%dma_wait3A_351, %dma_wait3A_357] : memref<8x128xi32, #tpu.memory_space<vmem>> -> memref<1x128xi32, #tpu.memory_space<vmem>>
        %dma_wait3A_359 = tpu.memref_squeeze %dma_wait3A_358 : memref<1x128xi32, #tpu.memory_space<vmem>> -> memref<128xi32, #tpu.memory_space<vmem>>
        %dma_wait3A_360 = arith.constant 0 : i32
        %dma_wait3A_361 = arith.constant 0 : i32
        %dma_wait3A_362 = tpu.memref_slice %arg2[%dma_wait3A_360, %dma_wait3A_361] : memref<10000x128xf32, #tpu.memory_space<hbm>> -> memref<10000x128xf32, #tpu.memory_space<hbm>>
        tpu.wait_indirect_dma semaphore(%arg13 : memref<!tpu.dma_semaphore, #tpu.memory_space<semaphore_mem>>) src(%dma_wait3A_362 : memref<10000x128xf32, #tpu.memory_space<hbm>>) dst(%dma_wait3A_356 : memref<128x128xf32, #tpu.memory_space<vmem>>)
        %dma_start3A_363 = arith.constant 1 : i32
        %dma_start3A_364 = arith.constant 7 : i32
        %dma_start3A_365 = arith.constant 0 : i32
        %dma_start3A_366 = arith.constant 0 : i32
        %dma_start3A_367 = tpu.memref_slice %arg12[%dma_start3A_363, %dma_start3A_365, %dma_start3A_366] : memref<2x128x128xf32, #tpu.memory_space<vmem>> -> memref<1x128x128xf32, #tpu.memory_space<vmem>>
        %dma_start3A_368 = tpu.memref_squeeze %dma_start3A_367 : memref<1x128x128xf32, #tpu.memory_space<vmem>> -> memref<128x128xf32, #tpu.memory_space<vmem>>
        %dma_start3A_369 = arith.constant 0 : i32
        %dma_start3A_370 = tpu.memref_slice %arg11[%dma_start3A_364, %dma_start3A_369] : memref<8x128xi32, #tpu.memory_space<vmem>> -> memref<1x128xi32, #tpu.memory_space<vmem>>
        %dma_start3A_371 = tpu.memref_squeeze %dma_start3A_370 : memref<1x128xi32, #tpu.memory_space<vmem>> -> memref<128xi32, #tpu.memory_space<vmem>>
        %dma_start3A_372 = arith.constant 0 : i32
        %dma_start3A_373 = arith.constant 0 : i32
        %dma_start3A_374 = tpu.memref_slice %arg9[%dma_start3A_372, %dma_start3A_373] : memref<10112x128xf32, #tpu.memory_space<vmem_shared>> -> memref<10112x128xf32, #tpu.memory_space<vmem_shared>>
        tpu.enqueue_indirect_dma source(%dma_start3A_368 : memref<128x128xf32, #tpu.memory_space<vmem>>) target(%dma_start3A_374 : memref<10112x128xf32, #tpu.memory_space<vmem_shared>>) offsets(%dma_start3A_371 : memref<128xi32, #tpu.memory_space<vmem>>) semaphore(%arg14 : memref<!tpu.dma_semaphore, #tpu.memory_space<semaphore_mem>>) {add = true}
        %dma_wait3A_375 = arith.constant 0 : i32
        %dma_wait3A_376 = arith.constant 6 : i32
        %dma_wait3A_377 = arith.constant 0 : i32
        %dma_wait3A_378 = arith.constant 0 : i32
        %dma_wait3A_379 = tpu.memref_slice %arg12[%dma_wait3A_375, %dma_wait3A_377, %dma_wait3A_378] : memref<2x128x128xf32, #tpu.memory_space<vmem>> -> memref<1x128x128xf32, #tpu.memory_space<vmem>>
        %dma_wait3A_380 = tpu.memref_squeeze %dma_wait3A_379 : memref<1x128x128xf32, #tpu.memory_space<vmem>> -> memref<128x128xf32, #tpu.memory_space<vmem>>
        %dma_wait3A_381 = arith.constant 0 : i32
        %dma_wait3A_382 = tpu.memref_slice %arg11[%dma_wait3A_376, %dma_wait3A_381] : memref<8x128xi32, #tpu.memory_space<vmem>> -> memref<1x128xi32, #tpu.memory_space<vmem>>
        %dma_wait3A_383 = tpu.memref_squeeze %dma_wait3A_382 : memref<1x128xi32, #tpu.memory_space<vmem>> -> memref<128xi32, #tpu.memory_space<vmem>>
        %dma_wait3A_384 = arith.constant 0 : i32
        %dma_wait3A_385 = arith.constant 0 : i32
        %dma_wait3A_386 = tpu.memref_slice %arg9[%dma_wait3A_384, %dma_wait3A_385] : memref<10112x128xf32, #tpu.memory_space<vmem_shared>> -> memref<10112x128xf32, #tpu.memory_space<vmem_shared>>
        tpu.wait_indirect_dma semaphore(%arg14 : memref<!tpu.dma_semaphore, #tpu.memory_space<semaphore_mem>>) src(%dma_wait3A_380 : memref<128x128xf32, #tpu.memory_space<vmem>>) dst(%dma_wait3A_386 : memref<10112x128xf32, #tpu.memory_space<vmem_shared>>)
        %dma_wait3A_387 = arith.constant 1 : i32
        %dma_wait3A_388 = arith.constant 7 : i32
        %dma_wait3A_389 = arith.constant 0 : i32
        %dma_wait3A_390 = arith.constant 0 : i32
        %dma_wait3A_391 = tpu.memref_slice %arg12[%dma_wait3A_387, %dma_wait3A_389, %dma_wait3A_390] : memref<2x128x128xf32, #tpu.memory_space<vmem>> -> memref<1x128x128xf32, #tpu.memory_space<vmem>>
        %dma_wait3A_392 = tpu.memref_squeeze %dma_wait3A_391 : memref<1x128x128xf32, #tpu.memory_space<vmem>> -> memref<128x128xf32, #tpu.memory_space<vmem>>
        %dma_wait3A_393 = arith.constant 0 : i32
        %dma_wait3A_394 = tpu.memref_slice %arg11[%dma_wait3A_388, %dma_wait3A_393] : memref<8x128xi32, #tpu.memory_space<vmem>> -> memref<1x128xi32, #tpu.memory_space<vmem>>
        %dma_wait3A_395 = tpu.memref_squeeze %dma_wait3A_394 : memref<1x128xi32, #tpu.memory_space<vmem>> -> memref<128xi32, #tpu.memory_space<vmem>>
        %dma_wait3A_396 = arith.constant 0 : i32
        %dma_wait3A_397 = arith.constant 0 : i32
        %dma_wait3A_398 = tpu.memref_slice %arg9[%dma_wait3A_396, %dma_wait3A_397] : memref<10112x128xf32, #tpu.memory_space<vmem_shared>> -> memref<10112x128xf32, #tpu.memory_space<vmem_shared>>
        tpu.wait_indirect_dma semaphore(%arg14 : memref<!tpu.dma_semaphore, #tpu.memory_space<semaphore_mem>>) src(%dma_wait3A_392 : memref<128x128xf32, #tpu.memory_space<vmem>>) dst(%dma_wait3A_398 : memref<10112x128xf32, #tpu.memory_space<vmem_shared>>)
      }
      %scan3A_13 = arith.constant 10 : i32
    } else {
    }
    %barrier3A_8 = arith.constant 0 : index
    tpu.barrier barrier_id(%barrier3A_8)
    "tpu.region"() ({
      %run_scoped3A = tpu.sem_alloc : memref<!tpu.dma_semaphore, #tpu.memory_space<semaphore_mem>>
      %dma_start3A = arith.constant 0 : i32
      %dma_start3A_9 = tpu.memref_slice %arg8[%arg0, %mul3A_0, %dma_start3A] : memref<2x10112x128xf32, #tpu.memory_space<hbm>> -> memref<1x632x128xf32, #tpu.memory_space<hbm>>
      %dma_start3A_10 = tpu.memref_squeeze %dma_start3A_9 : memref<1x632x128xf32, #tpu.memory_space<hbm>> -> memref<632x128xf32, #tpu.memory_space<hbm>>
      %dma_start3A_11 = arith.constant 0 : i32
      %dma_start3A_12 = tpu.memref_slice %arg9[%mul3A_0, %dma_start3A_11] : memref<10112x128xf32, #tpu.memory_space<vmem_shared>> -> memref<632x128xf32, #tpu.memory_space<vmem_shared>>
      tpu.enqueue_dma source(%dma_start3A_12 : memref<632x128xf32, #tpu.memory_space<vmem_shared>>) target(%dma_start3A_10 : memref<632x128xf32, #tpu.memory_space<hbm>>) target_semaphore(%run_scoped3A : memref<!tpu.dma_semaphore, #tpu.memory_space<semaphore_mem>>)
      %dma_wait3A = arith.constant 0 : i32
      %dma_wait3A_13 = tpu.memref_slice %arg8[%arg0, %mul3A_0, %dma_wait3A] : memref<2x10112x128xf32, #tpu.memory_space<hbm>> -> memref<1x632x128xf32, #tpu.memory_space<hbm>>
      %dma_wait3A_14 = tpu.memref_squeeze %dma_wait3A_13 : memref<1x632x128xf32, #tpu.memory_space<hbm>> -> memref<632x128xf32, #tpu.memory_space<hbm>>
      %dma_wait3A_15 = arith.constant 0 : i32
      %dma_wait3A_16 = tpu.memref_slice %arg9[%mul3A_0, %dma_wait3A_15] : memref<10112x128xf32, #tpu.memory_space<vmem_shared>> -> memref<632x128xf32, #tpu.memory_space<vmem_shared>>
      tpu.wait_dma2 semaphore(%run_scoped3A : memref<!tpu.dma_semaphore, #tpu.memory_space<semaphore_mem>>) src(%dma_wait3A_16 : memref<632x128xf32, #tpu.memory_space<vmem_shared>>) dst(%dma_wait3A_14 : memref<632x128xf32, #tpu.memory_space<hbm>>)
      tpu.yield
    }) : () -> ()
    return
  }
}

#map = affine_map<(d0, d1) -> (0, 0, 0)>
#map1 = affine_map<(d0, d1) -> (0, 0)>
module attributes {stable_mosaic.version = 14 : i64} {
  func.func @_cnt_body(%arg0: i32, %arg1: i32, %arg2: memref<32x80x128xi32, #tpu.memory_space<hbm>>, %arg3: memref<632x128xf32, #tpu.memory_space<hbm>>, %arg4: memref<128x128xf32, #tpu.memory_space<hbm>>, %arg5: memref<2x10112x128xf32, #tpu.memory_space<hbm>>, %arg6: memref<10112x128xf32, #tpu.memory_space<vmem_shared>>, %arg7: memref<8x128xi32, #tpu.memory_space<vmem>>, %arg8: memref<128x128xf32, #tpu.memory_space<vmem>>, %arg9: memref<!tpu.dma_semaphore, #tpu.memory_space<semaphore_mem>>) attributes {dimension_semantics = [#tpu.dimension_semantics<core_parallel>, #tpu.dimension_semantics<subcore_parallel>], iteration_bounds = array<i64: 2, 16>, scalar_prefetch = 0 : i64, scratch_operands = 4 : i64, tpu.core_type = #tpu.core_type<sc_vector_subcore>, window_params = [{transform_indices = #map}, {transform_indices = #map1}, {transform_indices = #map1}, {transform_indices = #map}]} {
    %mul3A = arith.constant 2 : i32
    %mul3A_0 = arith.muli %arg1, %mul3A : i32
    %add3A = arith.addi %mul3A_0, %arg0 : i32
    %mul3A_1 = arith.constant 632 : i32
    %mul3A_2 = arith.muli %arg1, %mul3A_1 : i32
    "tpu.region"() ({
      %run_scoped3A = tpu.sem_alloc : memref<!tpu.dma_semaphore, #tpu.memory_space<semaphore_mem>>
      %dma_start3A = arith.constant 0 : i32
      %dma_start3A_9 = tpu.memref_slice %arg6[%mul3A_2, %dma_start3A] : memref<10112x128xf32, #tpu.memory_space<vmem_shared>> -> memref<632x128xf32, #tpu.memory_space<vmem_shared>>
      tpu.enqueue_dma source(%arg3 : memref<632x128xf32, #tpu.memory_space<hbm>>) target(%dma_start3A_9 : memref<632x128xf32, #tpu.memory_space<vmem_shared>>) target_semaphore(%run_scoped3A : memref<!tpu.dma_semaphore, #tpu.memory_space<semaphore_mem>>)
      %dma_wait3A = arith.constant 0 : i32
      %dma_wait3A_10 = tpu.memref_slice %arg6[%mul3A_2, %dma_wait3A] : memref<10112x128xf32, #tpu.memory_space<vmem_shared>> -> memref<632x128xf32, #tpu.memory_space<vmem_shared>>
      tpu.wait_dma2 semaphore(%run_scoped3A : memref<!tpu.dma_semaphore, #tpu.memory_space<semaphore_mem>>) src(%arg3 : memref<632x128xf32, #tpu.memory_space<hbm>>) dst(%dma_wait3A_10 : memref<632x128xf32, #tpu.memory_space<vmem_shared>>)
      tpu.yield
    }) : () -> ()
    "tpu.region"() ({
      %run_scoped3A = tpu.sem_alloc : memref<!tpu.dma_semaphore, #tpu.memory_space<semaphore_mem>>
      tpu.enqueue_dma source(%arg4 : memref<128x128xf32, #tpu.memory_space<hbm>>) target(%arg8 : memref<128x128xf32, #tpu.memory_space<vmem>>) target_semaphore(%run_scoped3A : memref<!tpu.dma_semaphore, #tpu.memory_space<semaphore_mem>>)
      tpu.wait_dma2 semaphore(%run_scoped3A : memref<!tpu.dma_semaphore, #tpu.memory_space<semaphore_mem>>) src(%arg4 : memref<128x128xf32, #tpu.memory_space<hbm>>) dst(%arg8 : memref<128x128xf32, #tpu.memory_space<vmem>>)
      tpu.yield
    }) : () -> ()
    %barrier3A = arith.constant 0 : index
    tpu.barrier barrier_id(%barrier3A)
    %scan3A = arith.constant 0 : i32
    %scan3A_3 = arith.constant 0 : i32
    %scan3A_4 = arith.constant 10 : i32
    %scan3A_5 = arith.addi %scan3A_3, %scan3A_4 : i32
    %scan3A_6 = arith.constant 1 : i32
    scf.for %scan3A_9 = %scan3A_3 to %scan3A_5 step %scan3A_6  : i32 {
      %mul3A_10 = arith.constant 8 : i32
      %mul3A_11 = arith.muli %scan3A_9, %mul3A_10 : i32
      %multiple_of3A = tpu.assume_multiple %mul3A_11, 8 : i32
      "tpu.region"() ({
        %run_scoped3A = tpu.sem_alloc : memref<!tpu.dma_semaphore, #tpu.memory_space<semaphore_mem>>
        %dma_start3A_122 = arith.constant 0 : i32
        %dma_start3A_123 = tpu.memref_slice %arg2[%add3A, %multiple_of3A, %dma_start3A_122] : memref<32x80x128xi32, #tpu.memory_space<hbm>> -> memref<1x8x128xi32, #tpu.memory_space<hbm>>
        %dma_start3A_124 = tpu.memref_squeeze %dma_start3A_123 : memref<1x8x128xi32, #tpu.memory_space<hbm>> -> memref<8x128xi32, #tpu.memory_space<hbm>>
        %dma_start3A_125 = arith.constant 0 : i32
        %dma_start3A_126 = tpu.memref_slice %arg2[%add3A, %multiple_of3A, %dma_start3A_125] : memref<32x80x128xi32, #tpu.memory_space<hbm>> -> memref<1x8x128xi32, #tpu.memory_space<hbm>>
        %dma_start3A_127 = tpu.memref_squeeze %dma_start3A_126 : memref<1x8x128xi32, #tpu.memory_space<hbm>> -> memref<8x128xi32, #tpu.memory_space<hbm>>
        tpu.enqueue_dma source(%dma_start3A_127 : memref<8x128xi32, #tpu.memory_space<hbm>>) target(%arg7 : memref<8x128xi32, #tpu.memory_space<vmem>>) target_semaphore(%run_scoped3A : memref<!tpu.dma_semaphore, #tpu.memory_space<semaphore_mem>>)
        %dma_wait3A_128 = arith.constant 0 : i32
        %dma_wait3A_129 = tpu.memref_slice %arg2[%add3A, %multiple_of3A, %dma_wait3A_128] : memref<32x80x128xi32, #tpu.memory_space<hbm>> -> memref<1x8x128xi32, #tpu.memory_space<hbm>>
        %dma_wait3A_130 = tpu.memref_squeeze %dma_wait3A_129 : memref<1x8x128xi32, #tpu.memory_space<hbm>> -> memref<8x128xi32, #tpu.memory_space<hbm>>
        %dma_wait3A_131 = arith.constant 0 : i32
        %dma_wait3A_132 = tpu.memref_slice %arg2[%add3A, %multiple_of3A, %dma_wait3A_131] : memref<32x80x128xi32, #tpu.memory_space<hbm>> -> memref<1x8x128xi32, #tpu.memory_space<hbm>>
        %dma_wait3A_133 = tpu.memref_squeeze %dma_wait3A_132 : memref<1x8x128xi32, #tpu.memory_space<hbm>> -> memref<8x128xi32, #tpu.memory_space<hbm>>
        tpu.wait_dma2 semaphore(%run_scoped3A : memref<!tpu.dma_semaphore, #tpu.memory_space<semaphore_mem>>) src(%dma_wait3A_133 : memref<8x128xi32, #tpu.memory_space<hbm>>) dst(%arg7 : memref<8x128xi32, #tpu.memory_space<vmem>>)
        tpu.yield
      }) : () -> ()
      %dma_start3A = arith.constant 0 : i32
      %dma_start3A_12 = arith.constant 0 : i32
      %dma_start3A_13 = tpu.memref_slice %arg7[%dma_start3A, %dma_start3A_12] : memref<8x128xi32, #tpu.memory_space<vmem>> -> memref<1x128xi32, #tpu.memory_space<vmem>>
      %dma_start3A_14 = tpu.memref_squeeze %dma_start3A_13 : memref<1x128xi32, #tpu.memory_space<vmem>> -> memref<128xi32, #tpu.memory_space<vmem>>
      %dma_start3A_15 = arith.constant 0 : i32
      %dma_start3A_16 = arith.constant 0 : i32
      %dma_start3A_17 = tpu.memref_slice %arg6[%dma_start3A_15, %dma_start3A_16] : memref<10112x128xf32, #tpu.memory_space<vmem_shared>> -> memref<10112x128xf32, #tpu.memory_space<vmem_shared>>
      tpu.enqueue_indirect_dma source(%arg8 : memref<128x128xf32, #tpu.memory_space<vmem>>) target(%dma_start3A_17 : memref<10112x128xf32, #tpu.memory_space<vmem_shared>>) offsets(%dma_start3A_14 : memref<128xi32, #tpu.memory_space<vmem>>) semaphore(%arg9 : memref<!tpu.dma_semaphore, #tpu.memory_space<semaphore_mem>>) {add = true}
      %dma_start3A_18 = arith.constant 1 : i32
      %dma_start3A_19 = arith.constant 0 : i32
      %dma_start3A_20 = tpu.memref_slice %arg7[%dma_start3A_18, %dma_start3A_19] : memref<8x128xi32, #tpu.memory_space<vmem>> -> memref<1x128xi32, #tpu.memory_space<vmem>>
      %dma_start3A_21 = tpu.memref_squeeze %dma_start3A_20 : memref<1x128xi32, #tpu.memory_space<vmem>> -> memref<128xi32, #tpu.memory_space<vmem>>
      %dma_start3A_22 = arith.constant 0 : i32
      %dma_start3A_23 = arith.constant 0 : i32
      %dma_start3A_24 = tpu.memref_slice %arg6[%dma_start3A_22, %dma_start3A_23] : memref<10112x128xf32, #tpu.memory_space<vmem_shared>> -> memref<10112x128xf32, #tpu.memory_space<vmem_shared>>
      tpu.enqueue_indirect_dma source(%arg8 : memref<128x128xf32, #tpu.memory_space<vmem>>) target(%dma_start3A_24 : memref<10112x128xf32, #tpu.memory_space<vmem_shared>>) offsets(%dma_start3A_21 : memref<128xi32, #tpu.memory_space<vmem>>) semaphore(%arg9 : memref<!tpu.dma_semaphore, #tpu.memory_space<semaphore_mem>>) {add = true}
      %dma_start3A_25 = arith.constant 2 : i32
      %dma_start3A_26 = arith.constant 0 : i32
      %dma_start3A_27 = tpu.memref_slice %arg7[%dma_start3A_25, %dma_start3A_26] : memref<8x128xi32, #tpu.memory_space<vmem>> -> memref<1x128xi32, #tpu.memory_space<vmem>>
      %dma_start3A_28 = tpu.memref_squeeze %dma_start3A_27 : memref<1x128xi32, #tpu.memory_space<vmem>> -> memref<128xi32, #tpu.memory_space<vmem>>
      %dma_start3A_29 = arith.constant 0 : i32
      %dma_start3A_30 = arith.constant 0 : i32
      %dma_start3A_31 = tpu.memref_slice %arg6[%dma_start3A_29, %dma_start3A_30] : memref<10112x128xf32, #tpu.memory_space<vmem_shared>> -> memref<10112x128xf32, #tpu.memory_space<vmem_shared>>
      tpu.enqueue_indirect_dma source(%arg8 : memref<128x128xf32, #tpu.memory_space<vmem>>) target(%dma_start3A_31 : memref<10112x128xf32, #tpu.memory_space<vmem_shared>>) offsets(%dma_start3A_28 : memref<128xi32, #tpu.memory_space<vmem>>) semaphore(%arg9 : memref<!tpu.dma_semaphore, #tpu.memory_space<semaphore_mem>>) {add = true}
      %dma_start3A_32 = arith.constant 3 : i32
      %dma_start3A_33 = arith.constant 0 : i32
      %dma_start3A_34 = tpu.memref_slice %arg7[%dma_start3A_32, %dma_start3A_33] : memref<8x128xi32, #tpu.memory_space<vmem>> -> memref<1x128xi32, #tpu.memory_space<vmem>>
      %dma_start3A_35 = tpu.memref_squeeze %dma_start3A_34 : memref<1x128xi32, #tpu.memory_space<vmem>> -> memref<128xi32, #tpu.memory_space<vmem>>
      %dma_start3A_36 = arith.constant 0 : i32
      %dma_start3A_37 = arith.constant 0 : i32
      %dma_start3A_38 = tpu.memref_slice %arg6[%dma_start3A_36, %dma_start3A_37] : memref<10112x128xf32, #tpu.memory_space<vmem_shared>> -> memref<10112x128xf32, #tpu.memory_space<vmem_shared>>
      tpu.enqueue_indirect_dma source(%arg8 : memref<128x128xf32, #tpu.memory_space<vmem>>) target(%dma_start3A_38 : memref<10112x128xf32, #tpu.memory_space<vmem_shared>>) offsets(%dma_start3A_35 : memref<128xi32, #tpu.memory_space<vmem>>) semaphore(%arg9 : memref<!tpu.dma_semaphore, #tpu.memory_space<semaphore_mem>>) {add = true}
      %dma_start3A_39 = arith.constant 4 : i32
      %dma_start3A_40 = arith.constant 0 : i32
      %dma_start3A_41 = tpu.memref_slice %arg7[%dma_start3A_39, %dma_start3A_40] : memref<8x128xi32, #tpu.memory_space<vmem>> -> memref<1x128xi32, #tpu.memory_space<vmem>>
      %dma_start3A_42 = tpu.memref_squeeze %dma_start3A_41 : memref<1x128xi32, #tpu.memory_space<vmem>> -> memref<128xi32, #tpu.memory_space<vmem>>
      %dma_start3A_43 = arith.constant 0 : i32
      %dma_start3A_44 = arith.constant 0 : i32
      %dma_start3A_45 = tpu.memref_slice %arg6[%dma_start3A_43, %dma_start3A_44] : memref<10112x128xf32, #tpu.memory_space<vmem_shared>> -> memref<10112x128xf32, #tpu.memory_space<vmem_shared>>
      tpu.enqueue_indirect_dma source(%arg8 : memref<128x128xf32, #tpu.memory_space<vmem>>) target(%dma_start3A_45 : memref<10112x128xf32, #tpu.memory_space<vmem_shared>>) offsets(%dma_start3A_42 : memref<128xi32, #tpu.memory_space<vmem>>) semaphore(%arg9 : memref<!tpu.dma_semaphore, #tpu.memory_space<semaphore_mem>>) {add = true}
      %dma_start3A_46 = arith.constant 5 : i32
      %dma_start3A_47 = arith.constant 0 : i32
      %dma_start3A_48 = tpu.memref_slice %arg7[%dma_start3A_46, %dma_start3A_47] : memref<8x128xi32, #tpu.memory_space<vmem>> -> memref<1x128xi32, #tpu.memory_space<vmem>>
      %dma_start3A_49 = tpu.memref_squeeze %dma_start3A_48 : memref<1x128xi32, #tpu.memory_space<vmem>> -> memref<128xi32, #tpu.memory_space<vmem>>
      %dma_start3A_50 = arith.constant 0 : i32
      %dma_start3A_51 = arith.constant 0 : i32
      %dma_start3A_52 = tpu.memref_slice %arg6[%dma_start3A_50, %dma_start3A_51] : memref<10112x128xf32, #tpu.memory_space<vmem_shared>> -> memref<10112x128xf32, #tpu.memory_space<vmem_shared>>
      tpu.enqueue_indirect_dma source(%arg8 : memref<128x128xf32, #tpu.memory_space<vmem>>) target(%dma_start3A_52 : memref<10112x128xf32, #tpu.memory_space<vmem_shared>>) offsets(%dma_start3A_49 : memref<128xi32, #tpu.memory_space<vmem>>) semaphore(%arg9 : memref<!tpu.dma_semaphore, #tpu.memory_space<semaphore_mem>>) {add = true}
      %dma_start3A_53 = arith.constant 6 : i32
      %dma_start3A_54 = arith.constant 0 : i32
      %dma_start3A_55 = tpu.memref_slice %arg7[%dma_start3A_53, %dma_start3A_54] : memref<8x128xi32, #tpu.memory_space<vmem>> -> memref<1x128xi32, #tpu.memory_space<vmem>>
      %dma_start3A_56 = tpu.memref_squeeze %dma_start3A_55 : memref<1x128xi32, #tpu.memory_space<vmem>> -> memref<128xi32, #tpu.memory_space<vmem>>
      %dma_start3A_57 = arith.constant 0 : i32
      %dma_start3A_58 = arith.constant 0 : i32
      %dma_start3A_59 = tpu.memref_slice %arg6[%dma_start3A_57, %dma_start3A_58] : memref<10112x128xf32, #tpu.memory_space<vmem_shared>> -> memref<10112x128xf32, #tpu.memory_space<vmem_shared>>
      tpu.enqueue_indirect_dma source(%arg8 : memref<128x128xf32, #tpu.memory_space<vmem>>) target(%dma_start3A_59 : memref<10112x128xf32, #tpu.memory_space<vmem_shared>>) offsets(%dma_start3A_56 : memref<128xi32, #tpu.memory_space<vmem>>) semaphore(%arg9 : memref<!tpu.dma_semaphore, #tpu.memory_space<semaphore_mem>>) {add = true}
      %dma_start3A_60 = arith.constant 7 : i32
      %dma_start3A_61 = arith.constant 0 : i32
      %dma_start3A_62 = tpu.memref_slice %arg7[%dma_start3A_60, %dma_start3A_61] : memref<8x128xi32, #tpu.memory_space<vmem>> -> memref<1x128xi32, #tpu.memory_space<vmem>>
      %dma_start3A_63 = tpu.memref_squeeze %dma_start3A_62 : memref<1x128xi32, #tpu.memory_space<vmem>> -> memref<128xi32, #tpu.memory_space<vmem>>
      %dma_start3A_64 = arith.constant 0 : i32
      %dma_start3A_65 = arith.constant 0 : i32
      %dma_start3A_66 = tpu.memref_slice %arg6[%dma_start3A_64, %dma_start3A_65] : memref<10112x128xf32, #tpu.memory_space<vmem_shared>> -> memref<10112x128xf32, #tpu.memory_space<vmem_shared>>
      tpu.enqueue_indirect_dma source(%arg8 : memref<128x128xf32, #tpu.memory_space<vmem>>) target(%dma_start3A_66 : memref<10112x128xf32, #tpu.memory_space<vmem_shared>>) offsets(%dma_start3A_63 : memref<128xi32, #tpu.memory_space<vmem>>) semaphore(%arg9 : memref<!tpu.dma_semaphore, #tpu.memory_space<semaphore_mem>>) {add = true}
      %dma_wait3A = arith.constant 0 : i32
      %dma_wait3A_67 = arith.constant 0 : i32
      %dma_wait3A_68 = tpu.memref_slice %arg7[%dma_wait3A, %dma_wait3A_67] : memref<8x128xi32, #tpu.memory_space<vmem>> -> memref<1x128xi32, #tpu.memory_space<vmem>>
      %dma_wait3A_69 = tpu.memref_squeeze %dma_wait3A_68 : memref<1x128xi32, #tpu.memory_space<vmem>> -> memref<128xi32, #tpu.memory_space<vmem>>
      %dma_wait3A_70 = arith.constant 0 : i32
      %dma_wait3A_71 = arith.constant 0 : i32
      %dma_wait3A_72 = tpu.memref_slice %arg6[%dma_wait3A_70, %dma_wait3A_71] : memref<10112x128xf32, #tpu.memory_space<vmem_shared>> -> memref<10112x128xf32, #tpu.memory_space<vmem_shared>>
      tpu.wait_indirect_dma semaphore(%arg9 : memref<!tpu.dma_semaphore, #tpu.memory_space<semaphore_mem>>) src(%arg8 : memref<128x128xf32, #tpu.memory_space<vmem>>) dst(%dma_wait3A_72 : memref<10112x128xf32, #tpu.memory_space<vmem_shared>>)
      %dma_wait3A_73 = arith.constant 1 : i32
      %dma_wait3A_74 = arith.constant 0 : i32
      %dma_wait3A_75 = tpu.memref_slice %arg7[%dma_wait3A_73, %dma_wait3A_74] : memref<8x128xi32, #tpu.memory_space<vmem>> -> memref<1x128xi32, #tpu.memory_space<vmem>>
      %dma_wait3A_76 = tpu.memref_squeeze %dma_wait3A_75 : memref<1x128xi32, #tpu.memory_space<vmem>> -> memref<128xi32, #tpu.memory_space<vmem>>
      %dma_wait3A_77 = arith.constant 0 : i32
      %dma_wait3A_78 = arith.constant 0 : i32
      %dma_wait3A_79 = tpu.memref_slice %arg6[%dma_wait3A_77, %dma_wait3A_78] : memref<10112x128xf32, #tpu.memory_space<vmem_shared>> -> memref<10112x128xf32, #tpu.memory_space<vmem_shared>>
      tpu.wait_indirect_dma semaphore(%arg9 : memref<!tpu.dma_semaphore, #tpu.memory_space<semaphore_mem>>) src(%arg8 : memref<128x128xf32, #tpu.memory_space<vmem>>) dst(%dma_wait3A_79 : memref<10112x128xf32, #tpu.memory_space<vmem_shared>>)
      %dma_wait3A_80 = arith.constant 2 : i32
      %dma_wait3A_81 = arith.constant 0 : i32
      %dma_wait3A_82 = tpu.memref_slice %arg7[%dma_wait3A_80, %dma_wait3A_81] : memref<8x128xi32, #tpu.memory_space<vmem>> -> memref<1x128xi32, #tpu.memory_space<vmem>>
      %dma_wait3A_83 = tpu.memref_squeeze %dma_wait3A_82 : memref<1x128xi32, #tpu.memory_space<vmem>> -> memref<128xi32, #tpu.memory_space<vmem>>
      %dma_wait3A_84 = arith.constant 0 : i32
      %dma_wait3A_85 = arith.constant 0 : i32
      %dma_wait3A_86 = tpu.memref_slice %arg6[%dma_wait3A_84, %dma_wait3A_85] : memref<10112x128xf32, #tpu.memory_space<vmem_shared>> -> memref<10112x128xf32, #tpu.memory_space<vmem_shared>>
      tpu.wait_indirect_dma semaphore(%arg9 : memref<!tpu.dma_semaphore, #tpu.memory_space<semaphore_mem>>) src(%arg8 : memref<128x128xf32, #tpu.memory_space<vmem>>) dst(%dma_wait3A_86 : memref<10112x128xf32, #tpu.memory_space<vmem_shared>>)
      %dma_wait3A_87 = arith.constant 3 : i32
      %dma_wait3A_88 = arith.constant 0 : i32
      %dma_wait3A_89 = tpu.memref_slice %arg7[%dma_wait3A_87, %dma_wait3A_88] : memref<8x128xi32, #tpu.memory_space<vmem>> -> memref<1x128xi32, #tpu.memory_space<vmem>>
      %dma_wait3A_90 = tpu.memref_squeeze %dma_wait3A_89 : memref<1x128xi32, #tpu.memory_space<vmem>> -> memref<128xi32, #tpu.memory_space<vmem>>
      %dma_wait3A_91 = arith.constant 0 : i32
      %dma_wait3A_92 = arith.constant 0 : i32
      %dma_wait3A_93 = tpu.memref_slice %arg6[%dma_wait3A_91, %dma_wait3A_92] : memref<10112x128xf32, #tpu.memory_space<vmem_shared>> -> memref<10112x128xf32, #tpu.memory_space<vmem_shared>>
      tpu.wait_indirect_dma semaphore(%arg9 : memref<!tpu.dma_semaphore, #tpu.memory_space<semaphore_mem>>) src(%arg8 : memref<128x128xf32, #tpu.memory_space<vmem>>) dst(%dma_wait3A_93 : memref<10112x128xf32, #tpu.memory_space<vmem_shared>>)
      %dma_wait3A_94 = arith.constant 4 : i32
      %dma_wait3A_95 = arith.constant 0 : i32
      %dma_wait3A_96 = tpu.memref_slice %arg7[%dma_wait3A_94, %dma_wait3A_95] : memref<8x128xi32, #tpu.memory_space<vmem>> -> memref<1x128xi32, #tpu.memory_space<vmem>>
      %dma_wait3A_97 = tpu.memref_squeeze %dma_wait3A_96 : memref<1x128xi32, #tpu.memory_space<vmem>> -> memref<128xi32, #tpu.memory_space<vmem>>
      %dma_wait3A_98 = arith.constant 0 : i32
      %dma_wait3A_99 = arith.constant 0 : i32
      %dma_wait3A_100 = tpu.memref_slice %arg6[%dma_wait3A_98, %dma_wait3A_99] : memref<10112x128xf32, #tpu.memory_space<vmem_shared>> -> memref<10112x128xf32, #tpu.memory_space<vmem_shared>>
      tpu.wait_indirect_dma semaphore(%arg9 : memref<!tpu.dma_semaphore, #tpu.memory_space<semaphore_mem>>) src(%arg8 : memref<128x128xf32, #tpu.memory_space<vmem>>) dst(%dma_wait3A_100 : memref<10112x128xf32, #tpu.memory_space<vmem_shared>>)
      %dma_wait3A_101 = arith.constant 5 : i32
      %dma_wait3A_102 = arith.constant 0 : i32
      %dma_wait3A_103 = tpu.memref_slice %arg7[%dma_wait3A_101, %dma_wait3A_102] : memref<8x128xi32, #tpu.memory_space<vmem>> -> memref<1x128xi32, #tpu.memory_space<vmem>>
      %dma_wait3A_104 = tpu.memref_squeeze %dma_wait3A_103 : memref<1x128xi32, #tpu.memory_space<vmem>> -> memref<128xi32, #tpu.memory_space<vmem>>
      %dma_wait3A_105 = arith.constant 0 : i32
      %dma_wait3A_106 = arith.constant 0 : i32
      %dma_wait3A_107 = tpu.memref_slice %arg6[%dma_wait3A_105, %dma_wait3A_106] : memref<10112x128xf32, #tpu.memory_space<vmem_shared>> -> memref<10112x128xf32, #tpu.memory_space<vmem_shared>>
      tpu.wait_indirect_dma semaphore(%arg9 : memref<!tpu.dma_semaphore, #tpu.memory_space<semaphore_mem>>) src(%arg8 : memref<128x128xf32, #tpu.memory_space<vmem>>) dst(%dma_wait3A_107 : memref<10112x128xf32, #tpu.memory_space<vmem_shared>>)
      %dma_wait3A_108 = arith.constant 6 : i32
      %dma_wait3A_109 = arith.constant 0 : i32
      %dma_wait3A_110 = tpu.memref_slice %arg7[%dma_wait3A_108, %dma_wait3A_109] : memref<8x128xi32, #tpu.memory_space<vmem>> -> memref<1x128xi32, #tpu.memory_space<vmem>>
      %dma_wait3A_111 = tpu.memref_squeeze %dma_wait3A_110 : memref<1x128xi32, #tpu.memory_space<vmem>> -> memref<128xi32, #tpu.memory_space<vmem>>
      %dma_wait3A_112 = arith.constant 0 : i32
      %dma_wait3A_113 = arith.constant 0 : i32
      %dma_wait3A_114 = tpu.memref_slice %arg6[%dma_wait3A_112, %dma_wait3A_113] : memref<10112x128xf32, #tpu.memory_space<vmem_shared>> -> memref<10112x128xf32, #tpu.memory_space<vmem_shared>>
      tpu.wait_indirect_dma semaphore(%arg9 : memref<!tpu.dma_semaphore, #tpu.memory_space<semaphore_mem>>) src(%arg8 : memref<128x128xf32, #tpu.memory_space<vmem>>) dst(%dma_wait3A_114 : memref<10112x128xf32, #tpu.memory_space<vmem_shared>>)
      %dma_wait3A_115 = arith.constant 7 : i32
      %dma_wait3A_116 = arith.constant 0 : i32
      %dma_wait3A_117 = tpu.memref_slice %arg7[%dma_wait3A_115, %dma_wait3A_116] : memref<8x128xi32, #tpu.memory_space<vmem>> -> memref<1x128xi32, #tpu.memory_space<vmem>>
      %dma_wait3A_118 = tpu.memref_squeeze %dma_wait3A_117 : memref<1x128xi32, #tpu.memory_space<vmem>> -> memref<128xi32, #tpu.memory_space<vmem>>
      %dma_wait3A_119 = arith.constant 0 : i32
      %dma_wait3A_120 = arith.constant 0 : i32
      %dma_wait3A_121 = tpu.memref_slice %arg6[%dma_wait3A_119, %dma_wait3A_120] : memref<10112x128xf32, #tpu.memory_space<vmem_shared>> -> memref<10112x128xf32, #tpu.memory_space<vmem_shared>>
      tpu.wait_indirect_dma semaphore(%arg9 : memref<!tpu.dma_semaphore, #tpu.memory_space<semaphore_mem>>) src(%arg8 : memref<128x128xf32, #tpu.memory_space<vmem>>) dst(%dma_wait3A_121 : memref<10112x128xf32, #tpu.memory_space<vmem_shared>>)
    }
    %scan3A_7 = arith.constant 10 : i32
    %barrier3A_8 = arith.constant 0 : index
    tpu.barrier barrier_id(%barrier3A_8)
    "tpu.region"() ({
      %run_scoped3A = tpu.sem_alloc : memref<!tpu.dma_semaphore, #tpu.memory_space<semaphore_mem>>
      %dma_start3A = arith.constant 0 : i32
      %dma_start3A_9 = tpu.memref_slice %arg5[%arg0, %mul3A_2, %dma_start3A] : memref<2x10112x128xf32, #tpu.memory_space<hbm>> -> memref<1x632x128xf32, #tpu.memory_space<hbm>>
      %dma_start3A_10 = tpu.memref_squeeze %dma_start3A_9 : memref<1x632x128xf32, #tpu.memory_space<hbm>> -> memref<632x128xf32, #tpu.memory_space<hbm>>
      %dma_start3A_11 = arith.constant 0 : i32
      %dma_start3A_12 = tpu.memref_slice %arg6[%mul3A_2, %dma_start3A_11] : memref<10112x128xf32, #tpu.memory_space<vmem_shared>> -> memref<632x128xf32, #tpu.memory_space<vmem_shared>>
      tpu.enqueue_dma source(%dma_start3A_12 : memref<632x128xf32, #tpu.memory_space<vmem_shared>>) target(%dma_start3A_10 : memref<632x128xf32, #tpu.memory_space<hbm>>) target_semaphore(%run_scoped3A : memref<!tpu.dma_semaphore, #tpu.memory_space<semaphore_mem>>)
      %dma_wait3A = arith.constant 0 : i32
      %dma_wait3A_13 = tpu.memref_slice %arg5[%arg0, %mul3A_2, %dma_wait3A] : memref<2x10112x128xf32, #tpu.memory_space<hbm>> -> memref<1x632x128xf32, #tpu.memory_space<hbm>>
      %dma_wait3A_14 = tpu.memref_squeeze %dma_wait3A_13 : memref<1x632x128xf32, #tpu.memory_space<hbm>> -> memref<632x128xf32, #tpu.memory_space<hbm>>
      %dma_wait3A_15 = arith.constant 0 : i32
      %dma_wait3A_16 = tpu.memref_slice %arg6[%mul3A_2, %dma_wait3A_15] : memref<10112x128xf32, #tpu.memory_space<vmem_shared>> -> memref<632x128xf32, #tpu.memory_space<vmem_shared>>
      tpu.wait_dma2 semaphore(%run_scoped3A : memref<!tpu.dma_semaphore, #tpu.memory_space<semaphore_mem>>) src(%dma_wait3A_16 : memref<632x128xf32, #tpu.memory_space<vmem_shared>>) dst(%dma_wait3A_14 : memref<632x128xf32, #tpu.memory_space<hbm>>)
      tpu.yield
    }) : () -> ()
    return
  }
}

module attributes {stable_mosaic.version = 14 : i64} {
  func.func @_xw_body(%arg0: i32, %arg1: memref<2000x128xf32, #tpu.memory_space<vmem>>, %arg2: memref<128x128xf32, #tpu.memory_space<vmem>>, %arg3: memref<2000x128xf32, #tpu.memory_space<vmem>>) attributes {dimension_semantics = [#tpu.dimension_semantics<arbitrary>], iteration_bounds = array<i64: 5>, scalar_prefetch = 0 : i64, scratch_operands = 0 : i64, tpu.core_type = #tpu.core_type<tc>, window_params = [{transform_indices = @transform_0, window_bounds = array<i64: 2000, 128>}, {pipeline_mode = #tpu.pipeline_mode<synchronous>, transform_indices = @transform_1, window_bounds = array<i64: 128, 128>}, {transform_indices = @transform_2, window_bounds = array<i64: 2000, 128>}]} {
    %get3A = arith.constant 0 : index
    %get3A_0 = arith.constant 0 : index
    %get3A_1 = vector.load %arg1[%get3A, %get3A_0] : memref<2000x128xf32, #tpu.memory_space<vmem>>, vector<2000x128xf32>
    %get3A_2 = arith.constant 0 : index
    %get3A_3 = arith.constant 0 : index
    %get3A_4 = vector.load %arg2[%get3A_2, %get3A_3] : memref<128x128xf32, #tpu.memory_space<vmem>>, vector<128x128xf32>
    %dot_general3A = arith.constant dense<0.000000e+00> : vector<2000x128xf32>
    %dot_general3A_5 = tpu.matmul %get3A_1, %get3A_4, %dot_general3A {dimension_numbers = #tpu.dot_dimension_numbers<[1], [0], [0], [1], [0, 0, 1, 1], [], []>, precision = #tpu.contract_precision<fp32>, transpose_lhs_hint = false} : vector<2000x128xf32>, vector<128x128xf32>, vector<2000x128xf32> -> vector<2000x128xf32>
    %swap3A = arith.constant 0 : index
    %swap3A_6 = arith.constant 0 : index
    %swap3A_7 = vector.load %arg3[%swap3A, %swap3A_6] : memref<2000x128xf32, #tpu.memory_space<vmem>>, vector<2000x128xf32>
    tpu.vector_store %arg3[%swap3A, %swap3A_6], %dot_general3A_5 {strides = array<i32>} : memref<2000x128xf32, #tpu.memory_space<vmem>>, vector<2000x128xf32>,
    return
  }
  func.func @transform_0(%arg0: i32) -> (i32, i32) {
    %c0_i32 = arith.constant 0 : i32
    %c0_i32_0 = arith.constant 0 : i32
    return %arg0, %c0_i32 : i32, i32
  }
  func.func @transform_1(%arg0: i32) -> (i32, i32) {
    %c0_i32 = arith.constant 0 : i32
    %c0_i32_0 = arith.constant 0 : i32
    %c0_i32_1 = arith.constant 0 : i32
    return %c0_i32, %c0_i32_0 : i32, i32
  }
  func.func @transform_2(%arg0: i32) -> (i32, i32) {
    %c0_i32 = arith.constant 0 : i32
    %c0_i32_0 = arith.constant 0 : i32
    return %arg0, %c0_i32 : i32, i32
  }
}

module attributes {stable_mosaic.version = 14 : i64} {
  func.func @_combine1_body(%arg0: i32, %arg1: memref<2x2000x128xf32, #tpu.memory_space<vmem>>, %arg2: memref<2x2000x128xf32, #tpu.memory_space<vmem>>, %arg3: memref<2000x128xf32, #tpu.memory_space<vmem>>, %arg4: memref<128x128xf32, #tpu.memory_space<vmem>>, %arg5: memref<1x128xf32, #tpu.memory_space<vmem>>, %arg6: memref<2000x128xf32, #tpu.memory_space<vmem>>) attributes {dimension_semantics = [#tpu.dimension_semantics<arbitrary>], iteration_bounds = array<i64: 5>, scalar_prefetch = 0 : i64, scratch_operands = 0 : i64, tpu.core_type = #tpu.core_type<tc>, window_params = [{transform_indices = @transform_0, window_bounds = array<i64: 2, 2000, 128>}, {transform_indices = @transform_1, window_bounds = array<i64: 2, 2000, 128>}, {transform_indices = @transform_2, window_bounds = array<i64: 2000, 128>}, {pipeline_mode = #tpu.pipeline_mode<synchronous>, transform_indices = @transform_3, window_bounds = array<i64: 128, 128>}, {pipeline_mode = #tpu.pipeline_mode<synchronous>, transform_indices = @transform_4, window_bounds = array<i64: 1, 128>}, {transform_indices = @transform_5, window_bounds = array<i64: 2000, 128>}]} {
    %get3A = arith.constant 0 : index
    %get3A_0 = arith.constant 0 : index
    %get3A_1 = arith.constant 0 : index
    %get3A_2 = vector.load %arg1[%get3A, %get3A_0, %get3A_1] : memref<2x2000x128xf32, #tpu.memory_space<vmem>>, vector<2x2000x128xf32>
    %get3A_3 = arith.constant 0 : index
    %get3A_4 = arith.constant 0 : index
    %get3A_5 = arith.constant 0 : index
    %get3A_6 = vector.load %arg2[%get3A_3, %get3A_4, %get3A_5] : memref<2x2000x128xf32, #tpu.memory_space<vmem>>, vector<2x2000x128xf32>
    %slice3A = vector.extract_strided_slice %get3A_6 {offsets = [0, 0, 0], sizes = [1, 2000, 1], strides = [1, 1, 1]} : vector<2x2000x128xf32> to vector<1x2000x1xf32>
    %squeeze3A = vector.shape_cast %slice3A : vector<1x2000x1xf32> to vector<2000x1xf32>
    %slice3A_7 = vector.extract_strided_slice %get3A_6 {offsets = [1, 0, 0], sizes = [1, 2000, 1], strides = [1, 1, 1]} : vector<2x2000x128xf32> to vector<1x2000x1xf32>
    %squeeze3A_8 = vector.shape_cast %slice3A_7 : vector<1x2000x1xf32> to vector<2000x1xf32>
    %add3A = arith.addf %squeeze3A, %squeeze3A_8 : vector<2000x1xf32>
    %slice3A_9 = vector.extract_strided_slice %get3A_2 {offsets = [0, 0, 0], sizes = [1, 2000, 128], strides = [1, 1, 1]} : vector<2x2000x128xf32> to vector<1x2000x128xf32>
    %squeeze3A_10 = vector.shape_cast %slice3A_9 : vector<1x2000x128xf32> to vector<2000x128xf32>
    %slice3A_11 = vector.extract_strided_slice %get3A_2 {offsets = [1, 0, 0], sizes = [1, 2000, 128], strides = [1, 1, 1]} : vector<2x2000x128xf32> to vector<1x2000x128xf32>
    %squeeze3A_12 = vector.shape_cast %slice3A_11 : vector<1x2000x128xf32> to vector<2000x128xf32>
    %add3A_13 = arith.addf %squeeze3A_10, %squeeze3A_12 : vector<2000x128xf32>
    %max3A = arith.constant 1.000000e+00 : f32
    %max3A_14 = vector.broadcast %max3A : f32 to vector<2000x1xf32>
    %max3A_15 = arith.maximumf %add3A, %max3A_14 : vector<2000x1xf32>
    %div3A = vector.broadcast %max3A_15 : vector<2000x1xf32> to vector<2000x128xf32>
    %div3A_16 = arith.divf %add3A_13, %div3A : vector<2000x128xf32>
    %get3A_17 = arith.constant 0 : index
    %get3A_18 = arith.constant 0 : index
    %get3A_19 = vector.load %arg4[%get3A_17, %get3A_18] : memref<128x128xf32, #tpu.memory_space<vmem>>, vector<128x128xf32>
    %dot_general3A = arith.constant dense<0.000000e+00> : vector<2000x128xf32>
    %dot_general3A_20 = tpu.matmul %div3A_16, %get3A_19, %dot_general3A {dimension_numbers = #tpu.dot_dimension_numbers<[1], [0], [0], [1], [0, 0, 1, 1], [], []>, precision = #tpu.contract_precision<fp32>, transpose_lhs_hint = false} : vector<2000x128xf32>, vector<128x128xf32>, vector<2000x128xf32> -> vector<2000x128xf32>
    %get3A_21 = arith.constant 0 : index
    %get3A_22 = arith.constant 0 : index
    %get3A_23 = vector.load %arg5[%get3A_21, %get3A_22] : memref<1x128xf32, #tpu.memory_space<vmem>>, vector<1x128xf32>
    %add3A_24 = vector.broadcast %get3A_23 : vector<1x128xf32> to vector<2000x128xf32>
    %add3A_25 = arith.addf %dot_general3A_20, %add3A_24 : vector<2000x128xf32>
    %get3A_26 = arith.constant 0 : index
    %get3A_27 = arith.constant 0 : index
    %get3A_28 = vector.load %arg3[%get3A_26, %get3A_27] : memref<2000x128xf32, #tpu.memory_space<vmem>>, vector<2000x128xf32>
    %add3A_29 = arith.addf %add3A_25, %get3A_28 : vector<2000x128xf32>
    %max3A_30 = arith.constant 0.000000e+00 : f32
    %max3A_31 = vector.broadcast %max3A_30 : f32 to vector<2000x128xf32>
    %max3A_32 = arith.maximumf %add3A_29, %max3A_31 : vector<2000x128xf32>
    %swap3A = arith.constant 0 : index
    %swap3A_33 = arith.constant 0 : index
    %swap3A_34 = vector.load %arg6[%swap3A, %swap3A_33] : memref<2000x128xf32, #tpu.memory_space<vmem>>, vector<2000x128xf32>
    tpu.vector_store %arg6[%swap3A, %swap3A_33], %max3A_32 {strides = array<i32>} : memref<2000x128xf32, #tpu.memory_space<vmem>>, vector<2000x128xf32>,
    return
  }
  func.func @transform_0(%arg0: i32) -> (i32, i32, i32) {
    %c0_i32 = arith.constant 0 : i32
    %c0_i32_0 = arith.constant 0 : i32
    %c0_i32_1 = arith.constant 0 : i32
    return %c0_i32, %arg0, %c0_i32_0 : i32, i32, i32
  }
  func.func @transform_1(%arg0: i32) -> (i32, i32, i32) {
    %c0_i32 = arith.constant 0 : i32
    %c0_i32_0 = arith.constant 0 : i32
    %c0_i32_1 = arith.constant 0 : i32
    return %c0_i32, %arg0, %c0_i32_0 : i32, i32, i32
  }
  func.func @transform_2(%arg0: i32) -> (i32, i32) {
    %c0_i32 = arith.constant 0 : i32
    %c0_i32_0 = arith.constant 0 : i32
    return %arg0, %c0_i32 : i32, i32
  }
  func.func @transform_3(%arg0: i32) -> (i32, i32) {
    %c0_i32 = arith.constant 0 : i32
    %c0_i32_0 = arith.constant 0 : i32
    %c0_i32_1 = arith.constant 0 : i32
    return %c0_i32, %c0_i32_0 : i32, i32
  }
  func.func @transform_4(%arg0: i32) -> (i32, i32) {
    %c0_i32 = arith.constant 0 : i32
    %c0_i32_0 = arith.constant 0 : i32
    %c0_i32_1 = arith.constant 0 : i32
    return %c0_i32, %c0_i32_0 : i32, i32
  }
  func.func @transform_5(%arg0: i32) -> (i32, i32) {
    %c0_i32 = arith.constant 0 : i32
    %c0_i32_0 = arith.constant 0 : i32
    return %arg0, %c0_i32 : i32, i32
  }
}

module attributes {stable_mosaic.version = 14 : i64} {
  func.func @_combine2_body(%arg0: i32, %arg1: memref<2x2000x128xf32, #tpu.memory_space<vmem>>, %arg2: memref<2x2000x128xf32, #tpu.memory_space<vmem>>, %arg3: memref<2000x128xf32, #tpu.memory_space<vmem>>, %arg4: memref<128x128xf32, #tpu.memory_space<vmem>>, %arg5: memref<1x128xf32, #tpu.memory_space<vmem>>, %arg6: memref<128x41xf32, #tpu.memory_space<vmem>>, %arg7: memref<1x41xf32, #tpu.memory_space<vmem>>, %arg8: memref<2000x41xf32, #tpu.memory_space<vmem>>) attributes {dimension_semantics = [#tpu.dimension_semantics<arbitrary>], iteration_bounds = array<i64: 5>, scalar_prefetch = 0 : i64, scratch_operands = 0 : i64, tpu.core_type = #tpu.core_type<tc>, window_params = [{transform_indices = @transform_0, window_bounds = array<i64: 2, 2000, 128>}, {transform_indices = @transform_1, window_bounds = array<i64: 2, 2000, 128>}, {transform_indices = @transform_2, window_bounds = array<i64: 2000, 128>}, {pipeline_mode = #tpu.pipeline_mode<synchronous>, transform_indices = @transform_3, window_bounds = array<i64: 128, 128>}, {pipeline_mode = #tpu.pipeline_mode<synchronous>, transform_indices = @transform_4, window_bounds = array<i64: 1, 128>}, {pipeline_mode = #tpu.pipeline_mode<synchronous>, transform_indices = @transform_5, window_bounds = array<i64: 128, 41>}, {pipeline_mode = #tpu.pipeline_mode<synchronous>, transform_indices = @transform_6, window_bounds = array<i64: 1, 41>}, {transform_indices = @transform_7, window_bounds = array<i64: 2000, 41>}]} {
    %get3A = arith.constant 0 : index
    %get3A_0 = arith.constant 0 : index
    %get3A_1 = arith.constant 0 : index
    %get3A_2 = vector.load %arg1[%get3A, %get3A_0, %get3A_1] : memref<2x2000x128xf32, #tpu.memory_space<vmem>>, vector<2x2000x128xf32>
    %get3A_3 = arith.constant 0 : index
    %get3A_4 = arith.constant 0 : index
    %get3A_5 = arith.constant 0 : index
    %get3A_6 = vector.load %arg2[%get3A_3, %get3A_4, %get3A_5] : memref<2x2000x128xf32, #tpu.memory_space<vmem>>, vector<2x2000x128xf32>
    %slice3A = vector.extract_strided_slice %get3A_6 {offsets = [0, 0, 0], sizes = [1, 2000, 1], strides = [1, 1, 1]} : vector<2x2000x128xf32> to vector<1x2000x1xf32>
    %squeeze3A = vector.shape_cast %slice3A : vector<1x2000x1xf32> to vector<2000x1xf32>
    %slice3A_7 = vector.extract_strided_slice %get3A_6 {offsets = [1, 0, 0], sizes = [1, 2000, 1], strides = [1, 1, 1]} : vector<2x2000x128xf32> to vector<1x2000x1xf32>
    %squeeze3A_8 = vector.shape_cast %slice3A_7 : vector<1x2000x1xf32> to vector<2000x1xf32>
    %add3A = arith.addf %squeeze3A, %squeeze3A_8 : vector<2000x1xf32>
    %slice3A_9 = vector.extract_strided_slice %get3A_2 {offsets = [0, 0, 0], sizes = [1, 2000, 128], strides = [1, 1, 1]} : vector<2x2000x128xf32> to vector<1x2000x128xf32>
    %squeeze3A_10 = vector.shape_cast %slice3A_9 : vector<1x2000x128xf32> to vector<2000x128xf32>
    %slice3A_11 = vector.extract_strided_slice %get3A_2 {offsets = [1, 0, 0], sizes = [1, 2000, 128], strides = [1, 1, 1]} : vector<2x2000x128xf32> to vector<1x2000x128xf32>
    %squeeze3A_12 = vector.shape_cast %slice3A_11 : vector<1x2000x128xf32> to vector<2000x128xf32>
    %add3A_13 = arith.addf %squeeze3A_10, %squeeze3A_12 : vector<2000x128xf32>
    %max3A = arith.constant 1.000000e+00 : f32
    %max3A_14 = vector.broadcast %max3A : f32 to vector<2000x1xf32>
    %max3A_15 = arith.maximumf %add3A, %max3A_14 : vector<2000x1xf32>
    %div3A = vector.broadcast %max3A_15 : vector<2000x1xf32> to vector<2000x128xf32>
    %div3A_16 = arith.divf %add3A_13, %div3A : vector<2000x128xf32>
    %get3A_17 = arith.constant 0 : index
    %get3A_18 = arith.constant 0 : index
    %get3A_19 = vector.load %arg4[%get3A_17, %get3A_18] : memref<128x128xf32, #tpu.memory_space<vmem>>, vector<128x128xf32>
    %dot_general3A = arith.constant dense<0.000000e+00> : vector<2000x128xf32>
    %dot_general3A_20 = tpu.matmul %div3A_16, %get3A_19, %dot_general3A {dimension_numbers = #tpu.dot_dimension_numbers<[1], [0], [0], [1], [0, 0, 1, 1], [], []>, precision = #tpu.contract_precision<fp32>, transpose_lhs_hint = false} : vector<2000x128xf32>, vector<128x128xf32>, vector<2000x128xf32> -> vector<2000x128xf32>
    %get3A_21 = arith.constant 0 : index
    %get3A_22 = arith.constant 0 : index
    %get3A_23 = vector.load %arg5[%get3A_21, %get3A_22] : memref<1x128xf32, #tpu.memory_space<vmem>>, vector<1x128xf32>
    %add3A_24 = vector.broadcast %get3A_23 : vector<1x128xf32> to vector<2000x128xf32>
    %add3A_25 = arith.addf %dot_general3A_20, %add3A_24 : vector<2000x128xf32>
    %get3A_26 = arith.constant 0 : index
    %get3A_27 = arith.constant 0 : index
    %get3A_28 = vector.load %arg3[%get3A_26, %get3A_27] : memref<2000x128xf32, #tpu.memory_space<vmem>>, vector<2000x128xf32>
    %add3A_29 = arith.addf %add3A_25, %get3A_28 : vector<2000x128xf32>
    %get3A_30 = arith.constant 0 : index
    %get3A_31 = arith.constant 0 : index
    %get3A_32 = vector.load %arg6[%get3A_30, %get3A_31] : memref<128x41xf32, #tpu.memory_space<vmem>>, vector<128x41xf32>
    %dot_general3A_33 = arith.constant dense<0.000000e+00> : vector<2000x41xf32>
    %dot_general3A_34 = tpu.matmul %add3A_29, %get3A_32, %dot_general3A_33 {dimension_numbers = #tpu.dot_dimension_numbers<[1], [0], [0], [1], [0, 0, 1, 1], [], []>, precision = #tpu.contract_precision<fp32>, transpose_lhs_hint = false} : vector<2000x128xf32>, vector<128x41xf32>, vector<2000x41xf32> -> vector<2000x41xf32>
    %get3A_35 = arith.constant 0 : index
    %get3A_36 = arith.constant 0 : index
    %get3A_37 = vector.load %arg7[%get3A_35, %get3A_36] : memref<1x41xf32, #tpu.memory_space<vmem>>, vector<1x41xf32>
    %add3A_38 = vector.broadcast %get3A_37 : vector<1x41xf32> to vector<2000x41xf32>
    %add3A_39 = arith.addf %dot_general3A_34, %add3A_38 : vector<2000x41xf32>
    %swap3A = arith.constant 0 : index
    %swap3A_40 = arith.constant 0 : index
    %swap3A_41 = vector.load %arg8[%swap3A, %swap3A_40] : memref<2000x41xf32, #tpu.memory_space<vmem>>, vector<2000x41xf32>
    tpu.vector_store %arg8[%swap3A, %swap3A_40], %add3A_39 {strides = array<i32>} : memref<2000x41xf32, #tpu.memory_space<vmem>>, vector<2000x41xf32>,
    return
  }
  func.func @transform_0(%arg0: i32) -> (i32, i32, i32) {
    %c0_i32 = arith.constant 0 : i32
    %c0_i32_0 = arith.constant 0 : i32
    %c0_i32_1 = arith.constant 0 : i32
    return %c0_i32, %arg0, %c0_i32_0 : i32, i32, i32
  }
  func.func @transform_1(%arg0: i32) -> (i32, i32, i32) {
    %c0_i32 = arith.constant 0 : i32
    %c0_i32_0 = arith.constant 0 : i32
    %c0_i32_1 = arith.constant 0 : i32
    return %c0_i32, %arg0, %c0_i32_0 : i32, i32, i32
  }
  func.func @transform_2(%arg0: i32) -> (i32, i32) {
    %c0_i32 = arith.constant 0 : i32
    %c0_i32_0 = arith.constant 0 : i32
    return %arg0, %c0_i32 : i32, i32
  }
  func.func @transform_3(%arg0: i32) -> (i32, i32) {
    %c0_i32 = arith.constant 0 : i32
    %c0_i32_0 = arith.constant 0 : i32
    %c0_i32_1 = arith.constant 0 : i32
    return %c0_i32, %c0_i32_0 : i32, i32
  }
  func.func @transform_4(%arg0: i32) -> (i32, i32) {
    %c0_i32 = arith.constant 0 : i32
    %c0_i32_0 = arith.constant 0 : i32
    %c0_i32_1 = arith.constant 0 : i32
    return %c0_i32, %c0_i32_0 : i32, i32
  }
  func.func @transform_5(%arg0: i32) -> (i32, i32) {
    %c0_i32 = arith.constant 0 : i32
    %c0_i32_0 = arith.constant 0 : i32
    %c0_i32_1 = arith.constant 0 : i32
    return %c0_i32, %c0_i32_0 : i32, i32
  }
  func.func @transform_6(%arg0: i32) -> (i32, i32) {
    %c0_i32 = arith.constant 0 : i32
    %c0_i32_0 = arith.constant 0 : i32
    %c0_i32_1 = arith.constant 0 : i32
    return %c0_i32, %c0_i32_0 : i32, i32
  }
  func.func @transform_7(%arg0: i32) -> (i32, i32) {
    %c0_i32 = arith.constant 0 : i32
    %c0_i32_0 = arith.constant 0 : i32
    return %arg0, %c0_i32 : i32, i32
  }
}

</mosaic_0001>

<sc_bundles>
// kernel: kernel.12.cloned.1.call-start
scs
__scs_entry_jumppad:
0x0: {  	(pc) =	sbr.rel $0x88, $3  }
0x1: {  	(tag) =	ssettag $0x0;
	lr =	simm.s32 $0x1  }
0x2: {  	[smem:$0x3F97] =	sst lr;
	_ =	strace $0xD0000000  }
0x3: {  	_ = 	snop  }
0x4: {  	_ = 	snop  }
0x5: {  	_ = 	snop  }
0x6: {  	_ = 	snop  }
0x7: {  	_ = 	snop  }
__scs_overlays_trampoline_lowered:
0x8: {  	[smem:$0x3FA6] =	sst s0  }
0x9: {  	[smem:$0x3FA7] =	sst s1  }
0xa: {  	[smem:$0x3FA8] =	sst s2  }
0xb: {  	[smem:$0x3FA9] =	sst s3  }
0xc: {  	[smem:$0x3FAA] =	sst s4  }
0xd: {  	[smem:$0x3FAB] =	sst s5  }
0xe: {  	[smem:$0x3FAC] =	sst s6  }
0xf: {  	[smem:$0x3FAD] =	sst s7  }
0x10: {  	[smem:$0x3FAE] =	sst s8  }
0x11: {  	[smem:$0x3FAF] =	sst s9;
	s0 =	simm.s32 @!p0 $0x0  }
0x12: {  	s1 =	sld [smem:$0x3F95];
	s0 =	simm.s32 @p0 $0x1  }
0x13: {  	[smem:$0x3FB0] =	sst s0;
	s0 =	simm.s32 @!p1 $0x0  }
0x14: {  	s2 =	sld [smem:$0x3F94];
	s0 =	simm.s32 @p1 $0x1  }
0x15: {  	[smem:$0x3FB1] =	sst s0;
	s0 =	simm.s32 @!p2 $0x0  }
0x16: {  	s3 =	sld [smem:$0x3FDB];
	s0 =	simm.s32 @p2 $0x1  }
0x17: {  	s4 =	simm.s32 $0x1BF5;
	[smem:$0x3FB3] =	sst s0  }
0x18: {  	s0 =	sld [smem:$0x3F96];
	_ =	swait.ge [sflag:s4], $0x0  }
0x19: {  	s7 =	sld [smem:$0x3F97]  }
0x1a: {  	s8 =	sadd.s32 $0xFFFFE003, lr  }
0x1b: {  	s9 =	sadd.s32 $0xFFFFFEF7, lr;
	s5 =	simm.s32 $0xFFFFFFFF;
	p2 =	slt.u32 s8, $0xFFFFF086  }
0x1c: {  	p1 =	slt.u32 s9, $0xF7A;
	s5 =	simm.s32 @!p2 $0x0  }
0x1d: {  	s5 =	simm.s32 @p1 $0x1;
	p0 =	seq.s32 s7, s2  }
0x1e: {  	s7 =	smul.u32 @!p0 $0xF7A, s2;
	p2 =	seq.s32 @!p0 s5, $0x0  }
0x1f: {  	s9 =	smul.u32 $0xF7A, s1;
	s8 =	simm.s32 @!p0 $0x1BF5;
	p2 =	por !p2, p0  }
0x20: {  	[sflag:s8] =	ssyncset.s32 @!p0 $0xFFFFF086;
	s6 =	sadd.s32 @!p0 s3, s7;
	s7 =	simm.s32 @!p0 $0x108  }
0x21: {  	s3 =	sadd.s32 s3, s9;
	s6 =	sadd.s32 @!p0 $0x88, s6;
	s7 =	simm.s32 @p2 $0x1082  }
0x22: {  	[simem:s7], [sflag:s8] =	dma.local @!p0 [hbm:s6], $0xF7A  }
0x23: {  	s9 =	sor.u32 $0xD0000000, s2;
	s6 =	simm.s32 $0x108;
	_ =	swait.ge @!p0 [sflag:s8], $0x0  }
0x24: {  	s3 =	sadd.s32 $0x88, s3;
	s6 =	simm.s32 @!p1 $0x1082;
	[sflag:s4] =	ssyncset.s32 $0xFFFFF086  }
0x25: {  	[simem:s6], [sflag:s4] =	dma.local [hbm:s3], $0xF7A  }
0x26: {  	[smem:$0x3F97] =	sst s1;
	(tag) =	ssettag s2;
	_ =	strace s9  }
0x27: {  	s1 =	sld [smem:$0x3FA7]  }
0x28: {  	s2 =	sld [smem:$0x3FA8]  }
0x29: {  	s4 =	sld [smem:$0x3FAA]  }
0x2a: {  	p0 =	seq.s32 s5, $0x0;
	s5 =	sld [smem:$0x3FAB]  }
0x2b: {  	s6 =	sld [smem:$0x3FAC]  }
0x2c: {  	s7 =	sld [smem:$0x3FAD]  }
0x2d: {  	s3 =	simm.s32 $0x108;
	s8 =	sld [smem:$0x3FAE]  }
0x2e: {  	s3 =	simm.s32 @!p0 $0x1082;
	s9 =	sld [smem:$0x3FAF]  }
0x2f: {  	lr =	sadd.s32 s0, s3;
	s0 =	sld [smem:$0x3FA6]  }
0x30: {  	s3 =	sld [smem:$0x3FA9]  }
0x31: {  	[smem:$0x3FB2] =	sst s10  }
0x32: {  	s10 =	sld [smem:$0x3FB0];
	_ =	sdelay $0x3  }
0x33: {  	p0 =	seq.s32 s10, $0x1;
	s10 =	sld [smem:$0x3FB2];
	_ =	sdelay $0x3  }
0x34: {  	[smem:$0x3FB2] =	sst s10  }
0x35: {  	s10 =	sld [smem:$0x3FB1];
	_ =	sdelay $0x3  }
0x36: {  	p1 =	seq.s32 s10, $0x1;
	s10 =	sld [smem:$0x3FB2];
	_ =	sdelay $0x3  }
0x37: {  	[smem:$0x3FB2] =	sst s10  }
0x38: {  	s10 =	sld [smem:$0x3FB3]  }
0x39: {  	_ = 	snop;
	(pc) =	sbr.ind lr, $3  }
0x3a: {  	_ = 	snop  }
0x3b: {  	_ = 	snop  }
0x3c: {  	p2 =	seq.s32 s10, $0x1;
	s10 =	sld [smem:$0x3FB2]  }
0x3d: {  	_ =	shalt  }
0x3e: {  	_ =	shalt  }
0x3f: {  	_ =	shalt  }
0x40: {  	_ =	shalt  }
0x41: {  	_ =	shalt  }
0x42: {  	_ =	shalt  }
0x43: {  	_ =	shalt  }
0x44: {  	_ =	shalt  }
0x45: {  	_ =	shalt  }
0x46: {  	_ =	shalt  }
0x47: {  	_ =	shalt  }
0x48: {  	_ =	shalt  }
0x49: {  	_ =	shalt  }
0x4a: {  	_ =	shalt  }
0x4b: {  	_ =	shalt  }
0x4c: {  	_ =	shalt  }
0x4d: {  	_ =	shalt  }
0x4e: {  	_ =	shalt  }
0x4f: {  	_ =	shalt  }
0x50: {  	_ =	shalt  }
0x51: {  	_ =	shalt  }
0x52: {  	_ =	shalt  }
0x53: {  	_ =	shalt  }
0x54: {  	_ =	shalt  }
0x55: {  	_ =	shalt  }
0x56: {  	_ =	shalt  }
0x57: {  	_ =	shalt  }
0x58: {  	_ =	shalt  }
0x59: {  	_ =	shalt  }
0x5a: {  	_ =	shalt  }
0x5b: {  	_ =	shalt  }
0x5c: {  	_ =	shalt  }
0x5d: {  	_ =	shalt  }
0x5e: {  	_ =	shalt  }
0x5f: {  	_ =	shalt  }
0x60: {  	_ =	shalt  }
0x61: {  	_ =	shalt  }
0x62: {  	_ =	shalt  }
0x63: {  	_ =	shalt  }
0x64: {  	_ =	shalt  }
0x65: {  	_ =	shalt  }
0x66: {  	_ =	shalt  }
0x67: {  	_ =	shalt  }
0x68: {  	_ =	shalt  }
0x69: {  	_ =	shalt  }
0x6a: {  	_ =	shalt  }
0x6b: {  	_ =	shalt  }
0x6c: {  	_ =	shalt  }
0x6d: {  	_ =	shalt  }
0x6e: {  	_ =	shalt  }
0x6f: {  	_ =	shalt  }
0x70: {  	_ =	shalt  }
0x71: {  	_ =	shalt  }
0x72: {  	_ =	shalt  }
0x73: {  	_ =	shalt  }
0x74: {  	_ =	shalt  }
0x75: {  	_ =	shalt  }
0x76: {  	_ =	shalt  }
0x77: {  	_ =	shalt  }
0x78: {  	_ =	shalt  }
0x79: {  	_ =	shalt  }
0x7a: {  	_ =	shalt  }
0x7b: {  	_ =	shalt  }
0x7c: {  	_ =	shalt  }
0x7d: {  	_ =	shalt  }
0x7e: {  	_ =	shalt  }
0x7f: {  	_ =	shalt  }
0x80: {  	_ =	shalt  }
0x81: {  	_ =	shalt  }
0x82: {  	_ =	shalt  }
0x83: {  	_ =	shalt  }
0x84: {  	_ =	shalt  }
0x85: {  	_ =	shalt  }
0x86: {  	_ =	shalt  }
0x87: {  	_ =	shalt  }
.Lfunc_end0:
.L_simem_size_0:
called_computation.1_lowered:
.L_overlay_start_0:
0x88: {  	s2 =	sld [smem:$0x3FD9]  }
0x89: {  	s3 =	sld [smem:$0x3FFE];
	_ =	sdelay $0x1  }
0x8a: {  	s1 =	srdreg.scid  }
0x8b: {  	s0 =	sand.u32 $0x1, s1  }
0x8c: {  	s17 =	sshll.u32 s0, $0xA;
	s2 =	sadd.s32 s3, s2  }
0x8d: {  	s2 =	sadd.s32 s2, s17  }
0x8e: {  	[smem:$0x3FBE] =	sst s2  }
0x8f: {  	_ = 	snop  }
0x90: {  	s2 =	sld [smem:$0x3FC9];
	(tm) =	ssettm $0x1  }
0x91: {  	s18 =	sld [smem:$0x3FFB];
	_ =	sdelay $0x3  }
0x92: {  	_ =	strace s18  }
0x93: {  	s3 =	sld [smem:$0x3FFC];
	_ =	sdelay $0x3  }
0x94: {  	_ =	strace s3  }
0x95: {  	s3 =	sld [smem:$0x3FFD];
	_ =	sdelay $0x3  }
0x96: {  	_ =	strace s3  }
0x97: {  	_ =	strace $0x8FFFFFFF  }
0x98: {  	s19 =	sld [smem:$0x3FDB];
	_ =	sdelay $0x1  }
0x99: {  	s4 =	simm.s32 $_scs_section_size  }
0x9a: {  	s5 =	simm.s32 $_size__tile_overlayer_lowered;
	s6 =	simm.s32 $_tile_overlayer_lowered  }
0x9b: {  	s22 =	simm.s32 $0x1BFF;
	s21 =	sshll.u32 s6, $0x1;
	s3 =	sadd.s32 s4, s19  }
0x9c: {  	s7 =	simm.s32 $0x0;
	s20 =	sshll.u32 s5, $0x1;
	s5 =	sadd.s32 s21, s3  }
0x9d: {  	[timem:s7], [sflag:s22] =	dma.local [hbm:s5], s20  }
0x9e: {  	_ =	swait.ge [sflag:s22], s20  }
0x9f: {  	s4 =	ssub.s32 $0x0, s20;
	[sflag:s22] =	ssyncset.done $0x0  }
0xa0: {  	[sflag:s22] =	ssyncadd.s32 s4;
	_ =	sdelay $0x1  }
0xa1: {  	s23 =	simm.s32 $0x1B8B  }
0xa2: {  	_ =	swait.ge [sflag:s23], $0x1  }
0xa3: {  	[sflag:s23] =	ssyncset.done $0x0  }
0xa4: {  	s25 =	simm.s32 $0x1B8E;
	s24 =	sld [smem:$0x3FFE];
	[sflag:s23] =	ssyncadd.s32 $0xFFFFFFFF  }
0xa5: {  	s26 =	simm.s32 $execute0_lowered;
	[smem:$0x3FD2] =	sst s25  }
0xa6: {  	s5 =	sshll.u32 s26, $0x1;
	_ =	strace $0x80000046;
	[dreg:$0x1] =	wrdreg $0xFFFFFFFF  }
0xa7: {  	s28 =	simm.s32 $_size_execute0_lowered;
	s3 =	sadd.s32 s3, s5;
	[dreg:$0x0] =	wrdreg $0x0  }
0xa8: {  	s5 =	sshll.u32 s28, $0x1;
	[dreg:$0x2] =	wrdreg s3  }
0xa9: {  	[dreg:$0x3] =	wrdreg s5  }
0xaa: {  	[dreg:$0x4] =	wrdreg $0xC0  }
0xab: {  	_ =	task [dreg:s7], $0x5FFFF  }
0xac: {  	[dreg:$0x1] =	wrdreg $0xFFFFFFFF  }
0xad: {  	[dreg:$0x0] =	wrdreg $0x60  }
0xae: {  	[dreg:$0x2] =	wrdreg s2  }
0xaf: {  	[dreg:$0x3] =	wrdreg s24  }
0xb0: {  	[dreg:$0x4] =	wrdreg $0x0  }
0xb1: {  	[dreg:$0x5] =	wrdreg $0xA  }
0xb2: {  	_ =	task.clear_ibuf [dreg:s7], $0x6FFFF;
	_ =	strace $0x90000046  }
0xb3: {  	s29 =	simm.s32 $0xA;
	_ =	strace $0x80000048  }
0xb4: {  	_ =	swait.ge [sflag:s29], $0x1  }
0xb5: {  	[sflag:s29] =	ssyncadd.s32 $0xFFFFFFFF  }
0xb6: {  	_ =	strace $0x90000048  }
0xb7: {  	_ =	sfence  }
0xb8: {  	s30 =	sld [smem:$0x0];
	_ =	sdelay $0x2  }
0xb9: {  	s31 =	sshll.u32 s1, $0xD;
	s1 =	sshrl.u32 s1, $0x2  }
0xba: {  	s3 =	sand.u32 $0x4000, s31;
	s1 =	sadd.s32 s1, s30  }
0xbb: {  	s0 =	sor.u32 s3, s0;
	s1 =	sshll.u32 s1, $0x11  }
0xbc: {  	s0 =	sor.u32 s1, s0  }
0xbd: {  	s0 =	sadd.s32 $0x8F2B, s0  }
0xbe: {  	[sflag:s0] =	ssyncadd.remote.s32 $0x1  }
0xbf: {  	_ =	sfence.sel $0xFFFF  }
0xc0: {  	[dreg:$0x0] =	wrdreg $0xFFFFFFFF;
	(pc) =	sbr.abs _section_cstart, $3  }
0xc1: {  	[dreg:$0x1] =	wrdreg $0xFFFFFFFF  }
0xc2: {  	_ =	task.clear_ibuf [dreg:s7], $0x2FFFF;
	_ =	strace $0x9FFFFFFF  }
0xc3: {  	(tm) =	ssettm $0x7FFFFFFF  }
tec
execute0_lowered:
.L_overlay_start_1:
0x0: {  	(tag) =	ssettag $0x1  }
0x1: {  	s0 =	rddreg [dreg:$0x0]  }
0x2: {  	s1 =	rddreg [dreg:$0x1];
	s2 =	srdreg.scid  }
0x3: {  	s3 =	rddreg [dreg:$0x2];
	s9 =	stileid.u32  }
0x4: {  	s4 =	simm.s32 $0x0;
	s12 =	simm.s32 $0x3;
	s13 =	simm.s32 $0x13C00  }
0x5: {  	s14 =	simm.s32 $0x14000;
	s15 =	simm.s32 $0x80;
	s16 =	simm.s32 $0x14400  }
0x6: {  	s17 =	simm.s32 $0x1;
	s11 =	simm.s32 $0x13C80;
	s19 =	simm.s32 $0x18400  }
0x7: {  	s28 =	simm.s32 $0x13E80;
	s29 =	simm.s32 $0x14200;
	s30 =	simm.s32 $0x13F00  }
0x8: {  	s10 =	simm.s32 $0x14380;
	s31 =	simm.s32 $0x0;
	s6 =	smul.u32 $0x13C00, s9  }
0x9: {  	s2 =	sand.u32 $0x1, s2;
	[smem:$0x7FF] =	sst s4;
	s7 =	smul.u32 $0x500, s9  }
0xa: {  	s21 =	smul.u32 $0x4F000, s9;
	s8 =	sadd.s32 $0x16C00, s1;
	s9 =	sshll.u32 s9, $0x6  }
0xb: {  	s5 =	smul.u32 $0x13C000, s2;
	_ =	strace $0x80000047;
	[dreg:$0x7] =	wrdreg s8  }
0xc: {  	s22 =	ssub.s32 $0x2, s2;
	s8 =	sor.u32 $0x1C03, s9;
	p0 =	seq.s32 s2, $0x1  }
0xd: {  	s2 =	simm.s32 $0x13F80;
	s20 =	sadd.s32 s7, s1;
	s23 =	sshrl.u32 s22, $0x1  }
0xe: {  	s7 =	sshrl.u32 s21, $0x2;
	s21 =	simm.s32 $0x13D00;
	[dreg:$0x8] =	wrdreg s8  }
0xf: {  	s5 =	sadd.s32 s6, s5;
	s7 =	sadd.s32 s7, s3;
	s24 =	sadd.s32 $0x2C00, s20  }
0x10: {  	s26 =	sadd.s32 $0xCC00, s20;
	s9 =	sadd.s32 $0x7C00, s20;
	s18 =	sadd.s32 $0x11C00, s20  }
0x11: {  	s20 =	simm.s32 $0x2;
	s5 =	sshrl.u32 s5, $0x3;
	[dreg:$0x4] =	wrdreg s24  }
0x12: {  	[dreg:$0x5] =	wrdreg s26;
	s7 =	sshrl.u32 s7, $0x3;
	s24 =	simm.s32 $0x14100  }
.Ltmp0:
0x13: {  	s26 =	simm.s32 $0x14180;
	[dreg:$0x6] =	wrdreg s9;
	(pc) =	sbr.rel .LBB2_1-.Ltmp0, $4  }
0x14: {  	s1 =	sadd.s32 s5, s1;
	s5 =	ssub.s32 s22, s23;
	s22 =	simm.s32 $0x14080  }
0x15: {  	s23 =	simm.s32 $0x13D80;
	[dreg:$0xb] =	wrdreg s7;
	s1 =	sadd.s32 $0x19400, s1  }
0x16: {  	s25 =	smax.u32 s5, $0x1;
	s5 =	simm.s32 $0x14300;
	[dreg:$0x9] =	wrdreg s1  }
0x17: {  	[dreg:$0xa] =	wrdreg s25;
	s25 =	simm.s32 $0x13E00;
	s1 =	simm.s32 $0x14280  }
.LBB2_7:
0x18: {  	s6 =	sadd.s32 s8, s18;
	[sflag:s20] =	ssyncadd.s32 $0xFFFFC000  }
0x19: {  	[tilespmem:s13], [sflag:$0x3] =	stream.linear.gather [hbm4b:s6+s4], $0x400, $0x38;
	[tilespmem:$0x1C400] =	vst v63  }
0x1a: {  	_ =	swait.ge [sflag:s12], $0x400  }
0x1b: {  	s11 =	rddreg [dreg:$0x5];
	[sflag:s12] =	ssyncset.done $0x0  }
0x1c: {  	s6 =	sadd.s32 s8, s11;
	[sflag:s12] =	ssyncadd.s32 $0xFFFFFC00  }
0x1d: {  	[tilespmem:s14], [sflag:$0x3] =	stream.linear.gather [hbm4b:s6+s4], $0x400, $0x38;
	[tilespmem:$0x1C400] =	vst v63  }
0x1e: {  	_ =	swait.ge [sflag:s12], $0x400  }
0x1f: {  	[sflag:s12] =	ssyncset.done $0x0  }
0x20: {  	[sflag:s12] =	ssyncadd.s32 $0xFFFFFC00  }
0x21: {  	[tilespmem:s16], [sflag:$0x1] =	stream.indirect.gather [hbm4b:s0+s15], $0x80, s13, s15, $0xb8;
	[tilespmem:$0x1C400] =	vst v63  }
0x22: {  	_ =	swait.ge [sflag:s17], $0x4000  }
0x23: {  	[sflag:s17] =	ssyncset.done $0x0  }
0x24: {  	[sflag:s17] =	ssyncadd.s32 $0xFFFFC000  }
0x25: {  	[tilespmem:s19], [sflag:$0x1] =	stream.indirect.gather [hbm4b:s0+s15], $0x80, s21, s15, $0xb8;
	[tilespmem:$0x1C400] =	vst v63  }
0x26: {  	_ = 	snop  }
0x27: {  	[spmem:s3] =	stream.indirect.scatter.add.f32 [tilespmem:s16], [sflag:$0x2], $0x80, s14, s15, $0xb8;
	[tilespmem:$0x1C400] =	vst v63  }
0x28: {  	_ =	swait.ge [sflag:s17], $0x4000  }
0x29: {  	[sflag:s17] =	ssyncset.done $0x0  }
0x2a: {  	[sflag:s17] =	ssyncadd.s32 $0xFFFFC000  }
0x2b: {  	_ =	swait.ge [sflag:s20], $0x4000  }
0x2c: {  	[sflag:s20] =	ssyncset.done $0x0  }
0x2d: {  	[sflag:s20] =	ssyncadd.s32 $0xFFFFC000  }
0x2e: {  	[tilespmem:s16], [sflag:$0x1] =	stream.indirect.gather [hbm4b:s0+s15], $0x80, s22, s15, $0xb8;
	[tilespmem:$0x1C400] =	vst v63  }
0x2f: {  	_ = 	snop  }
0x30: {  	[spmem:s3] =	stream.indirect.scatter.add.f32 [tilespmem:s19], [sflag:$0x2], $0x80, s23, s15, $0xb8;
	[tilespmem:$0x1C400] =	vst v63  }
0x31: {  	_ =	swait.ge [sflag:s17], $0x4000  }
0x32: {  	[sflag:s17] =	ssyncset.done $0x0  }
0x33: {  	[sflag:s17] =	ssyncadd.s32 $0xFFFFC000  }
0x34: {  	_ =	swait.ge [sflag:s20], $0x4000  }
0x35: {  	[sflag:s20] =	ssyncset.done $0x0  }
0x36: {  	[sflag:s20] =	ssyncadd.s32 $0xFFFFC000  }
0x37: {  	[tilespmem:s19], [sflag:$0x1] =	stream.indirect.gather [hbm4b:s0+s15], $0x80, s24, s15, $0xb8;
	[tilespmem:$0x1C400] =	vst v63  }
0x38: {  	_ = 	snop  }
0x39: {  	[spmem:s3] =	stream.indirect.scatter.add.f32 [tilespmem:s16], [sflag:$0x2], $0x80, s25, s15, $0xb8;
	[tilespmem:$0x1C400] =	vst v63  }
0x3a: {  	_ =	swait.ge [sflag:s17], $0x4000  }
0x3b: {  	[sflag:s17] =	ssyncset.done $0x0  }
0x3c: {  	[sflag:s17] =	ssyncadd.s32 $0xFFFFC000  }
0x3d: {  	_ =	swait.ge [sflag:s20], $0x4000  }
0x3e: {  	[sflag:s20] =	ssyncset.done $0x0  }
0x3f: {  	[sflag:s20] =	ssyncadd.s32 $0xFFFFC000  }
0x40: {  	[tilespmem:s16], [sflag:$0x1] =	stream.indirect.gather [hbm4b:s0+s15], $0x80, s26, s15, $0xb8;
	[tilespmem:$0x1C400] =	vst v63  }
0x41: {  	_ = 	snop  }
0x42: {  	[spmem:s3] =	stream.indirect.scatter.add.f32 [tilespmem:s19], [sflag:$0x2], $0x80, s28, s15, $0xb8;
	[tilespmem:$0x1C400] =	vst v63  }
0x43: {  	_ =	swait.ge [sflag:s17], $0x4000  }
0x44: {  	[sflag:s17] =	ssyncset.done $0x0  }
0x45: {  	[sflag:s17] =	ssyncadd.s32 $0xFFFFC000  }
0x46: {  	_ =	swait.ge [sflag:s20], $0x4000  }
0x47: {  	[sflag:s20] =	ssyncset.done $0x0  }
0x48: {  	[sflag:s20] =	ssyncadd.s32 $0xFFFFC000  }
0x49: {  	[tilespmem:s19], [sflag:$0x1] =	stream.indirect.gather [hbm4b:s0+s15], $0x80, s29, s15, $0xb8;
	[tilespmem:$0x1C400] =	vst v63  }
0x4a: {  	_ = 	snop  }
0x4b: {  	[spmem:s3] =	stream.indirect.scatter.add.f32 [tilespmem:s16], [sflag:$0x2], $0x80, s30, s15, $0xb8;
	[tilespmem:$0x1C400] =	vst v63  }
0x4c: {  	_ =	swait.ge [sflag:s17], $0x4000  }
0x4d: {  	[sflag:s17] =	ssyncset.done $0x0  }
0x4e: {  	[sflag:s17] =	ssyncadd.s32 $0xFFFFC000  }
0x4f: {  	_ =	swait.ge [sflag:s20], $0x4000  }
0x50: {  	[sflag:s20] =	ssyncset.done $0x0  }
0x51: {  	[sflag:s20] =	ssyncadd.s32 $0xFFFFC000  }
0x52: {  	[tilespmem:s16], [sflag:$0x1] =	stream.indirect.gather [hbm4b:s0+s15], $0x80, s31, s15, $0xb8;
	[tilespmem:$0x1C400] =	vst v63  }
0x53: {  	_ = 	snop  }
0x54: {  	[spmem:s3] =	stream.indirect.scatter.add.f32 [tilespmem:s19], [sflag:$0x2], $0x80, s1, s15, $0xb8;
	[tilespmem:$0x1C400] =	vst v63  }
0x55: {  	_ =	swait.ge [sflag:s17], $0x4000  }
0x56: {  	[sflag:s17] =	ssyncset.done $0x0  }
0x57: {  	[sflag:s17] =	ssyncadd.s32 $0xFFFFC000  }
0x58: {  	_ =	swait.ge [sflag:s20], $0x4000  }
0x59: {  	[sflag:s20] =	ssyncset.done $0x0  }
0x5a: {  	[sflag:s20] =	ssyncadd.s32 $0xFFFFC000  }
0x5b: {  	[tilespmem:s19], [sflag:$0x1] =	stream.indirect.gather [hbm4b:s0+s15], $0x80, s2, s15, $0xb8;
	[tilespmem:$0x1C400] =	vst v63  }
0x5c: {  	_ = 	snop  }
0x5d: {  	[spmem:s3] =	stream.indirect.scatter.add.f32 [tilespmem:s16], [sflag:$0x2], $0x80, s5, s15, $0xb8;
	[tilespmem:$0x1C400] =	vst v63  }
0x5e: {  	_ =	swait.ge [sflag:s17], $0x4000  }
0x5f: {  	s11 =	simm.s32 $0x13C80;
	s21 =	simm.s32 $0x13D00;
	[sflag:s17] =	ssyncset.done $0x0  }
0x60: {  	s22 =	simm.s32 $0x14080;
	s23 =	simm.s32 $0x13D80;
	[sflag:s17] =	ssyncadd.s32 $0xFFFFC000  }
0x61: {  	[spmem:s3] =	stream.indirect.scatter.add.f32 [tilespmem:s19], [sflag:$0x2], $0x80, s10, s15, $0xb8;
	[tilespmem:$0x1C400] =	vst v63  }
0x62: {  	s24 =	simm.s32 $0x14100;
	s25 =	simm.s32 $0x13E00;
	_ =	swait.ge [sflag:s20], $0x4000  }
0x63: {  	s26 =	simm.s32 $0x14180;
	s28 =	simm.s32 $0x13E80;
	[sflag:s20] =	ssyncset.done $0x0  }
0x64: {  	s29 =	simm.s32 $0x14200;
	s30 =	simm.s32 $0x13F00;
	[sflag:s20] =	ssyncadd.s32 $0xFFFFC000  }
0x65: {  	s1 =	simm.s32 $0x14280;
	s2 =	simm.s32 $0x13F80;
	_ =	swait.ge [sflag:s20], $0x4000  }
0x66: {  	s5 =	simm.s32 $0x14300;
	[sflag:s20] =	ssyncset.done $0x0;
	s9 =	rddreg [dreg:$0x6]  }
0x67: {  	s10 =	simm.s32 $0x14380;
	s31 =	rddreg [dreg:$0xc];
	[sflag:s20] =	ssyncadd.s32 $0xFFFFC000  }
.LBB2_8:
0x68: {  	[bflag:$0x0] =	sbarrier.arrive $0xFFFF  }
0x69: {  	s8 =	rddreg [dreg:$0x8]  }
0x6a: {  	s6 =	rddreg [dreg:$0x9]  }
0x6b: {  	s7 =	rddreg [dreg:$0xb]  }
0x6c: {  	[hbm:s6], [sflag:s8] =	dma.local [spmem:s7], $0x2780  }
0x6d: {  	_ =	swait.ge [sflag:s12], $0x2780  }
0x6e: {  	s31 =	sadd.s32 $0x1, s31;
	s6 =	rddreg [dreg:$0xa]  }
0x6f: {  	p1 =	sne.s32 s31, s6  }
.Ltmp1:
0x70: {  	_ = 	snop;
	(pc) =	sbr.rel @!p1 .LBB2_9-.Ltmp1, $3  }
0x71: {  	_ =	sdelay $0x1  }
0x72: {  	[sflag:s12] =	ssyncset.done $0x0  }
0x73: {  	[sflag:s12] =	ssyncadd.s32 $0xFFFFD880  }
.LBB2_1:
0x74: {  	[dreg:$0xc] =	wrdreg s31  }
0x75: {  	s6 =	rddreg [dreg:$0x7]  }
0x76: {  	[spmem:s7], [sflag:s8] =	dma.local [hbm:s6], $0x2780  }
.Ltmp2:
0x77: {  	_ =	swait.ge [sflag:s12], $0x2780;
	(pc) =	sbr.rel @!p0 .LBB2_2-.Ltmp2, $3  }
0x78: {  	[sflag:s12] =	ssyncset.done $0x0  }
0x79: {  	[sflag:s12] =	ssyncadd.s32 $0xFFFFD880  }
0x7a: {  	[bflag:$0x0] =	sbarrier.arrive $0xFFFF;
	_ =	sdelay $0x1  }
0x7b: {  	s6 =	sadd.s32 $0x0, s18  }
0x7c: {  	[tilespmem:s13], [sflag:$0x3] =	stream.linear.gather [hbm4b:s6+s4], $0x400, $0x38;
	[tilespmem:$0x1C400] =	vst v63  }
0x7d: {  	_ =	swait.ge [sflag:s12], $0x400  }
0x7e: {  	s9 =	rddreg [dreg:$0x5];
	[sflag:s12] =	ssyncset.done $0x0  }
0x7f: {  	[sflag:s12] =	ssyncadd.s32 $0xFFFFFC00;
	s6 =	sadd.s32 $0x0, s9  }
0x80: {  	[tilespmem:s14], [sflag:$0x3] =	stream.linear.gather [hbm4b:s6+s4], $0x400, $0x38;
	[tilespmem:$0x1C400] =	vst v63  }
0x81: {  	_ =	swait.ge [sflag:s12], $0x400  }
0x82: {  	[sflag:s12] =	ssyncset.done $0x0  }
0x83: {  	[sflag:s12] =	ssyncadd.s32 $0xFFFFFC00  }
0x84: {  	[tilespmem:s16], [sflag:$0x1] =	stream.indirect.gather [hbm4b:s0+s15], $0x80, s13, s15, $0xb8;
	[tilespmem:$0x1C400] =	vst v63  }
0x85: {  	_ =	swait.ge [sflag:s17], $0x4000  }
0x86: {  	[sflag:s17] =	ssyncset.done $0x0  }
0x87: {  	[sflag:s17] =	ssyncadd.s32 $0xFFFFC000  }
0x88: {  	[tilespmem:s19], [sflag:$0x1] =	stream.indirect.gather [hbm4b:s0+s15], $0x80, s11, s15, $0xb8;
	[tilespmem:$0x1C400] =	vst v63  }
0x89: {  	_ = 	snop  }
0x8a: {  	[spmem:s3] =	stream.indirect.scatter.add.f32 [tilespmem:s16], [sflag:$0x2], $0x80, s14, s15, $0xb8;
	[tilespmem:$0x1C400] =	vst v63  }
0x8b: {  	_ =	swait.ge [sflag:s17], $0x4000  }
0x8c: {  	[sflag:s17] =	ssyncset.done $0x0  }
0x8d: {  	[sflag:s17] =	ssyncadd.s32 $0xFFFFC000  }
0x8e: {  	_ =	swait.ge [sflag:s20], $0x4000  }
0x8f: {  	[sflag:s20] =	ssyncset.done $0x0  }
0x90: {  	[sflag:s20] =	ssyncadd.s32 $0xFFFFC000  }
0x91: {  	[tilespmem:s16], [sflag:$0x1] =	stream.indirect.gather [hbm4b:s0+s15], $0x80, s21, s15, $0xb8;
	[tilespmem:$0x1C400] =	vst v63  }
0x92: {  	_ = 	snop  }
0x93: {  	[spmem:s3] =	stream.indirect.scatter.add.f32 [tilespmem:s19], [sflag:$0x2], $0x80, s22, s15, $0xb8;
	[tilespmem:$0x1C400] =	vst v63  }
0x94: {  	_ =	swait.ge [sflag:s17], $0x4000  }
0x95: {  	[sflag:s17] =	ssyncset.done $0x0  }
0x96: {  	[sflag:s17] =	ssyncadd.s32 $0xFFFFC000  }
0x97: {  	_ =	swait.ge [sflag:s20], $0x4000  }
0x98: {  	[sflag:s20] =	ssyncset.done $0x0  }
0x99: {  	[sflag:s20] =	ssyncadd.s32 $0xFFFFC000  }
0x9a: {  	[tilespmem:s19], [sflag:$0x1] =	stream.indirect.gather [hbm4b:s0+s15], $0x80, s23, s15, $0xb8;
	[tilespmem:$0x1C400] =	vst v63  }
0x9b: {  	_ = 	snop  }
0x9c: {  	[spmem:s3] =	stream.indirect.scatter.add.f32 [tilespmem:s16], [sflag:$0x2], $0x80, s24, s15, $0xb8;
	[tilespmem:$0x1C400] =	vst v63  }
0x9d: {  	_ =	swait.ge [sflag:s17], $0x4000  }
0x9e: {  	[sflag:s17] =	ssyncset.done $0x0  }
0x9f: {  	[sflag:s17] =	ssyncadd.s32 $0xFFFFC000  }
0xa0: {  	_ =	swait.ge [sflag:s20], $0x4000  }
0xa1: {  	[sflag:s20] =	ssyncset.done $0x0  }
0xa2: {  	[sflag:s20] =	ssyncadd.s32 $0xFFFFC000  }
0xa3: {  	[tilespmem:s16], [sflag:$0x1] =	stream.indirect.gather [hbm4b:s0+s15], $0x80, s25, s15, $0xb8;
	[tilespmem:$0x1C400] =	vst v63  }
0xa4: {  	_ = 	snop  }
0xa5: {  	[spmem:s3] =	stream.indirect.scatter.add.f32 [tilespmem:s19], [sflag:$0x2], $0x80, s26, s15, $0xb8;
	[tilespmem:$0x1C400] =	vst v63  }
0xa6: {  	_ =	swait.ge [sflag:s17], $0x4000  }
0xa7: {  	[sflag:s17] =	ssyncset.done $0x0  }
0xa8: {  	[sflag:s17] =	ssyncadd.s32 $0xFFFFC000  }
0xa9: {  	_ =	swait.ge [sflag:s20], $0x4000  }
0xaa: {  	[sflag:s20] =	ssyncset.done $0x0  }
0xab: {  	[sflag:s20] =	ssyncadd.s32 $0xFFFFC000  }
0xac: {  	[tilespmem:s19], [sflag:$0x1] =	stream.indirect.gather [hbm4b:s0+s15], $0x80, s28, s15, $0xb8;
	[tilespmem:$0x1C400] =	vst v63  }
0xad: {  	_ = 	snop  }
0xae: {  	[spmem:s3] =	stream.indirect.scatter.add.f32 [tilespmem:s16], [sflag:$0x2], $0x80, s29, s15, $0xb8;
	[tilespmem:$0x1C400] =	vst v63  }
0xaf: {  	_ =	swait.ge [sflag:s17], $0x4000  }
0xb0: {  	[sflag:s17] =	ssyncset.done $0x0  }
0xb1: {  	[sflag:s17] =	ssyncadd.s32 $0xFFFFC000  }
0xb2: {  	_ =	swait.ge [sflag:s20], $0x4000  }
0xb3: {  	[sflag:s20] =	ssyncset.done $0x0  }
0xb4: {  	[sflag:s20] =	ssyncadd.s32 $0xFFFFC000  }
0xb5: {  	[tilespmem:s16], [sflag:$0x1] =	stream.indirect.gather [hbm4b:s0+s15], $0x80, s30, s15, $0xb8;
	[tilespmem:$0x1C400] =	vst v63  }
0xb6: {  	_ = 	snop  }
0xb7: {  	[spmem:s3] =	stream.indirect.scatter.add.f32 [tilespmem:s19], [sflag:$0x2], $0x80, s1, s15, $0xb8;
	[tilespmem:$0x1C400] =	vst v63  }
0xb8: {  	_ =	swait.ge [sflag:s17], $0x4000  }
0xb9: {  	[sflag:s17] =	ssyncset.done $0x0  }
0xba: {  	[sflag:s17] =	ssyncadd.s32 $0xFFFFC000  }
0xbb: {  	_ =	swait.ge [sflag:s20], $0x4000  }
0xbc: {  	[sflag:s20] =	ssyncset.done $0x0  }
0xbd: {  	[sflag:s20] =	ssyncadd.s32 $0xFFFFC000  }
0xbe: {  	[tilespmem:s19], [sflag:$0x1] =	stream.indirect.gather [hbm4b:s0+s15], $0x80, s2, s15, $0xb8;
	[tilespmem:$0x1C400] =	vst v63  }
0xbf: {  	_ = 	snop  }
0xc0: {  	[spmem:s3] =	stream.indirect.scatter.add.f32 [tilespmem:s16], [sflag:$0x2], $0x80, s5, s15, $0xb8;
	[tilespmem:$0x1C400] =	vst v63  }
0xc1: {  	s8 =	simm.s32 $0x80;
	s31 =	simm.s32 $0x13F00;
	_ =	swait.ge [sflag:s17], $0x4000  }
0xc2: {  	s11 =	simm.s32 $0x100;
	s21 =	simm.s32 $0x13C80;
	[sflag:s17] =	ssyncset.done $0x0  }
0xc3: {  	s22 =	simm.s32 $0x13D00;
	s23 =	simm.s32 $0x14080;
	[sflag:s17] =	ssyncadd.s32 $0xFFFFC000  }
0xc4: {  	[spmem:s3] =	stream.indirect.scatter.add.f32 [tilespmem:s19], [sflag:$0x2], $0x80, s10, s15, $0xb8;
	[tilespmem:$0x1C400] =	vst v63  }
0xc5: {  	s24 =	simm.s32 $0x13D80;
	s25 =	simm.s32 $0x14100;
	_ =	swait.ge [sflag:s20], $0x4000  }
0xc6: {  	s26 =	simm.s32 $0x13E00;
	s28 =	simm.s32 $0x14180;
	[sflag:s20] =	ssyncset.done $0x0  }
0xc7: {  	s29 =	simm.s32 $0x13E80;
	s30 =	simm.s32 $0x14200;
	[sflag:s20] =	ssyncadd.s32 $0xFFFFC000  }
0xc8: {  	s1 =	simm.s32 $0x14280;
	s2 =	simm.s32 $0x13F80;
	_ =	swait.ge [sflag:s20], $0x4000  }
0xc9: {  	s5 =	simm.s32 $0x14300;
	s10 =	simm.s32 $0x14380;
	[sflag:s20] =	ssyncset.done $0x0  }
.LBB2_6:
0xca: {  	s7 =	sadd.s32 s8, s18;
	[sflag:s20] =	ssyncadd.s32 $0xFFFFC000  }
0xcb: {  	[tilespmem:s13], [sflag:$0x3] =	stream.linear.gather [hbm4b:s7+s4], $0x400, $0x38;
	[tilespmem:$0x1C400] =	vst v63  }
0xcc: {  	s9 =	smov.u32 s11;
	s6 =	sadd.s32 $0x80, s11;
	_ =	swait.ge [sflag:s12], $0x400  }
0xcd: {  	p1 =	sne.s32 s11, $0x480;
	s11 =	rddreg [dreg:$0x5];
	[sflag:s12] =	ssyncset.done $0x0  }
0xce: {  	[sflag:s12] =	ssyncadd.s32 $0xFFFFFC00;
	s7 =	sadd.s32 s8, s11  }
0xcf: {  	[tilespmem:s14], [sflag:$0x3] =	stream.linear.gather [hbm4b:s7+s4], $0x400, $0x38;
	[tilespmem:$0x1C400] =	vst v63  }
0xd0: {  	_ =	swait.ge [sflag:s12], $0x400  }
0xd1: {  	[sflag:s12] =	ssyncset.done $0x0  }
0xd2: {  	[sflag:s12] =	ssyncadd.s32 $0xFFFFFC00  }
0xd3: {  	[tilespmem:s16], [sflag:$0x1] =	stream.indirect.gather [hbm4b:s0+s15], $0x80, s13, s15, $0xb8;
	[tilespmem:$0x1C400] =	vst v63  }
0xd4: {  	_ =	swait.ge [sflag:s17], $0x4000  }
0xd5: {  	[sflag:s17] =	ssyncset.done $0x0  }
0xd6: {  	[sflag:s17] =	ssyncadd.s32 $0xFFFFC000  }
0xd7: {  	[tilespmem:s19], [sflag:$0x1] =	stream.indirect.gather [hbm4b:s0+s15], $0x80, s21, s15, $0xb8;
	[tilespmem:$0x1C400] =	vst v63  }
0xd8: {  	_ = 	snop  }
0xd9: {  	[spmem:s3] =	stream.indirect.scatter.add.f32 [tilespmem:s16], [sflag:$0x2], $0x80, s14, s15, $0xb8;
	[tilespmem:$0x1C400] =	vst v63  }
0xda: {  	_ =	swait.ge [sflag:s17], $0x4000  }
0xdb: {  	[sflag:s17] =	ssyncset.done $0x0  }
0xdc: {  	[sflag:s17] =	ssyncadd.s32 $0xFFFFC000  }
0xdd: {  	_ =	swait.ge [sflag:s20], $0x4000  }
0xde: {  	[sflag:s20] =	ssyncset.done $0x0  }
0xdf: {  	[sflag:s20] =	ssyncadd.s32 $0xFFFFC000  }
0xe0: {  	[tilespmem:s16], [sflag:$0x1] =	stream.indirect.gather [hbm4b:s0+s15], $0x80, s22, s15, $0xb8;
	[tilespmem:$0x1C400] =	vst v63  }
0xe1: {  	_ = 	snop  }
0xe2: {  	[spmem:s3] =	stream.indirect.scatter.add.f32 [tilespmem:s19], [sflag:$0x2], $0x80, s23, s15, $0xb8;
	[tilespmem:$0x1C400] =	vst v63  }
0xe3: {  	_ =	swait.ge [sflag:s17], $0x4000  }
0xe4: {  	[sflag:s17] =	ssyncset.done $0x0  }
0xe5: {  	[sflag:s17] =	ssyncadd.s32 $0xFFFFC000  }
0xe6: {  	_ =	swait.ge [sflag:s20], $0x4000  }
0xe7: {  	[sflag:s20] =	ssyncset.done $0x0  }
0xe8: {  	[sflag:s20] =	ssyncadd.s32 $0xFFFFC000  }
0xe9: {  	[tilespmem:s19], [sflag:$0x1] =	stream.indirect.gather [hbm4b:s0+s15], $0x80, s24, s15, $0xb8;
	[tilespmem:$0x1C400] =	vst v63  }
0xea: {  	_ = 	snop  }
0xeb: {  	[spmem:s3] =	stream.indirect.scatter.add.f32 [tilespmem:s16], [sflag:$0x2], $0x80, s25, s15, $0xb8;
	[tilespmem:$0x1C400] =	vst v63  }
0xec: {  	_ =	swait.ge [sflag:s17], $0x4000  }
0xed: {  	[sflag:s17] =	ssyncset.done $0x0  }
0xee: {  	[sflag:s17] =	ssyncadd.s32 $0xFFFFC000  }
0xef: {  	_ =	swait.ge [sflag:s20], $0x4000  }
0xf0: {  	[sflag:s20] =	ssyncset.done $0x0  }
0xf1: {  	[sflag:s20] =	ssyncadd.s32 $0xFFFFC000  }
0xf2: {  	[tilespmem:s16], [sflag:$0x1] =	stream.indirect.gather [hbm4b:s0+s15], $0x80, s26, s15, $0xb8;
	[tilespmem:$0x1C400] =	vst v63  }
0xf3: {  	_ = 	snop  }
0xf4: {  	[spmem:s3] =	stream.indirect.scatter.add.f32 [tilespmem:s19], [sflag:$0x2], $0x80, s28, s15, $0xb8;
	[tilespmem:$0x1C400] =	vst v63  }
0xf5: {  	_ =	swait.ge [sflag:s17], $0x4000  }
0xf6: {  	[sflag:s17] =	ssyncset.done $0x0  }
0xf7: {  	[sflag:s17] =	ssyncadd.s32 $0xFFFFC000  }
0xf8: {  	_ =	swait.ge [sflag:s20], $0x4000  }
0xf9: {  	[sflag:s20] =	ssyncset.done $0x0  }
0xfa: {  	[sflag:s20] =	ssyncadd.s32 $0xFFFFC000  }
0xfb: {  	[tilespmem:s19], [sflag:$0x1] =	stream.indirect.gather [hbm4b:s0+s15], $0x80, s29, s15, $0xb8;
	[tilespmem:$0x1C400] =	vst v63  }
0xfc: {  	_ = 	snop  }
0xfd: {  	[spmem:s3] =	stream.indirect.scatter.add.f32 [tilespmem:s16], [sflag:$0x2], $0x80, s30, s15, $0xb8;
	[tilespmem:$0x1C400] =	vst v63  }
0xfe: {  	_ =	swait.ge [sflag:s17], $0x4000  }
0xff: {  	[sflag:s17] =	ssyncset.done $0x0  }
0x100: {  	[sflag:s17] =	ssyncadd.s32 $0xFFFFC000  }
0x101: {  	_ =	swait.ge [sflag:s20], $0x4000  }
0x102: {  	[sflag:s20] =	ssyncset.done $0x0  }
0x103: {  	[sflag:s20] =	ssyncadd.s32 $0xFFFFC000  }
0x104: {  	[tilespmem:s16], [sflag:$0x1] =	stream.indirect.gather [hbm4b:s0+s15], $0x80, s31, s15, $0xb8;
	[tilespmem:$0x1C400] =	vst v63  }
0x105: {  	_ = 	snop  }
0x106: {  	[spmem:s3] =	stream.indirect.scatter.add.f32 [tilespmem:s19], [sflag:$0x2], $0x80, s1, s15, $0xb8;
	[tilespmem:$0x1C400] =	vst v63  }
0x107: {  	_ =	swait.ge [sflag:s17], $0x4000  }
0x108: {  	[sflag:s17] =	ssyncset.done $0x0  }
0x109: {  	[sflag:s17] =	ssyncadd.s32 $0xFFFFC000  }
0x10a: {  	_ =	swait.ge [sflag:s20], $0x4000  }
0x10b: {  	[sflag:s20] =	ssyncset.done $0x0  }
0x10c: {  	[sflag:s20] =	ssyncadd.s32 $0xFFFFC000  }
0x10d: {  	[tilespmem:s19], [sflag:$0x1] =	stream.indirect.gather [hbm4b:s0+s15], $0x80, s2, s15, $0xb8;
	[tilespmem:$0x1C400] =	vst v63  }
0x10e: {  	_ = 	snop  }
0x10f: {  	[spmem:s3] =	stream.indirect.scatter.add.f32 [tilespmem:s16], [sflag:$0x2], $0x80, s5, s15, $0xb8;
	[tilespmem:$0x1C400] =	vst v63  }
0x110: {  	_ =	swait.ge [sflag:s17], $0x4000  }
0x111: {  	[sflag:s17] =	ssyncset.done $0x0  }
0x112: {  	[sflag:s17] =	ssyncadd.s32 $0xFFFFC000  }
0x113: {  	[spmem:s3] =	stream.indirect.scatter.add.f32 [tilespmem:s19], [sflag:$0x2], $0x80, s10, s15, $0xb8;
	[tilespmem:$0x1C400] =	vst v63  }
.Ltmp3:
0x114: {  	_ =	swait.ge [sflag:s20], $0x4000;
	(pc) =	sbr.rel @p1 .LBB2_6-.Ltmp3, $4  }
0x115: {  	[sflag:s20] =	ssyncset.done $0x0  }
0x116: {  	[sflag:s20] =	ssyncadd.s32 $0xFFFFC000  }
0x117: {  	_ =	swait.ge [sflag:s20], $0x4000  }
0x118: {  	s8 =	smov.u32 s9;
	s11 =	smov.u32 s6;
	[sflag:s20] =	ssyncset.done $0x0  }
.Ltmp4:
0x119: {  	_ = 	snop;
	(pc) =	sbr.rel .LBB2_7-.Ltmp4, $1  }
0x11a: {  	_ =	sdelay $0x3  }
.LBB2_2:
0x11b: {  	s6 =	sadd.s32 $0x0, s9  }
0x11c: {  	[tilespmem:s13], [sflag:$0x3] =	stream.linear.gather [hbm4b:s6+s4], $0x400, $0x38;
	[tilespmem:$0x1C400] =	vst v63  }
0x11d: {  	_ =	swait.ge [sflag:s12], $0x400  }
0x11e: {  	s8 =	rddreg [dreg:$0x4];
	[sflag:s12] =	ssyncset.done $0x0  }
0x11f: {  	[sflag:s12] =	ssyncadd.s32 $0xFFFFFC00;
	s6 =	sadd.s32 $0x0, s8  }
0x120: {  	[tilespmem:s14], [sflag:$0x3] =	stream.linear.gather [hbm4b:s6+s4], $0x400, $0x38;
	[tilespmem:$0x1C400] =	vst v63  }
0x121: {  	_ =	swait.ge [sflag:s12], $0x400  }
0x122: {  	[sflag:s12] =	ssyncset.done $0x0  }
0x123: {  	[sflag:s12] =	ssyncadd.s32 $0xFFFFFC00  }
0x124: {  	[tilespmem:s16], [sflag:$0x1] =	stream.indirect.gather [hbm4b:s0+s15], $0x80, s13, s15, $0xb8;
	[tilespmem:$0x1C400] =	vst v63  }
0x125: {  	_ =	swait.ge [sflag:s17], $0x4000  }
0x126: {  	[sflag:s17] =	ssyncset.done $0x0  }
0x127: {  	[sflag:s17] =	ssyncadd.s32 $0xFFFFC000  }
0x128: {  	[tilespmem:s19], [sflag:$0x1] =	stream.indirect.gather [hbm4b:s0+s15], $0x80, s11, s15, $0xb8;
	[tilespmem:$0x1C400] =	vst v63  }
0x129: {  	_ = 	snop  }
0x12a: {  	[spmem:s3] =	stream.indirect.scatter.add.f32 [tilespmem:s16], [sflag:$0x2], $0x80, s14, s15, $0xb8;
	[tilespmem:$0x1C400] =	vst v63  }
0x12b: {  	_ =	swait.ge [sflag:s17], $0x4000  }
0x12c: {  	[sflag:s17] =	ssyncset.done $0x0  }
0x12d: {  	[sflag:s17] =	ssyncadd.s32 $0xFFFFC000  }
0x12e: {  	_ =	swait.ge [sflag:s20], $0x4000  }
0x12f: {  	[sflag:s20] =	ssyncset.done $0x0  }
0x130: {  	[sflag:s20] =	ssyncadd.s32 $0xFFFFC000  }
0x131: {  	[tilespmem:s16], [sflag:$0x1] =	stream.indirect.gather [hbm4b:s0+s15], $0x80, s21, s15, $0xb8;
	[tilespmem:$0x1C400] =	vst v63  }
0x132: {  	_ = 	snop  }
0x133: {  	[spmem:s3] =	stream.indirect.scatter.add.f32 [tilespmem:s19], [sflag:$0x2], $0x80, s22, s15, $0xb8;
	[tilespmem:$0x1C400] =	vst v63  }
0x134: {  	_ =	swait.ge [sflag:s17], $0x4000  }
0x135: {  	[sflag:s17] =	ssyncset.done $0x0  }
0x136: {  	[sflag:s17] =	ssyncadd.s32 $0xFFFFC000  }
0x137: {  	_ =	swait.ge [sflag:s20], $0x4000  }
0x138: {  	[sflag:s20] =	ssyncset.done $0x0  }
0x139: {  	[sflag:s20] =	ssyncadd.s32 $0xFFFFC000  }
0x13a: {  	[tilespmem:s19], [sflag:$0x1] =	stream.indirect.gather [hbm4b:s0+s15], $0x80, s23, s15, $0xb8;
	[tilespmem:$0x1C400] =	vst v63  }
0x13b: {  	_ = 	snop  }
0x13c: {  	[spmem:s3] =	stream.indirect.scatter.add.f32 [tilespmem:s16], [sflag:$0x2], $0x80, s24, s15, $0xb8;
	[tilespmem:$0x1C400] =	vst v63  }
0x13d: {  	_ =	swait.ge [sflag:s17], $0x4000  }
0x13e: {  	[sflag:s17] =	ssyncset.done $0x0  }
0x13f: {  	[sflag:s17] =	ssyncadd.s32 $0xFFFFC000  }
0x140: {  	_ =	swait.ge [sflag:s20], $0x4000  }
0x141: {  	[sflag:s20] =	ssyncset.done $0x0  }
0x142: {  	[sflag:s20] =	ssyncadd.s32 $0xFFFFC000  }
0x143: {  	[tilespmem:s16], [sflag:$0x1] =	stream.indirect.gather [hbm4b:s0+s15], $0x80, s25, s15, $0xb8;
	[tilespmem:$0x1C400] =	vst v63  }
0x144: {  	_ = 	snop  }
0x145: {  	[spmem:s3] =	stream.indirect.scatter.add.f32 [tilespmem:s19], [sflag:$0x2], $0x80, s26, s15, $0xb8;
	[tilespmem:$0x1C400] =	vst v63  }
0x146: {  	_ =	swait.ge [sflag:s17], $0x4000  }
0x147: {  	[sflag:s17] =	ssyncset.done $0x0  }
0x148: {  	[sflag:s17] =	ssyncadd.s32 $0xFFFFC000  }
0x149: {  	_ =	swait.ge [sflag:s20], $0x4000  }
0x14a: {  	[sflag:s20] =	ssyncset.done $0x0  }
0x14b: {  	[sflag:s20] =	ssyncadd.s32 $0xFFFFC000  }
0x14c: {  	[tilespmem:s19], [sflag:$0x1] =	stream.indirect.gather [hbm4b:s0+s15], $0x80, s28, s15, $0xb8;
	[tilespmem:$0x1C400] =	vst v63  }
0x14d: {  	_ = 	snop  }
0x14e: {  	[spmem:s3] =	stream.indirect.scatter.add.f32 [tilespmem:s16], [sflag:$0x2], $0x80, s29, s15, $0xb8;
	[tilespmem:$0x1C400] =	vst v63  }
0x14f: {  	_ =	swait.ge [sflag:s17], $0x4000  }
0x150: {  	[sflag:s17] =	ssyncset.done $0x0  }
0x151: {  	[sflag:s17] =	ssyncadd.s32 $0xFFFFC000  }
0x152: {  	_ =	swait.ge [sflag:s20], $0x4000  }
0x153: {  	[sflag:s20] =	ssyncset.done $0x0  }
0x154: {  	[sflag:s20] =	ssyncadd.s32 $0xFFFFC000  }
0x155: {  	[tilespmem:s16], [sflag:$0x1] =	stream.indirect.gather [hbm4b:s0+s15], $0x80, s30, s15, $0xb8;
	[tilespmem:$0x1C400] =	vst v63  }
0x156: {  	_ = 	snop  }
0x157: {  	[spmem:s3] =	stream.indirect.scatter.add.f32 [tilespmem:s19], [sflag:$0x2], $0x80, s1, s15, $0xb8;
	[tilespmem:$0x1C400] =	vst v63  }
0x158: {  	_ =	swait.ge [sflag:s17], $0x4000  }
0x159: {  	[sflag:s17] =	ssyncset.done $0x0  }
0x15a: {  	[sflag:s17] =	ssyncadd.s32 $0xFFFFC000  }
0x15b: {  	_ =	swait.ge [sflag:s20], $0x4000  }
0x15c: {  	[sflag:s20] =	ssyncset.done $0x0  }
0x15d: {  	[sflag:s20] =	ssyncadd.s32 $0xFFFFC000  }
0x15e: {  	[tilespmem:s19], [sflag:$0x1] =	stream.indirect.gather [hbm4b:s0+s15], $0x80, s2, s15, $0xb8;
	[tilespmem:$0x1C400] =	vst v63  }
0x15f: {  	_ = 	snop  }
0x160: {  	[spmem:s3] =	stream.indirect.scatter.add.f32 [tilespmem:s16], [sflag:$0x2], $0x80, s5, s15, $0xb8;
	[tilespmem:$0x1C400] =	vst v63  }
0x161: {  	s31 =	simm.s32 $0x13F00;
	s8 =	simm.s32 $0x80;
	_ =	swait.ge [sflag:s17], $0x4000  }
0x162: {  	s6 =	simm.s32 $0x100;
	s21 =	simm.s32 $0x13C80;
	[sflag:s17] =	ssyncset.done $0x0  }
0x163: {  	s22 =	simm.s32 $0x13D00;
	s23 =	simm.s32 $0x14080;
	[sflag:s17] =	ssyncadd.s32 $0xFFFFC000  }
0x164: {  	[spmem:s3] =	stream.indirect.scatter.add.f32 [tilespmem:s19], [sflag:$0x2], $0x80, s10, s15, $0xb8;
	[tilespmem:$0x1C400] =	vst v63  }
0x165: {  	s24 =	simm.s32 $0x13D80;
	s25 =	simm.s32 $0x14100;
	_ =	swait.ge [sflag:s20], $0x4000  }
0x166: {  	s26 =	simm.s32 $0x13E00;
	s28 =	simm.s32 $0x14180;
	[sflag:s20] =	ssyncset.done $0x0  }
0x167: {  	s29 =	simm.s32 $0x13E80;
	s30 =	simm.s32 $0x14200;
	[sflag:s20] =	ssyncadd.s32 $0xFFFFC000  }
0x168: {  	s1 =	simm.s32 $0x14280;
	s2 =	simm.s32 $0x13F80;
	_ =	swait.ge [sflag:s20], $0x4000  }
0x169: {  	s5 =	simm.s32 $0x14300;
	s10 =	simm.s32 $0x14380;
	[sflag:s20] =	ssyncset.done $0x0  }
.LBB2_3:
0x16a: {  	s7 =	sadd.s32 s8, s9;
	[sflag:s20] =	ssyncadd.s32 $0xFFFFC000  }
0x16b: {  	[tilespmem:s13], [sflag:$0x3] =	stream.linear.gather [hbm4b:s7+s4], $0x400, $0x38;
	[tilespmem:$0x1C400] =	vst v63  }
0x16c: {  	s9 =	smov.u32 s6;
	_ =	swait.ge [sflag:s12], $0x400  }
0x16d: {  	s11 =	sadd.s32 $0x80, s6;
	s7 =	rddreg [dreg:$0x4];
	[sflag:s12] =	ssyncset.done $0x0  }
0x16e: {  	p1 =	seq.s32 s6, $0x480;
	[sflag:s12] =	ssyncadd.s32 $0xFFFFFC00;
	s6 =	sadd.s32 s8, s7  }
0x16f: {  	[tilespmem:s14], [sflag:$0x3] =	stream.linear.gather [hbm4b:s6+s4], $0x400, $0x38;
	[tilespmem:$0x1C400] =	vst v63  }
0x170: {  	s8 =	smov.u32 s9;
	s9 =	rddreg [dreg:$0x6];
	_ =	swait.ge [sflag:s12], $0x400  }
0x171: {  	[sflag:s12] =	ssyncset.done $0x0  }
0x172: {  	[sflag:s12] =	ssyncadd.s32 $0xFFFFFC00  }
0x173: {  	[tilespmem:s16], [sflag:$0x1] =	stream.indirect.gather [hbm4b:s0+s15], $0x80, s13, s15, $0xb8;
	[tilespmem:$0x1C400] =	vst v63  }
0x174: {  	_ =	swait.ge [sflag:s17], $0x4000  }
0x175: {  	[sflag:s17] =	ssyncset.done $0x0  }
0x176: {  	[sflag:s17] =	ssyncadd.s32 $0xFFFFC000  }
0x177: {  	[tilespmem:s19], [sflag:$0x1] =	stream.indirect.gather [hbm4b:s0+s15], $0x80, s21, s15, $0xb8;
	[tilespmem:$0x1C400] =	vst v63  }
0x178: {  	_ = 	snop  }
0x179: {  	[spmem:s3] =	stream.indirect.scatter.add.f32 [tilespmem:s16], [sflag:$0x2], $0x80, s14, s15, $0xb8;
	[tilespmem:$0x1C400] =	vst v63  }
0x17a: {  	_ =	swait.ge [sflag:s17], $0x4000  }
0x17b: {  	[sflag:s17] =	ssyncset.done $0x0  }
0x17c: {  	[sflag:s17] =	ssyncadd.s32 $0xFFFFC000  }
0x17d: {  	_ =	swait.ge [sflag:s20], $0x4000  }
0x17e: {  	[sflag:s20] =	ssyncset.done $0x0  }
0x17f: {  	[sflag:s20] =	ssyncadd.s32 $0xFFFFC000  }
0x180: {  	[tilespmem:s16], [sflag:$0x1] =	stream.indirect.gather [hbm4b:s0+s15], $0x80, s22, s15, $0xb8;
	[tilespmem:$0x1C400] =	vst v63  }
0x181: {  	_ = 	snop  }
0x182: {  	[spmem:s3] =	stream.indirect.scatter.add.f32 [tilespmem:s19], [sflag:$0x2], $0x80, s23, s15, $0xb8;
	[tilespmem:$0x1C400] =	vst v63  }
0x183: {  	_ =	swait.ge [sflag:s17], $0x4000  }
0x184: {  	[sflag:s17] =	ssyncset.done $0x0  }
0x185: {  	[sflag:s17] =	ssyncadd.s32 $0xFFFFC000  }
0x186: {  	_ =	swait.ge [sflag:s20], $0x4000  }
0x187: {  	[sflag:s20] =	ssyncset.done $0x0  }
0x188: {  	[sflag:s20] =	ssyncadd.s32 $0xFFFFC000  }
0x189: {  	[tilespmem:s19], [sflag:$0x1] =	stream.indirect.gather [hbm4b:s0+s15], $0x80, s24, s15, $0xb8;
	[tilespmem:$0x1C400] =	vst v63  }
0x18a: {  	_ = 	snop  }
0x18b: {  	[spmem:s3] =	stream.indirect.scatter.add.f32 [tilespmem:s16], [sflag:$0x2], $0x80, s25, s15, $0xb8;
	[tilespmem:$0x1C400] =	vst v63  }
0x18c: {  	_ =	swait.ge [sflag:s17], $0x4000  }
0x18d: {  	[sflag:s17] =	ssyncset.done $0x0  }
0x18e: {  	[sflag:s17] =	ssyncadd.s32 $0xFFFFC000  }
0x18f: {  	_ =	swait.ge [sflag:s20], $0x4000  }
0x190: {  	[sflag:s20] =	ssyncset.done $0x0  }
0x191: {  	[sflag:s20] =	ssyncadd.s32 $0xFFFFC000  }
0x192: {  	[tilespmem:s16], [sflag:$0x1] =	stream.indirect.gather [hbm4b:s0+s15], $0x80, s26, s15, $0xb8;
	[tilespmem:$0x1C400] =	vst v63  }
0x193: {  	_ = 	snop  }
0x194: {  	[spmem:s3] =	stream.indirect.scatter.add.f32 [tilespmem:s19], [sflag:$0x2], $0x80, s28, s15, $0xb8;
	[tilespmem:$0x1C400] =	vst v63  }
0x195: {  	_ =	swait.ge [sflag:s17], $0x4000  }
0x196: {  	[sflag:s17] =	ssyncset.done $0x0  }
0x197: {  	[sflag:s17] =	ssyncadd.s32 $0xFFFFC000  }
0x198: {  	_ =	swait.ge [sflag:s20], $0x4000  }
0x199: {  	[sflag:s20] =	ssyncset.done $0x0  }
0x19a: {  	[sflag:s20] =	ssyncadd.s32 $0xFFFFC000  }
0x19b: {  	[tilespmem:s19], [sflag:$0x1] =	stream.indirect.gather [hbm4b:s0+s15], $0x80, s29, s15, $0xb8;
	[tilespmem:$0x1C400] =	vst v63  }
0x19c: {  	_ = 	snop  }
0x19d: {  	[spmem:s3] =	stream.indirect.scatter.add.f32 [tilespmem:s16], [sflag:$0x2], $0x80, s30, s15, $0xb8;
	[tilespmem:$0x1C400] =	vst v63  }
0x19e: {  	_ =	swait.ge [sflag:s17], $0x4000  }
0x19f: {  	[sflag:s17] =	ssyncset.done $0x0  }
0x1a0: {  	[sflag:s17] =	ssyncadd.s32 $0xFFFFC000  }
0x1a1: {  	_ =	swait.ge [sflag:s20], $0x4000  }
0x1a2: {  	[sflag:s20] =	ssyncset.done $0x0  }
0x1a3: {  	[sflag:s20] =	ssyncadd.s32 $0xFFFFC000  }
0x1a4: {  	[tilespmem:s16], [sflag:$0x1] =	stream.indirect.gather [hbm4b:s0+s15], $0x80, s31, s15, $0xb8;
	[tilespmem:$0x1C400] =	vst v63  }
0x1a5: {  	_ = 	snop  }
0x1a6: {  	[spmem:s3] =	stream.indirect.scatter.add.f32 [tilespmem:s19], [sflag:$0x2], $0x80, s1, s15, $0xb8;
	[tilespmem:$0x1C400] =	vst v63  }
0x1a7: {  	_ =	swait.ge [sflag:s17], $0x4000  }
0x1a8: {  	[sflag:s17] =	ssyncset.done $0x0  }
0x1a9: {  	[sflag:s17] =	ssyncadd.s32 $0xFFFFC000  }
0x1aa: {  	_ =	swait.ge [sflag:s20], $0x4000  }
0x1ab: {  	[sflag:s20] =	ssyncset.done $0x0  }
0x1ac: {  	[sflag:s20] =	ssyncadd.s32 $0xFFFFC000  }
0x1ad: {  	[tilespmem:s19], [sflag:$0x1] =	stream.indirect.gather [hbm4b:s0+s15], $0x80, s2, s15, $0xb8;
	[tilespmem:$0x1C400] =	vst v63  }
0x1ae: {  	_ = 	snop  }
0x1af: {  	[spmem:s3] =	stream.indirect.scatter.add.f32 [tilespmem:s16], [sflag:$0x2], $0x80, s5, s15, $0xb8;
	[tilespmem:$0x1C400] =	vst v63  }
0x1b0: {  	_ =	swait.ge [sflag:s17], $0x4000  }
0x1b1: {  	[sflag:s17] =	ssyncset.done $0x0  }
0x1b2: {  	[sflag:s17] =	ssyncadd.s32 $0xFFFFC000  }
0x1b3: {  	[spmem:s3] =	stream.indirect.scatter.add.f32 [tilespmem:s19], [sflag:$0x2], $0x80, s10, s15, $0xb8;
	[tilespmem:$0x1C400] =	vst v63  }
.Ltmp5:
0x1b4: {  	_ =	swait.ge [sflag:s20], $0x4000;
	(pc) =	sbr.rel @!p1 .LBB2_3-.Ltmp5, $4  }
0x1b5: {  	[sflag:s20] =	ssyncset.done $0x0  }
0x1b6: {  	[sflag:s20] =	ssyncadd.s32 $0xFFFFC000  }
0x1b7: {  	_ =	swait.ge [sflag:s20], $0x4000  }
0x1b8: {  	s6 =	smov.u32 s11;
	[sflag:s20] =	ssyncset.done $0x0  }
0x1b9: {  	s6 =	sadd.s32 s8, s9;
	[sflag:s20] =	ssyncadd.s32 $0xFFFFC000  }
0x1ba: {  	[tilespmem:s13], [sflag:$0x3] =	stream.linear.gather [hbm4b:s6+s4], $0x400, $0x38;
	[tilespmem:$0x1C400] =	vst v63  }
0x1bb: {  	_ =	swait.ge [sflag:s12], $0x400  }
0x1bc: {  	s11 =	rddreg [dreg:$0x4];
	[sflag:s12] =	ssyncset.done $0x0  }
0x1bd: {  	s6 =	sadd.s32 s8, s11;
	[sflag:s12] =	ssyncadd.s32 $0xFFFFFC00  }
0x1be: {  	[tilespmem:s14], [sflag:$0x3] =	stream.linear.gather [hbm4b:s6+s4], $0x400, $0x38;
	[tilespmem:$0x1C400] =	vst v63  }
0x1bf: {  	_ =	swait.ge [sflag:s12], $0x400  }
0x1c0: {  	[sflag:s12] =	ssyncset.done $0x0  }
0x1c1: {  	[sflag:s12] =	ssyncadd.s32 $0xFFFFFC00  }
0x1c2: {  	[tilespmem:s16], [sflag:$0x1] =	stream.indirect.gather [hbm4b:s0+s15], $0x80, s13, s15, $0xb8;
	[tilespmem:$0x1C400] =	vst v63  }
0x1c3: {  	_ =	swait.ge [sflag:s17], $0x4000  }
0x1c4: {  	[sflag:s17] =	ssyncset.done $0x0  }
0x1c5: {  	[sflag:s17] =	ssyncadd.s32 $0xFFFFC000  }
0x1c6: {  	[tilespmem:s19], [sflag:$0x1] =	stream.indirect.gather [hbm4b:s0+s15], $0x80, s21, s15, $0xb8;
	[tilespmem:$0x1C400] =	vst v63  }
0x1c7: {  	_ = 	snop  }
0x1c8: {  	[spmem:s3] =	stream.indirect.scatter.add.f32 [tilespmem:s16], [sflag:$0x2], $0x80, s14, s15, $0xb8;
	[tilespmem:$0x1C400] =	vst v63  }
0x1c9: {  	_ =	swait.ge [sflag:s17], $0x4000  }
0x1ca: {  	[sflag:s17] =	ssyncset.done $0x0  }
0x1cb: {  	[sflag:s17] =	ssyncadd.s32 $0xFFFFC000  }
0x1cc: {  	_ =	swait.ge [sflag:s20], $0x4000  }
0x1cd: {  	[sflag:s20] =	ssyncset.done $0x0  }
0x1ce: {  	[sflag:s20] =	ssyncadd.s32 $0xFFFFC000  }
0x1cf: {  	[tilespmem:s16], [sflag:$0x1] =	stream.indirect.gather [hbm4b:s0+s15], $0x80, s22, s15, $0xb8;
	[tilespmem:$0x1C400] =	vst v63  }
0x1d0: {  	_ = 	snop  }
0x1d1: {  	[spmem:s3] =	stream.indirect.scatter.add.f32 [tilespmem:s19], [sflag:$0x2], $0x80, s23, s15, $0xb8;
	[tilespmem:$0x1C400] =	vst v63  }
0x1d2: {  	_ =	swait.ge [sflag:s17], $0x4000  }
0x1d3: {  	[sflag:s17] =	ssyncset.done $0x0  }
0x1d4: {  	[sflag:s17] =	ssyncadd.s32 $0xFFFFC000  }
0x1d5: {  	_ =	swait.ge [sflag:s20], $0x4000  }
0x1d6: {  	[sflag:s20] =	ssyncset.done $0x0  }
0x1d7: {  	[sflag:s20] =	ssyncadd.s32 $0xFFFFC000  }
0x1d8: {  	[tilespmem:s19], [sflag:$0x1] =	stream.indirect.gather [hbm4b:s0+s15], $0x80, s24, s15, $0xb8;
	[tilespmem:$0x1C400] =	vst v63  }
0x1d9: {  	_ = 	snop  }
0x1da: {  	[spmem:s3] =	stream.indirect.scatter.add.f32 [tilespmem:s16], [sflag:$0x2], $0x80, s25, s15, $0xb8;
	[tilespmem:$0x1C400] =	vst v63  }
0x1db: {  	_ =	swait.ge [sflag:s17], $0x4000  }
0x1dc: {  	[sflag:s17] =	ssyncset.done $0x0  }
0x1dd: {  	[sflag:s17] =	ssyncadd.s32 $0xFFFFC000  }
0x1de: {  	_ =	swait.ge [sflag:s20], $0x4000  }
0x1df: {  	[sflag:s20] =	ssyncset.done $0x0  }
0x1e0: {  	[sflag:s20] =	ssyncadd.s32 $0xFFFFC000  }
0x1e1: {  	[tilespmem:s16], [sflag:$0x1] =	stream.indirect.gather [hbm4b:s0+s15], $0x80, s26, s15, $0xb8;
	[tilespmem:$0x1C400] =	vst v63  }
0x1e2: {  	_ = 	snop  }
0x1e3: {  	[spmem:s3] =	stream.indirect.scatter.add.f32 [tilespmem:s19], [sflag:$0x2], $0x80, s28, s15, $0xb8;
	[tilespmem:$0x1C400] =	vst v63  }
0x1e4: {  	_ =	swait.ge [sflag:s17], $0x4000  }
0x1e5: {  	[sflag:s17] =	ssyncset.done $0x0  }
0x1e6: {  	[sflag:s17] =	ssyncadd.s32 $0xFFFFC000  }
0x1e7: {  	_ =	swait.ge [sflag:s20], $0x4000  }
0x1e8: {  	[sflag:s20] =	ssyncset.done $0x0  }
0x1e9: {  	[sflag:s20] =	ssyncadd.s32 $0xFFFFC000  }
0x1ea: {  	[tilespmem:s19], [sflag:$0x1] =	stream.indirect.gather [hbm4b:s0+s15], $0x80, s29, s15, $0xb8;
	[tilespmem:$0x1C400] =	vst v63  }
0x1eb: {  	_ = 	snop  }
0x1ec: {  	[spmem:s3] =	stream.indirect.scatter.add.f32 [tilespmem:s16], [sflag:$0x2], $0x80, s30, s15, $0xb8;
	[tilespmem:$0x1C400] =	vst v63  }
0x1ed: {  	_ =	swait.ge [sflag:s17], $0x4000  }
0x1ee: {  	[sflag:s17] =	ssyncset.done $0x0  }
0x1ef: {  	[sflag:s17] =	ssyncadd.s32 $0xFFFFC000  }
0x1f0: {  	_ =	swait.ge [sflag:s20], $0x4000  }
0x1f1: {  	[sflag:s20] =	ssyncset.done $0x0  }
0x1f2: {  	[sflag:s20] =	ssyncadd.s32 $0xFFFFC000  }
0x1f3: {  	[tilespmem:s16], [sflag:$0x1] =	stream.indirect.gather [hbm4b:s0+s15], $0x80, s31, s15, $0xb8;
	[tilespmem:$0x1C400] =	vst v63  }
0x1f4: {  	_ = 	snop  }
0x1f5: {  	[spmem:s3] =	stream.indirect.scatter.add.f32 [tilespmem:s19], [sflag:$0x2], $0x80, s1, s15, $0xb8;
	[tilespmem:$0x1C400] =	vst v63  }
0x1f6: {  	_ =	swait.ge [sflag:s17], $0x4000  }
0x1f7: {  	[sflag:s17] =	ssyncset.done $0x0  }
0x1f8: {  	[sflag:s17] =	ssyncadd.s32 $0xFFFFC000  }
0x1f9: {  	_ =	swait.ge [sflag:s20], $0x4000  }
0x1fa: {  	[sflag:s20] =	ssyncset.done $0x0  }
0x1fb: {  	[sflag:s20] =	ssyncadd.s32 $0xFFFFC000  }
0x1fc: {  	[tilespmem:s19], [sflag:$0x1] =	stream.indirect.gather [hbm4b:s0+s15], $0x80, s2, s15, $0xb8;
	[tilespmem:$0x1C400] =	vst v63  }
0x1fd: {  	_ = 	snop  }
0x1fe: {  	[spmem:s3] =	stream.indirect.scatter.add.f32 [tilespmem:s16], [sflag:$0x2], $0x80, s5, s15, $0xb8;
	[tilespmem:$0x1C400] =	vst v63  }
0x1ff: {  	_ =	swait.ge [sflag:s17], $0x4000  }
0x200: {  	s11 =	simm.s32 $0x13C80;
	s21 =	simm.s32 $0x13D00;
	[sflag:s17] =	ssyncset.done $0x0  }
0x201: {  	s22 =	simm.s32 $0x14080;
	s23 =	simm.s32 $0x13D80;
	[sflag:s17] =	ssyncadd.s32 $0xFFFFC000  }
0x202: {  	[spmem:s3] =	stream.indirect.scatter.add.f32 [tilespmem:s19], [sflag:$0x2], $0x80, s10, s15, $0xb8;
	[tilespmem:$0x1C400] =	vst v63  }
0x203: {  	s24 =	simm.s32 $0x14100;
	s25 =	simm.s32 $0x13E00;
	_ =	swait.ge [sflag:s20], $0x4000  }
.Ltmp6:
0x204: {  	s26 =	simm.s32 $0x14180;
	[sflag:s20] =	ssyncset.done $0x0;
	(pc) =	sbr.rel .LBB2_8-.Ltmp6, $4  }
0x205: {  	s28 =	simm.s32 $0x13E80;
	s29 =	simm.s32 $0x14200;
	[sflag:s20] =	ssyncadd.s32 $0xFFFFC000  }
0x206: {  	s30 =	simm.s32 $0x13F00;
	s1 =	simm.s32 $0x14280;
	_ =	swait.ge [sflag:s20], $0x4000  }
0x207: {  	s2 =	simm.s32 $0x13F80;
	s5 =	simm.s32 $0x14300;
	[sflag:s20] =	ssyncset.done $0x0  }
0x208: {  	s10 =	simm.s32 $0x14380;
	s31 =	rddreg [dreg:$0xc];
	[sflag:s20] =	ssyncadd.s32 $0xFFFFC000  }
.LBB2_9:
0x209: {  	_ =	sfence.sel $0x180000  }
0x20a: {  	[bflag:$0x0] =	sbarrier.arrive $0xFFFF  }
0x20b: {  	_ =	strace $0x90000047  }
0x20c: {  	s0 =	stileid.u32;
	[bflag:$0x2] =	sbarrier.arrive $0xFFFF  }
0x20d: {  	p0 =	sne.s32 s0, $0x0;
	s0 =	rddreg [dreg:$0x3]  }
0x20e: {  	s0 =	sadd.s32 @!p0 $0x100000, s0  }
0x20f: {  	[sflag:s0] =	ssyncadd.tile.s32 @!p0 $0x1;
	_ =	shalt  }
.Lfunc_end2:
_tile_overlayer_lowered:
.L_overlay_start_2:
0x210: {  	(tag) =	ssettag $0x2  }
0x211: {  	s0 =	rddreg [dreg:$0x0];
	s2 =	stileid.u32  }
0x212: {  	s1 =	rddreg [dreg:$0x1];
	p0 =	sne.s32 s2, $0x0  }
0x213: {  	s3 =	rddreg [dreg:$0x2];
	[bflag:$0x3] =	sbarrier.arrive $0xFFFF;
	s2 =	simm.s32 @!p0 $0x1C03  }
0x214: {  	[timem:s3], [sflag:s2] =	dma.local @!p0 [hbm:s0], s1  }
0x215: {  	s0 =	simm.s32 @!p0 $0x3  }
0x216: {  	_ =	swait.ge @!p0 [sflag:s0], s1  }
0x217: {  	s1 =	ssub.s32 @!p0 $0x0, s1;
	[sflag:s0] =	ssyncset.done @!p0 $0x0  }
0x218: {  	[sflag:s0] =	ssyncadd.s32 @!p0 s1  }
0x219: {  	[bflag:$0x3] =	sbarrier.arrive $0xFFFF  }
0x21a: {  	_ =	shalt  }

// kernel: kernel.15.cloned.1.call-start
scs
__scs_entry_jumppad:
0x0: {  	(pc) =	sbr.rel $0x88, $3  }
0x1: {  	(tag) =	ssettag $0x0;
	lr =	simm.s32 $0x1  }
0x2: {  	[smem:$0x3F97] =	sst lr;
	_ =	strace $0xD0000000  }
0x3: {  	_ = 	snop  }
0x4: {  	_ = 	snop  }
0x5: {  	_ = 	snop  }
0x6: {  	_ = 	snop  }
0x7: {  	_ = 	snop  }
__scs_overlays_trampoline_lowered:
0x8: {  	[smem:$0x3FA6] =	sst s0  }
0x9: {  	[smem:$0x3FA7] =	sst s1  }
0xa: {  	[smem:$0x3FA8] =	sst s2  }
0xb: {  	[smem:$0x3FA9] =	sst s3  }
0xc: {  	[smem:$0x3FAA] =	sst s4  }
0xd: {  	[smem:$0x3FAB] =	sst s5  }
0xe: {  	[smem:$0x3FAC] =	sst s6  }
0xf: {  	[smem:$0x3FAD] =	sst s7  }
0x10: {  	[smem:$0x3FAE] =	sst s8  }
0x11: {  	[smem:$0x3FAF] =	sst s9;
	s0 =	simm.s32 @!p0 $0x0  }
0x12: {  	s1 =	sld [smem:$0x3F95];
	s0 =	simm.s32 @p0 $0x1  }
0x13: {  	[smem:$0x3FB0] =	sst s0;
	s0 =	simm.s32 @!p1 $0x0  }
0x14: {  	s2 =	sld [smem:$0x3F94];
	s0 =	simm.s32 @p1 $0x1  }
0x15: {  	[smem:$0x3FB1] =	sst s0;
	s0 =	simm.s32 @!p2 $0x0  }
0x16: {  	s3 =	sld [smem:$0x3FDB];
	s0 =	simm.s32 @p2 $0x1  }
0x17: {  	s4 =	simm.s32 $0x1BF5;
	[smem:$0x3FB3] =	sst s0  }
0x18: {  	s0 =	sld [smem:$0x3F96];
	_ =	swait.ge [sflag:s4], $0x0  }
0x19: {  	s7 =	sld [smem:$0x3F97]  }
0x1a: {  	s8 =	sadd.s32 $0xFFFFE003, lr  }
0x1b: {  	s9 =	sadd.s32 $0xFFFFFEF7, lr;
	s5 =	simm.s32 $0xFFFFFFFF;
	p2 =	slt.u32 s8, $0xFFFFF086  }
0x1c: {  	p1 =	slt.u32 s9, $0xF7A;
	s5 =	simm.s32 @!p2 $0x0  }
0x1d: {  	s5 =	simm.s32 @p1 $0x1;
	p0 =	seq.s32 s7, s2  }
0x1e: {  	s7 =	smul.u32 @!p0 $0xF7A, s2;
	p2 =	seq.s32 @!p0 s5, $0x0  }
0x1f: {  	s9 =	smul.u32 $0xF7A, s1;
	s8 =	simm.s32 @!p0 $0x1BF5;
	p2 =	por !p2, p0  }
0x20: {  	[sflag:s8] =	ssyncset.s32 @!p0 $0xFFFFF086;
	s6 =	sadd.s32 @!p0 s3, s7;
	s7 =	simm.s32 @!p0 $0x108  }
0x21: {  	s3 =	sadd.s32 s3, s9;
	s6 =	sadd.s32 @!p0 $0x88, s6;
	s7 =	simm.s32 @p2 $0x1082  }
0x22: {  	[simem:s7], [sflag:s8] =	dma.local @!p0 [hbm:s6], $0xF7A  }
0x23: {  	s9 =	sor.u32 $0xD0000000, s2;
	s6 =	simm.s32 $0x108;
	_ =	swait.ge @!p0 [sflag:s8], $0x0  }
0x24: {  	s3 =	sadd.s32 $0x88, s3;
	s6 =	simm.s32 @!p1 $0x1082;
	[sflag:s4] =	ssyncset.s32 $0xFFFFF086  }
0x25: {  	[simem:s6], [sflag:s4] =	dma.local [hbm:s3], $0xF7A  }
0x26: {  	[smem:$0x3F97] =	sst s1;
	(tag) =	ssettag s2;
	_ =	strace s9  }
0x27: {  	s1 =	sld [smem:$0x3FA7]  }
0x28: {  	s2 =	sld [smem:$0x3FA8]  }
0x29: {  	s4 =	sld [smem:$0x3FAA]  }
0x2a: {  	p0 =	seq.s32 s5, $0x0;
	s5 =	sld [smem:$0x3FAB]  }
0x2b: {  	s6 =	sld [smem:$0x3FAC]  }
0x2c: {  	s7 =	sld [smem:$0x3FAD]  }
0x2d: {  	s3 =	simm.s32 $0x108;
	s8 =	sld [smem:$0x3FAE]  }
0x2e: {  	s3 =	simm.s32 @!p0 $0x1082;
	s9 =	sld [smem:$0x3FAF]  }
0x2f: {  	lr =	sadd.s32 s0, s3;
	s0 =	sld [smem:$0x3FA6]  }
0x30: {  	s3 =	sld [smem:$0x3FA9]  }
0x31: {  	[smem:$0x3FB2] =	sst s10  }
0x32: {  	s10 =	sld [smem:$0x3FB0];
	_ =	sdelay $0x3  }
0x33: {  	p0 =	seq.s32 s10, $0x1;
	s10 =	sld [smem:$0x3FB2];
	_ =	sdelay $0x3  }
0x34: {  	[smem:$0x3FB2] =	sst s10  }
0x35: {  	s10 =	sld [smem:$0x3FB1];
	_ =	sdelay $0x3  }
0x36: {  	p1 =	seq.s32 s10, $0x1;
	s10 =	sld [smem:$0x3FB2];
	_ =	sdelay $0x3  }
0x37: {  	[smem:$0x3FB2] =	sst s10  }
0x38: {  	s10 =	sld [smem:$0x3FB3]  }
0x39: {  	_ = 	snop;
	(pc) =	sbr.ind lr, $3  }
0x3a: {  	_ = 	snop  }
0x3b: {  	_ = 	snop  }
0x3c: {  	p2 =	seq.s32 s10, $0x1;
	s10 =	sld [smem:$0x3FB2]  }
0x3d: {  	_ =	shalt  }
0x3e: {  	_ =	shalt  }
0x3f: {  	_ =	shalt  }
0x40: {  	_ =	shalt  }
0x41: {  	_ =	shalt  }
0x42: {  	_ =	shalt  }
0x43: {  	_ =	shalt  }
0x44: {  	_ =	shalt  }
0x45: {  	_ =	shalt  }
0x46: {  	_ =	shalt  }
0x47: {  	_ =	shalt  }
0x48: {  	_ =	shalt  }
0x49: {  	_ =	shalt  }
0x4a: {  	_ =	shalt  }
0x4b: {  	_ =	shalt  }
0x4c: {  	_ =	shalt  }
0x4d: {  	_ =	shalt  }
0x4e: {  	_ =	shalt  }
0x4f: {  	_ =	shalt  }
0x50: {  	_ =	shalt  }
0x51: {  	_ =	shalt  }
0x52: {  	_ =	shalt  }
0x53: {  	_ =	shalt  }
0x54: {  	_ =	shalt  }
0x55: {  	_ =	shalt  }
0x56: {  	_ =	shalt  }
0x57: {  	_ =	shalt  }
0x58: {  	_ =	shalt  }
0x59: {  	_ =	shalt  }
0x5a: {  	_ =	shalt  }
0x5b: {  	_ =	shalt  }
0x5c: {  	_ =	shalt  }
0x5d: {  	_ =	shalt  }
0x5e: {  	_ =	shalt  }
0x5f: {  	_ =	shalt  }
0x60: {  	_ =	shalt  }
0x61: {  	_ =	shalt  }
0x62: {  	_ =	shalt  }
0x63: {  	_ =	shalt  }
0x64: {  	_ =	shalt  }
0x65: {  	_ =	shalt  }
0x66: {  	_ =	shalt  }
0x67: {  	_ =	shalt  }
0x68: {  	_ =	shalt  }
0x69: {  	_ =	shalt  }
0x6a: {  	_ =	shalt  }
0x6b: {  	_ =	shalt  }
0x6c: {  	_ =	shalt  }
0x6d: {  	_ =	shalt  }
0x6e: {  	_ =	shalt  }
0x6f: {  	_ =	shalt  }
0x70: {  	_ =	shalt  }
0x71: {  	_ =	shalt  }
0x72: {  	_ =	shalt  }
0x73: {  	_ =	shalt  }
0x74: {  	_ =	shalt  }
0x75: {  	_ =	shalt  }
0x76: {  	_ =	shalt  }
0x77: {  	_ =	shalt  }
0x78: {  	_ =	shalt  }
0x79: {  	_ =	shalt  }
0x7a: {  	_ =	shalt  }
0x7b: {  	_ =	shalt  }
0x7c: {  	_ =	shalt  }
0x7d: {  	_ =	shalt  }
0x7e: {  	_ =	shalt  }
0x7f: {  	_ =	shalt  }
0x80: {  	_ =	shalt  }
0x81: {  	_ =	shalt  }
0x82: {  	_ =	shalt  }
0x83: {  	_ =	shalt  }
0x84: {  	_ =	shalt  }
0x85: {  	_ =	shalt  }
0x86: {  	_ =	shalt  }
0x87: {  	_ =	shalt  }
.Lfunc_end0:
.L_simem_size_0:
called_computation.2_lowered:
.L_overlay_start_0:
0x88: {  	s2 =	sld [smem:$0x3FD9]  }
0x89: {  	s3 =	sld [smem:$0x3FFE];
	_ =	sdelay $0x1  }
0x8a: {  	s1 =	srdreg.scid  }
0x8b: {  	s0 =	sand.u32 $0x1, s1  }
0x8c: {  	s16 =	sshll.u32 s0, $0xA;
	s2 =	sadd.s32 s3, s2  }
0x8d: {  	s2 =	sadd.s32 s2, s16  }
0x8e: {  	[smem:$0x3FBE] =	sst s2  }
0x8f: {  	_ = 	snop  }
0x90: {  	(tm) =	ssettm $0x1  }
0x91: {  	s17 =	sld [smem:$0x3FFB];
	_ =	sdelay $0x3  }
0x92: {  	_ =	strace s17  }
0x93: {  	s2 =	sld [smem:$0x3FFC];
	_ =	sdelay $0x3  }
0x94: {  	_ =	strace s2  }
0x95: {  	s2 =	sld [smem:$0x3FFD];
	_ =	sdelay $0x3  }
0x96: {  	_ =	strace s2  }
0x97: {  	_ =	strace $0x8FFFFFFF  }
0x98: {  	s18 =	sld [smem:$0x3FDB];
	_ =	sdelay $0x1  }
0x99: {  	s19 =	simm.s32 $_scs_section_size  }
0x9a: {  	s4 =	simm.s32 $_size__tile_overlayer_lowered;
	s5 =	simm.s32 $_tile_overlayer_lowered  }
0x9b: {  	s22 =	simm.s32 $0x1BFF;
	s21 =	sshll.u32 s5, $0x1;
	s2 =	sadd.s32 s19, s18  }
0x9c: {  	s6 =	simm.s32 $0x0;
	s20 =	sshll.u32 s4, $0x1;
	s4 =	sadd.s32 s21, s2  }
0x9d: {  	[timem:s6], [sflag:s22] =	dma.local [hbm:s4], s20  }
0x9e: {  	_ =	swait.ge [sflag:s22], s20  }
0x9f: {  	s3 =	ssub.s32 $0x0, s20;
	[sflag:s22] =	ssyncset.done $0x0  }
0xa0: {  	[sflag:s22] =	ssyncadd.s32 s3;
	_ =	sdelay $0x1  }
0xa1: {  	s23 =	simm.s32 $0x1B8B  }
0xa2: {  	_ =	swait.ge [sflag:s23], $0x1  }
0xa3: {  	[sflag:s23] =	ssyncset.done $0x0  }
0xa4: {  	s25 =	simm.s32 $0x1B8E;
	s24 =	sld [smem:$0x3FFE];
	[sflag:s23] =	ssyncadd.s32 $0xFFFFFFFF  }
0xa5: {  	s26 =	simm.s32 $execute0_lowered;
	[smem:$0x3FD2] =	sst s25  }
0xa6: {  	s4 =	sshll.u32 s26, $0x1;
	_ =	strace $0x8000004C;
	[dreg:$0x1] =	wrdreg $0xFFFFFFFF  }
0xa7: {  	s28 =	simm.s32 $_size_execute0_lowered;
	s2 =	sadd.s32 s2, s4;
	[dreg:$0x0] =	wrdreg $0x0  }
0xa8: {  	s4 =	sshll.u32 s28, $0x1;
	[dreg:$0x2] =	wrdreg s2  }
0xa9: {  	[dreg:$0x3] =	wrdreg s4  }
0xaa: {  	[dreg:$0x4] =	wrdreg $0xC0  }
0xab: {  	_ =	task [dreg:s6], $0x5FFFF  }
0xac: {  	[dreg:$0x1] =	wrdreg $0xFFFFFFFF  }
0xad: {  	[dreg:$0x0] =	wrdreg $0x60  }
0xae: {  	[dreg:$0x2] =	wrdreg s24  }
0xaf: {  	[dreg:$0x3] =	wrdreg $0x0  }
0xb0: {  	[dreg:$0x4] =	wrdreg $0x9  }
0xb1: {  	_ =	task.clear_ibuf [dreg:s6], $0x5FFFF;
	_ =	strace $0x9000004C  }
0xb2: {  	s29 =	simm.s32 $0x9;
	_ =	strace $0x8000004E  }
0xb3: {  	_ =	swait.ge [sflag:s29], $0x1  }
0xb4: {  	[sflag:s29] =	ssyncadd.s32 $0xFFFFFFFF  }
0xb5: {  	_ =	strace $0x9000004E  }
0xb6: {  	_ =	sfence  }
0xb7: {  	s30 =	sld [smem:$0x0];
	_ =	sdelay $0x2  }
0xb8: {  	s31 =	sshll.u32 s1, $0xD;
	s1 =	sshrl.u32 s1, $0x2  }
0xb9: {  	s3 =	sand.u32 $0x4000, s31;
	s1 =	sadd.s32 s1, s30  }
0xba: {  	s0 =	sor.u32 s3, s0;
	s1 =	sshll.u32 s1, $0x11  }
0xbb: {  	s0 =	sor.u32 s1, s0  }
0xbc: {  	s0 =	sadd.s32 $0x8F2B, s0  }
0xbd: {  	[sflag:s0] =	ssyncadd.remote.s32 $0x1  }
0xbe: {  	_ =	sfence.sel $0xFFFF  }
0xbf: {  	[dreg:$0x0] =	wrdreg $0xFFFFFFFF;
	(pc) =	sbr.abs _section_cstart, $3  }
0xc0: {  	[dreg:$0x1] =	wrdreg $0xFFFFFFFF  }
0xc1: {  	_ =	task.clear_ibuf [dreg:s6], $0x2FFFF;
	_ =	strace $0x9FFFFFFF  }
0xc2: {  	(tm) =	ssettm $0x7FFFFFFF  }
0xc3: {  	_ =	shalt  }
tec
execute0_lowered:
.L_overlay_start_1:
0x0: {  	(tag) =	ssettag $0x1  }
0x1: {  	s0 =	rddreg [dreg:$0x0];
	s1 =	srdreg.scid  }
0x2: {  	s2 =	rddreg [dreg:$0x1];
	s9 =	stileid.u32;
	s3 =	simm.s32 $0x0  }
0x3: {  	s12 =	simm.s32 $0x3;
	s13 =	simm.s32 $0x13C00;
	s14 =	simm.s32 $0x14000  }
0x4: {  	s15 =	simm.s32 $0x80;
	s16 =	simm.s32 $0x14400;
	s17 =	simm.s32 $0x1  }
0x5: {  	s11 =	simm.s32 $0x13C80;
	s19 =	simm.s32 $0x18400;
	s28 =	simm.s32 $0x13E80  }
0x6: {  	s29 =	simm.s32 $0x14200;
	s30 =	simm.s32 $0x13F00;
	s10 =	simm.s32 $0x14380  }
0x7: {  	s31 =	simm.s32 $0x0;
	s1 =	sand.u32 $0x1, s1;
	s6 =	smul.u32 $0x13C00, s9  }
0x8: {  	[smem:$0x7FF] =	sst s3;
	s7 =	smul.u32 $0x500, s9;
	s4 =	sadd.s32 $0x19400, s0  }
0x9: {  	s21 =	smul.u32 $0x4F000, s9;
	s8 =	sadd.s32 $0x16C00, s0;
	s9 =	sshll.u32 s9, $0x6  }
0xa: {  	s5 =	smul.u32 $0x13C000, s1;
	_ =	strace $0x8000004D;
	[dreg:$0x6] =	wrdreg s8  }
0xb: {  	s22 =	ssub.s32 $0x2, s1;
	s8 =	sor.u32 $0x1C03, s9;
	p0 =	seq.s32 s1, $0x1  }
0xc: {  	s1 =	simm.s32 $0x13F80;
	s20 =	sadd.s32 s7, s0;
	s23 =	sshrl.u32 s22, $0x1  }
0xd: {  	s7 =	sshrl.u32 s21, $0x2;
	s21 =	simm.s32 $0x13D00;
	[dreg:$0x7] =	wrdreg s8  }
0xe: {  	s5 =	sadd.s32 s6, s5;
	s7 =	sadd.s32 s7, s2;
	s24 =	sadd.s32 $0x2C00, s20  }
0xf: {  	s26 =	sadd.s32 $0xCC00, s20;
	s9 =	sadd.s32 $0x7C00, s20;
	s18 =	sadd.s32 $0x11C00, s20  }
0x10: {  	s20 =	simm.s32 $0x2;
	s5 =	sshrl.u32 s5, $0x3;
	[dreg:$0x3] =	wrdreg s24  }
0x11: {  	[dreg:$0x4] =	wrdreg s26;
	s7 =	sshrl.u32 s7, $0x3;
	s24 =	simm.s32 $0x14100  }
.Ltmp0:
0x12: {  	s26 =	simm.s32 $0x14180;
	[dreg:$0x5] =	wrdreg s9;
	(pc) =	sbr.rel .LBB2_1-.Ltmp0, $4  }
0x13: {  	s0 =	sadd.s32 s5, s0;
	s5 =	ssub.s32 s22, s23;
	s22 =	simm.s32 $0x14080  }
0x14: {  	s23 =	simm.s32 $0x13D80;
	[dreg:$0xa] =	wrdreg s7;
	s0 =	sadd.s32 $0xB7C00, s0  }
0x15: {  	s25 =	smax.u32 s5, $0x1;
	s5 =	simm.s32 $0x14300;
	[dreg:$0x8] =	wrdreg s0  }
0x16: {  	[dreg:$0x9] =	wrdreg s25;
	s25 =	simm.s32 $0x13E00;
	s0 =	simm.s32 $0x14280  }
.LBB2_7:
0x17: {  	s6 =	sadd.s32 s8, s18;
	[sflag:s20] =	ssyncadd.s32 $0xFFFFC000  }
0x18: {  	[tilespmem:s13], [sflag:$0x3] =	stream.linear.gather [hbm4b:s6+s3], $0x400, $0x38;
	[tilespmem:$0x1C400] =	vst v63  }
0x19: {  	_ =	swait.ge [sflag:s12], $0x400  }
0x1a: {  	s11 =	rddreg [dreg:$0x4];
	[sflag:s12] =	ssyncset.done $0x0  }
0x1b: {  	s6 =	sadd.s32 s8, s11;
	[sflag:s12] =	ssyncadd.s32 $0xFFFFFC00  }
0x1c: {  	[tilespmem:s14], [sflag:$0x3] =	stream.linear.gather [hbm4b:s6+s3], $0x400, $0x38;
	[tilespmem:$0x1C400] =	vst v63  }
0x1d: {  	_ =	swait.ge [sflag:s12], $0x400  }
0x1e: {  	[sflag:s12] =	ssyncset.done $0x0  }
0x1f: {  	[sflag:s12] =	ssyncadd.s32 $0xFFFFFC00  }
0x20: {  	[tilespmem:s16], [sflag:$0x1] =	stream.indirect.gather [hbm4b:s4+s15], $0x80, s13, s15, $0xb8;
	[tilespmem:$0x1C400] =	vst v63  }
0x21: {  	_ =	swait.ge [sflag:s17], $0x4000  }
0x22: {  	[sflag:s17] =	ssyncset.done $0x0  }
0x23: {  	[sflag:s17] =	ssyncadd.s32 $0xFFFFC000  }
0x24: {  	[tilespmem:s19], [sflag:$0x1] =	stream.indirect.gather [hbm4b:s4+s15], $0x80, s21, s15, $0xb8;
	[tilespmem:$0x1C400] =	vst v63  }
0x25: {  	_ = 	snop  }
0x26: {  	[spmem:s2] =	stream.indirect.scatter.add.f32 [tilespmem:s16], [sflag:$0x2], $0x80, s14, s15, $0xb8;
	[tilespmem:$0x1C400] =	vst v63  }
0x27: {  	_ =	swait.ge [sflag:s17], $0x4000  }
0x28: {  	[sflag:s17] =	ssyncset.done $0x0  }
0x29: {  	[sflag:s17] =	ssyncadd.s32 $0xFFFFC000  }
0x2a: {  	_ =	swait.ge [sflag:s20], $0x4000  }
0x2b: {  	[sflag:s20] =	ssyncset.done $0x0  }
0x2c: {  	[sflag:s20] =	ssyncadd.s32 $0xFFFFC000  }
0x2d: {  	[tilespmem:s16], [sflag:$0x1] =	stream.indirect.gather [hbm4b:s4+s15], $0x80, s22, s15, $0xb8;
	[tilespmem:$0x1C400] =	vst v63  }
0x2e: {  	_ = 	snop  }
0x2f: {  	[spmem:s2] =	stream.indirect.scatter.add.f32 [tilespmem:s19], [sflag:$0x2], $0x80, s23, s15, $0xb8;
	[tilespmem:$0x1C400] =	vst v63  }
0x30: {  	_ =	swait.ge [sflag:s17], $0x4000  }
0x31: {  	[sflag:s17] =	ssyncset.done $0x0  }
0x32: {  	[sflag:s17] =	ssyncadd.s32 $0xFFFFC000  }
0x33: {  	_ =	swait.ge [sflag:s20], $0x4000  }
0x34: {  	[sflag:s20] =	ssyncset.done $0x0  }
0x35: {  	[sflag:s20] =	ssyncadd.s32 $0xFFFFC000  }
0x36: {  	[tilespmem:s19], [sflag:$0x1] =	stream.indirect.gather [hbm4b:s4+s15], $0x80, s24, s15, $0xb8;
	[tilespmem:$0x1C400] =	vst v63  }
0x37: {  	_ = 	snop  }
0x38: {  	[spmem:s2] =	stream.indirect.scatter.add.f32 [tilespmem:s16], [sflag:$0x2], $0x80, s25, s15, $0xb8;
	[tilespmem:$0x1C400] =	vst v63  }
0x39: {  	_ =	swait.ge [sflag:s17], $0x4000  }
0x3a: {  	[sflag:s17] =	ssyncset.done $0x0  }
0x3b: {  	[sflag:s17] =	ssyncadd.s32 $0xFFFFC000  }
0x3c: {  	_ =	swait.ge [sflag:s20], $0x4000  }
0x3d: {  	[sflag:s20] =	ssyncset.done $0x0  }
0x3e: {  	[sflag:s20] =	ssyncadd.s32 $0xFFFFC000  }
0x3f: {  	[tilespmem:s16], [sflag:$0x1] =	stream.indirect.gather [hbm4b:s4+s15], $0x80, s26, s15, $0xb8;
	[tilespmem:$0x1C400] =	vst v63  }
0x40: {  	_ = 	snop  }
0x41: {  	[spmem:s2] =	stream.indirect.scatter.add.f32 [tilespmem:s19], [sflag:$0x2], $0x80, s28, s15, $0xb8;
	[tilespmem:$0x1C400] =	vst v63  }
0x42: {  	_ =	swait.ge [sflag:s17], $0x4000  }
0x43: {  	[sflag:s17] =	ssyncset.done $0x0  }
0x44: {  	[sflag:s17] =	ssyncadd.s32 $0xFFFFC000  }
0x45: {  	_ =	swait.ge [sflag:s20], $0x4000  }
0x46: {  	[sflag:s20] =	ssyncset.done $0x0  }
0x47: {  	[sflag:s20] =	ssyncadd.s32 $0xFFFFC000  }
0x48: {  	[tilespmem:s19], [sflag:$0x1] =	stream.indirect.gather [hbm4b:s4+s15], $0x80, s29, s15, $0xb8;
	[tilespmem:$0x1C400] =	vst v63  }
0x49: {  	_ = 	snop  }
0x4a: {  	[spmem:s2] =	stream.indirect.scatter.add.f32 [tilespmem:s16], [sflag:$0x2], $0x80, s30, s15, $0xb8;
	[tilespmem:$0x1C400] =	vst v63  }
0x4b: {  	_ =	swait.ge [sflag:s17], $0x4000  }
0x4c: {  	[sflag:s17] =	ssyncset.done $0x0  }
0x4d: {  	[sflag:s17] =	ssyncadd.s32 $0xFFFFC000  }
0x4e: {  	_ =	swait.ge [sflag:s20], $0x4000  }
0x4f: {  	[sflag:s20] =	ssyncset.done $0x0  }
0x50: {  	[sflag:s20] =	ssyncadd.s32 $0xFFFFC000  }
0x51: {  	[tilespmem:s16], [sflag:$0x1] =	stream.indirect.gather [hbm4b:s4+s15], $0x80, s31, s15, $0xb8;
	[tilespmem:$0x1C400] =	vst v63  }
0x52: {  	_ = 	snop  }
0x53: {  	[spmem:s2] =	stream.indirect.scatter.add.f32 [tilespmem:s19], [sflag:$0x2], $0x80, s0, s15, $0xb8;
	[tilespmem:$0x1C400] =	vst v63  }
0x54: {  	_ =	swait.ge [sflag:s17], $0x4000  }
0x55: {  	[sflag:s17] =	ssyncset.done $0x0  }
0x56: {  	[sflag:s17] =	ssyncadd.s32 $0xFFFFC000  }
0x57: {  	_ =	swait.ge [sflag:s20], $0x4000  }
0x58: {  	[sflag:s20] =	ssyncset.done $0x0  }
0x59: {  	[sflag:s20] =	ssyncadd.s32 $0xFFFFC000  }
0x5a: {  	[tilespmem:s19], [sflag:$0x1] =	stream.indirect.gather [hbm4b:s4+s15], $0x80, s1, s15, $0xb8;
	[tilespmem:$0x1C400] =	vst v63  }
0x5b: {  	_ = 	snop  }
0x5c: {  	[spmem:s2] =	stream.indirect.scatter.add.f32 [tilespmem:s16], [sflag:$0x2], $0x80, s5, s15, $0xb8;
	[tilespmem:$0x1C400] =	vst v63  }
0x5d: {  	_ =	swait.ge [sflag:s17], $0x4000  }
0x5e: {  	s11 =	simm.s32 $0x13C80;
	s21 =	simm.s32 $0x13D00;
	[sflag:s17] =	ssyncset.done $0x0  }
0x5f: {  	s22 =	simm.s32 $0x14080;
	s23 =	simm.s32 $0x13D80;
	[sflag:s17] =	ssyncadd.s32 $0xFFFFC000  }
0x60: {  	[spmem:s2] =	stream.indirect.scatter.add.f32 [tilespmem:s19], [sflag:$0x2], $0x80, s10, s15, $0xb8;
	[tilespmem:$0x1C400] =	vst v63  }
0x61: {  	s24 =	simm.s32 $0x14100;
	s25 =	simm.s32 $0x13E00;
	_ =	swait.ge [sflag:s20], $0x4000  }
0x62: {  	s26 =	simm.s32 $0x14180;
	s28 =	simm.s32 $0x13E80;
	[sflag:s20] =	ssyncset.done $0x0  }
0x63: {  	s29 =	simm.s32 $0x14200;
	s30 =	simm.s32 $0x13F00;
	[sflag:s20] =	ssyncadd.s32 $0xFFFFC000  }
0x64: {  	s0 =	simm.s32 $0x14280;
	s1 =	simm.s32 $0x13F80;
	_ =	swait.ge [sflag:s20], $0x4000  }
0x65: {  	s5 =	simm.s32 $0x14300;
	[sflag:s20] =	ssyncset.done $0x0;
	s9 =	rddreg [dreg:$0x5]  }
0x66: {  	s10 =	simm.s32 $0x14380;
	s31 =	rddreg [dreg:$0xb];
	[sflag:s20] =	ssyncadd.s32 $0xFFFFC000  }
.LBB2_8:
0x67: {  	[bflag:$0x0] =	sbarrier.arrive $0xFFFF  }
0x68: {  	s8 =	rddreg [dreg:$0x7]  }
0x69: {  	s6 =	rddreg [dreg:$0x8]  }
0x6a: {  	s7 =	rddreg [dreg:$0xa]  }
0x6b: {  	[hbm:s6], [sflag:s8] =	dma.local [spmem:s7], $0x2780  }
0x6c: {  	_ =	swait.ge [sflag:s12], $0x2780  }
0x6d: {  	s31 =	sadd.s32 $0x1, s31;
	s6 =	rddreg [dreg:$0x9]  }
0x6e: {  	p1 =	sne.s32 s31, s6  }
.Ltmp1:
0x6f: {  	_ = 	snop;
	(pc) =	sbr.rel @!p1 .LBB2_9-.Ltmp1, $3  }
0x70: {  	_ =	sdelay $0x1  }
0x71: {  	[sflag:s12] =	ssyncset.done $0x0  }
0x72: {  	[sflag:s12] =	ssyncadd.s32 $0xFFFFD880  }
.LBB2_1:
0x73: {  	[dreg:$0xb] =	wrdreg s31  }
0x74: {  	s6 =	rddreg [dreg:$0x6]  }
0x75: {  	[spmem:s7], [sflag:s8] =	dma.local [hbm:s6], $0x2780  }
.Ltmp2:
0x76: {  	_ =	swait.ge [sflag:s12], $0x2780;
	(pc) =	sbr.rel @!p0 .LBB2_2-.Ltmp2, $3  }
0x77: {  	[sflag:s12] =	ssyncset.done $0x0  }
0x78: {  	[sflag:s12] =	ssyncadd.s32 $0xFFFFD880  }
0x79: {  	[bflag:$0x0] =	sbarrier.arrive $0xFFFF;
	_ =	sdelay $0x1  }
0x7a: {  	s6 =	sadd.s32 $0x0, s18  }
0x7b: {  	[tilespmem:s13], [sflag:$0x3] =	stream.linear.gather [hbm4b:s6+s3], $0x400, $0x38;
	[tilespmem:$0x1C400] =	vst v63  }
0x7c: {  	_ =	swait.ge [sflag:s12], $0x400  }
0x7d: {  	s9 =	rddreg [dreg:$0x4];
	[sflag:s12] =	ssyncset.done $0x0  }
0x7e: {  	[sflag:s12] =	ssyncadd.s32 $0xFFFFFC00;
	s6 =	sadd.s32 $0x0, s9  }
0x7f: {  	[tilespmem:s14], [sflag:$0x3] =	stream.linear.gather [hbm4b:s6+s3], $0x400, $0x38;
	[tilespmem:$0x1C400] =	vst v63  }
0x80: {  	_ =	swait.ge [sflag:s12], $0x400  }
0x81: {  	[sflag:s12] =	ssyncset.done $0x0  }
0x82: {  	[sflag:s12] =	ssyncadd.s32 $0xFFFFFC00  }
0x83: {  	[tilespmem:s16], [sflag:$0x1] =	stream.indirect.gather [hbm4b:s4+s15], $0x80, s13, s15, $0xb8;
	[tilespmem:$0x1C400] =	vst v63  }
0x84: {  	_ =	swait.ge [sflag:s17], $0x4000  }
0x85: {  	[sflag:s17] =	ssyncset.done $0x0  }
0x86: {  	[sflag:s17] =	ssyncadd.s32 $0xFFFFC000  }
0x87: {  	[tilespmem:s19], [sflag:$0x1] =	stream.indirect.gather [hbm4b:s4+s15], $0x80, s11, s15, $0xb8;
	[tilespmem:$0x1C400] =	vst v63  }
0x88: {  	_ = 	snop  }
0x89: {  	[spmem:s2] =	stream.indirect.scatter.add.f32 [tilespmem:s16], [sflag:$0x2], $0x80, s14, s15, $0xb8;
	[tilespmem:$0x1C400] =	vst v63  }
0x8a: {  	_ =	swait.ge [sflag:s17], $0x4000  }
0x8b: {  	[sflag:s17] =	ssyncset.done $0x0  }
0x8c: {  	[sflag:s17] =	ssyncadd.s32 $0xFFFFC000  }
0x8d: {  	_ =	swait.ge [sflag:s20], $0x4000  }
0x8e: {  	[sflag:s20] =	ssyncset.done $0x0  }
0x8f: {  	[sflag:s20] =	ssyncadd.s32 $0xFFFFC000  }
0x90: {  	[tilespmem:s16], [sflag:$0x1] =	stream.indirect.gather [hbm4b:s4+s15], $0x80, s21, s15, $0xb8;
	[tilespmem:$0x1C400] =	vst v63  }
0x91: {  	_ = 	snop  }
0x92: {  	[spmem:s2] =	stream.indirect.scatter.add.f32 [tilespmem:s19], [sflag:$0x2], $0x80, s22, s15, $0xb8;
	[tilespmem:$0x1C400] =	vst v63  }
0x93: {  	_ =	swait.ge [sflag:s17], $0x4000  }
0x94: {  	[sflag:s17] =	ssyncset.done $0x0  }
0x95: {  	[sflag:s17] =	ssyncadd.s32 $0xFFFFC000  }
0x96: {  	_ =	swait.ge [sflag:s20], $0x4000  }
0x97: {  	[sflag:s20] =	ssyncset.done $0x0  }
0x98: {  	[sflag:s20] =	ssyncadd.s32 $0xFFFFC000  }
0x99: {  	[tilespmem:s19], [sflag:$0x1] =	stream.indirect.gather [hbm4b:s4+s15], $0x80, s23, s15, $0xb8;
	[tilespmem:$0x1C400] =	vst v63  }
0x9a: {  	_ = 	snop  }
0x9b: {  	[spmem:s2] =	stream.indirect.scatter.add.f32 [tilespmem:s16], [sflag:$0x2], $0x80, s24, s15, $0xb8;
	[tilespmem:$0x1C400] =	vst v63  }
0x9c: {  	_ =	swait.ge [sflag:s17], $0x4000  }
0x9d: {  	[sflag:s17] =	ssyncset.done $0x0  }
0x9e: {  	[sflag:s17] =	ssyncadd.s32 $0xFFFFC000  }
0x9f: {  	_ =	swait.ge [sflag:s20], $0x4000  }
0xa0: {  	[sflag:s20] =	ssyncset.done $0x0  }
0xa1: {  	[sflag:s20] =	ssyncadd.s32 $0xFFFFC000  }
0xa2: {  	[tilespmem:s16], [sflag:$0x1] =	stream.indirect.gather [hbm4b:s4+s15], $0x80, s25, s15, $0xb8;
	[tilespmem:$0x1C400] =	vst v63  }
0xa3: {  	_ = 	snop  }
0xa4: {  	[spmem:s2] =	stream.indirect.scatter.add.f32 [tilespmem:s19], [sflag:$0x2], $0x80, s26, s15, $0xb8;
	[tilespmem:$0x1C400] =	vst v63  }
0xa5: {  	_ =	swait.ge [sflag:s17], $0x4000  }
0xa6: {  	[sflag:s17] =	ssyncset.done $0x0  }
0xa7: {  	[sflag:s17] =	ssyncadd.s32 $0xFFFFC000  }
0xa8: {  	_ =	swait.ge [sflag:s20], $0x4000  }
0xa9: {  	[sflag:s20] =	ssyncset.done $0x0  }
0xaa: {  	[sflag:s20] =	ssyncadd.s32 $0xFFFFC000  }
0xab: {  	[tilespmem:s19], [sflag:$0x1] =	stream.indirect.gather [hbm4b:s4+s15], $0x80, s28, s15, $0xb8;
	[tilespmem:$0x1C400] =	vst v63  }
0xac: {  	_ = 	snop  }
0xad: {  	[spmem:s2] =	stream.indirect.scatter.add.f32 [tilespmem:s16], [sflag:$0x2], $0x80, s29, s15, $0xb8;
	[tilespmem:$0x1C400] =	vst v63  }
0xae: {  	_ =	swait.ge [sflag:s17], $0x4000  }
0xaf: {  	[sflag:s17] =	ssyncset.done $0x0  }
0xb0: {  	[sflag:s17] =	ssyncadd.s32 $0xFFFFC000  }
0xb1: {  	_ =	swait.ge [sflag:s20], $0x4000  }
0xb2: {  	[sflag:s20] =	ssyncset.done $0x0  }
0xb3: {  	[sflag:s20] =	ssyncadd.s32 $0xFFFFC000  }
0xb4: {  	[tilespmem:s16], [sflag:$0x1] =	stream.indirect.gather [hbm4b:s4+s15], $0x80, s30, s15, $0xb8;
	[tilespmem:$0x1C400] =	vst v63  }
0xb5: {  	_ = 	snop  }
0xb6: {  	[spmem:s2] =	stream.indirect.scatter.add.f32 [tilespmem:s19], [sflag:$0x2], $0x80, s0, s15, $0xb8;
	[tilespmem:$0x1C400] =	vst v63  }
0xb7: {  	_ =	swait.ge [sflag:s17], $0x4000  }
0xb8: {  	[sflag:s17] =	ssyncset.done $0x0  }
0xb9: {  	[sflag:s17] =	ssyncadd.s32 $0xFFFFC000  }
0xba: {  	_ =	swait.ge [sflag:s20], $0x4000  }
0xbb: {  	[sflag:s20] =	ssyncset.done $0x0  }
0xbc: {  	[sflag:s20] =	ssyncadd.s32 $0xFFFFC000  }
0xbd: {  	[tilespmem:s19], [sflag:$0x1] =	stream.indirect.gather [hbm4b:s4+s15], $0x80, s1, s15, $0xb8;
	[tilespmem:$0x1C400] =	vst v63  }
0xbe: {  	_ = 	snop  }
0xbf: {  	[spmem:s2] =	stream.indirect.scatter.add.f32 [tilespmem:s16], [sflag:$0x2], $0x80, s5, s15, $0xb8;
	[tilespmem:$0x1C400] =	vst v63  }
0xc0: {  	s8 =	simm.s32 $0x80;
	s31 =	simm.s32 $0x13F00;
	_ =	swait.ge [sflag:s17], $0x4000  }
0xc1: {  	s11 =	simm.s32 $0x100;
	s21 =	simm.s32 $0x13C80;
	[sflag:s17] =	ssyncset.done $0x0  }
0xc2: {  	s22 =	simm.s32 $0x13D00;
	s23 =	simm.s32 $0x14080;
	[sflag:s17] =	ssyncadd.s32 $0xFFFFC000  }
0xc3: {  	[spmem:s2] =	stream.indirect.scatter.add.f32 [tilespmem:s19], [sflag:$0x2], $0x80, s10, s15, $0xb8;
	[tilespmem:$0x1C400] =	vst v63  }
0xc4: {  	s24 =	simm.s32 $0x13D80;
	s25 =	simm.s32 $0x14100;
	_ =	swait.ge [sflag:s20], $0x4000  }
0xc5: {  	s26 =	simm.s32 $0x13E00;
	s28 =	simm.s32 $0x14180;
	[sflag:s20] =	ssyncset.done $0x0  }
0xc6: {  	s29 =	simm.s32 $0x13E80;
	s30 =	simm.s32 $0x14200;
	[sflag:s20] =	ssyncadd.s32 $0xFFFFC000  }
0xc7: {  	s0 =	simm.s32 $0x14280;
	s1 =	simm.s32 $0x13F80;
	_ =	swait.ge [sflag:s20], $0x4000  }
0xc8: {  	s5 =	simm.s32 $0x14300;
	s10 =	simm.s32 $0x14380;
	[sflag:s20] =	ssyncset.done $0x0  }
.LBB2_6:
0xc9: {  	s7 =	sadd.s32 s8, s18;
	[sflag:s20] =	ssyncadd.s32 $0xFFFFC000  }
0xca: {  	[tilespmem:s13], [sflag:$0x3] =	stream.linear.gather [hbm4b:s7+s3], $0x400, $0x38;
	[tilespmem:$0x1C400] =	vst v63  }
0xcb: {  	s9 =	smov.u32 s11;
	s6 =	sadd.s32 $0x80, s11;
	_ =	swait.ge [sflag:s12], $0x400  }
0xcc: {  	p1 =	sne.s32 s11, $0x480;
	s11 =	rddreg [dreg:$0x4];
	[sflag:s12] =	ssyncset.done $0x0  }
0xcd: {  	[sflag:s12] =	ssyncadd.s32 $0xFFFFFC00;
	s7 =	sadd.s32 s8, s11  }
0xce: {  	[tilespmem:s14], [sflag:$0x3] =	stream.linear.gather [hbm4b:s7+s3], $0x400, $0x38;
	[tilespmem:$0x1C400] =	vst v63  }
0xcf: {  	_ =	swait.ge [sflag:s12], $0x400  }
0xd0: {  	[sflag:s12] =	ssyncset.done $0x0  }
0xd1: {  	[sflag:s12] =	ssyncadd.s32 $0xFFFFFC00  }
0xd2: {  	[tilespmem:s16], [sflag:$0x1] =	stream.indirect.gather [hbm4b:s4+s15], $0x80, s13, s15, $0xb8;
	[tilespmem:$0x1C400] =	vst v63  }
0xd3: {  	_ =	swait.ge [sflag:s17], $0x4000  }
0xd4: {  	[sflag:s17] =	ssyncset.done $0x0  }
0xd5: {  	[sflag:s17] =	ssyncadd.s32 $0xFFFFC000  }
0xd6: {  	[tilespmem:s19], [sflag:$0x1] =	stream.indirect.gather [hbm4b:s4+s15], $0x80, s21, s15, $0xb8;
	[tilespmem:$0x1C400] =	vst v63  }
0xd7: {  	_ = 	snop  }
0xd8: {  	[spmem:s2] =	stream.indirect.scatter.add.f32 [tilespmem:s16], [sflag:$0x2], $0x80, s14, s15, $0xb8;
	[tilespmem:$0x1C400] =	vst v63  }
0xd9: {  	_ =	swait.ge [sflag:s17], $0x4000  }
0xda: {  	[sflag:s17] =	ssyncset.done $0x0  }
0xdb: {  	[sflag:s17] =	ssyncadd.s32 $0xFFFFC000  }
0xdc: {  	_ =	swait.ge [sflag:s20], $0x4000  }
0xdd: {  	[sflag:s20] =	ssyncset.done $0x0  }
0xde: {  	[sflag:s20] =	ssyncadd.s32 $0xFFFFC000  }
0xdf: {  	[tilespmem:s16], [sflag:$0x1] =	stream.indirect.gather [hbm4b:s4+s15], $0x80, s22, s15, $0xb8;
	[tilespmem:$0x1C400] =	vst v63  }
0xe0: {  	_ = 	snop  }
0xe1: {  	[spmem:s2] =	stream.indirect.scatter.add.f32 [tilespmem:s19], [sflag:$0x2], $0x80, s23, s15, $0xb8;
	[tilespmem:$0x1C400] =	vst v63  }
0xe2: {  	_ =	swait.ge [sflag:s17], $0x4000  }
0xe3: {  	[sflag:s17] =	ssyncset.done $0x0  }
0xe4: {  	[sflag:s17] =	ssyncadd.s32 $0xFFFFC000  }
0xe5: {  	_ =	swait.ge [sflag:s20], $0x4000  }
0xe6: {  	[sflag:s20] =	ssyncset.done $0x0  }
0xe7: {  	[sflag:s20] =	ssyncadd.s32 $0xFFFFC000  }
0xe8: {  	[tilespmem:s19], [sflag:$0x1] =	stream.indirect.gather [hbm4b:s4+s15], $0x80, s24, s15, $0xb8;
	[tilespmem:$0x1C400] =	vst v63  }
0xe9: {  	_ = 	snop  }
0xea: {  	[spmem:s2] =	stream.indirect.scatter.add.f32 [tilespmem:s16], [sflag:$0x2], $0x80, s25, s15, $0xb8;
	[tilespmem:$0x1C400] =	vst v63  }
0xeb: {  	_ =	swait.ge [sflag:s17], $0x4000  }
0xec: {  	[sflag:s17] =	ssyncset.done $0x0  }
0xed: {  	[sflag:s17] =	ssyncadd.s32 $0xFFFFC000  }
0xee: {  	_ =	swait.ge [sflag:s20], $0x4000  }
0xef: {  	[sflag:s20] =	ssyncset.done $0x0  }
0xf0: {  	[sflag:s20] =	ssyncadd.s32 $0xFFFFC000  }
0xf1: {  	[tilespmem:s16], [sflag:$0x1] =	stream.indirect.gather [hbm4b:s4+s15], $0x80, s26, s15, $0xb8;
	[tilespmem:$0x1C400] =	vst v63  }
0xf2: {  	_ = 	snop  }
0xf3: {  	[spmem:s2] =	stream.indirect.scatter.add.f32 [tilespmem:s19], [sflag:$0x2], $0x80, s28, s15, $0xb8;
	[tilespmem:$0x1C400] =	vst v63  }
0xf4: {  	_ =	swait.ge [sflag:s17], $0x4000  }
0xf5: {  	[sflag:s17] =	ssyncset.done $0x0  }
0xf6: {  	[sflag:s17] =	ssyncadd.s32 $0xFFFFC000  }
0xf7: {  	_ =	swait.ge [sflag:s20], $0x4000  }
0xf8: {  	[sflag:s20] =	ssyncset.done $0x0  }
0xf9: {  	[sflag:s20] =	ssyncadd.s32 $0xFFFFC000  }
0xfa: {  	[tilespmem:s19], [sflag:$0x1] =	stream.indirect.gather [hbm4b:s4+s15], $0x80, s29, s15, $0xb8;
	[tilespmem:$0x1C400] =	vst v63  }
0xfb: {  	_ = 	snop  }
0xfc: {  	[spmem:s2] =	stream.indirect.scatter.add.f32 [tilespmem:s16], [sflag:$0x2], $0x80, s30, s15, $0xb8;
	[tilespmem:$0x1C400] =	vst v63  }
0xfd: {  	_ =	swait.ge [sflag:s17], $0x4000  }
0xfe: {  	[sflag:s17] =	ssyncset.done $0x0  }
0xff: {  	[sflag:s17] =	ssyncadd.s32 $0xFFFFC000  }
0x100: {  	_ =	swait.ge [sflag:s20], $0x4000  }
0x101: {  	[sflag:s20] =	ssyncset.done $0x0  }
0x102: {  	[sflag:s20] =	ssyncadd.s32 $0xFFFFC000  }
0x103: {  	[tilespmem:s16], [sflag:$0x1] =	stream.indirect.gather [hbm4b:s4+s15], $0x80, s31, s15, $0xb8;
	[tilespmem:$0x1C400] =	vst v63  }
0x104: {  	_ = 	snop  }
0x105: {  	[spmem:s2] =	stream.indirect.scatter.add.f32 [tilespmem:s19], [sflag:$0x2], $0x80, s0, s15, $0xb8;
	[tilespmem:$0x1C400] =	vst v63  }
0x106: {  	_ =	swait.ge [sflag:s17], $0x4000  }
0x107: {  	[sflag:s17] =	ssyncset.done $0x0  }
0x108: {  	[sflag:s17] =	ssyncadd.s32 $0xFFFFC000  }
0x109: {  	_ =	swait.ge [sflag:s20], $0x4000  }
0x10a: {  	[sflag:s20] =	ssyncset.done $0x0  }
0x10b: {  	[sflag:s20] =	ssyncadd.s32 $0xFFFFC000  }
0x10c: {  	[tilespmem:s19], [sflag:$0x1] =	stream.indirect.gather [hbm4b:s4+s15], $0x80, s1, s15, $0xb8;
	[tilespmem:$0x1C400] =	vst v63  }
0x10d: {  	_ = 	snop  }
0x10e: {  	[spmem:s2] =	stream.indirect.scatter.add.f32 [tilespmem:s16], [sflag:$0x2], $0x80, s5, s15, $0xb8;
	[tilespmem:$0x1C400] =	vst v63  }
0x10f: {  	_ =	swait.ge [sflag:s17], $0x4000  }
0x110: {  	[sflag:s17] =	ssyncset.done $0x0  }
0x111: {  	[sflag:s17] =	ssyncadd.s32 $0xFFFFC000  }
0x112: {  	[spmem:s2] =	stream.indirect.scatter.add.f32 [tilespmem:s19], [sflag:$0x2], $0x80, s10, s15, $0xb8;
	[tilespmem:$0x1C400] =	vst v63  }
.Ltmp3:
0x113: {  	_ =	swait.ge [sflag:s20], $0x4000;
	(pc) =	sbr.rel @p1 .LBB2_6-.Ltmp3, $4  }
0x114: {  	[sflag:s20] =	ssyncset.done $0x0  }
0x115: {  	[sflag:s20] =	ssyncadd.s32 $0xFFFFC000  }
0x116: {  	_ =	swait.ge [sflag:s20], $0x4000  }
0x117: {  	s8 =	smov.u32 s9;
	s11 =	smov.u32 s6;
	[sflag:s20] =	ssyncset.done $0x0  }
.Ltmp4:
0x118: {  	_ = 	snop;
	(pc) =	sbr.rel .LBB2_7-.Ltmp4, $1  }
0x119: {  	_ =	sdelay $0x3  }
.LBB2_2:
0x11a: {  	s6 =	sadd.s32 $0x0, s9  }
0x11b: {  	[tilespmem:s13], [sflag:$0x3] =	stream.linear.gather [hbm4b:s6+s3], $0x400, $0x38;
	[tilespmem:$0x1C400] =	vst v63  }
0x11c: {  	_ =	swait.ge [sflag:s12], $0x400  }
0x11d: {  	s8 =	rddreg [dreg:$0x3];
	[sflag:s12] =	ssyncset.done $0x0  }
0x11e: {  	[sflag:s12] =	ssyncadd.s32 $0xFFFFFC00;
	s6 =	sadd.s32 $0x0, s8  }
0x11f: {  	[tilespmem:s14], [sflag:$0x3] =	stream.linear.gather [hbm4b:s6+s3], $0x400, $0x38;
	[tilespmem:$0x1C400] =	vst v63  }
0x120: {  	_ =	swait.ge [sflag:s12], $0x400  }
0x121: {  	[sflag:s12] =	ssyncset.done $0x0  }
0x122: {  	[sflag:s12] =	ssyncadd.s32 $0xFFFFFC00  }
0x123: {  	[tilespmem:s16], [sflag:$0x1] =	stream.indirect.gather [hbm4b:s4+s15], $0x80, s13, s15, $0xb8;
	[tilespmem:$0x1C400] =	vst v63  }
0x124: {  	_ =	swait.ge [sflag:s17], $0x4000  }
0x125: {  	[sflag:s17] =	ssyncset.done $0x0  }
0x126: {  	[sflag:s17] =	ssyncadd.s32 $0xFFFFC000  }
0x127: {  	[tilespmem:s19], [sflag:$0x1] =	stream.indirect.gather [hbm4b:s4+s15], $0x80, s11, s15, $0xb8;
	[tilespmem:$0x1C400] =	vst v63  }
0x128: {  	_ = 	snop  }
0x129: {  	[spmem:s2] =	stream.indirect.scatter.add.f32 [tilespmem:s16], [sflag:$0x2], $0x80, s14, s15, $0xb8;
	[tilespmem:$0x1C400] =	vst v63  }
0x12a: {  	_ =	swait.ge [sflag:s17], $0x4000  }
0x12b: {  	[sflag:s17] =	ssyncset.done $0x0  }
0x12c: {  	[sflag:s17] =	ssyncadd.s32 $0xFFFFC000  }
0x12d: {  	_ =	swait.ge [sflag:s20], $0x4000  }
0x12e: {  	[sflag:s20] =	ssyncset.done $0x0  }
0x12f: {  	[sflag:s20] =	ssyncadd.s32 $0xFFFFC000  }
0x130: {  	[tilespmem:s16], [sflag:$0x1] =	stream.indirect.gather [hbm4b:s4+s15], $0x80, s21, s15, $0xb8;
	[tilespmem:$0x1C400] =	vst v63  }
0x131: {  	_ = 	snop  }
0x132: {  	[spmem:s2] =	stream.indirect.scatter.add.f32 [tilespmem:s19], [sflag:$0x2], $0x80, s22, s15, $0xb8;
	[tilespmem:$0x1C400] =	vst v63  }
0x133: {  	_ =	swait.ge [sflag:s17], $0x4000  }
0x134: {  	[sflag:s17] =	ssyncset.done $0x0  }
0x135: {  	[sflag:s17] =	ssyncadd.s32 $0xFFFFC000  }
0x136: {  	_ =	swait.ge [sflag:s20], $0x4000  }
0x137: {  	[sflag:s20] =	ssyncset.done $0x0  }
0x138: {  	[sflag:s20] =	ssyncadd.s32 $0xFFFFC000  }
0x139: {  	[tilespmem:s19], [sflag:$0x1] =	stream.indirect.gather [hbm4b:s4+s15], $0x80, s23, s15, $0xb8;
	[tilespmem:$0x1C400] =	vst v63  }
0x13a: {  	_ = 	snop  }
0x13b: {  	[spmem:s2] =	stream.indirect.scatter.add.f32 [tilespmem:s16], [sflag:$0x2], $0x80, s24, s15, $0xb8;
	[tilespmem:$0x1C400] =	vst v63  }
0x13c: {  	_ =	swait.ge [sflag:s17], $0x4000  }
0x13d: {  	[sflag:s17] =	ssyncset.done $0x0  }
0x13e: {  	[sflag:s17] =	ssyncadd.s32 $0xFFFFC000  }
0x13f: {  	_ =	swait.ge [sflag:s20], $0x4000  }
0x140: {  	[sflag:s20] =	ssyncset.done $0x0  }
0x141: {  	[sflag:s20] =	ssyncadd.s32 $0xFFFFC000  }
0x142: {  	[tilespmem:s16], [sflag:$0x1] =	stream.indirect.gather [hbm4b:s4+s15], $0x80, s25, s15, $0xb8;
	[tilespmem:$0x1C400] =	vst v63  }
0x143: {  	_ = 	snop  }
0x144: {  	[spmem:s2] =	stream.indirect.scatter.add.f32 [tilespmem:s19], [sflag:$0x2], $0x80, s26, s15, $0xb8;
	[tilespmem:$0x1C400] =	vst v63  }
0x145: {  	_ =	swait.ge [sflag:s17], $0x4000  }
0x146: {  	[sflag:s17] =	ssyncset.done $0x0  }
0x147: {  	[sflag:s17] =	ssyncadd.s32 $0xFFFFC000  }
0x148: {  	_ =	swait.ge [sflag:s20], $0x4000  }
0x149: {  	[sflag:s20] =	ssyncset.done $0x0  }
0x14a: {  	[sflag:s20] =	ssyncadd.s32 $0xFFFFC000  }
0x14b: {  	[tilespmem:s19], [sflag:$0x1] =	stream.indirect.gather [hbm4b:s4+s15], $0x80, s28, s15, $0xb8;
	[tilespmem:$0x1C400] =	vst v63  }
0x14c: {  	_ = 	snop  }
0x14d: {  	[spmem:s2] =	stream.indirect.scatter.add.f32 [tilespmem:s16], [sflag:$0x2], $0x80, s29, s15, $0xb8;
	[tilespmem:$0x1C400] =	vst v63  }
0x14e: {  	_ =	swait.ge [sflag:s17], $0x4000  }
0x14f: {  	[sflag:s17] =	ssyncset.done $0x0  }
0x150: {  	[sflag:s17] =	ssyncadd.s32 $0xFFFFC000  }
0x151: {  	_ =	swait.ge [sflag:s20], $0x4000  }
0x152: {  	[sflag:s20] =	ssyncset.done $0x0  }
0x153: {  	[sflag:s20] =	ssyncadd.s32 $0xFFFFC000  }
0x154: {  	[tilespmem:s16], [sflag:$0x1] =	stream.indirect.gather [hbm4b:s4+s15], $0x80, s30, s15, $0xb8;
	[tilespmem:$0x1C400] =	vst v63  }
0x155: {  	_ = 	snop  }
0x156: {  	[spmem:s2] =	stream.indirect.scatter.add.f32 [tilespmem:s19], [sflag:$0x2], $0x80, s0, s15, $0xb8;
	[tilespmem:$0x1C400] =	vst v63  }
0x157: {  	_ =	swait.ge [sflag:s17], $0x4000  }
0x158: {  	[sflag:s17] =	ssyncset.done $0x0  }
0x159: {  	[sflag:s17] =	ssyncadd.s32 $0xFFFFC000  }
0x15a: {  	_ =	swait.ge [sflag:s20], $0x4000  }
0x15b: {  	[sflag:s20] =	ssyncset.done $0x0  }
0x15c: {  	[sflag:s20] =	ssyncadd.s32 $0xFFFFC000  }
0x15d: {  	[tilespmem:s19], [sflag:$0x1] =	stream.indirect.gather [hbm4b:s4+s15], $0x80, s1, s15, $0xb8;
	[tilespmem:$0x1C400] =	vst v63  }
0x15e: {  	_ = 	snop  }
0x15f: {  	[spmem:s2] =	stream.indirect.scatter.add.f32 [tilespmem:s16], [sflag:$0x2], $0x80, s5, s15, $0xb8;
	[tilespmem:$0x1C400] =	vst v63  }
0x160: {  	s31 =	simm.s32 $0x13F00;
	s8 =	simm.s32 $0x80;
	_ =	swait.ge [sflag:s17], $0x4000  }
0x161: {  	s6 =	simm.s32 $0x100;
	s21 =	simm.s32 $0x13C80;
	[sflag:s17] =	ssyncset.done $0x0  }
0x162: {  	s22 =	simm.s32 $0x13D00;
	s23 =	simm.s32 $0x14080;
	[sflag:s17] =	ssyncadd.s32 $0xFFFFC000  }
0x163: {  	[spmem:s2] =	stream.indirect.scatter.add.f32 [tilespmem:s19], [sflag:$0x2], $0x80, s10, s15, $0xb8;
	[tilespmem:$0x1C400] =	vst v63  }
0x164: {  	s24 =	simm.s32 $0x13D80;
	s25 =	simm.s32 $0x14100;
	_ =	swait.ge [sflag:s20], $0x4000  }
0x165: {  	s26 =	simm.s32 $0x13E00;
	s28 =	simm.s32 $0x14180;
	[sflag:s20] =	ssyncset.done $0x0  }
0x166: {  	s29 =	simm.s32 $0x13E80;
	s30 =	simm.s32 $0x14200;
	[sflag:s20] =	ssyncadd.s32 $0xFFFFC000  }
0x167: {  	s0 =	simm.s32 $0x14280;
	s1 =	simm.s32 $0x13F80;
	_ =	swait.ge [sflag:s20], $0x4000  }
0x168: {  	s5 =	simm.s32 $0x14300;
	s10 =	simm.s32 $0x14380;
	[sflag:s20] =	ssyncset.done $0x0  }
.LBB2_3:
0x169: {  	s7 =	sadd.s32 s8, s9;
	[sflag:s20] =	ssyncadd.s32 $0xFFFFC000  }
0x16a: {  	[tilespmem:s13], [sflag:$0x3] =	stream.linear.gather [hbm4b:s7+s3], $0x400, $0x38;
	[tilespmem:$0x1C400] =	vst v63  }
0x16b: {  	s9 =	smov.u32 s6;
	_ =	swait.ge [sflag:s12], $0x400  }
0x16c: {  	s11 =	sadd.s32 $0x80, s6;
	s7 =	rddreg [dreg:$0x3];
	[sflag:s12] =	ssyncset.done $0x0  }
0x16d: {  	p1 =	seq.s32 s6, $0x480;
	[sflag:s12] =	ssyncadd.s32 $0xFFFFFC00;
	s6 =	sadd.s32 s8, s7  }
0x16e: {  	[tilespmem:s14], [sflag:$0x3] =	stream.linear.gather [hbm4b:s6+s3], $0x400, $0x38;
	[tilespmem:$0x1C400] =	vst v63  }
0x16f: {  	s8 =	smov.u32 s9;
	s9 =	rddreg [dreg:$0x5];
	_ =	swait.ge [sflag:s12], $0x400  }
0x170: {  	[sflag:s12] =	ssyncset.done $0x0  }
0x171: {  	[sflag:s12] =	ssyncadd.s32 $0xFFFFFC00  }
0x172: {  	[tilespmem:s16], [sflag:$0x1] =	stream.indirect.gather [hbm4b:s4+s15], $0x80, s13, s15, $0xb8;
	[tilespmem:$0x1C400] =	vst v63  }
0x173: {  	_ =	swait.ge [sflag:s17], $0x4000  }
0x174: {  	[sflag:s17] =	ssyncset.done $0x0  }
0x175: {  	[sflag:s17] =	ssyncadd.s32 $0xFFFFC000  }
0x176: {  	[tilespmem:s19], [sflag:$0x1] =	stream.indirect.gather [hbm4b:s4+s15], $0x80, s21, s15, $0xb8;
	[tilespmem:$0x1C400] =	vst v63  }
0x177: {  	_ = 	snop  }
0x178: {  	[spmem:s2] =	stream.indirect.scatter.add.f32 [tilespmem:s16], [sflag:$0x2], $0x80, s14, s15, $0xb8;
	[tilespmem:$0x1C400] =	vst v63  }
0x179: {  	_ =	swait.ge [sflag:s17], $0x4000  }
0x17a: {  	[sflag:s17] =	ssyncset.done $0x0  }
0x17b: {  	[sflag:s17] =	ssyncadd.s32 $0xFFFFC000  }
0x17c: {  	_ =	swait.ge [sflag:s20], $0x4000  }
0x17d: {  	[sflag:s20] =	ssyncset.done $0x0  }
0x17e: {  	[sflag:s20] =	ssyncadd.s32 $0xFFFFC000  }
0x17f: {  	[tilespmem:s16], [sflag:$0x1] =	stream.indirect.gather [hbm4b:s4+s15], $0x80, s22, s15, $0xb8;
	[tilespmem:$0x1C400] =	vst v63  }
0x180: {  	_ = 	snop  }
0x181: {  	[spmem:s2] =	stream.indirect.scatter.add.f32 [tilespmem:s19], [sflag:$0x2], $0x80, s23, s15, $0xb8;
	[tilespmem:$0x1C400] =	vst v63  }
0x182: {  	_ =	swait.ge [sflag:s17], $0x4000  }
0x183: {  	[sflag:s17] =	ssyncset.done $0x0  }
0x184: {  	[sflag:s17] =	ssyncadd.s32 $0xFFFFC000  }
0x185: {  	_ =	swait.ge [sflag:s20], $0x4000  }
0x186: {  	[sflag:s20] =	ssyncset.done $0x0  }
0x187: {  	[sflag:s20] =	ssyncadd.s32 $0xFFFFC000  }
0x188: {  	[tilespmem:s19], [sflag:$0x1] =	stream.indirect.gather [hbm4b:s4+s15], $0x80, s24, s15, $0xb8;
	[tilespmem:$0x1C400] =	vst v63  }
0x189: {  	_ = 	snop  }
0x18a: {  	[spmem:s2] =	stream.indirect.scatter.add.f32 [tilespmem:s16], [sflag:$0x2], $0x80, s25, s15, $0xb8;
	[tilespmem:$0x1C400] =	vst v63  }
0x18b: {  	_ =	swait.ge [sflag:s17], $0x4000  }
0x18c: {  	[sflag:s17] =	ssyncset.done $0x0  }
0x18d: {  	[sflag:s17] =	ssyncadd.s32 $0xFFFFC000  }
0x18e: {  	_ =	swait.ge [sflag:s20], $0x4000  }
0x18f: {  	[sflag:s20] =	ssyncset.done $0x0  }
0x190: {  	[sflag:s20] =	ssyncadd.s32 $0xFFFFC000  }
0x191: {  	[tilespmem:s16], [sflag:$0x1] =	stream.indirect.gather [hbm4b:s4+s15], $0x80, s26, s15, $0xb8;
	[tilespmem:$0x1C400] =	vst v63  }
0x192: {  	_ = 	snop  }
0x193: {  	[spmem:s2] =	stream.indirect.scatter.add.f32 [tilespmem:s19], [sflag:$0x2], $0x80, s28, s15, $0xb8;
	[tilespmem:$0x1C400] =	vst v63  }
0x194: {  	_ =	swait.ge [sflag:s17], $0x4000  }
0x195: {  	[sflag:s17] =	ssyncset.done $0x0  }
0x196: {  	[sflag:s17] =	ssyncadd.s32 $0xFFFFC000  }
0x197: {  	_ =	swait.ge [sflag:s20], $0x4000  }
0x198: {  	[sflag:s20] =	ssyncset.done $0x0  }
0x199: {  	[sflag:s20] =	ssyncadd.s32 $0xFFFFC000  }
0x19a: {  	[tilespmem:s19], [sflag:$0x1] =	stream.indirect.gather [hbm4b:s4+s15], $0x80, s29, s15, $0xb8;
	[tilespmem:$0x1C400] =	vst v63  }
0x19b: {  	_ = 	snop  }
0x19c: {  	[spmem:s2] =	stream.indirect.scatter.add.f32 [tilespmem:s16], [sflag:$0x2], $0x80, s30, s15, $0xb8;
	[tilespmem:$0x1C400] =	vst v63  }
0x19d: {  	_ =	swait.ge [sflag:s17], $0x4000  }
0x19e: {  	[sflag:s17] =	ssyncset.done $0x0  }
0x19f: {  	[sflag:s17] =	ssyncadd.s32 $0xFFFFC000  }
0x1a0: {  	_ =	swait.ge [sflag:s20], $0x4000  }
0x1a1: {  	[sflag:s20] =	ssyncset.done $0x0  }
0x1a2: {  	[sflag:s20] =	ssyncadd.s32 $0xFFFFC000  }
0x1a3: {  	[tilespmem:s16], [sflag:$0x1] =	stream.indirect.gather [hbm4b:s4+s15], $0x80, s31, s15, $0xb8;
	[tilespmem:$0x1C400] =	vst v63  }
0x1a4: {  	_ = 	snop  }
0x1a5: {  	[spmem:s2] =	stream.indirect.scatter.add.f32 [tilespmem:s19], [sflag:$0x2], $0x80, s0, s15, $0xb8;
	[tilespmem:$0x1C400] =	vst v63  }
0x1a6: {  	_ =	swait.ge [sflag:s17], $0x4000  }
0x1a7: {  	[sflag:s17] =	ssyncset.done $0x0  }
0x1a8: {  	[sflag:s17] =	ssyncadd.s32 $0xFFFFC000  }
0x1a9: {  	_ =	swait.ge [sflag:s20], $0x4000  }
0x1aa: {  	[sflag:s20] =	ssyncset.done $0x0  }
0x1ab: {  	[sflag:s20] =	ssyncadd.s32 $0xFFFFC000  }
0x1ac: {  	[tilespmem:s19], [sflag:$0x1] =	stream.indirect.gather [hbm4b:s4+s15], $0x80, s1, s15, $0xb8;
	[tilespmem:$0x1C400] =	vst v63  }
0x1ad: {  	_ = 	snop  }
0x1ae: {  	[spmem:s2] =	stream.indirect.scatter.add.f32 [tilespmem:s16], [sflag:$0x2], $0x80, s5, s15, $0xb8;
	[tilespmem:$0x1C400] =	vst v63  }
0x1af: {  	_ =	swait.ge [sflag:s17], $0x4000  }
0x1b0: {  	[sflag:s17] =	ssyncset.done $0x0  }
0x1b1: {  	[sflag:s17] =	ssyncadd.s32 $0xFFFFC000  }
0x1b2: {  	[spmem:s2] =	stream.indirect.scatter.add.f32 [tilespmem:s19], [sflag:$0x2], $0x80, s10, s15, $0xb8;
	[tilespmem:$0x1C400] =	vst v63  }
.Ltmp5:
0x1b3: {  	_ =	swait.ge [sflag:s20], $0x4000;
	(pc) =	sbr.rel @!p1 .LBB2_3-.Ltmp5, $4  }
0x1b4: {  	[sflag:s20] =	ssyncset.done $0x0  }
0x1b5: {  	[sflag:s20] =	ssyncadd.s32 $0xFFFFC000  }
0x1b6: {  	_ =	swait.ge [sflag:s20], $0x4000  }
0x1b7: {  	s6 =	smov.u32 s11;
	[sflag:s20] =	ssyncset.done $0x0  }
0x1b8: {  	s6 =	sadd.s32 s8, s9;
	[sflag:s20] =	ssyncadd.s32 $0xFFFFC000  }
0x1b9: {  	[tilespmem:s13], [sflag:$0x3] =	stream.linear.gather [hbm4b:s6+s3], $0x400, $0x38;
	[tilespmem:$0x1C400] =	vst v63  }
0x1ba: {  	_ =	swait.ge [sflag:s12], $0x400  }
0x1bb: {  	s11 =	rddreg [dreg:$0x3];
	[sflag:s12] =	ssyncset.done $0x0  }
0x1bc: {  	s6 =	sadd.s32 s8, s11;
	[sflag:s12] =	ssyncadd.s32 $0xFFFFFC00  }
0x1bd: {  	[tilespmem:s14], [sflag:$0x3] =	stream.linear.gather [hbm4b:s6+s3], $0x400, $0x38;
	[tilespmem:$0x1C400] =	vst v63  }
0x1be: {  	_ =	swait.ge [sflag:s12], $0x400  }
0x1bf: {  	[sflag:s12] =	ssyncset.done $0x0  }
0x1c0: {  	[sflag:s12] =	ssyncadd.s32 $0xFFFFFC00  }
0x1c1: {  	[tilespmem:s16], [sflag:$0x1] =	stream.indirect.gather [hbm4b:s4+s15], $0x80, s13, s15, $0xb8;
	[tilespmem:$0x1C400] =	vst v63  }
0x1c2: {  	_ =	swait.ge [sflag:s17], $0x4000  }
0x1c3: {  	[sflag:s17] =	ssyncset.done $0x0  }
0x1c4: {  	[sflag:s17] =	ssyncadd.s32 $0xFFFFC000  }
0x1c5: {  	[tilespmem:s19], [sflag:$0x1] =	stream.indirect.gather [hbm4b:s4+s15], $0x80, s21, s15, $0xb8;
	[tilespmem:$0x1C400] =	vst v63  }
0x1c6: {  	_ = 	snop  }
0x1c7: {  	[spmem:s2] =	stream.indirect.scatter.add.f32 [tilespmem:s16], [sflag:$0x2], $0x80, s14, s15, $0xb8;
	[tilespmem:$0x1C400] =	vst v63  }
0x1c8: {  	_ =	swait.ge [sflag:s17], $0x4000  }
0x1c9: {  	[sflag:s17] =	ssyncset.done $0x0  }
0x1ca: {  	[sflag:s17] =	ssyncadd.s32 $0xFFFFC000  }
0x1cb: {  	_ =	swait.ge [sflag:s20], $0x4000  }
0x1cc: {  	[sflag:s20] =	ssyncset.done $0x0  }
0x1cd: {  	[sflag:s20] =	ssyncadd.s32 $0xFFFFC000  }
0x1ce: {  	[tilespmem:s16], [sflag:$0x1] =	stream.indirect.gather [hbm4b:s4+s15], $0x80, s22, s15, $0xb8;
	[tilespmem:$0x1C400] =	vst v63  }
0x1cf: {  	_ = 	snop  }
0x1d0: {  	[spmem:s2] =	stream.indirect.scatter.add.f32 [tilespmem:s19], [sflag:$0x2], $0x80, s23, s15, $0xb8;
	[tilespmem:$0x1C400] =	vst v63  }
0x1d1: {  	_ =	swait.ge [sflag:s17], $0x4000  }
0x1d2: {  	[sflag:s17] =	ssyncset.done $0x0  }
0x1d3: {  	[sflag:s17] =	ssyncadd.s32 $0xFFFFC000  }
0x1d4: {  	_ =	swait.ge [sflag:s20], $0x4000  }
0x1d5: {  	[sflag:s20] =	ssyncset.done $0x0  }
0x1d6: {  	[sflag:s20] =	ssyncadd.s32 $0xFFFFC000  }
0x1d7: {  	[tilespmem:s19], [sflag:$0x1] =	stream.indirect.gather [hbm4b:s4+s15], $0x80, s24, s15, $0xb8;
	[tilespmem:$0x1C400] =	vst v63  }
0x1d8: {  	_ = 	snop  }
0x1d9: {  	[spmem:s2] =	stream.indirect.scatter.add.f32 [tilespmem:s16], [sflag:$0x2], $0x80, s25, s15, $0xb8;
	[tilespmem:$0x1C400] =	vst v63  }
0x1da: {  	_ =	swait.ge [sflag:s17], $0x4000  }
0x1db: {  	[sflag:s17] =	ssyncset.done $0x0  }
0x1dc: {  	[sflag:s17] =	ssyncadd.s32 $0xFFFFC000  }
0x1dd: {  	_ =	swait.ge [sflag:s20], $0x4000  }
0x1de: {  	[sflag:s20] =	ssyncset.done $0x0  }
0x1df: {  	[sflag:s20] =	ssyncadd.s32 $0xFFFFC000  }
0x1e0: {  	[tilespmem:s16], [sflag:$0x1] =	stream.indirect.gather [hbm4b:s4+s15], $0x80, s26, s15, $0xb8;
	[tilespmem:$0x1C400] =	vst v63  }
0x1e1: {  	_ = 	snop  }
0x1e2: {  	[spmem:s2] =	stream.indirect.scatter.add.f32 [tilespmem:s19], [sflag:$0x2], $0x80, s28, s15, $0xb8;
	[tilespmem:$0x1C400] =	vst v63  }
0x1e3: {  	_ =	swait.ge [sflag:s17], $0x4000  }
0x1e4: {  	[sflag:s17] =	ssyncset.done $0x0  }
0x1e5: {  	[sflag:s17] =	ssyncadd.s32 $0xFFFFC000  }
0x1e6: {  	_ =	swait.ge [sflag:s20], $0x4000  }
0x1e7: {  	[sflag:s20] =	ssyncset.done $0x0  }
0x1e8: {  	[sflag:s20] =	ssyncadd.s32 $0xFFFFC000  }
0x1e9: {  	[tilespmem:s19], [sflag:$0x1] =	stream.indirect.gather [hbm4b:s4+s15], $0x80, s29, s15, $0xb8;
	[tilespmem:$0x1C400] =	vst v63  }
0x1ea: {  	_ = 	snop  }
0x1eb: {  	[spmem:s2] =	stream.indirect.scatter.add.f32 [tilespmem:s16], [sflag:$0x2], $0x80, s30, s15, $0xb8;
	[tilespmem:$0x1C400] =	vst v63  }
0x1ec: {  	_ =	swait.ge [sflag:s17], $0x4000  }
0x1ed: {  	[sflag:s17] =	ssyncset.done $0x0  }
0x1ee: {  	[sflag:s17] =	ssyncadd.s32 $0xFFFFC000  }
0x1ef: {  	_ =	swait.ge [sflag:s20], $0x4000  }
0x1f0: {  	[sflag:s20] =	ssyncset.done $0x0  }
0x1f1: {  	[sflag:s20] =	ssyncadd.s32 $0xFFFFC000  }
0x1f2: {  	[tilespmem:s16], [sflag:$0x1] =	stream.indirect.gather [hbm4b:s4+s15], $0x80, s31, s15, $0xb8;
	[tilespmem:$0x1C400] =	vst v63  }
0x1f3: {  	_ = 	snop  }
0x1f4: {  	[spmem:s2] =	stream.indirect.scatter.add.f32 [tilespmem:s19], [sflag:$0x2], $0x80, s0, s15, $0xb8;
	[tilespmem:$0x1C400] =	vst v63  }
0x1f5: {  	_ =	swait.ge [sflag:s17], $0x4000  }
0x1f6: {  	[sflag:s17] =	ssyncset.done $0x0  }
0x1f7: {  	[sflag:s17] =	ssyncadd.s32 $0xFFFFC000  }
0x1f8: {  	_ =	swait.ge [sflag:s20], $0x4000  }
0x1f9: {  	[sflag:s20] =	ssyncset.done $0x0  }
0x1fa: {  	[sflag:s20] =	ssyncadd.s32 $0xFFFFC000  }
0x1fb: {  	[tilespmem:s19], [sflag:$0x1] =	stream.indirect.gather [hbm4b:s4+s15], $0x80, s1, s15, $0xb8;
	[tilespmem:$0x1C400] =	vst v63  }
0x1fc: {  	_ = 	snop  }
0x1fd: {  	[spmem:s2] =	stream.indirect.scatter.add.f32 [tilespmem:s16], [sflag:$0x2], $0x80, s5, s15, $0xb8;
	[tilespmem:$0x1C400] =	vst v63  }
0x1fe: {  	_ =	swait.ge [sflag:s17], $0x4000  }
0x1ff: {  	s11 =	simm.s32 $0x13C80;
	s21 =	simm.s32 $0x13D00;
	[sflag:s17] =	ssyncset.done $0x0  }
0x200: {  	s22 =	simm.s32 $0x14080;
	s23 =	simm.s32 $0x13D80;
	[sflag:s17] =	ssyncadd.s32 $0xFFFFC000  }
0x201: {  	[spmem:s2] =	stream.indirect.scatter.add.f32 [tilespmem:s19], [sflag:$0x2], $0x80, s10, s15, $0xb8;
	[tilespmem:$0x1C400] =	vst v63  }
0x202: {  	s24 =	simm.s32 $0x14100;
	s25 =	simm.s32 $0x13E00;
	_ =	swait.ge [sflag:s20], $0x4000  }
.Ltmp6:
0x203: {  	s26 =	simm.s32 $0x14180;
	[sflag:s20] =	ssyncset.done $0x0;
	(pc) =	sbr.rel .LBB2_8-.Ltmp6, $4  }
0x204: {  	s28 =	simm.s32 $0x13E80;
	s29 =	simm.s32 $0x14200;
	[sflag:s20] =	ssyncadd.s32 $0xFFFFC000  }
0x205: {  	s30 =	simm.s32 $0x13F00;
	s0 =	simm.s32 $0x14280;
	_ =	swait.ge [sflag:s20], $0x4000  }
0x206: {  	s1 =	simm.s32 $0x13F80;
	s5 =	simm.s32 $0x14300;
	[sflag:s20] =	ssyncset.done $0x0  }
0x207: {  	s10 =	simm.s32 $0x14380;
	s31 =	rddreg [dreg:$0xb];
	[sflag:s20] =	ssyncadd.s32 $0xFFFFC000  }
.LBB2_9:
0x208: {  	_ =	sfence.sel $0x180000  }
0x209: {  	[bflag:$0x0] =	sbarrier.arrive $0xFFFF  }
0x20a: {  	_ =	strace $0x9000004D  }
0x20b: {  	s0 =	stileid.u32;
	[bflag:$0x2] =	sbarrier.arrive $0xFFFF  }
0x20c: {  	p0 =	sne.s32 s0, $0x0;
	s0 =	rddreg [dreg:$0x2]  }
0x20d: {  	s0 =	sadd.s32 @!p0 $0x100000, s0  }
0x20e: {  	[sflag:s0] =	ssyncadd.tile.s32 @!p0 $0x1;
	_ =	shalt  }
.Lfunc_end2:
_tile_overlayer_lowered:
.L_overlay_start_2:
0x20f: {  	(tag) =	ssettag $0x2  }
0x210: {  	s0 =	rddreg [dreg:$0x0];
	s2 =	stileid.u32  }
0x211: {  	s1 =	rddreg [dreg:$0x1];
	p0 =	sne.s32 s2, $0x0  }
0x212: {  	s3 =	rddreg [dreg:$0x2];
	[bflag:$0x3] =	sbarrier.arrive $0xFFFF;
	s2 =	simm.s32 @!p0 $0x1C03  }
0x213: {  	[timem:s3], [sflag:s2] =	dma.local @!p0 [hbm:s0], s1  }
0x214: {  	s0 =	simm.s32 @!p0 $0x3  }
0x215: {  	_ =	swait.ge @!p0 [sflag:s0], s1  }
0x216: {  	s1 =	ssub.s32 @!p0 $0x0, s1;
	[sflag:s0] =	ssyncset.done @!p0 $0x0  }
0x217: {  	[sflag:s0] =	ssyncadd.s32 @!p0 s1  }
0x218: {  	[bflag:$0x3] =	sbarrier.arrive $0xFFFF  }
0x219: {  	_ =	shalt  }

// kernel: kernel.9.cloned.1.call-start
scs
__scs_entry_jumppad:
0x0: {  	(pc) =	sbr.rel $0x88, $3  }
0x1: {  	(tag) =	ssettag $0x0;
	lr =	simm.s32 $0x1  }
0x2: {  	[smem:$0x3F97] =	sst lr;
	_ =	strace $0xD0000000  }
0x3: {  	_ = 	snop  }
0x4: {  	_ = 	snop  }
0x5: {  	_ = 	snop  }
0x6: {  	_ = 	snop  }
0x7: {  	_ = 	snop  }
__scs_overlays_trampoline_lowered:
0x8: {  	[smem:$0x3FA6] =	sst s0  }
0x9: {  	[smem:$0x3FA7] =	sst s1  }
0xa: {  	[smem:$0x3FA8] =	sst s2  }
0xb: {  	[smem:$0x3FA9] =	sst s3  }
0xc: {  	[smem:$0x3FAA] =	sst s4  }
0xd: {  	[smem:$0x3FAB] =	sst s5  }
0xe: {  	[smem:$0x3FAC] =	sst s6  }
0xf: {  	[smem:$0x3FAD] =	sst s7  }
0x10: {  	[smem:$0x3FAE] =	sst s8  }
0x11: {  	[smem:$0x3FAF] =	sst s9;
	s0 =	simm.s32 @!p0 $0x0  }
0x12: {  	s1 =	sld [smem:$0x3F95];
	s0 =	simm.s32 @p0 $0x1  }
0x13: {  	[smem:$0x3FB0] =	sst s0;
	s0 =	simm.s32 @!p1 $0x0  }
0x14: {  	s2 =	sld [smem:$0x3F94];
	s0 =	simm.s32 @p1 $0x1  }
0x15: {  	[smem:$0x3FB1] =	sst s0;
	s0 =	simm.s32 @!p2 $0x0  }
0x16: {  	s3 =	sld [smem:$0x3FDB];
	s0 =	simm.s32 @p2 $0x1  }
0x17: {  	s4 =	simm.s32 $0x1BF5;
	[smem:$0x3FB3] =	sst s0  }
0x18: {  	s0 =	sld [smem:$0x3F96];
	_ =	swait.ge [sflag:s4], $0x0  }
0x19: {  	s7 =	sld [smem:$0x3F97]  }
0x1a: {  	s8 =	sadd.s32 $0xFFFFE003, lr  }
0x1b: {  	s9 =	sadd.s32 $0xFFFFFEF7, lr;
	s5 =	simm.s32 $0xFFFFFFFF;
	p2 =	slt.u32 s8, $0xFFFFF086  }
0x1c: {  	p1 =	slt.u32 s9, $0xF7A;
	s5 =	simm.s32 @!p2 $0x0  }
0x1d: {  	s5 =	simm.s32 @p1 $0x1;
	p0 =	seq.s32 s7, s2  }
0x1e: {  	s7 =	smul.u32 @!p0 $0xF7A, s2;
	p2 =	seq.s32 @!p0 s5, $0x0  }
0x1f: {  	s9 =	smul.u32 $0xF7A, s1;
	s8 =	simm.s32 @!p0 $0x1BF5;
	p2 =	por !p2, p0  }
0x20: {  	[sflag:s8] =	ssyncset.s32 @!p0 $0xFFFFF086;
	s6 =	sadd.s32 @!p0 s3, s7;
	s7 =	simm.s32 @!p0 $0x108  }
0x21: {  	s3 =	sadd.s32 s3, s9;
	s6 =	sadd.s32 @!p0 $0x88, s6;
	s7 =	simm.s32 @p2 $0x1082  }
0x22: {  	[simem:s7], [sflag:s8] =	dma.local @!p0 [hbm:s6], $0xF7A  }
0x23: {  	s9 =	sor.u32 $0xD0000000, s2;
	s6 =	simm.s32 $0x108;
	_ =	swait.ge @!p0 [sflag:s8], $0x0  }
0x24: {  	s3 =	sadd.s32 $0x88, s3;
	s6 =	simm.s32 @!p1 $0x1082;
	[sflag:s4] =	ssyncset.s32 $0xFFFFF086  }
0x25: {  	[simem:s6], [sflag:s4] =	dma.local [hbm:s3], $0xF7A  }
0x26: {  	[smem:$0x3F97] =	sst s1;
	(tag) =	ssettag s2;
	_ =	strace s9  }
0x27: {  	s1 =	sld [smem:$0x3FA7]  }
0x28: {  	s2 =	sld [smem:$0x3FA8]  }
0x29: {  	s4 =	sld [smem:$0x3FAA]  }
0x2a: {  	p0 =	seq.s32 s5, $0x0;
	s5 =	sld [smem:$0x3FAB]  }
0x2b: {  	s6 =	sld [smem:$0x3FAC]  }
0x2c: {  	s7 =	sld [smem:$0x3FAD]  }
0x2d: {  	s3 =	simm.s32 $0x108;
	s8 =	sld [smem:$0x3FAE]  }
0x2e: {  	s3 =	simm.s32 @!p0 $0x1082;
	s9 =	sld [smem:$0x3FAF]  }
0x2f: {  	lr =	sadd.s32 s0, s3;
	s0 =	sld [smem:$0x3FA6]  }
0x30: {  	s3 =	sld [smem:$0x3FA9]  }
0x31: {  	[smem:$0x3FB2] =	sst s10  }
0x32: {  	s10 =	sld [smem:$0x3FB0];
	_ =	sdelay $0x3  }
0x33: {  	p0 =	seq.s32 s10, $0x1;
	s10 =	sld [smem:$0x3FB2];
	_ =	sdelay $0x3  }
0x34: {  	[smem:$0x3FB2] =	sst s10  }
0x35: {  	s10 =	sld [smem:$0x3FB1];
	_ =	sdelay $0x3  }
0x36: {  	p1 =	seq.s32 s10, $0x1;
	s10 =	sld [smem:$0x3FB2];
	_ =	sdelay $0x3  }
0x37: {  	[smem:$0x3FB2] =	sst s10  }
0x38: {  	s10 =	sld [smem:$0x3FB3]  }
0x39: {  	_ = 	snop;
	(pc) =	sbr.ind lr, $3  }
0x3a: {  	_ = 	snop  }
0x3b: {  	_ = 	snop  }
0x3c: {  	p2 =	seq.s32 s10, $0x1;
	s10 =	sld [smem:$0x3FB2]  }
0x3d: {  	_ =	shalt  }
0x3e: {  	_ =	shalt  }
0x3f: {  	_ =	shalt  }
0x40: {  	_ =	shalt  }
0x41: {  	_ =	shalt  }
0x42: {  	_ =	shalt  }
0x43: {  	_ =	shalt  }
0x44: {  	_ =	shalt  }
0x45: {  	_ =	shalt  }
0x46: {  	_ =	shalt  }
0x47: {  	_ =	shalt  }
0x48: {  	_ =	shalt  }
0x49: {  	_ =	shalt  }
0x4a: {  	_ =	shalt  }
0x4b: {  	_ =	shalt  }
0x4c: {  	_ =	shalt  }
0x4d: {  	_ =	shalt  }
0x4e: {  	_ =	shalt  }
0x4f: {  	_ =	shalt  }
0x50: {  	_ =	shalt  }
0x51: {  	_ =	shalt  }
0x52: {  	_ =	shalt  }
0x53: {  	_ =	shalt  }
0x54: {  	_ =	shalt  }
0x55: {  	_ =	shalt  }
0x56: {  	_ =	shalt  }
0x57: {  	_ =	shalt  }
0x58: {  	_ =	shalt  }
0x59: {  	_ =	shalt  }
0x5a: {  	_ =	shalt  }
0x5b: {  	_ =	shalt  }
0x5c: {  	_ =	shalt  }
0x5d: {  	_ =	shalt  }
0x5e: {  	_ =	shalt  }
0x5f: {  	_ =	shalt  }
0x60: {  	_ =	shalt  }
0x61: {  	_ =	shalt  }
0x62: {  	_ =	shalt  }
0x63: {  	_ =	shalt  }
0x64: {  	_ =	shalt  }
0x65: {  	_ =	shalt  }
0x66: {  	_ =	shalt  }
0x67: {  	_ =	shalt  }
0x68: {  	_ =	shalt  }
0x69: {  	_ =	shalt  }
0x6a: {  	_ =	shalt  }
0x6b: {  	_ =	shalt  }
0x6c: {  	_ =	shalt  }
0x6d: {  	_ =	shalt  }
0x6e: {  	_ =	shalt  }
0x6f: {  	_ =	shalt  }
0x70: {  	_ =	shalt  }
0x71: {  	_ =	shalt  }
0x72: {  	_ =	shalt  }
0x73: {  	_ =	shalt  }
0x74: {  	_ =	shalt  }
0x75: {  	_ =	shalt  }
0x76: {  	_ =	shalt  }
0x77: {  	_ =	shalt  }
0x78: {  	_ =	shalt  }
0x79: {  	_ =	shalt  }
0x7a: {  	_ =	shalt  }
0x7b: {  	_ =	shalt  }
0x7c: {  	_ =	shalt  }
0x7d: {  	_ =	shalt  }
0x7e: {  	_ =	shalt  }
0x7f: {  	_ =	shalt  }
0x80: {  	_ =	shalt  }
0x81: {  	_ =	shalt  }
0x82: {  	_ =	shalt  }
0x83: {  	_ =	shalt  }
0x84: {  	_ =	shalt  }
0x85: {  	_ =	shalt  }
0x86: {  	_ =	shalt  }
0x87: {  	_ =	shalt  }
.Lfunc_end0:
.L_simem_size_0:
called_computation_lowered:
.L_overlay_start_0:
0x88: {  	s2 =	sld [smem:$0x3FD9]  }
0x89: {  	s3 =	sld [smem:$0x3FFE];
	_ =	sdelay $0x1  }
0x8a: {  	s1 =	srdreg.scid  }
0x8b: {  	s0 =	sand.u32 $0x1, s1  }
0x8c: {  	s17 =	sshll.u32 s0, $0xA;
	s2 =	sadd.s32 s3, s2  }
0x8d: {  	s2 =	sadd.s32 s2, s17  }
0x8e: {  	[smem:$0x3FBE] =	sst s2  }
0x8f: {  	_ = 	snop  }
0x90: {  	s18 =	sld [smem:$0x3FD0];
	(tm) =	ssettm $0x1  }
0x91: {  	s19 =	sld [smem:$0x3FFB];
	_ =	sdelay $0x3  }
0x92: {  	_ =	strace s19  }
0x93: {  	s2 =	sld [smem:$0x3FFC];
	_ =	sdelay $0x3  }
0x94: {  	_ =	strace s2  }
0x95: {  	s2 =	sld [smem:$0x3FFD];
	_ =	sdelay $0x3  }
0x96: {  	_ =	strace s2  }
0x97: {  	_ =	strace $0x8FFFFFFF  }
0x98: {  	s20 =	sld [smem:$0x3FDB];
	_ =	sdelay $0x1  }
0x99: {  	s4 =	simm.s32 $_scs_section_size  }
0x9a: {  	s5 =	simm.s32 $_size__tile_overlayer_lowered;
	s6 =	simm.s32 $_tile_overlayer_lowered  }
0x9b: {  	s7 =	simm.s32 $0x1BFF;
	s21 =	sshll.u32 s6, $0x1;
	s4 =	sadd.s32 s4, s20  }
0x9c: {  	s22 =	simm.s32 $0x0;
	s5 =	sshll.u32 s5, $0x1;
	s6 =	sadd.s32 s21, s4  }
0x9d: {  	[timem:s22], [sflag:s7] =	dma.local [hbm:s6], s5  }
0x9e: {  	_ =	swait.ge [sflag:s7], s5  }
0x9f: {  	s5 =	ssub.s32 $0x0, s5;
	[sflag:s7] =	ssyncset.done $0x0  }
0xa0: {  	[sflag:s7] =	ssyncadd.s32 s5;
	_ =	sdelay $0x1  }
0xa1: {  	s23 =	simm.s32 $0x1B8B  }
0xa2: {  	_ =	swait.ge [sflag:s23], $0x1  }
0xa3: {  	[sflag:s23] =	ssyncset.done $0x0  }
0xa4: {  	[sflag:s23] =	ssyncadd.s32 $0xFFFFFFFF  }
0xa5: {  	s5 =	sld [smem:$0x0]  }
0xa6: {  	s6 =	sand.u32 $0xFFFFFFFE, s1  }
0xa7: {  	p0 =	sne.s32 s1, s6  }
0xa8: {  	s6 =	sshll.u32 @p0 s6, $0xE  }
0xa9: {  	s6 =	sadd.s32 @p0 $0x11B8D, s6;
	s7 =	sshll.u32 @p0 s5, $0x11  }
0xaa: {  	s6 =	sor.u32 @p0 s7, s6  }
0xab: {  	[sflag:s6] =	ssyncadd.remote.s32 @p0 $0x1;
	_ =	sdelay $0x1  }
0xac: {  	s6 =	simm.s32 @p0 $0x1B8D  }
0xad: {  	_ =	swait.eq @p0 [sflag:s6], $0x1  }
0xae: {  	[sflag:s6] =	ssyncadd.s32 @p0 $0xFFFFFFFF  }
0xaf: {  	s7 =	sshll.u32 @!p0 s1, $0xE  }
0xb0: {  	s7 =	sor.u32 @!p0 $0x4000, s7;
	s6 =	simm.s32 @!p0 $0x1B8D  }
0xb1: {  	s5 =	sshll.u32 @!p0 s5, $0x11;
	s7 =	sadd.s32 @!p0 $0x11B8D, s7;
	_ =	swait.eq @!p0 [sflag:s6], $0x1  }
0xb2: {  	s5 =	sor.u32 @!p0 s5, s7;
	[sflag:s6] =	ssyncadd.s32 @!p0 $0xFFFFFFFF  }
0xb3: {  	s25 =	simm.s32 $0x1B8E;
	s24 =	sld [smem:$0x3FFE];
	[sflag:s5] =	ssyncadd.remote.s32 @!p0 $0x1  }
0xb4: {  	s26 =	simm.s32 $execute0_lowered;
	[smem:$0x3FD2] =	sst s25  }
0xb5: {  	s6 =	sshll.u32 s26, $0x1;
	_ =	strace $0x80000049;
	[dreg:$0x1] =	wrdreg $0xFFFFFFFF  }
0xb6: {  	s28 =	simm.s32 $_size_execute0_lowered;
	s4 =	sadd.s32 s4, s6;
	[dreg:$0x0] =	wrdreg $0x0  }
0xb7: {  	s6 =	sshll.u32 s28, $0x1;
	[dreg:$0x2] =	wrdreg s4  }
0xb8: {  	[dreg:$0x3] =	wrdreg s6  }
0xb9: {  	[dreg:$0x4] =	wrdreg $0xC0  }
0xba: {  	_ =	task [dreg:s22], $0x5FFFF  }
0xbb: {  	[dreg:$0x1] =	wrdreg $0xFFFFFFFF  }
0xbc: {  	[dreg:$0x0] =	wrdreg $0x60  }
0xbd: {  	[dreg:$0x2] =	wrdreg s18  }
0xbe: {  	[dreg:$0x3] =	wrdreg s24  }
0xbf: {  	[dreg:$0x4] =	wrdreg $0x0  }
0xc0: {  	[dreg:$0x5] =	wrdreg $0x9  }
0xc1: {  	_ =	task.clear_ibuf [dreg:s22], $0x6FFFF;
	_ =	strace $0x90000049  }
0xc2: {  	s29 =	simm.s32 $0x9;
	_ =	strace $0x8000004B  }
0xc3: {  	_ =	swait.ge [sflag:s29], $0x1  }
0xc4: {  	[sflag:s29] =	ssyncadd.s32 $0xFFFFFFFF  }
0xc5: {  	_ =	strace $0x9000004B  }
0xc6: {  	_ =	sfence  }
0xc7: {  	s30 =	sld [smem:$0x0];
	_ =	sdelay $0x2  }
0xc8: {  	s31 =	sshll.u32 s1, $0xD;
	s1 =	sshrl.u32 s1, $0x2  }
0xc9: {  	s4 =	sand.u32 $0x4000, s31;
	s1 =	sadd.s32 s1, s30  }
0xca: {  	s0 =	sor.u32 s4, s0;
	s1 =	sshll.u32 s1, $0x11  }
0xcb: {  	s0 =	sor.u32 s1, s0  }
0xcc: {  	s0 =	sadd.s32 $0x8F2B, s0  }
0xcd: {  	[sflag:s0] =	ssyncadd.remote.s32 $0x1  }
0xce: {  	_ =	sfence.sel $0xFFFF  }
0xcf: {  	[dreg:$0x0] =	wrdreg $0xFFFFFFFF;
	(pc) =	sbr.abs _section_cstart, $3  }
0xd0: {  	[dreg:$0x1] =	wrdreg $0xFFFFFFFF  }
0xd1: {  	_ =	task.clear_ibuf [dreg:s22], $0x2FFFF;
	_ =	strace $0x9FFFFFFF  }
0xd2: {  	(tm) =	ssettm $0x7FFFFFFF  }
0xd3: {  	_ =	shalt  }
tec
execute0_lowered:
.L_overlay_start_1:
0x0: {  	(tag) =	ssettag $0x1  }
0x1: {  	s9 =	rddreg [dreg:$0x0]  }
0x2: {  	s6 =	rddreg [dreg:$0x1]  }
0x3: {  	s1 =	rddreg [dreg:$0x2];
	s2 =	srdreg.scid  }
0x4: {  	s0 =	rddreg [dreg:$0x3];
	s3 =	simm.s32 $0x0;
	s14 =	simm.s32 $0x80  }
0x5: {  	s15 =	simm.s32 $0x13C80;
	s16 =	simm.s32 $0x13D00;
	s17 =	simm.s32 $0x13D80  }
0x6: {  	s18 =	simm.s32 $0x13E00;
	s19 =	simm.s32 $0x13E80;
	s7 =	sand.u32 $0x1, s2  }
0x7: {  	s20 =	simm.s32 $0x13F00;
	s2 =	stileid.u32;
	s8 =	smul.u32 $0x13C000, s7  }
0x8: {  	s21 =	simm.s32 $0x13F80;
	s22 =	simm.s32 $0x1;
	s10 =	smul.u32 $0x13C00, s2  }
0x9: {  	s23 =	simm.s32 $0x0;
	[smem:$0x7FF] =	sst s3;
	s26 =	smul.u32 $0x4F000, s2  }
0xa: {  	s4 =	sadd.s32 $0x16C00, s6;
	s5 =	sadd.s32 $0x68400, s6;
	s12 =	smul.u32 $0x5000, s2  }
0xb: {  	_ =	strace $0x8000004A;
	s11 =	ssub.s32 $0x2, s7;
	s7 =	smul.u32 $0x2800, s7  }
0xc: {  	s30 =	sshll.u32 s2, $0x6;
	s28 =	sshrl.u32 s11, $0x1;
	s8 =	sadd.s32 s10, s8  }
0xd: {  	s11 =	ssub.s32 s11, s28;
	s29 =	sshrl.u32 s26, $0x2;
	s31 =	sadd.s32 s7, s12  }
0xe: {  	s12 =	simm.s32 $0x14000;
	s8 =	sshrl.u32 s8, $0x3;
	s13 =	sadd.s32 s29, s1  }
0xf: {  	s10 =	sshrl.u32 s31, $0x3;
	s8 =	sadd.s32 s8, s6;
	s6 =	sor.u32 $0x1C02, s30  }
0x10: {  	s9 =	sadd.s32 s10, s9;
	s10 =	sshrl.u32 s13, $0x3;
	s13 =	simm.s32 $0x13C00  }
0x11: {  	s7 =	sadd.s32 $0x68C00, s8;
	s8 =	smax.u32 s11, $0x1;
	s11 =	simm.s32 $0x2  }
.LBB2_1:
0x12: {  	[spmem:s10], [sflag:s6] =	dma.local [hbm:s4], $0x2780  }
0x13: {  	_ =	swait.ge [sflag:s11], $0x2780  }
0x14: {  	[sflag:s11] =	ssyncset.done $0x0  }
0x15: {  	[sflag:s11] =	ssyncadd.s32 $0xFFFFD880  }
0x16: {  	[tilespmem:s12], [sflag:$0x2] =	stream.linear.gather [hbm4b:s5+s3], $0x4000, $0x38;
	[tilespmem:$0x18000] =	vst v63  }
0x17: {  	_ =	swait.ge [sflag:s11], $0x4000  }
0x18: {  	[sflag:s11] =	ssyncset.done $0x0  }
0x19: {  	[sflag:s11] =	ssyncadd.s32 $0xFFFFC000  }
0x1a: {  	s24 =	sadd.s32 $0x0, s9;
	[bflag:$0x0] =	sbarrier.arrive $0xFFFF  }
0x1b: {  	[tilespmem:s13], [sflag:$0x2] =	stream.linear.gather [hbm4b:s24+s3], $0x400, $0x38;
	[tilespmem:$0x18000] =	vst v63  }
0x1c: {  	_ =	swait.ge [sflag:s11], $0x400  }
0x1d: {  	[sflag:s11] =	ssyncset.done $0x0  }
0x1e: {  	[sflag:s11] =	ssyncadd.s32 $0xFFFFFC00  }
0x1f: {  	[spmem:s1] =	stream.indirect.scatter.add.f32 [tilespmem:s12], [sflag:$0x1], $0x80, s13, s14, $0xb8;
	[tilespmem:$0x18000] =	vst v63  }
0x20: {  	_ = 	snop  }
0x21: {  	[spmem:s1] =	stream.indirect.scatter.add.f32 [tilespmem:s12], [sflag:$0x1], $0x80, s15, s14, $0xb8;
	[tilespmem:$0x18000] =	vst v63  }
0x22: {  	_ = 	snop  }
0x23: {  	[spmem:s1] =	stream.indirect.scatter.add.f32 [tilespmem:s12], [sflag:$0x1], $0x80, s16, s14, $0xb8;
	[tilespmem:$0x18000] =	vst v63  }
0x24: {  	_ = 	snop  }
0x25: {  	[spmem:s1] =	stream.indirect.scatter.add.f32 [tilespmem:s12], [sflag:$0x1], $0x80, s17, s14, $0xb8;
	[tilespmem:$0x18000] =	vst v63  }
0x26: {  	_ = 	snop  }
0x27: {  	[spmem:s1] =	stream.indirect.scatter.add.f32 [tilespmem:s12], [sflag:$0x1], $0x80, s18, s14, $0xb8;
	[tilespmem:$0x18000] =	vst v63  }
0x28: {  	_ = 	snop  }
0x29: {  	[spmem:s1] =	stream.indirect.scatter.add.f32 [tilespmem:s12], [sflag:$0x1], $0x80, s19, s14, $0xb8;
	[tilespmem:$0x18000] =	vst v63  }
0x2a: {  	_ = 	snop  }
0x2b: {  	[spmem:s1] =	stream.indirect.scatter.add.f32 [tilespmem:s12], [sflag:$0x1], $0x80, s20, s14, $0xb8;
	[tilespmem:$0x18000] =	vst v63  }
0x2c: {  	_ = 	snop  }
0x2d: {  	[spmem:s1] =	stream.indirect.scatter.add.f32 [tilespmem:s12], [sflag:$0x1], $0x80, s21, s14, $0xb8;
	[tilespmem:$0x18000] =	vst v63  }
0x2e: {  	_ =	swait.ge [sflag:s22], $0x4000  }
0x2f: {  	[sflag:s22] =	ssyncset.done $0x0  }
0x30: {  	[sflag:s22] =	ssyncadd.s32 $0xFFFFC000  }
0x31: {  	_ =	swait.ge [sflag:s22], $0x4000  }
0x32: {  	[sflag:s22] =	ssyncset.done $0x0  }
0x33: {  	[sflag:s22] =	ssyncadd.s32 $0xFFFFC000  }
0x34: {  	_ =	swait.ge [sflag:s22], $0x4000  }
0x35: {  	[sflag:s22] =	ssyncset.done $0x0  }
0x36: {  	[sflag:s22] =	ssyncadd.s32 $0xFFFFC000  }
0x37: {  	_ =	swait.ge [sflag:s22], $0x4000  }
0x38: {  	[sflag:s22] =	ssyncset.done $0x0  }
0x39: {  	[sflag:s22] =	ssyncadd.s32 $0xFFFFC000  }
0x3a: {  	_ =	swait.ge [sflag:s22], $0x4000  }
0x3b: {  	[sflag:s22] =	ssyncset.done $0x0  }
0x3c: {  	[sflag:s22] =	ssyncadd.s32 $0xFFFFC000  }
0x3d: {  	_ =	swait.ge [sflag:s22], $0x4000  }
0x3e: {  	[sflag:s22] =	ssyncset.done $0x0  }
0x3f: {  	[sflag:s22] =	ssyncadd.s32 $0xFFFFC000  }
0x40: {  	_ =	swait.ge [sflag:s22], $0x4000  }
0x41: {  	[sflag:s22] =	ssyncset.done $0x0  }
0x42: {  	[sflag:s22] =	ssyncadd.s32 $0xFFFFC000  }
0x43: {  	_ =	swait.ge [sflag:s22], $0x4000  }
0x44: {  	s26 =	simm.s32 $0x100;
	s24 =	simm.s32 $0x80;
	[sflag:s22] =	ssyncset.done $0x0  }
.LBB2_2:
0x45: {  	s28 =	sadd.s32 s24, s9  }
0x46: {  	[sflag:s22] =	ssyncadd.s32 $0xFFFFC000;
	s24 =	smov.u32 s26;
	s25 =	sadd.s32 $0x80, s26  }
0x47: {  	[tilespmem:s13], [sflag:$0x2] =	stream.linear.gather [hbm4b:s28+s3], $0x400, $0x38;
	[tilespmem:$0x18000] =	vst v63  }
0x48: {  	p0 =	sne.s32 s26, $0x480;
	_ =	swait.ge [sflag:s11], $0x400  }
0x49: {  	[sflag:s11] =	ssyncset.done $0x0  }
0x4a: {  	[sflag:s11] =	ssyncadd.s32 $0xFFFFFC00  }
0x4b: {  	[spmem:s1] =	stream.indirect.scatter.add.f32 [tilespmem:s12], [sflag:$0x1], $0x80, s13, s14, $0xb8;
	[tilespmem:$0x18000] =	vst v63  }
0x4c: {  	_ = 	snop  }
0x4d: {  	[spmem:s1] =	stream.indirect.scatter.add.f32 [tilespmem:s12], [sflag:$0x1], $0x80, s15, s14, $0xb8;
	[tilespmem:$0x18000] =	vst v63  }
0x4e: {  	_ = 	snop  }
0x4f: {  	[spmem:s1] =	stream.indirect.scatter.add.f32 [tilespmem:s12], [sflag:$0x1], $0x80, s16, s14, $0xb8;
	[tilespmem:$0x18000] =	vst v63  }
0x50: {  	_ = 	snop  }
0x51: {  	[spmem:s1] =	stream.indirect.scatter.add.f32 [tilespmem:s12], [sflag:$0x1], $0x80, s17, s14, $0xb8;
	[tilespmem:$0x18000] =	vst v63  }
0x52: {  	_ = 	snop  }
0x53: {  	[spmem:s1] =	stream.indirect.scatter.add.f32 [tilespmem:s12], [sflag:$0x1], $0x80, s18, s14, $0xb8;
	[tilespmem:$0x18000] =	vst v63  }
0x54: {  	_ = 	snop  }
0x55: {  	[spmem:s1] =	stream.indirect.scatter.add.f32 [tilespmem:s12], [sflag:$0x1], $0x80, s19, s14, $0xb8;
	[tilespmem:$0x18000] =	vst v63  }
0x56: {  	_ = 	snop  }
0x57: {  	[spmem:s1] =	stream.indirect.scatter.add.f32 [tilespmem:s12], [sflag:$0x1], $0x80, s20, s14, $0xb8;
	[tilespmem:$0x18000] =	vst v63  }
0x58: {  	_ = 	snop  }
0x59: {  	[spmem:s1] =	stream.indirect.scatter.add.f32 [tilespmem:s12], [sflag:$0x1], $0x80, s21, s14, $0xb8;
	[tilespmem:$0x18000] =	vst v63  }
0x5a: {  	_ =	swait.ge [sflag:s22], $0x4000  }
0x5b: {  	[sflag:s22] =	ssyncset.done $0x0  }
0x5c: {  	[sflag:s22] =	ssyncadd.s32 $0xFFFFC000  }
0x5d: {  	_ =	swait.ge [sflag:s22], $0x4000  }
0x5e: {  	[sflag:s22] =	ssyncset.done $0x0  }
0x5f: {  	[sflag:s22] =	ssyncadd.s32 $0xFFFFC000  }
0x60: {  	_ =	swait.ge [sflag:s22], $0x4000  }
0x61: {  	[sflag:s22] =	ssyncset.done $0x0  }
0x62: {  	[sflag:s22] =	ssyncadd.s32 $0xFFFFC000  }
0x63: {  	_ =	swait.ge [sflag:s22], $0x4000  }
0x64: {  	[sflag:s22] =	ssyncset.done $0x0  }
0x65: {  	[sflag:s22] =	ssyncadd.s32 $0xFFFFC000  }
0x66: {  	_ =	swait.ge [sflag:s22], $0x4000  }
0x67: {  	[sflag:s22] =	ssyncset.done $0x0  }
0x68: {  	[sflag:s22] =	ssyncadd.s32 $0xFFFFC000  }
0x69: {  	_ =	swait.ge [sflag:s22], $0x4000  }
0x6a: {  	[sflag:s22] =	ssyncset.done $0x0  }
0x6b: {  	[sflag:s22] =	ssyncadd.s32 $0xFFFFC000  }
.Ltmp0:
0x6c: {  	_ =	swait.ge [sflag:s22], $0x4000;
	(pc) =	sbr.rel @p0 .LBB2_2-.Ltmp0, $4  }
0x6d: {  	[sflag:s22] =	ssyncset.done $0x0  }
0x6e: {  	[sflag:s22] =	ssyncadd.s32 $0xFFFFC000  }
0x6f: {  	_ =	swait.ge [sflag:s22], $0x4000  }
0x70: {  	s26 =	smov.u32 s25;
	[sflag:s22] =	ssyncset.done $0x0  }
0x71: {  	s24 =	sadd.s32 s24, s9;
	[sflag:s22] =	ssyncadd.s32 $0xFFFFC000  }
0x72: {  	[tilespmem:s13], [sflag:$0x2] =	stream.linear.gather [hbm4b:s24+s3], $0x400, $0x38;
	[tilespmem:$0x18000] =	vst v63  }
0x73: {  	_ =	swait.ge [sflag:s11], $0x400  }
0x74: {  	[sflag:s11] =	ssyncset.done $0x0  }
0x75: {  	[sflag:s11] =	ssyncadd.s32 $0xFFFFFC00  }
0x76: {  	[spmem:s1] =	stream.indirect.scatter.add.f32 [tilespmem:s12], [sflag:$0x1], $0x80, s13, s14, $0xb8;
	[tilespmem:$0x18000] =	vst v63  }
0x77: {  	_ = 	snop  }
0x78: {  	[spmem:s1] =	stream.indirect.scatter.add.f32 [tilespmem:s12], [sflag:$0x1], $0x80, s15, s14, $0xb8;
	[tilespmem:$0x18000] =	vst v63  }
0x79: {  	_ = 	snop  }
0x7a: {  	[spmem:s1] =	stream.indirect.scatter.add.f32 [tilespmem:s12], [sflag:$0x1], $0x80, s16, s14, $0xb8;
	[tilespmem:$0x18000] =	vst v63  }
0x7b: {  	_ = 	snop  }
0x7c: {  	[spmem:s1] =	stream.indirect.scatter.add.f32 [tilespmem:s12], [sflag:$0x1], $0x80, s17, s14, $0xb8;
	[tilespmem:$0x18000] =	vst v63  }
0x7d: {  	_ = 	snop  }
0x7e: {  	[spmem:s1] =	stream.indirect.scatter.add.f32 [tilespmem:s12], [sflag:$0x1], $0x80, s18, s14, $0xb8;
	[tilespmem:$0x18000] =	vst v63  }
0x7f: {  	_ = 	snop  }
0x80: {  	[spmem:s1] =	stream.indirect.scatter.add.f32 [tilespmem:s12], [sflag:$0x1], $0x80, s19, s14, $0xb8;
	[tilespmem:$0x18000] =	vst v63  }
0x81: {  	_ = 	snop  }
0x82: {  	[spmem:s1] =	stream.indirect.scatter.add.f32 [tilespmem:s12], [sflag:$0x1], $0x80, s20, s14, $0xb8;
	[tilespmem:$0x18000] =	vst v63  }
0x83: {  	_ = 	snop  }
0x84: {  	[spmem:s1] =	stream.indirect.scatter.add.f32 [tilespmem:s12], [sflag:$0x1], $0x80, s21, s14, $0xb8;
	[tilespmem:$0x18000] =	vst v63  }
0x85: {  	_ =	swait.ge [sflag:s22], $0x4000  }
0x86: {  	[sflag:s22] =	ssyncset.done $0x0  }
0x87: {  	[sflag:s22] =	ssyncadd.s32 $0xFFFFC000  }
0x88: {  	_ =	swait.ge [sflag:s22], $0x4000  }
0x89: {  	[sflag:s22] =	ssyncset.done $0x0  }
0x8a: {  	[sflag:s22] =	ssyncadd.s32 $0xFFFFC000  }
0x8b: {  	_ =	swait.ge [sflag:s22], $0x4000  }
0x8c: {  	[sflag:s22] =	ssyncset.done $0x0  }
0x8d: {  	[sflag:s22] =	ssyncadd.s32 $0xFFFFC000  }
0x8e: {  	_ =	swait.ge [sflag:s22], $0x4000  }
0x8f: {  	[sflag:s22] =	ssyncset.done $0x0  }
0x90: {  	[sflag:s22] =	ssyncadd.s32 $0xFFFFC000  }
0x91: {  	_ =	swait.ge [sflag:s22], $0x4000  }
0x92: {  	[sflag:s22] =	ssyncset.done $0x0  }
0x93: {  	[sflag:s22] =	ssyncadd.s32 $0xFFFFC000  }
0x94: {  	_ =	swait.ge [sflag:s22], $0x4000  }
0x95: {  	[sflag:s22] =	ssyncset.done $0x0  }
0x96: {  	[sflag:s22] =	ssyncadd.s32 $0xFFFFC000  }
0x97: {  	_ =	swait.ge [sflag:s22], $0x4000  }
0x98: {  	[sflag:s22] =	ssyncset.done $0x0  }
0x99: {  	[sflag:s22] =	ssyncadd.s32 $0xFFFFC000  }
0x9a: {  	_ =	swait.ge [sflag:s22], $0x4000  }
0x9b: {  	s23 =	sadd.s32 $0x1, s23;
	[sflag:s22] =	ssyncset.done $0x0  }
0x9c: {  	p0 =	sne.s32 s23, s8;
	[sflag:s22] =	ssyncadd.s32 $0xFFFFC000  }
.Ltmp1:
0x9d: {  	[bflag:$0x0] =	sbarrier.arrive $0xFFFF;
	(pc) =	sbr.rel @p0 .LBB2_1-.Ltmp1, $4  }
0x9e: {  	[hbm:s7], [sflag:s6] =	dma.local [spmem:s10], $0x2780  }
0x9f: {  	_ =	swait.ge [sflag:s11], $0x2780  }
0xa0: {  	[sflag:s11] =	ssyncset.done $0x0  }
0xa1: {  	[sflag:s11] =	ssyncadd.s32 $0xFFFFD880  }
0xa2: {  	_ =	sfence.sel $0x180000  }
0xa3: {  	[bflag:$0x0] =	sbarrier.arrive $0xFFFF  }
0xa4: {  	p0 =	sne.s32 s2, $0x0;
	_ =	strace $0x9000004A  }
0xa5: {  	s0 =	sadd.s32 @!p0 $0x100000, s0;
	[bflag:$0x2] =	sbarrier.arrive $0xFFFF  }
0xa6: {  	[sflag:s0] =	ssyncadd.tile.s32 @!p0 $0x1;
	_ =	shalt  }
.Lfunc_end2:
_tile_overlayer_lowered:
.L_overlay_start_2:
0xa7: {  	(tag) =	ssettag $0x2  }
0xa8: {  	s0 =	rddreg [dreg:$0x0];
	s2 =	stileid.u32  }
0xa9: {  	s1 =	rddreg [dreg:$0x1];
	p0 =	sne.s32 s2, $0x0  }
0xaa: {  	s3 =	rddreg [dreg:$0x2];
	[bflag:$0x3] =	sbarrier.arrive $0xFFFF;
	s2 =	simm.s32 @!p0 $0x1C02  }
0xab: {  	[timem:s3], [sflag:s2] =	dma.local @!p0 [hbm:s0], s1  }
0xac: {  	s0 =	simm.s32 @!p0 $0x2  }
0xad: {  	_ =	swait.ge @!p0 [sflag:s0], s1  }
0xae: {  	s1 =	ssub.s32 @!p0 $0x0, s1;
	[sflag:s0] =	ssyncset.done @!p0 $0x0  }
0xaf: {  	[sflag:s0] =	ssyncadd.s32 @!p0 s1  }
0xb0: {  	[bflag:$0x3] =	sbarrier.arrive $0xFFFF  }
0xb1: {  	_ =	shalt  }

</sc_bundles>
